<compile_context>
chip_gen: v7x
topology: tpu7x:2x2x1
jax: 0.10.2.dev20260603
libtpu: 0.0.44.dev20260713+nightly
codegen_flags: <defaults>
</compile_context>

<pallas_src>
import functools

import jax
import jax.numpy as jnp
from jax import lax
from jax.experimental import pallas as pl
from jax.experimental.pallas import tpu as pltpu
from jax.experimental.pallas import tpu_sc as plsc

N = 10000
E = 320000
D = 128
H = 16
C = 16

NC = 2
NS = 16
LANES = 16

NW = NC * NS
EPW = E // NW
BATCH = 400
NBATCH = EPW // BATCH
NPAD = 10240
RPT = NPAD // NS

NP8 = N // 8
NPAD8 = NPAD * H // 128

F32 = jnp.float32


NBUF = 5


def _seg_body(with_deg, y_hbm, src_hbm, dst_hbm, z16_hbm, z1_hbm, ones_hbm, *rest):
    if with_deg:
        (part_out, deg_out, src_v, dst_v, ones_v, acc, dacc,
         rows, gsem, ssem, dsem) = rest
    else:
        part_out, src_v, dst_v, ones_v, acc, rows, gsem, ssem, dsem = rest
    cid = lax.axis_index("c")
    sid = lax.axis_index("s")
    w = sid * NC + cid

    cp_src = pltpu.async_copy(src_hbm.at[w], src_v, gsem[0])
    cp_dst = pltpu.async_copy(dst_hbm.at[w], dst_v, gsem[1])
    cp_z = pltpu.async_copy(
        z16_hbm, acc.at[pl.ds(sid * RPT, RPT)], ssem[0])
    if with_deg:
        cp_z1 = pltpu.async_copy(z1_hbm, dacc.at[pl.ds(sid * RPT, RPT)], ssem[1])
        cp_o = pltpu.async_copy(ones_hbm.at[pl.ds(0, BATCH)], ones_v, ssem[2])

    gd = [None] * NBATCH
    sd = [None] * NBATCH
    dd = [None] * NBATCH

    cp_src.wait()
    for j in range(min(NBUF, NBATCH)):
        gd[j] = pltpu.async_copy(y_hbm.at[src_v.at[j]], rows[j], gsem[j])
    cp_dst.wait()
    cp_z.wait()
    if with_deg:
        cp_z1.wait()
        cp_o.wait()
    plsc.subcore_barrier()

    for j in range(NBATCH):
        if j >= 1 and (j - 1) + NBUF < NBATCH:
            sd[j - 1].wait()
            k = (j - 1) % NBUF
            gd[j - 1 + NBUF] = pltpu.async_copy(
                y_hbm.at[src_v.at[j - 1 + NBUF]], rows[k], gsem[k])
        gd[j].wait()
        sd[j] = pltpu.async_copy(rows[j % NBUF], acc.at[dst_v.at[j]],
                                 ssem[j % NBUF], add=True)
        if with_deg:
            dd[j] = pltpu.async_copy(ones_v, dacc.at[dst_v.at[j]], dsem, add=True)
    for j in range(NBATCH):
        if sd[j] is not None and j + NBUF >= NBATCH:
            sd[j].wait()
    if with_deg:
        for j in range(NBATCH):
            dd[j].wait()
    plsc.subcore_barrier()

    sl = pl.ds(sid * RPT, RPT)
    pltpu.sync_copy(acc.at[sl], part_out.at[cid, sl])
    if with_deg:
        pltpu.sync_copy(dacc.at[sl], deg_out.at[cid, sl])


def _make_seg(with_deg):
    out_type = [jax.ShapeDtypeStruct((NC, NPAD, H), F32)]
    scratch = [
        pltpu.VMEM((NBATCH, BATCH), jnp.int32),
        pltpu.VMEM((NBATCH, BATCH), jnp.int32),
        pltpu.VMEM((BATCH,), F32),
    ]
    if with_deg:
        out_type.append(jax.ShapeDtypeStruct((NC, NPAD), F32))
    scratch.append(pltpu.VMEM_SHARED((NPAD, H), F32))
    if with_deg:
        scratch.append(pltpu.VMEM_SHARED((NPAD,), F32))
    scratch.append([pltpu.VMEM((BATCH, H), F32) for _ in range(NBUF)])
    scratch.append([pltpu.SemaphoreType.DMA for _ in range(NBUF)])
    scratch.append([pltpu.SemaphoreType.DMA for _ in range(NBUF)])
    scratch.append(pltpu.SemaphoreType.DMA)
    return pl.kernel(
        functools.partial(_seg_body, with_deg),
        out_type=out_type,
        mesh=plsc.VectorSubcoreMesh(
            core_axis_name="c", subcore_axis_name="s",
            num_cores=NC, num_subcores=NS,
        ),
        scratch_types=scratch,
        compiler_params=pltpu.CompilerParams(use_tc_tiling_on_sc=False),
    )


def _selector():
    lane_blk = lax.broadcasted_iota(jnp.int32, (8, 128), 1) // H
    sub = lax.broadcasted_iota(jnp.int32, (8, 128), 0)
    return (lane_blk == sub).astype(F32)


def _tile8_cols(w):
    return jnp.concatenate([w] * 8, axis=1)


def _blockdiag(w):
    big = jnp.concatenate([_tile8_cols(w)] * 8, axis=0)
    row_blk = lax.broadcasted_iota(jnp.int32, (128, 128), 0) // H
    col_blk = lax.broadcasted_iota(jnp.int32, (128, 128), 1) // H
    return jnp.where(row_blk == col_blk, big, 0.0)


def _mm1_body(x_ref, e_ref, wlT_ref, wrT_ref, b_ref, y_ref, r_ref, s_ref, d_ref,
              z16_ref, z1_ref, o1_ref):
    xv = x_ref[...]
    m = _selector()[None]
    dn = (((1,), (1,)), ((), ()))
    wlt = jnp.concatenate([wlT_ref[...]] * 8, axis=0)
    wrt = jnp.concatenate([wrT_ref[...]] * 8, axis=0)
    z = lax.dot_general(xv, wlt, dn, preferred_element_type=F32)
    y_ref[...] = jnp.sum(z.reshape(NP8, 8, 128) * m, axis=1)
    zr = lax.dot_general(xv, wrt, dn, preferred_element_type=F32)
    r_ref[...] = jnp.sum(zr.reshape(NP8, 8, 128) * m, axis=1) + _tile8_cols(b_ref[...])
    ev = e_ref[...]
    s_ref[...] = ev[0:1, :].reshape(E // 128, 128)
    d_ref[...] = ev[1:2, :].reshape(E // 128, 128)
    z16_ref[...] = jnp.zeros((RPT * H // 128, 128), F32)
    z1_ref[...] = jnp.zeros((RPT // 128, 128), F32)
    o1_ref[...] = jnp.ones((16, 128), F32)


def _mid_body(part_ref, deg_ref, r1_ref, wl_ref, wr_ref, b_ref, y_ref, r_ref):
    d8 = deg_ref[0, :NP8, :] + deg_ref[1, :NP8, :]
    d = jnp.maximum(jnp.dot(d8, _selector(), preferred_element_type=F32), 1.0)
    p = part_ref[0, :NP8, :] + part_ref[1, :NP8, :]
    h = jnp.maximum(p / d + r1_ref[...], 0.0)
    y_ref[...] = jnp.dot(h, _blockdiag(wl_ref[...]), preferred_element_type=F32)
    r_ref[...] = (jnp.dot(h, _blockdiag(wr_ref[...]), preferred_element_type=F32)
                  + _tile8_cols(b_ref[...]))


def _fin_body(part_ref, deg_ref, r2_ref, out_ref):
    d8 = deg_ref[0, :NP8, :] + deg_ref[1, :NP8, :]
    d = jnp.maximum(jnp.dot(d8, _selector(), preferred_element_type=F32), 1.0)
    p = part_ref[0, :NP8, :] + part_ref[1, :NP8, :]
    out_ref[...] = p / d + r2_ref[...]


_mm1 = pl.pallas_call(
    _mm1_body,
    out_shape=[
        jax.ShapeDtypeStruct((NP8, 128), F32),
        jax.ShapeDtypeStruct((NP8, 128), F32),
        jax.ShapeDtypeStruct((E // 128, 128), jnp.int32),
        jax.ShapeDtypeStruct((E // 128, 128), jnp.int32),
        jax.ShapeDtypeStruct((RPT * H // 128, 128), F32),
        jax.ShapeDtypeStruct((RPT // 128, 128), F32),
        jax.ShapeDtypeStruct((16, 128), F32),
    ],
)

_mid = pl.pallas_call(
    _mid_body,
    out_shape=[jax.ShapeDtypeStruct((NP8, 128), F32), jax.ShapeDtypeStruct((NP8, 128), F32)],
)

_fin = pl.pallas_call(
    _fin_body,
    out_shape=jax.ShapeDtypeStruct((NP8, 128), F32),
)


def kernel(x, edge_index, W1_l, b1, W1_r, W2_l, b2, W2_r):
    y1p, r1p, srcp, dstp, z16p, z1p, o1p = _mm1(
        x, edge_index, W1_l.T, W1_r.T, b1.reshape(1, H))
    src = srcp.reshape(NW, NBATCH, BATCH)
    dst = dstp.reshape(NW, NBATCH, BATCH)
    z16 = z16p.reshape(RPT, H)
    z1 = z1p.reshape(RPT)
    o1 = o1p.reshape(2048)

    seg1 = _make_seg(True)
    part1, degp = seg1(y1p.reshape(N, H), src, dst, z16, z1, o1)
    deg8 = degp.reshape(NC, NPAD8, 8)

    y2p, r2p = _mid(part1.reshape(NC, NPAD8, 128), deg8,
                    r1p, W2_l, W2_r, b2.reshape(1, C))

    seg2 = _make_seg(False)
    (part2,) = seg2(y2p.reshape(N, H), src, dst, z16, z1, o1)

    outp = _fin(part2.reshape(NC, NPAD8, 128), deg8, r2p)
    return outp.reshape(N, C)

# --- scband reference (transcript-rebuilt; emitter-appended) ---
"""Pipeline reference for scband-graph-sage-13529146982817 (READ-ONLY COPY).

The authoritative reference and input builder live on the scoring server;
editing this copy changes nothing except your own understanding.
"""

import jax, jax.numpy as jnp
import numpy as np

N = 10000
E = 320000
D = 128
H = 16
C = 16


def setup_inputs(seed: int = 0) -> dict:
    key = jax.random.key(seed)
    ks = jax.random.split(key, 9)
    x = jax.random.normal(ks[0], (N, D), dtype=jnp.float32)
    edge_index = jax.random.randint(ks[1], (2, E), 0, N, dtype=jnp.int32)
    s1 = 1.0 / np.sqrt(D)
    s2 = 1.0 / np.sqrt(H)
    W1_l = jax.random.uniform(ks[2], (D, H), jnp.float32, -s1, s1)
    W1_r = jax.random.uniform(ks[3], (D, H), jnp.float32, -s1, s1)
    b1 = jax.random.uniform(ks[4], (H,), jnp.float32, -s1, s1)
    W2_l = jax.random.uniform(ks[5], (H, C), jnp.float32, -s2, s2)
    W2_r = jax.random.uniform(ks[6], (H, C), jnp.float32, -s2, s2)
    b2 = jax.random.uniform(ks[7], (C,), jnp.float32, -s2, s2)
    return {"x": x, "edge_index": edge_index, "W1_l": W1_l, "b1": b1, "W1_r": W1_r,
            "W2_l": W2_l, "b2": b2, "W2_r": W2_r}


def _sage_conv(x, edge_index, W_l, b_l, W_r):
    # PyG-style SAGEConv with mean aggregation:
    # out_i = lin_l(mean_{j in N(i)} x_j) + lin_r(x_i)
    src = edge_index[0]
    dst = edge_index[1]
    msg = jnp.take(x, src, axis=0)                       # gather  [E, d]
    agg = jax.ops.segment_sum(msg, dst, num_segments=N)  # scatter-add [N, d]
    deg = jax.ops.segment_sum(jnp.ones((msg.shape[0],), x.dtype), dst, num_segments=N)
    mean = agg / jnp.clip(deg, 1.0)[:, None]
    return mean @ W_l + b_l + x @ W_r


def reference(x, edge_index, W1_l, b1, W1_r, W2_l, b2, W2_r):
    h = _sage_conv(x, edge_index, W1_l, b1, W1_r)
    h = jax.nn.relu(h)
    # dropout(p=0.2) is identity in eval mode
    out = _sage_conv(h, edge_index, W2_l, b2, W2_r)
    return out

if __name__ == "__main__":
    import jax
    _d = setup_inputs()
    print(jax.jit(kernel)(*tuple(_d.values())))

</pallas_src>

<mosaic_0001>
#map = affine_map<(d0, d1) -> (0, 0)>
#map1 = affine_map<(d0, d1) -> (0, 0, 0)>
#map2 = affine_map<(d0, d1) -> (0)>
module attributes {stable_mosaic.version = 14 : i64} {
  func.func @_seg_body(%arg0: i32, %arg1: i32, %arg2: memref<10000x16xf32, #tpu.memory_space<hbm>>, %arg3: memref<32x25x400xi32, #tpu.memory_space<hbm>>, %arg4: memref<32x25x400xi32, #tpu.memory_space<hbm>>, %arg5: memref<640x16xf32, #tpu.memory_space<hbm>>, %arg6: memref<640xf32, #tpu.memory_space<hbm>>, %arg7: memref<2048xf32, #tpu.memory_space<hbm>>, %arg8: memref<2x10240x16xf32, #tpu.memory_space<hbm>>, %arg9: memref<2x10240xf32, #tpu.memory_space<hbm>>, %arg10: memref<25x400xi32, #tpu.memory_space<vmem>>, %arg11: memref<25x400xi32, #tpu.memory_space<vmem>>, %arg12: memref<400xf32, #tpu.memory_space<vmem>>, %arg13: memref<10240x16xf32, #tpu.memory_space<vmem_shared>>, %arg14: memref<10240xf32, #tpu.memory_space<vmem_shared>>, %arg15: memref<400x16xf32, #tpu.memory_space<vmem>>, %arg16: memref<400x16xf32, #tpu.memory_space<vmem>>, %arg17: memref<400x16xf32, #tpu.memory_space<vmem>>, %arg18: memref<400x16xf32, #tpu.memory_space<vmem>>, %arg19: memref<400x16xf32, #tpu.memory_space<vmem>>, %arg20: memref<!tpu.dma_semaphore, #tpu.memory_space<semaphore_mem>>, %arg21: memref<!tpu.dma_semaphore, #tpu.memory_space<semaphore_mem>>, %arg22: memref<!tpu.dma_semaphore, #tpu.memory_space<semaphore_mem>>, %arg23: memref<!tpu.dma_semaphore, #tpu.memory_space<semaphore_mem>>, %arg24: memref<!tpu.dma_semaphore, #tpu.memory_space<semaphore_mem>>, %arg25: memref<!tpu.dma_semaphore, #tpu.memory_space<semaphore_mem>>, %arg26: memref<!tpu.dma_semaphore, #tpu.memory_space<semaphore_mem>>, %arg27: memref<!tpu.dma_semaphore, #tpu.memory_space<semaphore_mem>>, %arg28: memref<!tpu.dma_semaphore, #tpu.memory_space<semaphore_mem>>, %arg29: memref<!tpu.dma_semaphore, #tpu.memory_space<semaphore_mem>>, %arg30: memref<!tpu.dma_semaphore, #tpu.memory_space<semaphore_mem>>) attributes {dimension_semantics = [#tpu.dimension_semantics<core_parallel>, #tpu.dimension_semantics<subcore_parallel>], iteration_bounds = array<i64: 2, 16>, scalar_prefetch = 0 : i64, scratch_operands = 21 : i64, tpu.core_type = #tpu.core_type<sc_vector_subcore>, window_params = [{transform_indices = #map}, {transform_indices = #map1}, {transform_indices = #map1}, {transform_indices = #map}, {transform_indices = #map2}, {transform_indices = #map2}, {transform_indices = #map1}, {transform_indices = #map}]} {
    %mul3A = arith.constant 2 : i32
    %mul3A_0 = arith.muli %arg1, %mul3A : i32
    %add3A = arith.addi %mul3A_0, %arg0 : i32
    %dma_start3A = arith.constant 0 : i32
    %dma_start3A_1 = arith.constant 0 : i32
    %dma_start3A_2 = tpu.memref_slice %arg3[%add3A, %dma_start3A, %dma_start3A_1] : memref<32x25x400xi32, #tpu.memory_space<hbm>> -> memref<1x25x400xi32, #tpu.memory_space<hbm>>
    %dma_start3A_3 = tpu.memref_squeeze %dma_start3A_2 : memref<1x25x400xi32, #tpu.memory_space<hbm>> -> memref<25x400xi32, #tpu.memory_space<hbm>>
    %dma_start3A_4 = arith.constant 0 : i32
    %dma_start3A_5 = arith.constant 0 : i32
    %dma_start3A_6 = tpu.memref_slice %arg3[%add3A, %dma_start3A_4, %dma_start3A_5] : memref<32x25x400xi32, #tpu.memory_space<hbm>> -> memref<1x25x400xi32, #tpu.memory_space<hbm>>
    %dma_start3A_7 = tpu.memref_squeeze %dma_start3A_6 : memref<1x25x400xi32, #tpu.memory_space<hbm>> -> memref<25x400xi32, #tpu.memory_space<hbm>>
    tpu.enqueue_dma source(%dma_start3A_7 : memref<25x400xi32, #tpu.memory_space<hbm>>) target(%arg10 : memref<25x400xi32, #tpu.memory_space<vmem>>) target_semaphore(%arg20 : memref<!tpu.dma_semaphore, #tpu.memory_space<semaphore_mem>>)
    %dma_start3A_8 = arith.constant 0 : i32
    %dma_start3A_9 = arith.constant 0 : i32
    %dma_start3A_10 = tpu.memref_slice %arg4[%add3A, %dma_start3A_8, %dma_start3A_9] : memref<32x25x400xi32, #tpu.memory_space<hbm>> -> memref<1x25x400xi32, #tpu.memory_space<hbm>>
    %dma_start3A_11 = tpu.memref_squeeze %dma_start3A_10 : memref<1x25x400xi32, #tpu.memory_space<hbm>> -> memref<25x400xi32, #tpu.memory_space<hbm>>
    %dma_start3A_12 = arith.constant 0 : i32
    %dma_start3A_13 = arith.constant 0 : i32
    %dma_start3A_14 = tpu.memref_slice %arg4[%add3A, %dma_start3A_12, %dma_start3A_13] : memref<32x25x400xi32, #tpu.memory_space<hbm>> -> memref<1x25x400xi32, #tpu.memory_space<hbm>>
    %dma_start3A_15 = tpu.memref_squeeze %dma_start3A_14 : memref<1x25x400xi32, #tpu.memory_space<hbm>> -> memref<25x400xi32, #tpu.memory_space<hbm>>
    tpu.enqueue_dma source(%dma_start3A_15 : memref<25x400xi32, #tpu.memory_space<hbm>>) target(%arg11 : memref<25x400xi32, #tpu.memory_space<vmem>>) target_semaphore(%arg21 : memref<!tpu.dma_semaphore, #tpu.memory_space<semaphore_mem>>)
    %mul3A_16 = arith.constant 640 : i32
    %mul3A_17 = arith.muli %arg1, %mul3A_16 : i32
    %dma_start3A_18 = arith.constant 0 : i32
    %dma_start3A_19 = tpu.memref_slice %arg13[%mul3A_17, %dma_start3A_18] : memref<10240x16xf32, #tpu.memory_space<vmem_shared>> -> memref<640x16xf32, #tpu.memory_space<vmem_shared>>
    tpu.enqueue_dma source(%arg5 : memref<640x16xf32, #tpu.memory_space<hbm>>) target(%dma_start3A_19 : memref<640x16xf32, #tpu.memory_space<vmem_shared>>) target_semaphore(%arg25 : memref<!tpu.dma_semaphore, #tpu.memory_space<semaphore_mem>>)
    %mul3A_20 = arith.constant 640 : i32
    %mul3A_21 = arith.muli %arg1, %mul3A_20 : i32
    %dma_start3A_22 = tpu.memref_slice %arg14[%mul3A_21] : memref<10240xf32, #tpu.memory_space<vmem_shared>> -> memref<640xf32, #tpu.memory_space<vmem_shared>>
    tpu.enqueue_dma source(%arg6 : memref<640xf32, #tpu.memory_space<hbm>>) target(%dma_start3A_22 : memref<640xf32, #tpu.memory_space<vmem_shared>>) target_semaphore(%arg26 : memref<!tpu.dma_semaphore, #tpu.memory_space<semaphore_mem>>)
    %dma_start3A_23 = arith.constant 0 : i32
    %dma_start3A_24 = tpu.memref_slice %arg7[%dma_start3A_23] : memref<2048xf32, #tpu.memory_space<hbm>> -> memref<400xf32, #tpu.memory_space<hbm>>
    %dma_start3A_25 = arith.constant 0 : i32
    %dma_start3A_26 = tpu.memref_slice %arg7[%dma_start3A_25] : memref<2048xf32, #tpu.memory_space<hbm>> -> memref<400xf32, #tpu.memory_space<hbm>>
    tpu.enqueue_dma source(%dma_start3A_26 : memref<400xf32, #tpu.memory_space<hbm>>) target(%arg12 : memref<400xf32, #tpu.memory_space<vmem>>) target_semaphore(%arg27 : memref<!tpu.dma_semaphore, #tpu.memory_space<semaphore_mem>>)
    %dma_wait3A = arith.constant 0 : i32
    %dma_wait3A_27 = arith.constant 0 : i32
    %dma_wait3A_28 = tpu.memref_slice %arg3[%add3A, %dma_wait3A, %dma_wait3A_27] : memref<32x25x400xi32, #tpu.memory_space<hbm>> -> memref<1x25x400xi32, #tpu.memory_space<hbm>>
    %dma_wait3A_29 = tpu.memref_squeeze %dma_wait3A_28 : memref<1x25x400xi32, #tpu.memory_space<hbm>> -> memref<25x400xi32, #tpu.memory_space<hbm>>
    %dma_wait3A_30 = arith.constant 0 : i32
    %dma_wait3A_31 = arith.constant 0 : i32
    %dma_wait3A_32 = tpu.memref_slice %arg3[%add3A, %dma_wait3A_30, %dma_wait3A_31] : memref<32x25x400xi32, #tpu.memory_space<hbm>> -> memref<1x25x400xi32, #tpu.memory_space<hbm>>
    %dma_wait3A_33 = tpu.memref_squeeze %dma_wait3A_32 : memref<1x25x400xi32, #tpu.memory_space<hbm>> -> memref<25x400xi32, #tpu.memory_space<hbm>>
    tpu.wait_dma2 semaphore(%arg20 : memref<!tpu.dma_semaphore, #tpu.memory_space<semaphore_mem>>) src(%dma_wait3A_33 : memref<25x400xi32, #tpu.memory_space<hbm>>) dst(%arg10 : memref<25x400xi32, #tpu.memory_space<vmem>>)
    %dma_start3A_34 = arith.constant 0 : i32
    %dma_start3A_35 = arith.constant 0 : i32
    %dma_start3A_36 = tpu.memref_slice %arg10[%dma_start3A_34, %dma_start3A_35] : memref<25x400xi32, #tpu.memory_space<vmem>> -> memref<1x400xi32, #tpu.memory_space<vmem>>
    %dma_start3A_37 = tpu.memref_squeeze %dma_start3A_36 : memref<1x400xi32, #tpu.memory_space<vmem>> -> memref<400xi32, #tpu.memory_space<vmem>>
    %dma_start3A_38 = arith.constant 0 : i32
    %dma_start3A_39 = arith.constant 0 : i32
    %dma_start3A_40 = tpu.memref_slice %arg2[%dma_start3A_38, %dma_start3A_39] : memref<10000x16xf32, #tpu.memory_space<hbm>> -> memref<10000x16xf32, #tpu.memory_space<hbm>>
    tpu.enqueue_indirect_dma source(%dma_start3A_40 : memref<10000x16xf32, #tpu.memory_space<hbm>>) target(%arg15 : memref<400x16xf32, #tpu.memory_space<vmem>>) offsets(%dma_start3A_37 : memref<400xi32, #tpu.memory_space<vmem>>) semaphore(%arg20 : memref<!tpu.dma_semaphore, #tpu.memory_space<semaphore_mem>>)
    %dma_start3A_41 = arith.constant 1 : i32
    %dma_start3A_42 = arith.constant 0 : i32
    %dma_start3A_43 = tpu.memref_slice %arg10[%dma_start3A_41, %dma_start3A_42] : memref<25x400xi32, #tpu.memory_space<vmem>> -> memref<1x400xi32, #tpu.memory_space<vmem>>
    %dma_start3A_44 = tpu.memref_squeeze %dma_start3A_43 : memref<1x400xi32, #tpu.memory_space<vmem>> -> memref<400xi32, #tpu.memory_space<vmem>>
    %dma_start3A_45 = arith.constant 0 : i32
    %dma_start3A_46 = arith.constant 0 : i32
    %dma_start3A_47 = tpu.memref_slice %arg2[%dma_start3A_45, %dma_start3A_46] : memref<10000x16xf32, #tpu.memory_space<hbm>> -> memref<10000x16xf32, #tpu.memory_space<hbm>>
    tpu.enqueue_indirect_dma source(%dma_start3A_47 : memref<10000x16xf32, #tpu.memory_space<hbm>>) target(%arg16 : memref<400x16xf32, #tpu.memory_space<vmem>>) offsets(%dma_start3A_44 : memref<400xi32, #tpu.memory_space<vmem>>) semaphore(%arg21 : memref<!tpu.dma_semaphore, #tpu.memory_space<semaphore_mem>>)
    %dma_start3A_48 = arith.constant 2 : i32
    %dma_start3A_49 = arith.constant 0 : i32
    %dma_start3A_50 = tpu.memref_slice %arg10[%dma_start3A_48, %dma_start3A_49] : memref<25x400xi32, #tpu.memory_space<vmem>> -> memref<1x400xi32, #tpu.memory_space<vmem>>
    %dma_start3A_51 = tpu.memref_squeeze %dma_start3A_50 : memref<1x400xi32, #tpu.memory_space<vmem>> -> memref<400xi32, #tpu.memory_space<vmem>>
    %dma_start3A_52 = arith.constant 0 : i32
    %dma_start3A_53 = arith.constant 0 : i32
    %dma_start3A_54 = tpu.memref_slice %arg2[%dma_start3A_52, %dma_start3A_53] : memref<10000x16xf32, #tpu.memory_space<hbm>> -> memref<10000x16xf32, #tpu.memory_space<hbm>>
    tpu.enqueue_indirect_dma source(%dma_start3A_54 : memref<10000x16xf32, #tpu.memory_space<hbm>>) target(%arg17 : memref<400x16xf32, #tpu.memory_space<vmem>>) offsets(%dma_start3A_51 : memref<400xi32, #tpu.memory_space<vmem>>) semaphore(%arg22 : memref<!tpu.dma_semaphore, #tpu.memory_space<semaphore_mem>>)
    %dma_start3A_55 = arith.constant 3 : i32
    %dma_start3A_56 = arith.constant 0 : i32
    %dma_start3A_57 = tpu.memref_slice %arg10[%dma_start3A_55, %dma_start3A_56] : memref<25x400xi32, #tpu.memory_space<vmem>> -> memref<1x400xi32, #tpu.memory_space<vmem>>
    %dma_start3A_58 = tpu.memref_squeeze %dma_start3A_57 : memref<1x400xi32, #tpu.memory_space<vmem>> -> memref<400xi32, #tpu.memory_space<vmem>>
    %dma_start3A_59 = arith.constant 0 : i32
    %dma_start3A_60 = arith.constant 0 : i32
    %dma_start3A_61 = tpu.memref_slice %arg2[%dma_start3A_59, %dma_start3A_60] : memref<10000x16xf32, #tpu.memory_space<hbm>> -> memref<10000x16xf32, #tpu.memory_space<hbm>>
    tpu.enqueue_indirect_dma source(%dma_start3A_61 : memref<10000x16xf32, #tpu.memory_space<hbm>>) target(%arg18 : memref<400x16xf32, #tpu.memory_space<vmem>>) offsets(%dma_start3A_58 : memref<400xi32, #tpu.memory_space<vmem>>) semaphore(%arg23 : memref<!tpu.dma_semaphore, #tpu.memory_space<semaphore_mem>>)
    %dma_start3A_62 = arith.constant 4 : i32
    %dma_start3A_63 = arith.constant 0 : i32
    %dma_start3A_64 = tpu.memref_slice %arg10[%dma_start3A_62, %dma_start3A_63] : memref<25x400xi32, #tpu.memory_space<vmem>> -> memref<1x400xi32, #tpu.memory_space<vmem>>
    %dma_start3A_65 = tpu.memref_squeeze %dma_start3A_64 : memref<1x400xi32, #tpu.memory_space<vmem>> -> memref<400xi32, #tpu.memory_space<vmem>>
    %dma_start3A_66 = arith.constant 0 : i32
    %dma_start3A_67 = arith.constant 0 : i32
    %dma_start3A_68 = tpu.memref_slice %arg2[%dma_start3A_66, %dma_start3A_67] : memref<10000x16xf32, #tpu.memory_space<hbm>> -> memref<10000x16xf32, #tpu.memory_space<hbm>>
    tpu.enqueue_indirect_dma source(%dma_start3A_68 : memref<10000x16xf32, #tpu.memory_space<hbm>>) target(%arg19 : memref<400x16xf32, #tpu.memory_space<vmem>>) offsets(%dma_start3A_65 : memref<400xi32, #tpu.memory_space<vmem>>) semaphore(%arg24 : memref<!tpu.dma_semaphore, #tpu.memory_space<semaphore_mem>>)
    %dma_wait3A_69 = arith.constant 0 : i32
    %dma_wait3A_70 = arith.constant 0 : i32
    %dma_wait3A_71 = tpu.memref_slice %arg4[%add3A, %dma_wait3A_69, %dma_wait3A_70] : memref<32x25x400xi32, #tpu.memory_space<hbm>> -> memref<1x25x400xi32, #tpu.memory_space<hbm>>
    %dma_wait3A_72 = tpu.memref_squeeze %dma_wait3A_71 : memref<1x25x400xi32, #tpu.memory_space<hbm>> -> memref<25x400xi32, #tpu.memory_space<hbm>>
    %dma_wait3A_73 = arith.constant 0 : i32
    %dma_wait3A_74 = arith.constant 0 : i32
    %dma_wait3A_75 = tpu.memref_slice %arg4[%add3A, %dma_wait3A_73, %dma_wait3A_74] : memref<32x25x400xi32, #tpu.memory_space<hbm>> -> memref<1x25x400xi32, #tpu.memory_space<hbm>>
    %dma_wait3A_76 = tpu.memref_squeeze %dma_wait3A_75 : memref<1x25x400xi32, #tpu.memory_space<hbm>> -> memref<25x400xi32, #tpu.memory_space<hbm>>
    tpu.wait_dma2 semaphore(%arg21 : memref<!tpu.dma_semaphore, #tpu.memory_space<semaphore_mem>>) src(%dma_wait3A_76 : memref<25x400xi32, #tpu.memory_space<hbm>>) dst(%arg11 : memref<25x400xi32, #tpu.memory_space<vmem>>)
    %dma_wait3A_77 = arith.constant 0 : i32
    %dma_wait3A_78 = tpu.memref_slice %arg13[%mul3A_17, %dma_wait3A_77] : memref<10240x16xf32, #tpu.memory_space<vmem_shared>> -> memref<640x16xf32, #tpu.memory_space<vmem_shared>>
    tpu.wait_dma2 semaphore(%arg25 : memref<!tpu.dma_semaphore, #tpu.memory_space<semaphore_mem>>) src(%arg5 : memref<640x16xf32, #tpu.memory_space<hbm>>) dst(%dma_wait3A_78 : memref<640x16xf32, #tpu.memory_space<vmem_shared>>)
    %dma_wait3A_79 = tpu.memref_slice %arg14[%mul3A_21] : memref<10240xf32, #tpu.memory_space<vmem_shared>> -> memref<640xf32, #tpu.memory_space<vmem_shared>>
    tpu.wait_dma2 semaphore(%arg26 : memref<!tpu.dma_semaphore, #tpu.memory_space<semaphore_mem>>) src(%arg6 : memref<640xf32, #tpu.memory_space<hbm>>) dst(%dma_wait3A_79 : memref<640xf32, #tpu.memory_space<vmem_shared>>)
    %dma_wait3A_80 = arith.constant 0 : i32
    %dma_wait3A_81 = tpu.memref_slice %arg7[%dma_wait3A_80] : memref<2048xf32, #tpu.memory_space<hbm>> -> memref<400xf32, #tpu.memory_space<hbm>>
    %dma_wait3A_82 = arith.constant 0 : i32
    %dma_wait3A_83 = tpu.memref_slice %arg7[%dma_wait3A_82] : memref<2048xf32, #tpu.memory_space<hbm>> -> memref<400xf32, #tpu.memory_space<hbm>>
    tpu.wait_dma2 semaphore(%arg27 : memref<!tpu.dma_semaphore, #tpu.memory_space<semaphore_mem>>) src(%dma_wait3A_83 : memref<400xf32, #tpu.memory_space<hbm>>) dst(%arg12 : memref<400xf32, #tpu.memory_space<vmem>>)
    %barrier3A = arith.constant 0 : index
    tpu.barrier barrier_id(%barrier3A)
    %dma_wait3A_84 = arith.constant 0 : i32
    %dma_wait3A_85 = arith.constant 0 : i32
    %dma_wait3A_86 = tpu.memref_slice %arg10[%dma_wait3A_84, %dma_wait3A_85] : memref<25x400xi32, #tpu.memory_space<vmem>> -> memref<1x400xi32, #tpu.memory_space<vmem>>
    %dma_wait3A_87 = tpu.memref_squeeze %dma_wait3A_86 : memref<1x400xi32, #tpu.memory_space<vmem>> -> memref<400xi32, #tpu.memory_space<vmem>>
    %dma_wait3A_88 = arith.constant 0 : i32
    %dma_wait3A_89 = arith.constant 0 : i32
    %dma_wait3A_90 = tpu.memref_slice %arg2[%dma_wait3A_88, %dma_wait3A_89] : memref<10000x16xf32, #tpu.memory_space<hbm>> -> memref<10000x16xf32, #tpu.memory_space<hbm>>
    tpu.wait_indirect_dma semaphore(%arg20 : memref<!tpu.dma_semaphore, #tpu.memory_space<semaphore_mem>>) src(%dma_wait3A_90 : memref<10000x16xf32, #tpu.memory_space<hbm>>) dst(%arg15 : memref<400x16xf32, #tpu.memory_space<vmem>>)
    %dma_start3A_91 = arith.constant 0 : i32
    %dma_start3A_92 = arith.constant 0 : i32
    %dma_start3A_93 = tpu.memref_slice %arg11[%dma_start3A_91, %dma_start3A_92] : memref<25x400xi32, #tpu.memory_space<vmem>> -> memref<1x400xi32, #tpu.memory_space<vmem>>
    %dma_start3A_94 = tpu.memref_squeeze %dma_start3A_93 : memref<1x400xi32, #tpu.memory_space<vmem>> -> memref<400xi32, #tpu.memory_space<vmem>>
    %dma_start3A_95 = arith.constant 0 : i32
    %dma_start3A_96 = arith.constant 0 : i32
    %dma_start3A_97 = tpu.memref_slice %arg13[%dma_start3A_95, %dma_start3A_96] : memref<10240x16xf32, #tpu.memory_space<vmem_shared>> -> memref<10240x16xf32, #tpu.memory_space<vmem_shared>>
    tpu.enqueue_indirect_dma source(%arg15 : memref<400x16xf32, #tpu.memory_space<vmem>>) target(%dma_start3A_97 : memref<10240x16xf32, #tpu.memory_space<vmem_shared>>) offsets(%dma_start3A_94 : memref<400xi32, #tpu.memory_space<vmem>>) semaphore(%arg25 : memref<!tpu.dma_semaphore, #tpu.memory_space<semaphore_mem>>) {add = true}
    %dma_start3A_98 = arith.constant 0 : i32
    %dma_start3A_99 = arith.constant 0 : i32
    %dma_start3A_100 = tpu.memref_slice %arg11[%dma_start3A_98, %dma_start3A_99] : memref<25x400xi32, #tpu.memory_space<vmem>> -> memref<1x400xi32, #tpu.memory_space<vmem>>
    %dma_start3A_101 = tpu.memref_squeeze %dma_start3A_100 : memref<1x400xi32, #tpu.memory_space<vmem>> -> memref<400xi32, #tpu.memory_space<vmem>>
    %dma_start3A_102 = arith.constant 0 : i32
    %dma_start3A_103 = tpu.memref_slice %arg14[%dma_start3A_102] : memref<10240xf32, #tpu.memory_space<vmem_shared>> -> memref<10240xf32, #tpu.memory_space<vmem_shared>>
    tpu.enqueue_indirect_dma source(%arg12 : memref<400xf32, #tpu.memory_space<vmem>>) target(%dma_start3A_103 : memref<10240xf32, #tpu.memory_space<vmem_shared>>) offsets(%dma_start3A_101 : memref<400xi32, #tpu.memory_space<vmem>>) semaphore(%arg30 : memref<!tpu.dma_semaphore, #tpu.memory_space<semaphore_mem>>) {add = true}
    %dma_wait3A_104 = arith.constant 0 : i32
    %dma_wait3A_105 = arith.constant 0 : i32
    %dma_wait3A_106 = tpu.memref_slice %arg11[%dma_wait3A_104, %dma_wait3A_105] : memref<25x400xi32, #tpu.memory_space<vmem>> -> memref<1x400xi32, #tpu.memory_space<vmem>>
    %dma_wait3A_107 = tpu.memref_squeeze %dma_wait3A_106 : memref<1x400xi32, #tpu.memory_space<vmem>> -> memref<400xi32, #tpu.memory_space<vmem>>
    %dma_wait3A_108 = arith.constant 0 : i32
    %dma_wait3A_109 = arith.constant 0 : i32
    %dma_wait3A_110 = tpu.memref_slice %arg13[%dma_wait3A_108, %dma_wait3A_109] : memref<10240x16xf32, #tpu.memory_space<vmem_shared>> -> memref<10240x16xf32, #tpu.memory_space<vmem_shared>>
    tpu.wait_indirect_dma semaphore(%arg25 : memref<!tpu.dma_semaphore, #tpu.memory_space<semaphore_mem>>) src(%arg15 : memref<400x16xf32, #tpu.memory_space<vmem>>) dst(%dma_wait3A_110 : memref<10240x16xf32, #tpu.memory_space<vmem_shared>>)
    %dma_start3A_111 = arith.constant 5 : i32
    %dma_start3A_112 = arith.constant 0 : i32
    %dma_start3A_113 = tpu.memref_slice %arg10[%dma_start3A_111, %dma_start3A_112] : memref<25x400xi32, #tpu.memory_space<vmem>> -> memref<1x400xi32, #tpu.memory_space<vmem>>
    %dma_start3A_114 = tpu.memref_squeeze %dma_start3A_113 : memref<1x400xi32, #tpu.memory_space<vmem>> -> memref<400xi32, #tpu.memory_space<vmem>>
    %dma_start3A_115 = arith.constant 0 : i32
    %dma_start3A_116 = arith.constant 0 : i32
    %dma_start3A_117 = tpu.memref_slice %arg2[%dma_start3A_115, %dma_start3A_116] : memref<10000x16xf32, #tpu.memory_space<hbm>> -> memref<10000x16xf32, #tpu.memory_space<hbm>>
    tpu.enqueue_indirect_dma source(%dma_start3A_117 : memref<10000x16xf32, #tpu.memory_space<hbm>>) target(%arg15 : memref<400x16xf32, #tpu.memory_space<vmem>>) offsets(%dma_start3A_114 : memref<400xi32, #tpu.memory_space<vmem>>) semaphore(%arg20 : memref<!tpu.dma_semaphore, #tpu.memory_space<semaphore_mem>>)
    %dma_wait3A_118 = arith.constant 1 : i32
    %dma_wait3A_119 = arith.constant 0 : i32
    %dma_wait3A_120 = tpu.memref_slice %arg10[%dma_wait3A_118, %dma_wait3A_119] : memref<25x400xi32, #tpu.memory_space<vmem>> -> memref<1x400xi32, #tpu.memory_space<vmem>>
    %dma_wait3A_121 = tpu.memref_squeeze %dma_wait3A_120 : memref<1x400xi32, #tpu.memory_space<vmem>> -> memref<400xi32, #tpu.memory_space<vmem>>
    %dma_wait3A_122 = arith.constant 0 : i32
    %dma_wait3A_123 = arith.constant 0 : i32
    %dma_wait3A_124 = tpu.memref_slice %arg2[%dma_wait3A_122, %dma_wait3A_123] : memref<10000x16xf32, #tpu.memory_space<hbm>> -> memref<10000x16xf32, #tpu.memory_space<hbm>>
    tpu.wait_indirect_dma semaphore(%arg21 : memref<!tpu.dma_semaphore, #tpu.memory_space<semaphore_mem>>) src(%dma_wait3A_124 : memref<10000x16xf32, #tpu.memory_space<hbm>>) dst(%arg16 : memref<400x16xf32, #tpu.memory_space<vmem>>)
    %dma_start3A_125 = arith.constant 1 : i32
    %dma_start3A_126 = arith.constant 0 : i32
    %dma_start3A_127 = tpu.memref_slice %arg11[%dma_start3A_125, %dma_start3A_126] : memref<25x400xi32, #tpu.memory_space<vmem>> -> memref<1x400xi32, #tpu.memory_space<vmem>>
    %dma_start3A_128 = tpu.memref_squeeze %dma_start3A_127 : memref<1x400xi32, #tpu.memory_space<vmem>> -> memref<400xi32, #tpu.memory_space<vmem>>
    %dma_start3A_129 = arith.constant 0 : i32
    %dma_start3A_130 = arith.constant 0 : i32
    %dma_start3A_131 = tpu.memref_slice %arg13[%dma_start3A_129, %dma_start3A_130] : memref<10240x16xf32, #tpu.memory_space<vmem_shared>> -> memref<10240x16xf32, #tpu.memory_space<vmem_shared>>
    tpu.enqueue_indirect_dma source(%arg16 : memref<400x16xf32, #tpu.memory_space<vmem>>) target(%dma_start3A_131 : memref<10240x16xf32, #tpu.memory_space<vmem_shared>>) offsets(%dma_start3A_128 : memref<400xi32, #tpu.memory_space<vmem>>) semaphore(%arg26 : memref<!tpu.dma_semaphore, #tpu.memory_space<semaphore_mem>>) {add = true}
    %dma_start3A_132 = arith.constant 1 : i32
    %dma_start3A_133 = arith.constant 0 : i32
    %dma_start3A_134 = tpu.memref_slice %arg11[%dma_start3A_132, %dma_start3A_133] : memref<25x400xi32, #tpu.memory_space<vmem>> -> memref<1x400xi32, #tpu.memory_space<vmem>>
    %dma_start3A_135 = tpu.memref_squeeze %dma_start3A_134 : memref<1x400xi32, #tpu.memory_space<vmem>> -> memref<400xi32, #tpu.memory_space<vmem>>
    %dma_start3A_136 = arith.constant 0 : i32
    %dma_start3A_137 = tpu.memref_slice %arg14[%dma_start3A_136] : memref<10240xf32, #tpu.memory_space<vmem_shared>> -> memref<10240xf32, #tpu.memory_space<vmem_shared>>
    tpu.enqueue_indirect_dma source(%arg12 : memref<400xf32, #tpu.memory_space<vmem>>) target(%dma_start3A_137 : memref<10240xf32, #tpu.memory_space<vmem_shared>>) offsets(%dma_start3A_135 : memref<400xi32, #tpu.memory_space<vmem>>) semaphore(%arg30 : memref<!tpu.dma_semaphore, #tpu.memory_space<semaphore_mem>>) {add = true}
    %dma_wait3A_138 = arith.constant 1 : i32
    %dma_wait3A_139 = arith.constant 0 : i32
    %dma_wait3A_140 = tpu.memref_slice %arg11[%dma_wait3A_138, %dma_wait3A_139] : memref<25x400xi32, #tpu.memory_space<vmem>> -> memref<1x400xi32, #tpu.memory_space<vmem>>
    %dma_wait3A_141 = tpu.memref_squeeze %dma_wait3A_140 : memref<1x400xi32, #tpu.memory_space<vmem>> -> memref<400xi32, #tpu.memory_space<vmem>>
    %dma_wait3A_142 = arith.constant 0 : i32
    %dma_wait3A_143 = arith.constant 0 : i32
    %dma_wait3A_144 = tpu.memref_slice %arg13[%dma_wait3A_142, %dma_wait3A_143] : memref<10240x16xf32, #tpu.memory_space<vmem_shared>> -> memref<10240x16xf32, #tpu.memory_space<vmem_shared>>
    tpu.wait_indirect_dma semaphore(%arg26 : memref<!tpu.dma_semaphore, #tpu.memory_space<semaphore_mem>>) src(%arg16 : memref<400x16xf32, #tpu.memory_space<vmem>>) dst(%dma_wait3A_144 : memref<10240x16xf32, #tpu.memory_space<vmem_shared>>)
    %dma_start3A_145 = arith.constant 6 : i32
    %dma_start3A_146 = arith.constant 0 : i32
    %dma_start3A_147 = tpu.memref_slice %arg10[%dma_start3A_145, %dma_start3A_146] : memref<25x400xi32, #tpu.memory_space<vmem>> -> memref<1x400xi32, #tpu.memory_space<vmem>>
    %dma_start3A_148 = tpu.memref_squeeze %dma_start3A_147 : memref<1x400xi32, #tpu.memory_space<vmem>> -> memref<400xi32, #tpu.memory_space<vmem>>
    %dma_start3A_149 = arith.constant 0 : i32
    %dma_start3A_150 = arith.constant 0 : i32
    %dma_start3A_151 = tpu.memref_slice %arg2[%dma_start3A_149, %dma_start3A_150] : memref<10000x16xf32, #tpu.memory_space<hbm>> -> memref<10000x16xf32, #tpu.memory_space<hbm>>
    tpu.enqueue_indirect_dma source(%dma_start3A_151 : memref<10000x16xf32, #tpu.memory_space<hbm>>) target(%arg16 : memref<400x16xf32, #tpu.memory_space<vmem>>) offsets(%dma_start3A_148 : memref<400xi32, #tpu.memory_space<vmem>>) semaphore(%arg21 : memref<!tpu.dma_semaphore, #tpu.memory_space<semaphore_mem>>)
    %dma_wait3A_152 = arith.constant 2 : i32
    %dma_wait3A_153 = arith.constant 0 : i32
    %dma_wait3A_154 = tpu.memref_slice %arg10[%dma_wait3A_152, %dma_wait3A_153] : memref<25x400xi32, #tpu.memory_space<vmem>> -> memref<1x400xi32, #tpu.memory_space<vmem>>
    %dma_wait3A_155 = tpu.memref_squeeze %dma_wait3A_154 : memref<1x400xi32, #tpu.memory_space<vmem>> -> memref<400xi32, #tpu.memory_space<vmem>>
    %dma_wait3A_156 = arith.constant 0 : i32
    %dma_wait3A_157 = arith.constant 0 : i32
    %dma_wait3A_158 = tpu.memref_slice %arg2[%dma_wait3A_156, %dma_wait3A_157] : memref<10000x16xf32, #tpu.memory_space<hbm>> -> memref<10000x16xf32, #tpu.memory_space<hbm>>
    tpu.wait_indirect_dma semaphore(%arg22 : memref<!tpu.dma_semaphore, #tpu.memory_space<semaphore_mem>>) src(%dma_wait3A_158 : memref<10000x16xf32, #tpu.memory_space<hbm>>) dst(%arg17 : memref<400x16xf32, #tpu.memory_space<vmem>>)
    %dma_start3A_159 = arith.constant 2 : i32
    %dma_start3A_160 = arith.constant 0 : i32
    %dma_start3A_161 = tpu.memref_slice %arg11[%dma_start3A_159, %dma_start3A_160] : memref<25x400xi32, #tpu.memory_space<vmem>> -> memref<1x400xi32, #tpu.memory_space<vmem>>
    %dma_start3A_162 = tpu.memref_squeeze %dma_start3A_161 : memref<1x400xi32, #tpu.memory_space<vmem>> -> memref<400xi32, #tpu.memory_space<vmem>>
    %dma_start3A_163 = arith.constant 0 : i32
    %dma_start3A_164 = arith.constant 0 : i32
    %dma_start3A_165 = tpu.memref_slice %arg13[%dma_start3A_163, %dma_start3A_164] : memref<10240x16xf32, #tpu.memory_space<vmem_shared>> -> memref<10240x16xf32, #tpu.memory_space<vmem_shared>>
    tpu.enqueue_indirect_dma source(%arg17 : memref<400x16xf32, #tpu.memory_space<vmem>>) target(%dma_start3A_165 : memref<10240x16xf32, #tpu.memory_space<vmem_shared>>) offsets(%dma_start3A_162 : memref<400xi32, #tpu.memory_space<vmem>>) semaphore(%arg27 : memref<!tpu.dma_semaphore, #tpu.memory_space<semaphore_mem>>) {add = true}
    %dma_start3A_166 = arith.constant 2 : i32
    %dma_start3A_167 = arith.constant 0 : i32
    %dma_start3A_168 = tpu.memref_slice %arg11[%dma_start3A_166, %dma_start3A_167] : memref<25x400xi32, #tpu.memory_space<vmem>> -> memref<1x400xi32, #tpu.memory_space<vmem>>
    %dma_start3A_169 = tpu.memref_squeeze %dma_start3A_168 : memref<1x400xi32, #tpu.memory_space<vmem>> -> memref<400xi32, #tpu.memory_space<vmem>>
    %dma_start3A_170 = arith.constant 0 : i32
    %dma_start3A_171 = tpu.memref_slice %arg14[%dma_start3A_170] : memref<10240xf32, #tpu.memory_space<vmem_shared>> -> memref<10240xf32, #tpu.memory_space<vmem_shared>>
    tpu.enqueue_indirect_dma source(%arg12 : memref<400xf32, #tpu.memory_space<vmem>>) target(%dma_start3A_171 : memref<10240xf32, #tpu.memory_space<vmem_shared>>) offsets(%dma_start3A_169 : memref<400xi32, #tpu.memory_space<vmem>>) semaphore(%arg30 : memref<!tpu.dma_semaphore, #tpu.memory_space<semaphore_mem>>) {add = true}
    %dma_wait3A_172 = arith.constant 2 : i32
    %dma_wait3A_173 = arith.constant 0 : i32
    %dma_wait3A_174 = tpu.memref_slice %arg11[%dma_wait3A_172, %dma_wait3A_173] : memref<25x400xi32, #tpu.memory_space<vmem>> -> memref<1x400xi32, #tpu.memory_space<vmem>>
    %dma_wait3A_175 = tpu.memref_squeeze %dma_wait3A_174 : memref<1x400xi32, #tpu.memory_space<vmem>> -> memref<400xi32, #tpu.memory_space<vmem>>
    %dma_wait3A_176 = arith.constant 0 : i32
    %dma_wait3A_177 = arith.constant 0 : i32
    %dma_wait3A_178 = tpu.memref_slice %arg13[%dma_wait3A_176, %dma_wait3A_177] : memref<10240x16xf32, #tpu.memory_space<vmem_shared>> -> memref<10240x16xf32, #tpu.memory_space<vmem_shared>>
    tpu.wait_indirect_dma semaphore(%arg27 : memref<!tpu.dma_semaphore, #tpu.memory_space<semaphore_mem>>) src(%arg17 : memref<400x16xf32, #tpu.memory_space<vmem>>) dst(%dma_wait3A_178 : memref<10240x16xf32, #tpu.memory_space<vmem_shared>>)
    %dma_start3A_179 = arith.constant 7 : i32
    %dma_start3A_180 = arith.constant 0 : i32
    %dma_start3A_181 = tpu.memref_slice %arg10[%dma_start3A_179, %dma_start3A_180] : memref<25x400xi32, #tpu.memory_space<vmem>> -> memref<1x400xi32, #tpu.memory_space<vmem>>
    %dma_start3A_182 = tpu.memref_squeeze %dma_start3A_181 : memref<1x400xi32, #tpu.memory_space<vmem>> -> memref<400xi32, #tpu.memory_space<vmem>>
    %dma_start3A_183 = arith.constant 0 : i32
    %dma_start3A_184 = arith.constant 0 : i32
    %dma_start3A_185 = tpu.memref_slice %arg2[%dma_start3A_183, %dma_start3A_184] : memref<10000x16xf32, #tpu.memory_space<hbm>> -> memref<10000x16xf32, #tpu.memory_space<hbm>>
    tpu.enqueue_indirect_dma source(%dma_start3A_185 : memref<10000x16xf32, #tpu.memory_space<hbm>>) target(%arg17 : memref<400x16xf32, #tpu.memory_space<vmem>>) offsets(%dma_start3A_182 : memref<400xi32, #tpu.memory_space<vmem>>) semaphore(%arg22 : memref<!tpu.dma_semaphore, #tpu.memory_space<semaphore_mem>>)
    %dma_wait3A_186 = arith.constant 3 : i32
    %dma_wait3A_187 = arith.constant 0 : i32
    %dma_wait3A_188 = tpu.memref_slice %arg10[%dma_wait3A_186, %dma_wait3A_187] : memref<25x400xi32, #tpu.memory_space<vmem>> -> memref<1x400xi32, #tpu.memory_space<vmem>>
    %dma_wait3A_189 = tpu.memref_squeeze %dma_wait3A_188 : memref<1x400xi32, #tpu.memory_space<vmem>> -> memref<400xi32, #tpu.memory_space<vmem>>
    %dma_wait3A_190 = arith.constant 0 : i32
    %dma_wait3A_191 = arith.constant 0 : i32
    %dma_wait3A_192 = tpu.memref_slice %arg2[%dma_wait3A_190, %dma_wait3A_191] : memref<10000x16xf32, #tpu.memory_space<hbm>> -> memref<10000x16xf32, #tpu.memory_space<hbm>>
    tpu.wait_indirect_dma semaphore(%arg23 : memref<!tpu.dma_semaphore, #tpu.memory_space<semaphore_mem>>) src(%dma_wait3A_192 : memref<10000x16xf32, #tpu.memory_space<hbm>>) dst(%arg18 : memref<400x16xf32, #tpu.memory_space<vmem>>)
    %dma_start3A_193 = arith.constant 3 : i32
    %dma_start3A_194 = arith.constant 0 : i32
    %dma_start3A_195 = tpu.memref_slice %arg11[%dma_start3A_193, %dma_start3A_194] : memref<25x400xi32, #tpu.memory_space<vmem>> -> memref<1x400xi32, #tpu.memory_space<vmem>>
    %dma_start3A_196 = tpu.memref_squeeze %dma_start3A_195 : memref<1x400xi32, #tpu.memory_space<vmem>> -> memref<400xi32, #tpu.memory_space<vmem>>
    %dma_start3A_197 = arith.constant 0 : i32
    %dma_start3A_198 = arith.constant 0 : i32
    %dma_start3A_199 = tpu.memref_slice %arg13[%dma_start3A_197, %dma_start3A_198] : memref<10240x16xf32, #tpu.memory_space<vmem_shared>> -> memref<10240x16xf32, #tpu.memory_space<vmem_shared>>
    tpu.enqueue_indirect_dma source(%arg18 : memref<400x16xf32, #tpu.memory_space<vmem>>) target(%dma_start3A_199 : memref<10240x16xf32, #tpu.memory_space<vmem_shared>>) offsets(%dma_start3A_196 : memref<400xi32, #tpu.memory_space<vmem>>) semaphore(%arg28 : memref<!tpu.dma_semaphore, #tpu.memory_space<semaphore_mem>>) {add = true}
    %dma_start3A_200 = arith.constant 3 : i32
    %dma_start3A_201 = arith.constant 0 : i32
    %dma_start3A_202 = tpu.memref_slice %arg11[%dma_start3A_200, %dma_start3A_201] : memref<25x400xi32, #tpu.memory_space<vmem>> -> memref<1x400xi32, #tpu.memory_space<vmem>>
    %dma_start3A_203 = tpu.memref_squeeze %dma_start3A_202 : memref<1x400xi32, #tpu.memory_space<vmem>> -> memref<400xi32, #tpu.memory_space<vmem>>
    %dma_start3A_204 = arith.constant 0 : i32
    %dma_start3A_205 = tpu.memref_slice %arg14[%dma_start3A_204] : memref<10240xf32, #tpu.memory_space<vmem_shared>> -> memref<10240xf32, #tpu.memory_space<vmem_shared>>
    tpu.enqueue_indirect_dma source(%arg12 : memref<400xf32, #tpu.memory_space<vmem>>) target(%dma_start3A_205 : memref<10240xf32, #tpu.memory_space<vmem_shared>>) offsets(%dma_start3A_203 : memref<400xi32, #tpu.memory_space<vmem>>) semaphore(%arg30 : memref<!tpu.dma_semaphore, #tpu.memory_space<semaphore_mem>>) {add = true}
    %dma_wait3A_206 = arith.constant 3 : i32
    %dma_wait3A_207 = arith.constant 0 : i32
    %dma_wait3A_208 = tpu.memref_slice %arg11[%dma_wait3A_206, %dma_wait3A_207] : memref<25x400xi32, #tpu.memory_space<vmem>> -> memref<1x400xi32, #tpu.memory_space<vmem>>
    %dma_wait3A_209 = tpu.memref_squeeze %dma_wait3A_208 : memref<1x400xi32, #tpu.memory_space<vmem>> -> memref<400xi32, #tpu.memory_space<vmem>>
    %dma_wait3A_210 = arith.constant 0 : i32
    %dma_wait3A_211 = arith.constant 0 : i32
    %dma_wait3A_212 = tpu.memref_slice %arg13[%dma_wait3A_210, %dma_wait3A_211] : memref<10240x16xf32, #tpu.memory_space<vmem_shared>> -> memref<10240x16xf32, #tpu.memory_space<vmem_shared>>
    tpu.wait_indirect_dma semaphore(%arg28 : memref<!tpu.dma_semaphore, #tpu.memory_space<semaphore_mem>>) src(%arg18 : memref<400x16xf32, #tpu.memory_space<vmem>>) dst(%dma_wait3A_212 : memref<10240x16xf32, #tpu.memory_space<vmem_shared>>)
    %dma_start3A_213 = arith.constant 8 : i32
    %dma_start3A_214 = arith.constant 0 : i32
    %dma_start3A_215 = tpu.memref_slice %arg10[%dma_start3A_213, %dma_start3A_214] : memref<25x400xi32, #tpu.memory_space<vmem>> -> memref<1x400xi32, #tpu.memory_space<vmem>>
    %dma_start3A_216 = tpu.memref_squeeze %dma_start3A_215 : memref<1x400xi32, #tpu.memory_space<vmem>> -> memref<400xi32, #tpu.memory_space<vmem>>
    %dma_start3A_217 = arith.constant 0 : i32
    %dma_start3A_218 = arith.constant 0 : i32
    %dma_start3A_219 = tpu.memref_slice %arg2[%dma_start3A_217, %dma_start3A_218] : memref<10000x16xf32, #tpu.memory_space<hbm>> -> memref<10000x16xf32, #tpu.memory_space<hbm>>
    tpu.enqueue_indirect_dma source(%dma_start3A_219 : memref<10000x16xf32, #tpu.memory_space<hbm>>) target(%arg18 : memref<400x16xf32, #tpu.memory_space<vmem>>) offsets(%dma_start3A_216 : memref<400xi32, #tpu.memory_space<vmem>>) semaphore(%arg23 : memref<!tpu.dma_semaphore, #tpu.memory_space<semaphore_mem>>)
    %dma_wait3A_220 = arith.constant 4 : i32
    %dma_wait3A_221 = arith.constant 0 : i32
    %dma_wait3A_222 = tpu.memref_slice %arg10[%dma_wait3A_220, %dma_wait3A_221] : memref<25x400xi32, #tpu.memory_space<vmem>> -> memref<1x400xi32, #tpu.memory_space<vmem>>
    %dma_wait3A_223 = tpu.memref_squeeze %dma_wait3A_222 : memref<1x400xi32, #tpu.memory_space<vmem>> -> memref<400xi32, #tpu.memory_space<vmem>>
    %dma_wait3A_224 = arith.constant 0 : i32
    %dma_wait3A_225 = arith.constant 0 : i32
    %dma_wait3A_226 = tpu.memref_slice %arg2[%dma_wait3A_224, %dma_wait3A_225] : memref<10000x16xf32, #tpu.memory_space<hbm>> -> memref<10000x16xf32, #tpu.memory_space<hbm>>
    tpu.wait_indirect_dma semaphore(%arg24 : memref<!tpu.dma_semaphore, #tpu.memory_space<semaphore_mem>>) src(%dma_wait3A_226 : memref<10000x16xf32, #tpu.memory_space<hbm>>) dst(%arg19 : memref<400x16xf32, #tpu.memory_space<vmem>>)
    %dma_start3A_227 = arith.constant 4 : i32
    %dma_start3A_228 = arith.constant 0 : i32
    %dma_start3A_229 = tpu.memref_slice %arg11[%dma_start3A_227, %dma_start3A_228] : memref<25x400xi32, #tpu.memory_space<vmem>> -> memref<1x400xi32, #tpu.memory_space<vmem>>
    %dma_start3A_230 = tpu.memref_squeeze %dma_start3A_229 : memref<1x400xi32, #tpu.memory_space<vmem>> -> memref<400xi32, #tpu.memory_space<vmem>>
    %dma_start3A_231 = arith.constant 0 : i32
    %dma_start3A_232 = arith.constant 0 : i32
    %dma_start3A_233 = tpu.memref_slice %arg13[%dma_start3A_231, %dma_start3A_232] : memref<10240x16xf32, #tpu.memory_space<vmem_shared>> -> memref<10240x16xf32, #tpu.memory_space<vmem_shared>>
    tpu.enqueue_indirect_dma source(%arg19 : memref<400x16xf32, #tpu.memory_space<vmem>>) target(%dma_start3A_233 : memref<10240x16xf32, #tpu.memory_space<vmem_shared>>) offsets(%dma_start3A_230 : memref<400xi32, #tpu.memory_space<vmem>>) semaphore(%arg29 : memref<!tpu.dma_semaphore, #tpu.memory_space<semaphore_mem>>) {add = true}
    %dma_start3A_234 = arith.constant 4 : i32
    %dma_start3A_235 = arith.constant 0 : i32
    %dma_start3A_236 = tpu.memref_slice %arg11[%dma_start3A_234, %dma_start3A_235] : memref<25x400xi32, #tpu.memory_space<vmem>> -> memref<1x400xi32, #tpu.memory_space<vmem>>
    %dma_start3A_237 = tpu.memref_squeeze %dma_start3A_236 : memref<1x400xi32, #tpu.memory_space<vmem>> -> memref<400xi32, #tpu.memory_space<vmem>>
    %dma_start3A_238 = arith.constant 0 : i32
    %dma_start3A_239 = tpu.memref_slice %arg14[%dma_start3A_238] : memref<10240xf32, #tpu.memory_space<vmem_shared>> -> memref<10240xf32, #tpu.memory_space<vmem_shared>>
    tpu.enqueue_indirect_dma source(%arg12 : memref<400xf32, #tpu.memory_space<vmem>>) target(%dma_start3A_239 : memref<10240xf32, #tpu.memory_space<vmem_shared>>) offsets(%dma_start3A_237 : memref<400xi32, #tpu.memory_space<vmem>>) semaphore(%arg30 : memref<!tpu.dma_semaphore, #tpu.memory_space<semaphore_mem>>) {add = true}
    %dma_wait3A_240 = arith.constant 4 : i32
    %dma_wait3A_241 = arith.constant 0 : i32
    %dma_wait3A_242 = tpu.memref_slice %arg11[%dma_wait3A_240, %dma_wait3A_241] : memref<25x400xi32, #tpu.memory_space<vmem>> -> memref<1x400xi32, #tpu.memory_space<vmem>>
    %dma_wait3A_243 = tpu.memref_squeeze %dma_wait3A_242 : memref<1x400xi32, #tpu.memory_space<vmem>> -> memref<400xi32, #tpu.memory_space<vmem>>
    %dma_wait3A_244 = arith.constant 0 : i32
    %dma_wait3A_245 = arith.constant 0 : i32
    %dma_wait3A_246 = tpu.memref_slice %arg13[%dma_wait3A_244, %dma_wait3A_245] : memref<10240x16xf32, #tpu.memory_space<vmem_shared>> -> memref<10240x16xf32, #tpu.memory_space<vmem_shared>>
    tpu.wait_indirect_dma semaphore(%arg29 : memref<!tpu.dma_semaphore, #tpu.memory_space<semaphore_mem>>) src(%arg19 : memref<400x16xf32, #tpu.memory_space<vmem>>) dst(%dma_wait3A_246 : memref<10240x16xf32, #tpu.memory_space<vmem_shared>>)
    %dma_start3A_247 = arith.constant 9 : i32
    %dma_start3A_248 = arith.constant 0 : i32
    %dma_start3A_249 = tpu.memref_slice %arg10[%dma_start3A_247, %dma_start3A_248] : memref<25x400xi32, #tpu.memory_space<vmem>> -> memref<1x400xi32, #tpu.memory_space<vmem>>
    %dma_start3A_250 = tpu.memref_squeeze %dma_start3A_249 : memref<1x400xi32, #tpu.memory_space<vmem>> -> memref<400xi32, #tpu.memory_space<vmem>>
    %dma_start3A_251 = arith.constant 0 : i32
    %dma_start3A_252 = arith.constant 0 : i32
    %dma_start3A_253 = tpu.memref_slice %arg2[%dma_start3A_251, %dma_start3A_252] : memref<10000x16xf32, #tpu.memory_space<hbm>> -> memref<10000x16xf32, #tpu.memory_space<hbm>>
    tpu.enqueue_indirect_dma source(%dma_start3A_253 : memref<10000x16xf32, #tpu.memory_space<hbm>>) target(%arg19 : memref<400x16xf32, #tpu.memory_space<vmem>>) offsets(%dma_start3A_250 : memref<400xi32, #tpu.memory_space<vmem>>) semaphore(%arg24 : memref<!tpu.dma_semaphore, #tpu.memory_space<semaphore_mem>>)
    %dma_wait3A_254 = arith.constant 5 : i32
    %dma_wait3A_255 = arith.constant 0 : i32
    %dma_wait3A_256 = tpu.memref_slice %arg10[%dma_wait3A_254, %dma_wait3A_255] : memref<25x400xi32, #tpu.memory_space<vmem>> -> memref<1x400xi32, #tpu.memory_space<vmem>>
    %dma_wait3A_257 = tpu.memref_squeeze %dma_wait3A_256 : memref<1x400xi32, #tpu.memory_space<vmem>> -> memref<400xi32, #tpu.memory_space<vmem>>
    %dma_wait3A_258 = arith.constant 0 : i32
    %dma_wait3A_259 = arith.constant 0 : i32
    %dma_wait3A_260 = tpu.memref_slice %arg2[%dma_wait3A_258, %dma_wait3A_259] : memref<10000x16xf32, #tpu.memory_space<hbm>> -> memref<10000x16xf32, #tpu.memory_space<hbm>>
    tpu.wait_indirect_dma semaphore(%arg20 : memref<!tpu.dma_semaphore, #tpu.memory_space<semaphore_mem>>) src(%dma_wait3A_260 : memref<10000x16xf32, #tpu.memory_space<hbm>>) dst(%arg15 : memref<400x16xf32, #tpu.memory_space<vmem>>)
    %dma_start3A_261 = arith.constant 5 : i32
    %dma_start3A_262 = arith.constant 0 : i32
    %dma_start3A_263 = tpu.memref_slice %arg11[%dma_start3A_261, %dma_start3A_262] : memref<25x400xi32, #tpu.memory_space<vmem>> -> memref<1x400xi32, #tpu.memory_space<vmem>>
    %dma_start3A_264 = tpu.memref_squeeze %dma_start3A_263 : memref<1x400xi32, #tpu.memory_space<vmem>> -> memref<400xi32, #tpu.memory_space<vmem>>
    %dma_start3A_265 = arith.constant 0 : i32
    %dma_start3A_266 = arith.constant 0 : i32
    %dma_start3A_267 = tpu.memref_slice %arg13[%dma_start3A_265, %dma_start3A_266] : memref<10240x16xf32, #tpu.memory_space<vmem_shared>> -> memref<10240x16xf32, #tpu.memory_space<vmem_shared>>
    tpu.enqueue_indirect_dma source(%arg15 : memref<400x16xf32, #tpu.memory_space<vmem>>) target(%dma_start3A_267 : memref<10240x16xf32, #tpu.memory_space<vmem_shared>>) offsets(%dma_start3A_264 : memref<400xi32, #tpu.memory_space<vmem>>) semaphore(%arg25 : memref<!tpu.dma_semaphore, #tpu.memory_space<semaphore_mem>>) {add = true}
    %dma_start3A_268 = arith.constant 5 : i32
    %dma_start3A_269 = arith.constant 0 : i32
    %dma_start3A_270 = tpu.memref_slice %arg11[%dma_start3A_268, %dma_start3A_269] : memref<25x400xi32, #tpu.memory_space<vmem>> -> memref<1x400xi32, #tpu.memory_space<vmem>>
    %dma_start3A_271 = tpu.memref_squeeze %dma_start3A_270 : memref<1x400xi32, #tpu.memory_space<vmem>> -> memref<400xi32, #tpu.memory_space<vmem>>
    %dma_start3A_272 = arith.constant 0 : i32
    %dma_start3A_273 = tpu.memref_slice %arg14[%dma_start3A_272] : memref<10240xf32, #tpu.memory_space<vmem_shared>> -> memref<10240xf32, #tpu.memory_space<vmem_shared>>
    tpu.enqueue_indirect_dma source(%arg12 : memref<400xf32, #tpu.memory_space<vmem>>) target(%dma_start3A_273 : memref<10240xf32, #tpu.memory_space<vmem_shared>>) offsets(%dma_start3A_271 : memref<400xi32, #tpu.memory_space<vmem>>) semaphore(%arg30 : memref<!tpu.dma_semaphore, #tpu.memory_space<semaphore_mem>>) {add = true}
    %dma_wait3A_274 = arith.constant 5 : i32
    %dma_wait3A_275 = arith.constant 0 : i32
    %dma_wait3A_276 = tpu.memref_slice %arg11[%dma_wait3A_274, %dma_wait3A_275] : memref<25x400xi32, #tpu.memory_space<vmem>> -> memref<1x400xi32, #tpu.memory_space<vmem>>
    %dma_wait3A_277 = tpu.memref_squeeze %dma_wait3A_276 : memref<1x400xi32, #tpu.memory_space<vmem>> -> memref<400xi32, #tpu.memory_space<vmem>>
    %dma_wait3A_278 = arith.constant 0 : i32
    %dma_wait3A_279 = arith.constant 0 : i32
    %dma_wait3A_280 = tpu.memref_slice %arg13[%dma_wait3A_278, %dma_wait3A_279] : memref<10240x16xf32, #tpu.memory_space<vmem_shared>> -> memref<10240x16xf32, #tpu.memory_space<vmem_shared>>
    tpu.wait_indirect_dma semaphore(%arg25 : memref<!tpu.dma_semaphore, #tpu.memory_space<semaphore_mem>>) src(%arg15 : memref<400x16xf32, #tpu.memory_space<vmem>>) dst(%dma_wait3A_280 : memref<10240x16xf32, #tpu.memory_space<vmem_shared>>)
    %dma_start3A_281 = arith.constant 10 : i32
    %dma_start3A_282 = arith.constant 0 : i32
    %dma_start3A_283 = tpu.memref_slice %arg10[%dma_start3A_281, %dma_start3A_282] : memref<25x400xi32, #tpu.memory_space<vmem>> -> memref<1x400xi32, #tpu.memory_space<vmem>>
    %dma_start3A_284 = tpu.memref_squeeze %dma_start3A_283 : memref<1x400xi32, #tpu.memory_space<vmem>> -> memref<400xi32, #tpu.memory_space<vmem>>
    %dma_start3A_285 = arith.constant 0 : i32
    %dma_start3A_286 = arith.constant 0 : i32
    %dma_start3A_287 = tpu.memref_slice %arg2[%dma_start3A_285, %dma_start3A_286] : memref<10000x16xf32, #tpu.memory_space<hbm>> -> memref<10000x16xf32, #tpu.memory_space<hbm>>
    tpu.enqueue_indirect_dma source(%dma_start3A_287 : memref<10000x16xf32, #tpu.memory_space<hbm>>) target(%arg15 : memref<400x16xf32, #tpu.memory_space<vmem>>) offsets(%dma_start3A_284 : memref<400xi32, #tpu.memory_space<vmem>>) semaphore(%arg20 : memref<!tpu.dma_semaphore, #tpu.memory_space<semaphore_mem>>)
    %dma_wait3A_288 = arith.constant 6 : i32
    %dma_wait3A_289 = arith.constant 0 : i32
    %dma_wait3A_290 = tpu.memref_slice %arg10[%dma_wait3A_288, %dma_wait3A_289] : memref<25x400xi32, #tpu.memory_space<vmem>> -> memref<1x400xi32, #tpu.memory_space<vmem>>
    %dma_wait3A_291 = tpu.memref_squeeze %dma_wait3A_290 : memref<1x400xi32, #tpu.memory_space<vmem>> -> memref<400xi32, #tpu.memory_space<vmem>>
    %dma_wait3A_292 = arith.constant 0 : i32
    %dma_wait3A_293 = arith.constant 0 : i32
    %dma_wait3A_294 = tpu.memref_slice %arg2[%dma_wait3A_292, %dma_wait3A_293] : memref<10000x16xf32, #tpu.memory_space<hbm>> -> memref<10000x16xf32, #tpu.memory_space<hbm>>
    tpu.wait_indirect_dma semaphore(%arg21 : memref<!tpu.dma_semaphore, #tpu.memory_space<semaphore_mem>>) src(%dma_wait3A_294 : memref<10000x16xf32, #tpu.memory_space<hbm>>) dst(%arg16 : memref<400x16xf32, #tpu.memory_space<vmem>>)
    %dma_start3A_295 = arith.constant 6 : i32
    %dma_start3A_296 = arith.constant 0 : i32
    %dma_start3A_297 = tpu.memref_slice %arg11[%dma_start3A_295, %dma_start3A_296] : memref<25x400xi32, #tpu.memory_space<vmem>> -> memref<1x400xi32, #tpu.memory_space<vmem>>
    %dma_start3A_298 = tpu.memref_squeeze %dma_start3A_297 : memref<1x400xi32, #tpu.memory_space<vmem>> -> memref<400xi32, #tpu.memory_space<vmem>>
    %dma_start3A_299 = arith.constant 0 : i32
    %dma_start3A_300 = arith.constant 0 : i32
    %dma_start3A_301 = tpu.memref_slice %arg13[%dma_start3A_299, %dma_start3A_300] : memref<10240x16xf32, #tpu.memory_space<vmem_shared>> -> memref<10240x16xf32, #tpu.memory_space<vmem_shared>>
    tpu.enqueue_indirect_dma source(%arg16 : memref<400x16xf32, #tpu.memory_space<vmem>>) target(%dma_start3A_301 : memref<10240x16xf32, #tpu.memory_space<vmem_shared>>) offsets(%dma_start3A_298 : memref<400xi32, #tpu.memory_space<vmem>>) semaphore(%arg26 : memref<!tpu.dma_semaphore, #tpu.memory_space<semaphore_mem>>) {add = true}
    %dma_start3A_302 = arith.constant 6 : i32
    %dma_start3A_303 = arith.constant 0 : i32
    %dma_start3A_304 = tpu.memref_slice %arg11[%dma_start3A_302, %dma_start3A_303] : memref<25x400xi32, #tpu.memory_space<vmem>> -> memref<1x400xi32, #tpu.memory_space<vmem>>
    %dma_start3A_305 = tpu.memref_squeeze %dma_start3A_304 : memref<1x400xi32, #tpu.memory_space<vmem>> -> memref<400xi32, #tpu.memory_space<vmem>>
    %dma_start3A_306 = arith.constant 0 : i32
    %dma_start3A_307 = tpu.memref_slice %arg14[%dma_start3A_306] : memref<10240xf32, #tpu.memory_space<vmem_shared>> -> memref<10240xf32, #tpu.memory_space<vmem_shared>>
    tpu.enqueue_indirect_dma source(%arg12 : memref<400xf32, #tpu.memory_space<vmem>>) target(%dma_start3A_307 : memref<10240xf32, #tpu.memory_space<vmem_shared>>) offsets(%dma_start3A_305 : memref<400xi32, #tpu.memory_space<vmem>>) semaphore(%arg30 : memref<!tpu.dma_semaphore, #tpu.memory_space<semaphore_mem>>) {add = true}
    %dma_wait3A_308 = arith.constant 6 : i32
    %dma_wait3A_309 = arith.constant 0 : i32
    %dma_wait3A_310 = tpu.memref_slice %arg11[%dma_wait3A_308, %dma_wait3A_309] : memref<25x400xi32, #tpu.memory_space<vmem>> -> memref<1x400xi32, #tpu.memory_space<vmem>>
    %dma_wait3A_311 = tpu.memref_squeeze %dma_wait3A_310 : memref<1x400xi32, #tpu.memory_space<vmem>> -> memref<400xi32, #tpu.memory_space<vmem>>
    %dma_wait3A_312 = arith.constant 0 : i32
    %dma_wait3A_313 = arith.constant 0 : i32
    %dma_wait3A_314 = tpu.memref_slice %arg13[%dma_wait3A_312, %dma_wait3A_313] : memref<10240x16xf32, #tpu.memory_space<vmem_shared>> -> memref<10240x16xf32, #tpu.memory_space<vmem_shared>>
    tpu.wait_indirect_dma semaphore(%arg26 : memref<!tpu.dma_semaphore, #tpu.memory_space<semaphore_mem>>) src(%arg16 : memref<400x16xf32, #tpu.memory_space<vmem>>) dst(%dma_wait3A_314 : memref<10240x16xf32, #tpu.memory_space<vmem_shared>>)
    %dma_start3A_315 = arith.constant 11 : i32
    %dma_start3A_316 = arith.constant 0 : i32
    %dma_start3A_317 = tpu.memref_slice %arg10[%dma_start3A_315, %dma_start3A_316] : memref<25x400xi32, #tpu.memory_space<vmem>> -> memref<1x400xi32, #tpu.memory_space<vmem>>
    %dma_start3A_318 = tpu.memref_squeeze %dma_start3A_317 : memref<1x400xi32, #tpu.memory_space<vmem>> -> memref<400xi32, #tpu.memory_space<vmem>>
    %dma_start3A_319 = arith.constant 0 : i32
    %dma_start3A_320 = arith.constant 0 : i32
    %dma_start3A_321 = tpu.memref_slice %arg2[%dma_start3A_319, %dma_start3A_320] : memref<10000x16xf32, #tpu.memory_space<hbm>> -> memref<10000x16xf32, #tpu.memory_space<hbm>>
    tpu.enqueue_indirect_dma source(%dma_start3A_321 : memref<10000x16xf32, #tpu.memory_space<hbm>>) target(%arg16 : memref<400x16xf32, #tpu.memory_space<vmem>>) offsets(%dma_start3A_318 : memref<400xi32, #tpu.memory_space<vmem>>) semaphore(%arg21 : memref<!tpu.dma_semaphore, #tpu.memory_space<semaphore_mem>>)
    %dma_wait3A_322 = arith.constant 7 : i32
    %dma_wait3A_323 = arith.constant 0 : i32
    %dma_wait3A_324 = tpu.memref_slice %arg10[%dma_wait3A_322, %dma_wait3A_323] : memref<25x400xi32, #tpu.memory_space<vmem>> -> memref<1x400xi32, #tpu.memory_space<vmem>>
    %dma_wait3A_325 = tpu.memref_squeeze %dma_wait3A_324 : memref<1x400xi32, #tpu.memory_space<vmem>> -> memref<400xi32, #tpu.memory_space<vmem>>
    %dma_wait3A_326 = arith.constant 0 : i32
    %dma_wait3A_327 = arith.constant 0 : i32
    %dma_wait3A_328 = tpu.memref_slice %arg2[%dma_wait3A_326, %dma_wait3A_327] : memref<10000x16xf32, #tpu.memory_space<hbm>> -> memref<10000x16xf32, #tpu.memory_space<hbm>>
    tpu.wait_indirect_dma semaphore(%arg22 : memref<!tpu.dma_semaphore, #tpu.memory_space<semaphore_mem>>) src(%dma_wait3A_328 : memref<10000x16xf32, #tpu.memory_space<hbm>>) dst(%arg17 : memref<400x16xf32, #tpu.memory_space<vmem>>)
    %dma_start3A_329 = arith.constant 7 : i32
    %dma_start3A_330 = arith.constant 0 : i32
    %dma_start3A_331 = tpu.memref_slice %arg11[%dma_start3A_329, %dma_start3A_330] : memref<25x400xi32, #tpu.memory_space<vmem>> -> memref<1x400xi32, #tpu.memory_space<vmem>>
    %dma_start3A_332 = tpu.memref_squeeze %dma_start3A_331 : memref<1x400xi32, #tpu.memory_space<vmem>> -> memref<400xi32, #tpu.memory_space<vmem>>
    %dma_start3A_333 = arith.constant 0 : i32
    %dma_start3A_334 = arith.constant 0 : i32
    %dma_start3A_335 = tpu.memref_slice %arg13[%dma_start3A_333, %dma_start3A_334] : memref<10240x16xf32, #tpu.memory_space<vmem_shared>> -> memref<10240x16xf32, #tpu.memory_space<vmem_shared>>
    tpu.enqueue_indirect_dma source(%arg17 : memref<400x16xf32, #tpu.memory_space<vmem>>) target(%dma_start3A_335 : memref<10240x16xf32, #tpu.memory_space<vmem_shared>>) offsets(%dma_start3A_332 : memref<400xi32, #tpu.memory_space<vmem>>) semaphore(%arg27 : memref<!tpu.dma_semaphore, #tpu.memory_space<semaphore_mem>>) {add = true}
    %dma_start3A_336 = arith.constant 7 : i32
    %dma_start3A_337 = arith.constant 0 : i32
    %dma_start3A_338 = tpu.memref_slice %arg11[%dma_start3A_336, %dma_start3A_337] : memref<25x400xi32, #tpu.memory_space<vmem>> -> memref<1x400xi32, #tpu.memory_space<vmem>>
    %dma_start3A_339 = tpu.memref_squeeze %dma_start3A_338 : memref<1x400xi32, #tpu.memory_space<vmem>> -> memref<400xi32, #tpu.memory_space<vmem>>
    %dma_start3A_340 = arith.constant 0 : i32
    %dma_start3A_341 = tpu.memref_slice %arg14[%dma_start3A_340] : memref<10240xf32, #tpu.memory_space<vmem_shared>> -> memref<10240xf32, #tpu.memory_space<vmem_shared>>
    tpu.enqueue_indirect_dma source(%arg12 : memref<400xf32, #tpu.memory_space<vmem>>) target(%dma_start3A_341 : memref<10240xf32, #tpu.memory_space<vmem_shared>>) offsets(%dma_start3A_339 : memref<400xi32, #tpu.memory_space<vmem>>) semaphore(%arg30 : memref<!tpu.dma_semaphore, #tpu.memory_space<semaphore_mem>>) {add = true}
    %dma_wait3A_342 = arith.constant 7 : i32
    %dma_wait3A_343 = arith.constant 0 : i32
    %dma_wait3A_344 = tpu.memref_slice %arg11[%dma_wait3A_342, %dma_wait3A_343] : memref<25x400xi32, #tpu.memory_space<vmem>> -> memref<1x400xi32, #tpu.memory_space<vmem>>
    %dma_wait3A_345 = tpu.memref_squeeze %dma_wait3A_344 : memref<1x400xi32, #tpu.memory_space<vmem>> -> memref<400xi32, #tpu.memory_space<vmem>>
    %dma_wait3A_346 = arith.constant 0 : i32
    %dma_wait3A_347 = arith.constant 0 : i32
    %dma_wait3A_348 = tpu.memref_slice %arg13[%dma_wait3A_346, %dma_wait3A_347] : memref<10240x16xf32, #tpu.memory_space<vmem_shared>> -> memref<10240x16xf32, #tpu.memory_space<vmem_shared>>
    tpu.wait_indirect_dma semaphore(%arg27 : memref<!tpu.dma_semaphore, #tpu.memory_space<semaphore_mem>>) src(%arg17 : memref<400x16xf32, #tpu.memory_space<vmem>>) dst(%dma_wait3A_348 : memref<10240x16xf32, #tpu.memory_space<vmem_shared>>)
    %dma_start3A_349 = arith.constant 12 : i32
    %dma_start3A_350 = arith.constant 0 : i32
    %dma_start3A_351 = tpu.memref_slice %arg10[%dma_start3A_349, %dma_start3A_350] : memref<25x400xi32, #tpu.memory_space<vmem>> -> memref<1x400xi32, #tpu.memory_space<vmem>>
    %dma_start3A_352 = tpu.memref_squeeze %dma_start3A_351 : memref<1x400xi32, #tpu.memory_space<vmem>> -> memref<400xi32, #tpu.memory_space<vmem>>
    %dma_start3A_353 = arith.constant 0 : i32
    %dma_start3A_354 = arith.constant 0 : i32
    %dma_start3A_355 = tpu.memref_slice %arg2[%dma_start3A_353, %dma_start3A_354] : memref<10000x16xf32, #tpu.memory_space<hbm>> -> memref<10000x16xf32, #tpu.memory_space<hbm>>
    tpu.enqueue_indirect_dma source(%dma_start3A_355 : memref<10000x16xf32, #tpu.memory_space<hbm>>) target(%arg17 : memref<400x16xf32, #tpu.memory_space<vmem>>) offsets(%dma_start3A_352 : memref<400xi32, #tpu.memory_space<vmem>>) semaphore(%arg22 : memref<!tpu.dma_semaphore, #tpu.memory_space<semaphore_mem>>)
    %dma_wait3A_356 = arith.constant 8 : i32
    %dma_wait3A_357 = arith.constant 0 : i32
    %dma_wait3A_358 = tpu.memref_slice %arg10[%dma_wait3A_356, %dma_wait3A_357] : memref<25x400xi32, #tpu.memory_space<vmem>> -> memref<1x400xi32, #tpu.memory_space<vmem>>
    %dma_wait3A_359 = tpu.memref_squeeze %dma_wait3A_358 : memref<1x400xi32, #tpu.memory_space<vmem>> -> memref<400xi32, #tpu.memory_space<vmem>>
    %dma_wait3A_360 = arith.constant 0 : i32
    %dma_wait3A_361 = arith.constant 0 : i32
    %dma_wait3A_362 = tpu.memref_slice %arg2[%dma_wait3A_360, %dma_wait3A_361] : memref<10000x16xf32, #tpu.memory_space<hbm>> -> memref<10000x16xf32, #tpu.memory_space<hbm>>
    tpu.wait_indirect_dma semaphore(%arg23 : memref<!tpu.dma_semaphore, #tpu.memory_space<semaphore_mem>>) src(%dma_wait3A_362 : memref<10000x16xf32, #tpu.memory_space<hbm>>) dst(%arg18 : memref<400x16xf32, #tpu.memory_space<vmem>>)
    %dma_start3A_363 = arith.constant 8 : i32
    %dma_start3A_364 = arith.constant 0 : i32
    %dma_start3A_365 = tpu.memref_slice %arg11[%dma_start3A_363, %dma_start3A_364] : memref<25x400xi32, #tpu.memory_space<vmem>> -> memref<1x400xi32, #tpu.memory_space<vmem>>
    %dma_start3A_366 = tpu.memref_squeeze %dma_start3A_365 : memref<1x400xi32, #tpu.memory_space<vmem>> -> memref<400xi32, #tpu.memory_space<vmem>>
    %dma_start3A_367 = arith.constant 0 : i32
    %dma_start3A_368 = arith.constant 0 : i32
    %dma_start3A_369 = tpu.memref_slice %arg13[%dma_start3A_367, %dma_start3A_368] : memref<10240x16xf32, #tpu.memory_space<vmem_shared>> -> memref<10240x16xf32, #tpu.memory_space<vmem_shared>>
    tpu.enqueue_indirect_dma source(%arg18 : memref<400x16xf32, #tpu.memory_space<vmem>>) target(%dma_start3A_369 : memref<10240x16xf32, #tpu.memory_space<vmem_shared>>) offsets(%dma_start3A_366 : memref<400xi32, #tpu.memory_space<vmem>>) semaphore(%arg28 : memref<!tpu.dma_semaphore, #tpu.memory_space<semaphore_mem>>) {add = true}
    %dma_start3A_370 = arith.constant 8 : i32
    %dma_start3A_371 = arith.constant 0 : i32
    %dma_start3A_372 = tpu.memref_slice %arg11[%dma_start3A_370, %dma_start3A_371] : memref<25x400xi32, #tpu.memory_space<vmem>> -> memref<1x400xi32, #tpu.memory_space<vmem>>
    %dma_start3A_373 = tpu.memref_squeeze %dma_start3A_372 : memref<1x400xi32, #tpu.memory_space<vmem>> -> memref<400xi32, #tpu.memory_space<vmem>>
    %dma_start3A_374 = arith.constant 0 : i32
    %dma_start3A_375 = tpu.memref_slice %arg14[%dma_start3A_374] : memref<10240xf32, #tpu.memory_space<vmem_shared>> -> memref<10240xf32, #tpu.memory_space<vmem_shared>>
    tpu.enqueue_indirect_dma source(%arg12 : memref<400xf32, #tpu.memory_space<vmem>>) target(%dma_start3A_375 : memref<10240xf32, #tpu.memory_space<vmem_shared>>) offsets(%dma_start3A_373 : memref<400xi32, #tpu.memory_space<vmem>>) semaphore(%arg30 : memref<!tpu.dma_semaphore, #tpu.memory_space<semaphore_mem>>) {add = true}
    %dma_wait3A_376 = arith.constant 8 : i32
    %dma_wait3A_377 = arith.constant 0 : i32
    %dma_wait3A_378 = tpu.memref_slice %arg11[%dma_wait3A_376, %dma_wait3A_377] : memref<25x400xi32, #tpu.memory_space<vmem>> -> memref<1x400xi32, #tpu.memory_space<vmem>>
    %dma_wait3A_379 = tpu.memref_squeeze %dma_wait3A_378 : memref<1x400xi32, #tpu.memory_space<vmem>> -> memref<400xi32, #tpu.memory_space<vmem>>
    %dma_wait3A_380 = arith.constant 0 : i32
    %dma_wait3A_381 = arith.constant 0 : i32
    %dma_wait3A_382 = tpu.memref_slice %arg13[%dma_wait3A_380, %dma_wait3A_381] : memref<10240x16xf32, #tpu.memory_space<vmem_shared>> -> memref<10240x16xf32, #tpu.memory_space<vmem_shared>>
    tpu.wait_indirect_dma semaphore(%arg28 : memref<!tpu.dma_semaphore, #tpu.memory_space<semaphore_mem>>) src(%arg18 : memref<400x16xf32, #tpu.memory_space<vmem>>) dst(%dma_wait3A_382 : memref<10240x16xf32, #tpu.memory_space<vmem_shared>>)
    %dma_start3A_383 = arith.constant 13 : i32
    %dma_start3A_384 = arith.constant 0 : i32
    %dma_start3A_385 = tpu.memref_slice %arg10[%dma_start3A_383, %dma_start3A_384] : memref<25x400xi32, #tpu.memory_space<vmem>> -> memref<1x400xi32, #tpu.memory_space<vmem>>
    %dma_start3A_386 = tpu.memref_squeeze %dma_start3A_385 : memref<1x400xi32, #tpu.memory_space<vmem>> -> memref<400xi32, #tpu.memory_space<vmem>>
    %dma_start3A_387 = arith.constant 0 : i32
    %dma_start3A_388 = arith.constant 0 : i32
    %dma_start3A_389 = tpu.memref_slice %arg2[%dma_start3A_387, %dma_start3A_388] : memref<10000x16xf32, #tpu.memory_space<hbm>> -> memref<10000x16xf32, #tpu.memory_space<hbm>>
    tpu.enqueue_indirect_dma source(%dma_start3A_389 : memref<10000x16xf32, #tpu.memory_space<hbm>>) target(%arg18 : memref<400x16xf32, #tpu.memory_space<vmem>>) offsets(%dma_start3A_386 : memref<400xi32, #tpu.memory_space<vmem>>) semaphore(%arg23 : memref<!tpu.dma_semaphore, #tpu.memory_space<semaphore_mem>>)
    %dma_wait3A_390 = arith.constant 9 : i32
    %dma_wait3A_391 = arith.constant 0 : i32
    %dma_wait3A_392 = tpu.memref_slice %arg10[%dma_wait3A_390, %dma_wait3A_391] : memref<25x400xi32, #tpu.memory_space<vmem>> -> memref<1x400xi32, #tpu.memory_space<vmem>>
    %dma_wait3A_393 = tpu.memref_squeeze %dma_wait3A_392 : memref<1x400xi32, #tpu.memory_space<vmem>> -> memref<400xi32, #tpu.memory_space<vmem>>
    %dma_wait3A_394 = arith.constant 0 : i32
    %dma_wait3A_395 = arith.constant 0 : i32
    %dma_wait3A_396 = tpu.memref_slice %arg2[%dma_wait3A_394, %dma_wait3A_395] : memref<10000x16xf32, #tpu.memory_space<hbm>> -> memref<10000x16xf32, #tpu.memory_space<hbm>>
    tpu.wait_indirect_dma semaphore(%arg24 : memref<!tpu.dma_semaphore, #tpu.memory_space<semaphore_mem>>) src(%dma_wait3A_396 : memref<10000x16xf32, #tpu.memory_space<hbm>>) dst(%arg19 : memref<400x16xf32, #tpu.memory_space<vmem>>)
    %dma_start3A_397 = arith.constant 9 : i32
    %dma_start3A_398 = arith.constant 0 : i32
    %dma_start3A_399 = tpu.memref_slice %arg11[%dma_start3A_397, %dma_start3A_398] : memref<25x400xi32, #tpu.memory_space<vmem>> -> memref<1x400xi32, #tpu.memory_space<vmem>>
    %dma_start3A_400 = tpu.memref_squeeze %dma_start3A_399 : memref<1x400xi32, #tpu.memory_space<vmem>> -> memref<400xi32, #tpu.memory_space<vmem>>
    %dma_start3A_401 = arith.constant 0 : i32
    %dma_start3A_402 = arith.constant 0 : i32
    %dma_start3A_403 = tpu.memref_slice %arg13[%dma_start3A_401, %dma_start3A_402] : memref<10240x16xf32, #tpu.memory_space<vmem_shared>> -> memref<10240x16xf32, #tpu.memory_space<vmem_shared>>
    tpu.enqueue_indirect_dma source(%arg19 : memref<400x16xf32, #tpu.memory_space<vmem>>) target(%dma_start3A_403 : memref<10240x16xf32, #tpu.memory_space<vmem_shared>>) offsets(%dma_start3A_400 : memref<400xi32, #tpu.memory_space<vmem>>) semaphore(%arg29 : memref<!tpu.dma_semaphore, #tpu.memory_space<semaphore_mem>>) {add = true}
    %dma_start3A_404 = arith.constant 9 : i32
    %dma_start3A_405 = arith.constant 0 : i32
    %dma_start3A_406 = tpu.memref_slice %arg11[%dma_start3A_404, %dma_start3A_405] : memref<25x400xi32, #tpu.memory_space<vmem>> -> memref<1x400xi32, #tpu.memory_space<vmem>>
    %dma_start3A_407 = tpu.memref_squeeze %dma_start3A_406 : memref<1x400xi32, #tpu.memory_space<vmem>> -> memref<400xi32, #tpu.memory_space<vmem>>
    %dma_start3A_408 = arith.constant 0 : i32
    %dma_start3A_409 = tpu.memref_slice %arg14[%dma_start3A_408] : memref<10240xf32, #tpu.memory_space<vmem_shared>> -> memref<10240xf32, #tpu.memory_space<vmem_shared>>
    tpu.enqueue_indirect_dma source(%arg12 : memref<400xf32, #tpu.memory_space<vmem>>) target(%dma_start3A_409 : memref<10240xf32, #tpu.memory_space<vmem_shared>>) offsets(%dma_start3A_407 : memref<400xi32, #tpu.memory_space<vmem>>) semaphore(%arg30 : memref<!tpu.dma_semaphore, #tpu.memory_space<semaphore_mem>>) {add = true}
    %dma_wait3A_410 = arith.constant 9 : i32
    %dma_wait3A_411 = arith.constant 0 : i32
    %dma_wait3A_412 = tpu.memref_slice %arg11[%dma_wait3A_410, %dma_wait3A_411] : memref<25x400xi32, #tpu.memory_space<vmem>> -> memref<1x400xi32, #tpu.memory_space<vmem>>
    %dma_wait3A_413 = tpu.memref_squeeze %dma_wait3A_412 : memref<1x400xi32, #tpu.memory_space<vmem>> -> memref<400xi32, #tpu.memory_space<vmem>>
    %dma_wait3A_414 = arith.constant 0 : i32
    %dma_wait3A_415 = arith.constant 0 : i32
    %dma_wait3A_416 = tpu.memref_slice %arg13[%dma_wait3A_414, %dma_wait3A_415] : memref<10240x16xf32, #tpu.memory_space<vmem_shared>> -> memref<10240x16xf32, #tpu.memory_space<vmem_shared>>
    tpu.wait_indirect_dma semaphore(%arg29 : memref<!tpu.dma_semaphore, #tpu.memory_space<semaphore_mem>>) src(%arg19 : memref<400x16xf32, #tpu.memory_space<vmem>>) dst(%dma_wait3A_416 : memref<10240x16xf32, #tpu.memory_space<vmem_shared>>)
    %dma_start3A_417 = arith.constant 14 : i32
    %dma_start3A_418 = arith.constant 0 : i32
    %dma_start3A_419 = tpu.memref_slice %arg10[%dma_start3A_417, %dma_start3A_418] : memref<25x400xi32, #tpu.memory_space<vmem>> -> memref<1x400xi32, #tpu.memory_space<vmem>>
    %dma_start3A_420 = tpu.memref_squeeze %dma_start3A_419 : memref<1x400xi32, #tpu.memory_space<vmem>> -> memref<400xi32, #tpu.memory_space<vmem>>
    %dma_start3A_421 = arith.constant 0 : i32
    %dma_start3A_422 = arith.constant 0 : i32
    %dma_start3A_423 = tpu.memref_slice %arg2[%dma_start3A_421, %dma_start3A_422] : memref<10000x16xf32, #tpu.memory_space<hbm>> -> memref<10000x16xf32, #tpu.memory_space<hbm>>
    tpu.enqueue_indirect_dma source(%dma_start3A_423 : memref<10000x16xf32, #tpu.memory_space<hbm>>) target(%arg19 : memref<400x16xf32, #tpu.memory_space<vmem>>) offsets(%dma_start3A_420 : memref<400xi32, #tpu.memory_space<vmem>>) semaphore(%arg24 : memref<!tpu.dma_semaphore, #tpu.memory_space<semaphore_mem>>)
    %dma_wait3A_424 = arith.constant 10 : i32
    %dma_wait3A_425 = arith.constant 0 : i32
    %dma_wait3A_426 = tpu.memref_slice %arg10[%dma_wait3A_424, %dma_wait3A_425] : memref<25x400xi32, #tpu.memory_space<vmem>> -> memref<1x400xi32, #tpu.memory_space<vmem>>
    %dma_wait3A_427 = tpu.memref_squeeze %dma_wait3A_426 : memref<1x400xi32, #tpu.memory_space<vmem>> -> memref<400xi32, #tpu.memory_space<vmem>>
    %dma_wait3A_428 = arith.constant 0 : i32
    %dma_wait3A_429 = arith.constant 0 : i32
    %dma_wait3A_430 = tpu.memref_slice %arg2[%dma_wait3A_428, %dma_wait3A_429] : memref<10000x16xf32, #tpu.memory_space<hbm>> -> memref<10000x16xf32, #tpu.memory_space<hbm>>
    tpu.wait_indirect_dma semaphore(%arg20 : memref<!tpu.dma_semaphore, #tpu.memory_space<semaphore_mem>>) src(%dma_wait3A_430 : memref<10000x16xf32, #tpu.memory_space<hbm>>) dst(%arg15 : memref<400x16xf32, #tpu.memory_space<vmem>>)
    %dma_start3A_431 = arith.constant 10 : i32
    %dma_start3A_432 = arith.constant 0 : i32
    %dma_start3A_433 = tpu.memref_slice %arg11[%dma_start3A_431, %dma_start3A_432] : memref<25x400xi32, #tpu.memory_space<vmem>> -> memref<1x400xi32, #tpu.memory_space<vmem>>
    %dma_start3A_434 = tpu.memref_squeeze %dma_start3A_433 : memref<1x400xi32, #tpu.memory_space<vmem>> -> memref<400xi32, #tpu.memory_space<vmem>>
    %dma_start3A_435 = arith.constant 0 : i32
    %dma_start3A_436 = arith.constant 0 : i32
    %dma_start3A_437 = tpu.memref_slice %arg13[%dma_start3A_435, %dma_start3A_436] : memref<10240x16xf32, #tpu.memory_space<vmem_shared>> -> memref<10240x16xf32, #tpu.memory_space<vmem_shared>>
    tpu.enqueue_indirect_dma source(%arg15 : memref<400x16xf32, #tpu.memory_space<vmem>>) target(%dma_start3A_437 : memref<10240x16xf32, #tpu.memory_space<vmem_shared>>) offsets(%dma_start3A_434 : memref<400xi32, #tpu.memory_space<vmem>>) semaphore(%arg25 : memref<!tpu.dma_semaphore, #tpu.memory_space<semaphore_mem>>) {add = true}
    %dma_start3A_438 = arith.constant 10 : i32
    %dma_start3A_439 = arith.constant 0 : i32
    %dma_start3A_440 = tpu.memref_slice %arg11[%dma_start3A_438, %dma_start3A_439] : memref<25x400xi32, #tpu.memory_space<vmem>> -> memref<1x400xi32, #tpu.memory_space<vmem>>
    %dma_start3A_441 = tpu.memref_squeeze %dma_start3A_440 : memref<1x400xi32, #tpu.memory_space<vmem>> -> memref<400xi32, #tpu.memory_space<vmem>>
    %dma_start3A_442 = arith.constant 0 : i32
    %dma_start3A_443 = tpu.memref_slice %arg14[%dma_start3A_442] : memref<10240xf32, #tpu.memory_space<vmem_shared>> -> memref<10240xf32, #tpu.memory_space<vmem_shared>>
    tpu.enqueue_indirect_dma source(%arg12 : memref<400xf32, #tpu.memory_space<vmem>>) target(%dma_start3A_443 : memref<10240xf32, #tpu.memory_space<vmem_shared>>) offsets(%dma_start3A_441 : memref<400xi32, #tpu.memory_space<vmem>>) semaphore(%arg30 : memref<!tpu.dma_semaphore, #tpu.memory_space<semaphore_mem>>) {add = true}
    %dma_wait3A_444 = arith.constant 10 : i32
    %dma_wait3A_445 = arith.constant 0 : i32
    %dma_wait3A_446 = tpu.memref_slice %arg11[%dma_wait3A_444, %dma_wait3A_445] : memref<25x400xi32, #tpu.memory_space<vmem>> -> memref<1x400xi32, #tpu.memory_space<vmem>>
    %dma_wait3A_447 = tpu.memref_squeeze %dma_wait3A_446 : memref<1x400xi32, #tpu.memory_space<vmem>> -> memref<400xi32, #tpu.memory_space<vmem>>
    %dma_wait3A_448 = arith.constant 0 : i32
    %dma_wait3A_449 = arith.constant 0 : i32
    %dma_wait3A_450 = tpu.memref_slice %arg13[%dma_wait3A_448, %dma_wait3A_449] : memref<10240x16xf32, #tpu.memory_space<vmem_shared>> -> memref<10240x16xf32, #tpu.memory_space<vmem_shared>>
    tpu.wait_indirect_dma semaphore(%arg25 : memref<!tpu.dma_semaphore, #tpu.memory_space<semaphore_mem>>) src(%arg15 : memref<400x16xf32, #tpu.memory_space<vmem>>) dst(%dma_wait3A_450 : memref<10240x16xf32, #tpu.memory_space<vmem_shared>>)
    %dma_start3A_451 = arith.constant 15 : i32
    %dma_start3A_452 = arith.constant 0 : i32
    %dma_start3A_453 = tpu.memref_slice %arg10[%dma_start3A_451, %dma_start3A_452] : memref<25x400xi32, #tpu.memory_space<vmem>> -> memref<1x400xi32, #tpu.memory_space<vmem>>
    %dma_start3A_454 = tpu.memref_squeeze %dma_start3A_453 : memref<1x400xi32, #tpu.memory_space<vmem>> -> memref<400xi32, #tpu.memory_space<vmem>>
    %dma_start3A_455 = arith.constant 0 : i32
    %dma_start3A_456 = arith.constant 0 : i32
    %dma_start3A_457 = tpu.memref_slice %arg2[%dma_start3A_455, %dma_start3A_456] : memref<10000x16xf32, #tpu.memory_space<hbm>> -> memref<10000x16xf32, #tpu.memory_space<hbm>>
    tpu.enqueue_indirect_dma source(%dma_start3A_457 : memref<10000x16xf32, #tpu.memory_space<hbm>>) target(%arg15 : memref<400x16xf32, #tpu.memory_space<vmem>>) offsets(%dma_start3A_454 : memref<400xi32, #tpu.memory_space<vmem>>) semaphore(%arg20 : memref<!tpu.dma_semaphore, #tpu.memory_space<semaphore_mem>>)
    %dma_wait3A_458 = arith.constant 11 : i32
    %dma_wait3A_459 = arith.constant 0 : i32
    %dma_wait3A_460 = tpu.memref_slice %arg10[%dma_wait3A_458, %dma_wait3A_459] : memref<25x400xi32, #tpu.memory_space<vmem>> -> memref<1x400xi32, #tpu.memory_space<vmem>>
    %dma_wait3A_461 = tpu.memref_squeeze %dma_wait3A_460 : memref<1x400xi32, #tpu.memory_space<vmem>> -> memref<400xi32, #tpu.memory_space<vmem>>
    %dma_wait3A_462 = arith.constant 0 : i32
    %dma_wait3A_463 = arith.constant 0 : i32
    %dma_wait3A_464 = tpu.memref_slice %arg2[%dma_wait3A_462, %dma_wait3A_463] : memref<10000x16xf32, #tpu.memory_space<hbm>> -> memref<10000x16xf32, #tpu.memory_space<hbm>>
    tpu.wait_indirect_dma semaphore(%arg21 : memref<!tpu.dma_semaphore, #tpu.memory_space<semaphore_mem>>) src(%dma_wait3A_464 : memref<10000x16xf32, #tpu.memory_space<hbm>>) dst(%arg16 : memref<400x16xf32, #tpu.memory_space<vmem>>)
    %dma_start3A_465 = arith.constant 11 : i32
    %dma_start3A_466 = arith.constant 0 : i32
    %dma_start3A_467 = tpu.memref_slice %arg11[%dma_start3A_465, %dma_start3A_466] : memref<25x400xi32, #tpu.memory_space<vmem>> -> memref<1x400xi32, #tpu.memory_space<vmem>>
    %dma_start3A_468 = tpu.memref_squeeze %dma_start3A_467 : memref<1x400xi32, #tpu.memory_space<vmem>> -> memref<400xi32, #tpu.memory_space<vmem>>
    %dma_start3A_469 = arith.constant 0 : i32
    %dma_start3A_470 = arith.constant 0 : i32
    %dma_start3A_471 = tpu.memref_slice %arg13[%dma_start3A_469, %dma_start3A_470] : memref<10240x16xf32, #tpu.memory_space<vmem_shared>> -> memref<10240x16xf32, #tpu.memory_space<vmem_shared>>
    tpu.enqueue_indirect_dma source(%arg16 : memref<400x16xf32, #tpu.memory_space<vmem>>) target(%dma_start3A_471 : memref<10240x16xf32, #tpu.memory_space<vmem_shared>>) offsets(%dma_start3A_468 : memref<400xi32, #tpu.memory_space<vmem>>) semaphore(%arg26 : memref<!tpu.dma_semaphore, #tpu.memory_space<semaphore_mem>>) {add = true}
    %dma_start3A_472 = arith.constant 11 : i32
    %dma_start3A_473 = arith.constant 0 : i32
    %dma_start3A_474 = tpu.memref_slice %arg11[%dma_start3A_472, %dma_start3A_473] : memref<25x400xi32, #tpu.memory_space<vmem>> -> memref<1x400xi32, #tpu.memory_space<vmem>>
    %dma_start3A_475 = tpu.memref_squeeze %dma_start3A_474 : memref<1x400xi32, #tpu.memory_space<vmem>> -> memref<400xi32, #tpu.memory_space<vmem>>
    %dma_start3A_476 = arith.constant 0 : i32
    %dma_start3A_477 = tpu.memref_slice %arg14[%dma_start3A_476] : memref<10240xf32, #tpu.memory_space<vmem_shared>> -> memref<10240xf32, #tpu.memory_space<vmem_shared>>
    tpu.enqueue_indirect_dma source(%arg12 : memref<400xf32, #tpu.memory_space<vmem>>) target(%dma_start3A_477 : memref<10240xf32, #tpu.memory_space<vmem_shared>>) offsets(%dma_start3A_475 : memref<400xi32, #tpu.memory_space<vmem>>) semaphore(%arg30 : memref<!tpu.dma_semaphore, #tpu.memory_space<semaphore_mem>>) {add = true}
    %dma_wait3A_478 = arith.constant 11 : i32
    %dma_wait3A_479 = arith.constant 0 : i32
    %dma_wait3A_480 = tpu.memref_slice %arg11[%dma_wait3A_478, %dma_wait3A_479] : memref<25x400xi32, #tpu.memory_space<vmem>> -> memref<1x400xi32, #tpu.memory_space<vmem>>
    %dma_wait3A_481 = tpu.memref_squeeze %dma_wait3A_480 : memref<1x400xi32, #tpu.memory_space<vmem>> -> memref<400xi32, #tpu.memory_space<vmem>>
    %dma_wait3A_482 = arith.constant 0 : i32
    %dma_wait3A_483 = arith.constant 0 : i32
    %dma_wait3A_484 = tpu.memref_slice %arg13[%dma_wait3A_482, %dma_wait3A_483] : memref<10240x16xf32, #tpu.memory_space<vmem_shared>> -> memref<10240x16xf32, #tpu.memory_space<vmem_shared>>
    tpu.wait_indirect_dma semaphore(%arg26 : memref<!tpu.dma_semaphore, #tpu.memory_space<semaphore_mem>>) src(%arg16 : memref<400x16xf32, #tpu.memory_space<vmem>>) dst(%dma_wait3A_484 : memref<10240x16xf32, #tpu.memory_space<vmem_shared>>)
    %dma_start3A_485 = arith.constant 16 : i32
    %dma_start3A_486 = arith.constant 0 : i32
    %dma_start3A_487 = tpu.memref_slice %arg10[%dma_start3A_485, %dma_start3A_486] : memref<25x400xi32, #tpu.memory_space<vmem>> -> memref<1x400xi32, #tpu.memory_space<vmem>>
    %dma_start3A_488 = tpu.memref_squeeze %dma_start3A_487 : memref<1x400xi32, #tpu.memory_space<vmem>> -> memref<400xi32, #tpu.memory_space<vmem>>
    %dma_start3A_489 = arith.constant 0 : i32
    %dma_start3A_490 = arith.constant 0 : i32
    %dma_start3A_491 = tpu.memref_slice %arg2[%dma_start3A_489, %dma_start3A_490] : memref<10000x16xf32, #tpu.memory_space<hbm>> -> memref<10000x16xf32, #tpu.memory_space<hbm>>
    tpu.enqueue_indirect_dma source(%dma_start3A_491 : memref<10000x16xf32, #tpu.memory_space<hbm>>) target(%arg16 : memref<400x16xf32, #tpu.memory_space<vmem>>) offsets(%dma_start3A_488 : memref<400xi32, #tpu.memory_space<vmem>>) semaphore(%arg21 : memref<!tpu.dma_semaphore, #tpu.memory_space<semaphore_mem>>)
    %dma_wait3A_492 = arith.constant 12 : i32
    %dma_wait3A_493 = arith.constant 0 : i32
    %dma_wait3A_494 = tpu.memref_slice %arg10[%dma_wait3A_492, %dma_wait3A_493] : memref<25x400xi32, #tpu.memory_space<vmem>> -> memref<1x400xi32, #tpu.memory_space<vmem>>
    %dma_wait3A_495 = tpu.memref_squeeze %dma_wait3A_494 : memref<1x400xi32, #tpu.memory_space<vmem>> -> memref<400xi32, #tpu.memory_space<vmem>>
    %dma_wait3A_496 = arith.constant 0 : i32
    %dma_wait3A_497 = arith.constant 0 : i32
    %dma_wait3A_498 = tpu.memref_slice %arg2[%dma_wait3A_496, %dma_wait3A_497] : memref<10000x16xf32, #tpu.memory_space<hbm>> -> memref<10000x16xf32, #tpu.memory_space<hbm>>
    tpu.wait_indirect_dma semaphore(%arg22 : memref<!tpu.dma_semaphore, #tpu.memory_space<semaphore_mem>>) src(%dma_wait3A_498 : memref<10000x16xf32, #tpu.memory_space<hbm>>) dst(%arg17 : memref<400x16xf32, #tpu.memory_space<vmem>>)
    %dma_start3A_499 = arith.constant 12 : i32
    %dma_start3A_500 = arith.constant 0 : i32
    %dma_start3A_501 = tpu.memref_slice %arg11[%dma_start3A_499, %dma_start3A_500] : memref<25x400xi32, #tpu.memory_space<vmem>> -> memref<1x400xi32, #tpu.memory_space<vmem>>
    %dma_start3A_502 = tpu.memref_squeeze %dma_start3A_501 : memref<1x400xi32, #tpu.memory_space<vmem>> -> memref<400xi32, #tpu.memory_space<vmem>>
    %dma_start3A_503 = arith.constant 0 : i32
    %dma_start3A_504 = arith.constant 0 : i32
    %dma_start3A_505 = tpu.memref_slice %arg13[%dma_start3A_503, %dma_start3A_504] : memref<10240x16xf32, #tpu.memory_space<vmem_shared>> -> memref<10240x16xf32, #tpu.memory_space<vmem_shared>>
    tpu.enqueue_indirect_dma source(%arg17 : memref<400x16xf32, #tpu.memory_space<vmem>>) target(%dma_start3A_505 : memref<10240x16xf32, #tpu.memory_space<vmem_shared>>) offsets(%dma_start3A_502 : memref<400xi32, #tpu.memory_space<vmem>>) semaphore(%arg27 : memref<!tpu.dma_semaphore, #tpu.memory_space<semaphore_mem>>) {add = true}
    %dma_start3A_506 = arith.constant 12 : i32
    %dma_start3A_507 = arith.constant 0 : i32
    %dma_start3A_508 = tpu.memref_slice %arg11[%dma_start3A_506, %dma_start3A_507] : memref<25x400xi32, #tpu.memory_space<vmem>> -> memref<1x400xi32, #tpu.memory_space<vmem>>
    %dma_start3A_509 = tpu.memref_squeeze %dma_start3A_508 : memref<1x400xi32, #tpu.memory_space<vmem>> -> memref<400xi32, #tpu.memory_space<vmem>>
    %dma_start3A_510 = arith.constant 0 : i32
    %dma_start3A_511 = tpu.memref_slice %arg14[%dma_start3A_510] : memref<10240xf32, #tpu.memory_space<vmem_shared>> -> memref<10240xf32, #tpu.memory_space<vmem_shared>>
    tpu.enqueue_indirect_dma source(%arg12 : memref<400xf32, #tpu.memory_space<vmem>>) target(%dma_start3A_511 : memref<10240xf32, #tpu.memory_space<vmem_shared>>) offsets(%dma_start3A_509 : memref<400xi32, #tpu.memory_space<vmem>>) semaphore(%arg30 : memref<!tpu.dma_semaphore, #tpu.memory_space<semaphore_mem>>) {add = true}
    %dma_wait3A_512 = arith.constant 12 : i32
    %dma_wait3A_513 = arith.constant 0 : i32
    %dma_wait3A_514 = tpu.memref_slice %arg11[%dma_wait3A_512, %dma_wait3A_513] : memref<25x400xi32, #tpu.memory_space<vmem>> -> memref<1x400xi32, #tpu.memory_space<vmem>>
    %dma_wait3A_515 = tpu.memref_squeeze %dma_wait3A_514 : memref<1x400xi32, #tpu.memory_space<vmem>> -> memref<400xi32, #tpu.memory_space<vmem>>
    %dma_wait3A_516 = arith.constant 0 : i32
    %dma_wait3A_517 = arith.constant 0 : i32
    %dma_wait3A_518 = tpu.memref_slice %arg13[%dma_wait3A_516, %dma_wait3A_517] : memref<10240x16xf32, #tpu.memory_space<vmem_shared>> -> memref<10240x16xf32, #tpu.memory_space<vmem_shared>>
    tpu.wait_indirect_dma semaphore(%arg27 : memref<!tpu.dma_semaphore, #tpu.memory_space<semaphore_mem>>) src(%arg17 : memref<400x16xf32, #tpu.memory_space<vmem>>) dst(%dma_wait3A_518 : memref<10240x16xf32, #tpu.memory_space<vmem_shared>>)
    %dma_start3A_519 = arith.constant 17 : i32
    %dma_start3A_520 = arith.constant 0 : i32
    %dma_start3A_521 = tpu.memref_slice %arg10[%dma_start3A_519, %dma_start3A_520] : memref<25x400xi32, #tpu.memory_space<vmem>> -> memref<1x400xi32, #tpu.memory_space<vmem>>
    %dma_start3A_522 = tpu.memref_squeeze %dma_start3A_521 : memref<1x400xi32, #tpu.memory_space<vmem>> -> memref<400xi32, #tpu.memory_space<vmem>>
    %dma_start3A_523 = arith.constant 0 : i32
    %dma_start3A_524 = arith.constant 0 : i32
    %dma_start3A_525 = tpu.memref_slice %arg2[%dma_start3A_523, %dma_start3A_524] : memref<10000x16xf32, #tpu.memory_space<hbm>> -> memref<10000x16xf32, #tpu.memory_space<hbm>>
    tpu.enqueue_indirect_dma source(%dma_start3A_525 : memref<10000x16xf32, #tpu.memory_space<hbm>>) target(%arg17 : memref<400x16xf32, #tpu.memory_space<vmem>>) offsets(%dma_start3A_522 : memref<400xi32, #tpu.memory_space<vmem>>) semaphore(%arg22 : memref<!tpu.dma_semaphore, #tpu.memory_space<semaphore_mem>>)
    %dma_wait3A_526 = arith.constant 13 : i32
    %dma_wait3A_527 = arith.constant 0 : i32
    %dma_wait3A_528 = tpu.memref_slice %arg10[%dma_wait3A_526, %dma_wait3A_527] : memref<25x400xi32, #tpu.memory_space<vmem>> -> memref<1x400xi32, #tpu.memory_space<vmem>>
    %dma_wait3A_529 = tpu.memref_squeeze %dma_wait3A_528 : memref<1x400xi32, #tpu.memory_space<vmem>> -> memref<400xi32, #tpu.memory_space<vmem>>
    %dma_wait3A_530 = arith.constant 0 : i32
    %dma_wait3A_531 = arith.constant 0 : i32
    %dma_wait3A_532 = tpu.memref_slice %arg2[%dma_wait3A_530, %dma_wait3A_531] : memref<10000x16xf32, #tpu.memory_space<hbm>> -> memref<10000x16xf32, #tpu.memory_space<hbm>>
    tpu.wait_indirect_dma semaphore(%arg23 : memref<!tpu.dma_semaphore, #tpu.memory_space<semaphore_mem>>) src(%dma_wait3A_532 : memref<10000x16xf32, #tpu.memory_space<hbm>>) dst(%arg18 : memref<400x16xf32, #tpu.memory_space<vmem>>)
    %dma_start3A_533 = arith.constant 13 : i32
    %dma_start3A_534 = arith.constant 0 : i32
    %dma_start3A_535 = tpu.memref_slice %arg11[%dma_start3A_533, %dma_start3A_534] : memref<25x400xi32, #tpu.memory_space<vmem>> -> memref<1x400xi32, #tpu.memory_space<vmem>>
    %dma_start3A_536 = tpu.memref_squeeze %dma_start3A_535 : memref<1x400xi32, #tpu.memory_space<vmem>> -> memref<400xi32, #tpu.memory_space<vmem>>
    %dma_start3A_537 = arith.constant 0 : i32
    %dma_start3A_538 = arith.constant 0 : i32
    %dma_start3A_539 = tpu.memref_slice %arg13[%dma_start3A_537, %dma_start3A_538] : memref<10240x16xf32, #tpu.memory_space<vmem_shared>> -> memref<10240x16xf32, #tpu.memory_space<vmem_shared>>
    tpu.enqueue_indirect_dma source(%arg18 : memref<400x16xf32, #tpu.memory_space<vmem>>) target(%dma_start3A_539 : memref<10240x16xf32, #tpu.memory_space<vmem_shared>>) offsets(%dma_start3A_536 : memref<400xi32, #tpu.memory_space<vmem>>) semaphore(%arg28 : memref<!tpu.dma_semaphore, #tpu.memory_space<semaphore_mem>>) {add = true}
    %dma_start3A_540 = arith.constant 13 : i32
    %dma_start3A_541 = arith.constant 0 : i32
    %dma_start3A_542 = tpu.memref_slice %arg11[%dma_start3A_540, %dma_start3A_541] : memref<25x400xi32, #tpu.memory_space<vmem>> -> memref<1x400xi32, #tpu.memory_space<vmem>>
    %dma_start3A_543 = tpu.memref_squeeze %dma_start3A_542 : memref<1x400xi32, #tpu.memory_space<vmem>> -> memref<400xi32, #tpu.memory_space<vmem>>
    %dma_start3A_544 = arith.constant 0 : i32
    %dma_start3A_545 = tpu.memref_slice %arg14[%dma_start3A_544] : memref<10240xf32, #tpu.memory_space<vmem_shared>> -> memref<10240xf32, #tpu.memory_space<vmem_shared>>
    tpu.enqueue_indirect_dma source(%arg12 : memref<400xf32, #tpu.memory_space<vmem>>) target(%dma_start3A_545 : memref<10240xf32, #tpu.memory_space<vmem_shared>>) offsets(%dma_start3A_543 : memref<400xi32, #tpu.memory_space<vmem>>) semaphore(%arg30 : memref<!tpu.dma_semaphore, #tpu.memory_space<semaphore_mem>>) {add = true}
    %dma_wait3A_546 = arith.constant 13 : i32
    %dma_wait3A_547 = arith.constant 0 : i32
    %dma_wait3A_548 = tpu.memref_slice %arg11[%dma_wait3A_546, %dma_wait3A_547] : memref<25x400xi32, #tpu.memory_space<vmem>> -> memref<1x400xi32, #tpu.memory_space<vmem>>
    %dma_wait3A_549 = tpu.memref_squeeze %dma_wait3A_548 : memref<1x400xi32, #tpu.memory_space<vmem>> -> memref<400xi32, #tpu.memory_space<vmem>>
    %dma_wait3A_550 = arith.constant 0 : i32
    %dma_wait3A_551 = arith.constant 0 : i32
    %dma_wait3A_552 = tpu.memref_slice %arg13[%dma_wait3A_550, %dma_wait3A_551] : memref<10240x16xf32, #tpu.memory_space<vmem_shared>> -> memref<10240x16xf32, #tpu.memory_space<vmem_shared>>
    tpu.wait_indirect_dma semaphore(%arg28 : memref<!tpu.dma_semaphore, #tpu.memory_space<semaphore_mem>>) src(%arg18 : memref<400x16xf32, #tpu.memory_space<vmem>>) dst(%dma_wait3A_552 : memref<10240x16xf32, #tpu.memory_space<vmem_shared>>)
    %dma_start3A_553 = arith.constant 18 : i32
    %dma_start3A_554 = arith.constant 0 : i32
    %dma_start3A_555 = tpu.memref_slice %arg10[%dma_start3A_553, %dma_start3A_554] : memref<25x400xi32, #tpu.memory_space<vmem>> -> memref<1x400xi32, #tpu.memory_space<vmem>>
    %dma_start3A_556 = tpu.memref_squeeze %dma_start3A_555 : memref<1x400xi32, #tpu.memory_space<vmem>> -> memref<400xi32, #tpu.memory_space<vmem>>
    %dma_start3A_557 = arith.constant 0 : i32
    %dma_start3A_558 = arith.constant 0 : i32
    %dma_start3A_559 = tpu.memref_slice %arg2[%dma_start3A_557, %dma_start3A_558] : memref<10000x16xf32, #tpu.memory_space<hbm>> -> memref<10000x16xf32, #tpu.memory_space<hbm>>
    tpu.enqueue_indirect_dma source(%dma_start3A_559 : memref<10000x16xf32, #tpu.memory_space<hbm>>) target(%arg18 : memref<400x16xf32, #tpu.memory_space<vmem>>) offsets(%dma_start3A_556 : memref<400xi32, #tpu.memory_space<vmem>>) semaphore(%arg23 : memref<!tpu.dma_semaphore, #tpu.memory_space<semaphore_mem>>)
    %dma_wait3A_560 = arith.constant 14 : i32
    %dma_wait3A_561 = arith.constant 0 : i32
    %dma_wait3A_562 = tpu.memref_slice %arg10[%dma_wait3A_560, %dma_wait3A_561] : memref<25x400xi32, #tpu.memory_space<vmem>> -> memref<1x400xi32, #tpu.memory_space<vmem>>
    %dma_wait3A_563 = tpu.memref_squeeze %dma_wait3A_562 : memref<1x400xi32, #tpu.memory_space<vmem>> -> memref<400xi32, #tpu.memory_space<vmem>>
    %dma_wait3A_564 = arith.constant 0 : i32
    %dma_wait3A_565 = arith.constant 0 : i32
    %dma_wait3A_566 = tpu.memref_slice %arg2[%dma_wait3A_564, %dma_wait3A_565] : memref<10000x16xf32, #tpu.memory_space<hbm>> -> memref<10000x16xf32, #tpu.memory_space<hbm>>
    tpu.wait_indirect_dma semaphore(%arg24 : memref<!tpu.dma_semaphore, #tpu.memory_space<semaphore_mem>>) src(%dma_wait3A_566 : memref<10000x16xf32, #tpu.memory_space<hbm>>) dst(%arg19 : memref<400x16xf32, #tpu.memory_space<vmem>>)
    %dma_start3A_567 = arith.constant 14 : i32
    %dma_start3A_568 = arith.constant 0 : i32
    %dma_start3A_569 = tpu.memref_slice %arg11[%dma_start3A_567, %dma_start3A_568] : memref<25x400xi32, #tpu.memory_space<vmem>> -> memref<1x400xi32, #tpu.memory_space<vmem>>
    %dma_start3A_570 = tpu.memref_squeeze %dma_start3A_569 : memref<1x400xi32, #tpu.memory_space<vmem>> -> memref<400xi32, #tpu.memory_space<vmem>>
    %dma_start3A_571 = arith.constant 0 : i32
    %dma_start3A_572 = arith.constant 0 : i32
    %dma_start3A_573 = tpu.memref_slice %arg13[%dma_start3A_571, %dma_start3A_572] : memref<10240x16xf32, #tpu.memory_space<vmem_shared>> -> memref<10240x16xf32, #tpu.memory_space<vmem_shared>>
    tpu.enqueue_indirect_dma source(%arg19 : memref<400x16xf32, #tpu.memory_space<vmem>>) target(%dma_start3A_573 : memref<10240x16xf32, #tpu.memory_space<vmem_shared>>) offsets(%dma_start3A_570 : memref<400xi32, #tpu.memory_space<vmem>>) semaphore(%arg29 : memref<!tpu.dma_semaphore, #tpu.memory_space<semaphore_mem>>) {add = true}
    %dma_start3A_574 = arith.constant 14 : i32
    %dma_start3A_575 = arith.constant 0 : i32
    %dma_start3A_576 = tpu.memref_slice %arg11[%dma_start3A_574, %dma_start3A_575] : memref<25x400xi32, #tpu.memory_space<vmem>> -> memref<1x400xi32, #tpu.memory_space<vmem>>
    %dma_start3A_577 = tpu.memref_squeeze %dma_start3A_576 : memref<1x400xi32, #tpu.memory_space<vmem>> -> memref<400xi32, #tpu.memory_space<vmem>>
    %dma_start3A_578 = arith.constant 0 : i32
    %dma_start3A_579 = tpu.memref_slice %arg14[%dma_start3A_578] : memref<10240xf32, #tpu.memory_space<vmem_shared>> -> memref<10240xf32, #tpu.memory_space<vmem_shared>>
    tpu.enqueue_indirect_dma source(%arg12 : memref<400xf32, #tpu.memory_space<vmem>>) target(%dma_start3A_579 : memref<10240xf32, #tpu.memory_space<vmem_shared>>) offsets(%dma_start3A_577 : memref<400xi32, #tpu.memory_space<vmem>>) semaphore(%arg30 : memref<!tpu.dma_semaphore, #tpu.memory_space<semaphore_mem>>) {add = true}
    %dma_wait3A_580 = arith.constant 14 : i32
    %dma_wait3A_581 = arith.constant 0 : i32
    %dma_wait3A_582 = tpu.memref_slice %arg11[%dma_wait3A_580, %dma_wait3A_581] : memref<25x400xi32, #tpu.memory_space<vmem>> -> memref<1x400xi32, #tpu.memory_space<vmem>>
    %dma_wait3A_583 = tpu.memref_squeeze %dma_wait3A_582 : memref<1x400xi32, #tpu.memory_space<vmem>> -> memref<400xi32, #tpu.memory_space<vmem>>
    %dma_wait3A_584 = arith.constant 0 : i32
    %dma_wait3A_585 = arith.constant 0 : i32
    %dma_wait3A_586 = tpu.memref_slice %arg13[%dma_wait3A_584, %dma_wait3A_585] : memref<10240x16xf32, #tpu.memory_space<vmem_shared>> -> memref<10240x16xf32, #tpu.memory_space<vmem_shared>>
    tpu.wait_indirect_dma semaphore(%arg29 : memref<!tpu.dma_semaphore, #tpu.memory_space<semaphore_mem>>) src(%arg19 : memref<400x16xf32, #tpu.memory_space<vmem>>) dst(%dma_wait3A_586 : memref<10240x16xf32, #tpu.memory_space<vmem_shared>>)
    %dma_start3A_587 = arith.constant 19 : i32
    %dma_start3A_588 = arith.constant 0 : i32
    %dma_start3A_589 = tpu.memref_slice %arg10[%dma_start3A_587, %dma_start3A_588] : memref<25x400xi32, #tpu.memory_space<vmem>> -> memref<1x400xi32, #tpu.memory_space<vmem>>
    %dma_start3A_590 = tpu.memref_squeeze %dma_start3A_589 : memref<1x400xi32, #tpu.memory_space<vmem>> -> memref<400xi32, #tpu.memory_space<vmem>>
    %dma_start3A_591 = arith.constant 0 : i32
    %dma_start3A_592 = arith.constant 0 : i32
    %dma_start3A_593 = tpu.memref_slice %arg2[%dma_start3A_591, %dma_start3A_592] : memref<10000x16xf32, #tpu.memory_space<hbm>> -> memref<10000x16xf32, #tpu.memory_space<hbm>>
    tpu.enqueue_indirect_dma source(%dma_start3A_593 : memref<10000x16xf32, #tpu.memory_space<hbm>>) target(%arg19 : memref<400x16xf32, #tpu.memory_space<vmem>>) offsets(%dma_start3A_590 : memref<400xi32, #tpu.memory_space<vmem>>) semaphore(%arg24 : memref<!tpu.dma_semaphore, #tpu.memory_space<semaphore_mem>>)
    %dma_wait3A_594 = arith.constant 15 : i32
    %dma_wait3A_595 = arith.constant 0 : i32
    %dma_wait3A_596 = tpu.memref_slice %arg10[%dma_wait3A_594, %dma_wait3A_595] : memref<25x400xi32, #tpu.memory_space<vmem>> -> memref<1x400xi32, #tpu.memory_space<vmem>>
    %dma_wait3A_597 = tpu.memref_squeeze %dma_wait3A_596 : memref<1x400xi32, #tpu.memory_space<vmem>> -> memref<400xi32, #tpu.memory_space<vmem>>
    %dma_wait3A_598 = arith.constant 0 : i32
    %dma_wait3A_599 = arith.constant 0 : i32
    %dma_wait3A_600 = tpu.memref_slice %arg2[%dma_wait3A_598, %dma_wait3A_599] : memref<10000x16xf32, #tpu.memory_space<hbm>> -> memref<10000x16xf32, #tpu.memory_space<hbm>>
    tpu.wait_indirect_dma semaphore(%arg20 : memref<!tpu.dma_semaphore, #tpu.memory_space<semaphore_mem>>) src(%dma_wait3A_600 : memref<10000x16xf32, #tpu.memory_space<hbm>>) dst(%arg15 : memref<400x16xf32, #tpu.memory_space<vmem>>)
    %dma_start3A_601 = arith.constant 15 : i32
    %dma_start3A_602 = arith.constant 0 : i32
    %dma_start3A_603 = tpu.memref_slice %arg11[%dma_start3A_601, %dma_start3A_602] : memref<25x400xi32, #tpu.memory_space<vmem>> -> memref<1x400xi32, #tpu.memory_space<vmem>>
    %dma_start3A_604 = tpu.memref_squeeze %dma_start3A_603 : memref<1x400xi32, #tpu.memory_space<vmem>> -> memref<400xi32, #tpu.memory_space<vmem>>
    %dma_start3A_605 = arith.constant 0 : i32
    %dma_start3A_606 = arith.constant 0 : i32
    %dma_start3A_607 = tpu.memref_slice %arg13[%dma_start3A_605, %dma_start3A_606] : memref<10240x16xf32, #tpu.memory_space<vmem_shared>> -> memref<10240x16xf32, #tpu.memory_space<vmem_shared>>
    tpu.enqueue_indirect_dma source(%arg15 : memref<400x16xf32, #tpu.memory_space<vmem>>) target(%dma_start3A_607 : memref<10240x16xf32, #tpu.memory_space<vmem_shared>>) offsets(%dma_start3A_604 : memref<400xi32, #tpu.memory_space<vmem>>) semaphore(%arg25 : memref<!tpu.dma_semaphore, #tpu.memory_space<semaphore_mem>>) {add = true}
    %dma_start3A_608 = arith.constant 15 : i32
    %dma_start3A_609 = arith.constant 0 : i32
    %dma_start3A_610 = tpu.memref_slice %arg11[%dma_start3A_608, %dma_start3A_609] : memref<25x400xi32, #tpu.memory_space<vmem>> -> memref<1x400xi32, #tpu.memory_space<vmem>>
    %dma_start3A_611 = tpu.memref_squeeze %dma_start3A_610 : memref<1x400xi32, #tpu.memory_space<vmem>> -> memref<400xi32, #tpu.memory_space<vmem>>
    %dma_start3A_612 = arith.constant 0 : i32
    %dma_start3A_613 = tpu.memref_slice %arg14[%dma_start3A_612] : memref<10240xf32, #tpu.memory_space<vmem_shared>> -> memref<10240xf32, #tpu.memory_space<vmem_shared>>
    tpu.enqueue_indirect_dma source(%arg12 : memref<400xf32, #tpu.memory_space<vmem>>) target(%dma_start3A_613 : memref<10240xf32, #tpu.memory_space<vmem_shared>>) offsets(%dma_start3A_611 : memref<400xi32, #tpu.memory_space<vmem>>) semaphore(%arg30 : memref<!tpu.dma_semaphore, #tpu.memory_space<semaphore_mem>>) {add = true}
    %dma_wait3A_614 = arith.constant 15 : i32
    %dma_wait3A_615 = arith.constant 0 : i32
    %dma_wait3A_616 = tpu.memref_slice %arg11[%dma_wait3A_614, %dma_wait3A_615] : memref<25x400xi32, #tpu.memory_space<vmem>> -> memref<1x400xi32, #tpu.memory_space<vmem>>
    %dma_wait3A_617 = tpu.memref_squeeze %dma_wait3A_616 : memref<1x400xi32, #tpu.memory_space<vmem>> -> memref<400xi32, #tpu.memory_space<vmem>>
    %dma_wait3A_618 = arith.constant 0 : i32
    %dma_wait3A_619 = arith.constant 0 : i32
    %dma_wait3A_620 = tpu.memref_slice %arg13[%dma_wait3A_618, %dma_wait3A_619] : memref<10240x16xf32, #tpu.memory_space<vmem_shared>> -> memref<10240x16xf32, #tpu.memory_space<vmem_shared>>
    tpu.wait_indirect_dma semaphore(%arg25 : memref<!tpu.dma_semaphore, #tpu.memory_space<semaphore_mem>>) src(%arg15 : memref<400x16xf32, #tpu.memory_space<vmem>>) dst(%dma_wait3A_620 : memref<10240x16xf32, #tpu.memory_space<vmem_shared>>)
    %dma_start3A_621 = arith.constant 20 : i32
    %dma_start3A_622 = arith.constant 0 : i32
    %dma_start3A_623 = tpu.memref_slice %arg10[%dma_start3A_621, %dma_start3A_622] : memref<25x400xi32, #tpu.memory_space<vmem>> -> memref<1x400xi32, #tpu.memory_space<vmem>>
    %dma_start3A_624 = tpu.memref_squeeze %dma_start3A_623 : memref<1x400xi32, #tpu.memory_space<vmem>> -> memref<400xi32, #tpu.memory_space<vmem>>
    %dma_start3A_625 = arith.constant 0 : i32
    %dma_start3A_626 = arith.constant 0 : i32
    %dma_start3A_627 = tpu.memref_slice %arg2[%dma_start3A_625, %dma_start3A_626] : memref<10000x16xf32, #tpu.memory_space<hbm>> -> memref<10000x16xf32, #tpu.memory_space<hbm>>
    tpu.enqueue_indirect_dma source(%dma_start3A_627 : memref<10000x16xf32, #tpu.memory_space<hbm>>) target(%arg15 : memref<400x16xf32, #tpu.memory_space<vmem>>) offsets(%dma_start3A_624 : memref<400xi32, #tpu.memory_space<vmem>>) semaphore(%arg20 : memref<!tpu.dma_semaphore, #tpu.memory_space<semaphore_mem>>)
    %dma_wait3A_628 = arith.constant 16 : i32
    %dma_wait3A_629 = arith.constant 0 : i32
    %dma_wait3A_630 = tpu.memref_slice %arg10[%dma_wait3A_628, %dma_wait3A_629] : memref<25x400xi32, #tpu.memory_space<vmem>> -> memref<1x400xi32, #tpu.memory_space<vmem>>
    %dma_wait3A_631 = tpu.memref_squeeze %dma_wait3A_630 : memref<1x400xi32, #tpu.memory_space<vmem>> -> memref<400xi32, #tpu.memory_space<vmem>>
    %dma_wait3A_632 = arith.constant 0 : i32
    %dma_wait3A_633 = arith.constant 0 : i32
    %dma_wait3A_634 = tpu.memref_slice %arg2[%dma_wait3A_632, %dma_wait3A_633] : memref<10000x16xf32, #tpu.memory_space<hbm>> -> memref<10000x16xf32, #tpu.memory_space<hbm>>
    tpu.wait_indirect_dma semaphore(%arg21 : memref<!tpu.dma_semaphore, #tpu.memory_space<semaphore_mem>>) src(%dma_wait3A_634 : memref<10000x16xf32, #tpu.memory_space<hbm>>) dst(%arg16 : memref<400x16xf32, #tpu.memory_space<vmem>>)
    %dma_start3A_635 = arith.constant 16 : i32
    %dma_start3A_636 = arith.constant 0 : i32
    %dma_start3A_637 = tpu.memref_slice %arg11[%dma_start3A_635, %dma_start3A_636] : memref<25x400xi32, #tpu.memory_space<vmem>> -> memref<1x400xi32, #tpu.memory_space<vmem>>
    %dma_start3A_638 = tpu.memref_squeeze %dma_start3A_637 : memref<1x400xi32, #tpu.memory_space<vmem>> -> memref<400xi32, #tpu.memory_space<vmem>>
    %dma_start3A_639 = arith.constant 0 : i32
    %dma_start3A_640 = arith.constant 0 : i32
    %dma_start3A_641 = tpu.memref_slice %arg13[%dma_start3A_639, %dma_start3A_640] : memref<10240x16xf32, #tpu.memory_space<vmem_shared>> -> memref<10240x16xf32, #tpu.memory_space<vmem_shared>>
    tpu.enqueue_indirect_dma source(%arg16 : memref<400x16xf32, #tpu.memory_space<vmem>>) target(%dma_start3A_641 : memref<10240x16xf32, #tpu.memory_space<vmem_shared>>) offsets(%dma_start3A_638 : memref<400xi32, #tpu.memory_space<vmem>>) semaphore(%arg26 : memref<!tpu.dma_semaphore, #tpu.memory_space<semaphore_mem>>) {add = true}
    %dma_start3A_642 = arith.constant 16 : i32
    %dma_start3A_643 = arith.constant 0 : i32
    %dma_start3A_644 = tpu.memref_slice %arg11[%dma_start3A_642, %dma_start3A_643] : memref<25x400xi32, #tpu.memory_space<vmem>> -> memref<1x400xi32, #tpu.memory_space<vmem>>
    %dma_start3A_645 = tpu.memref_squeeze %dma_start3A_644 : memref<1x400xi32, #tpu.memory_space<vmem>> -> memref<400xi32, #tpu.memory_space<vmem>>
    %dma_start3A_646 = arith.constant 0 : i32
    %dma_start3A_647 = tpu.memref_slice %arg14[%dma_start3A_646] : memref<10240xf32, #tpu.memory_space<vmem_shared>> -> memref<10240xf32, #tpu.memory_space<vmem_shared>>
    tpu.enqueue_indirect_dma source(%arg12 : memref<400xf32, #tpu.memory_space<vmem>>) target(%dma_start3A_647 : memref<10240xf32, #tpu.memory_space<vmem_shared>>) offsets(%dma_start3A_645 : memref<400xi32, #tpu.memory_space<vmem>>) semaphore(%arg30 : memref<!tpu.dma_semaphore, #tpu.memory_space<semaphore_mem>>) {add = true}
    %dma_wait3A_648 = arith.constant 16 : i32
    %dma_wait3A_649 = arith.constant 0 : i32
    %dma_wait3A_650 = tpu.memref_slice %arg11[%dma_wait3A_648, %dma_wait3A_649] : memref<25x400xi32, #tpu.memory_space<vmem>> -> memref<1x400xi32, #tpu.memory_space<vmem>>
    %dma_wait3A_651 = tpu.memref_squeeze %dma_wait3A_650 : memref<1x400xi32, #tpu.memory_space<vmem>> -> memref<400xi32, #tpu.memory_space<vmem>>
    %dma_wait3A_652 = arith.constant 0 : i32
    %dma_wait3A_653 = arith.constant 0 : i32
    %dma_wait3A_654 = tpu.memref_slice %arg13[%dma_wait3A_652, %dma_wait3A_653] : memref<10240x16xf32, #tpu.memory_space<vmem_shared>> -> memref<10240x16xf32, #tpu.memory_space<vmem_shared>>
    tpu.wait_indirect_dma semaphore(%arg26 : memref<!tpu.dma_semaphore, #tpu.memory_space<semaphore_mem>>) src(%arg16 : memref<400x16xf32, #tpu.memory_space<vmem>>) dst(%dma_wait3A_654 : memref<10240x16xf32, #tpu.memory_space<vmem_shared>>)
    %dma_start3A_655 = arith.constant 21 : i32
    %dma_start3A_656 = arith.constant 0 : i32
    %dma_start3A_657 = tpu.memref_slice %arg10[%dma_start3A_655, %dma_start3A_656] : memref<25x400xi32, #tpu.memory_space<vmem>> -> memref<1x400xi32, #tpu.memory_space<vmem>>
    %dma_start3A_658 = tpu.memref_squeeze %dma_start3A_657 : memref<1x400xi32, #tpu.memory_space<vmem>> -> memref<400xi32, #tpu.memory_space<vmem>>
    %dma_start3A_659 = arith.constant 0 : i32
    %dma_start3A_660 = arith.constant 0 : i32
    %dma_start3A_661 = tpu.memref_slice %arg2[%dma_start3A_659, %dma_start3A_660] : memref<10000x16xf32, #tpu.memory_space<hbm>> -> memref<10000x16xf32, #tpu.memory_space<hbm>>
    tpu.enqueue_indirect_dma source(%dma_start3A_661 : memref<10000x16xf32, #tpu.memory_space<hbm>>) target(%arg16 : memref<400x16xf32, #tpu.memory_space<vmem>>) offsets(%dma_start3A_658 : memref<400xi32, #tpu.memory_space<vmem>>) semaphore(%arg21 : memref<!tpu.dma_semaphore, #tpu.memory_space<semaphore_mem>>)
    %dma_wait3A_662 = arith.constant 17 : i32
    %dma_wait3A_663 = arith.constant 0 : i32
    %dma_wait3A_664 = tpu.memref_slice %arg10[%dma_wait3A_662, %dma_wait3A_663] : memref<25x400xi32, #tpu.memory_space<vmem>> -> memref<1x400xi32, #tpu.memory_space<vmem>>
    %dma_wait3A_665 = tpu.memref_squeeze %dma_wait3A_664 : memref<1x400xi32, #tpu.memory_space<vmem>> -> memref<400xi32, #tpu.memory_space<vmem>>
    %dma_wait3A_666 = arith.constant 0 : i32
    %dma_wait3A_667 = arith.constant 0 : i32
    %dma_wait3A_668 = tpu.memref_slice %arg2[%dma_wait3A_666, %dma_wait3A_667] : memref<10000x16xf32, #tpu.memory_space<hbm>> -> memref<10000x16xf32, #tpu.memory_space<hbm>>
    tpu.wait_indirect_dma semaphore(%arg22 : memref<!tpu.dma_semaphore, #tpu.memory_space<semaphore_mem>>) src(%dma_wait3A_668 : memref<10000x16xf32, #tpu.memory_space<hbm>>) dst(%arg17 : memref<400x16xf32, #tpu.memory_space<vmem>>)
    %dma_start3A_669 = arith.constant 17 : i32
    %dma_start3A_670 = arith.constant 0 : i32
    %dma_start3A_671 = tpu.memref_slice %arg11[%dma_start3A_669, %dma_start3A_670] : memref<25x400xi32, #tpu.memory_space<vmem>> -> memref<1x400xi32, #tpu.memory_space<vmem>>
    %dma_start3A_672 = tpu.memref_squeeze %dma_start3A_671 : memref<1x400xi32, #tpu.memory_space<vmem>> -> memref<400xi32, #tpu.memory_space<vmem>>
    %dma_start3A_673 = arith.constant 0 : i32
    %dma_start3A_674 = arith.constant 0 : i32
    %dma_start3A_675 = tpu.memref_slice %arg13[%dma_start3A_673, %dma_start3A_674] : memref<10240x16xf32, #tpu.memory_space<vmem_shared>> -> memref<10240x16xf32, #tpu.memory_space<vmem_shared>>
    tpu.enqueue_indirect_dma source(%arg17 : memref<400x16xf32, #tpu.memory_space<vmem>>) target(%dma_start3A_675 : memref<10240x16xf32, #tpu.memory_space<vmem_shared>>) offsets(%dma_start3A_672 : memref<400xi32, #tpu.memory_space<vmem>>) semaphore(%arg27 : memref<!tpu.dma_semaphore, #tpu.memory_space<semaphore_mem>>) {add = true}
    %dma_start3A_676 = arith.constant 17 : i32
    %dma_start3A_677 = arith.constant 0 : i32
    %dma_start3A_678 = tpu.memref_slice %arg11[%dma_start3A_676, %dma_start3A_677] : memref<25x400xi32, #tpu.memory_space<vmem>> -> memref<1x400xi32, #tpu.memory_space<vmem>>
    %dma_start3A_679 = tpu.memref_squeeze %dma_start3A_678 : memref<1x400xi32, #tpu.memory_space<vmem>> -> memref<400xi32, #tpu.memory_space<vmem>>
    %dma_start3A_680 = arith.constant 0 : i32
    %dma_start3A_681 = tpu.memref_slice %arg14[%dma_start3A_680] : memref<10240xf32, #tpu.memory_space<vmem_shared>> -> memref<10240xf32, #tpu.memory_space<vmem_shared>>
    tpu.enqueue_indirect_dma source(%arg12 : memref<400xf32, #tpu.memory_space<vmem>>) target(%dma_start3A_681 : memref<10240xf32, #tpu.memory_space<vmem_shared>>) offsets(%dma_start3A_679 : memref<400xi32, #tpu.memory_space<vmem>>) semaphore(%arg30 : memref<!tpu.dma_semaphore, #tpu.memory_space<semaphore_mem>>) {add = true}
    %dma_wait3A_682 = arith.constant 17 : i32
    %dma_wait3A_683 = arith.constant 0 : i32
    %dma_wait3A_684 = tpu.memref_slice %arg11[%dma_wait3A_682, %dma_wait3A_683] : memref<25x400xi32, #tpu.memory_space<vmem>> -> memref<1x400xi32, #tpu.memory_space<vmem>>
    %dma_wait3A_685 = tpu.memref_squeeze %dma_wait3A_684 : memref<1x400xi32, #tpu.memory_space<vmem>> -> memref<400xi32, #tpu.memory_space<vmem>>
    %dma_wait3A_686 = arith.constant 0 : i32
    %dma_wait3A_687 = arith.constant 0 : i32
    %dma_wait3A_688 = tpu.memref_slice %arg13[%dma_wait3A_686, %dma_wait3A_687] : memref<10240x16xf32, #tpu.memory_space<vmem_shared>> -> memref<10240x16xf32, #tpu.memory_space<vmem_shared>>
    tpu.wait_indirect_dma semaphore(%arg27 : memref<!tpu.dma_semaphore, #tpu.memory_space<semaphore_mem>>) src(%arg17 : memref<400x16xf32, #tpu.memory_space<vmem>>) dst(%dma_wait3A_688 : memref<10240x16xf32, #tpu.memory_space<vmem_shared>>)
    %dma_start3A_689 = arith.constant 22 : i32
    %dma_start3A_690 = arith.constant 0 : i32
    %dma_start3A_691 = tpu.memref_slice %arg10[%dma_start3A_689, %dma_start3A_690] : memref<25x400xi32, #tpu.memory_space<vmem>> -> memref<1x400xi32, #tpu.memory_space<vmem>>
    %dma_start3A_692 = tpu.memref_squeeze %dma_start3A_691 : memref<1x400xi32, #tpu.memory_space<vmem>> -> memref<400xi32, #tpu.memory_space<vmem>>
    %dma_start3A_693 = arith.constant 0 : i32
    %dma_start3A_694 = arith.constant 0 : i32
    %dma_start3A_695 = tpu.memref_slice %arg2[%dma_start3A_693, %dma_start3A_694] : memref<10000x16xf32, #tpu.memory_space<hbm>> -> memref<10000x16xf32, #tpu.memory_space<hbm>>
    tpu.enqueue_indirect_dma source(%dma_start3A_695 : memref<10000x16xf32, #tpu.memory_space<hbm>>) target(%arg17 : memref<400x16xf32, #tpu.memory_space<vmem>>) offsets(%dma_start3A_692 : memref<400xi32, #tpu.memory_space<vmem>>) semaphore(%arg22 : memref<!tpu.dma_semaphore, #tpu.memory_space<semaphore_mem>>)
    %dma_wait3A_696 = arith.constant 18 : i32
    %dma_wait3A_697 = arith.constant 0 : i32
    %dma_wait3A_698 = tpu.memref_slice %arg10[%dma_wait3A_696, %dma_wait3A_697] : memref<25x400xi32, #tpu.memory_space<vmem>> -> memref<1x400xi32, #tpu.memory_space<vmem>>
    %dma_wait3A_699 = tpu.memref_squeeze %dma_wait3A_698 : memref<1x400xi32, #tpu.memory_space<vmem>> -> memref<400xi32, #tpu.memory_space<vmem>>
    %dma_wait3A_700 = arith.constant 0 : i32
    %dma_wait3A_701 = arith.constant 0 : i32
    %dma_wait3A_702 = tpu.memref_slice %arg2[%dma_wait3A_700, %dma_wait3A_701] : memref<10000x16xf32, #tpu.memory_space<hbm>> -> memref<10000x16xf32, #tpu.memory_space<hbm>>
    tpu.wait_indirect_dma semaphore(%arg23 : memref<!tpu.dma_semaphore, #tpu.memory_space<semaphore_mem>>) src(%dma_wait3A_702 : memref<10000x16xf32, #tpu.memory_space<hbm>>) dst(%arg18 : memref<400x16xf32, #tpu.memory_space<vmem>>)
    %dma_start3A_703 = arith.constant 18 : i32
    %dma_start3A_704 = arith.constant 0 : i32
    %dma_start3A_705 = tpu.memref_slice %arg11[%dma_start3A_703, %dma_start3A_704] : memref<25x400xi32, #tpu.memory_space<vmem>> -> memref<1x400xi32, #tpu.memory_space<vmem>>
    %dma_start3A_706 = tpu.memref_squeeze %dma_start3A_705 : memref<1x400xi32, #tpu.memory_space<vmem>> -> memref<400xi32, #tpu.memory_space<vmem>>
    %dma_start3A_707 = arith.constant 0 : i32
    %dma_start3A_708 = arith.constant 0 : i32
    %dma_start3A_709 = tpu.memref_slice %arg13[%dma_start3A_707, %dma_start3A_708] : memref<10240x16xf32, #tpu.memory_space<vmem_shared>> -> memref<10240x16xf32, #tpu.memory_space<vmem_shared>>
    tpu.enqueue_indirect_dma source(%arg18 : memref<400x16xf32, #tpu.memory_space<vmem>>) target(%dma_start3A_709 : memref<10240x16xf32, #tpu.memory_space<vmem_shared>>) offsets(%dma_start3A_706 : memref<400xi32, #tpu.memory_space<vmem>>) semaphore(%arg28 : memref<!tpu.dma_semaphore, #tpu.memory_space<semaphore_mem>>) {add = true}
    %dma_start3A_710 = arith.constant 18 : i32
    %dma_start3A_711 = arith.constant 0 : i32
    %dma_start3A_712 = tpu.memref_slice %arg11[%dma_start3A_710, %dma_start3A_711] : memref<25x400xi32, #tpu.memory_space<vmem>> -> memref<1x400xi32, #tpu.memory_space<vmem>>
    %dma_start3A_713 = tpu.memref_squeeze %dma_start3A_712 : memref<1x400xi32, #tpu.memory_space<vmem>> -> memref<400xi32, #tpu.memory_space<vmem>>
    %dma_start3A_714 = arith.constant 0 : i32
    %dma_start3A_715 = tpu.memref_slice %arg14[%dma_start3A_714] : memref<10240xf32, #tpu.memory_space<vmem_shared>> -> memref<10240xf32, #tpu.memory_space<vmem_shared>>
    tpu.enqueue_indirect_dma source(%arg12 : memref<400xf32, #tpu.memory_space<vmem>>) target(%dma_start3A_715 : memref<10240xf32, #tpu.memory_space<vmem_shared>>) offsets(%dma_start3A_713 : memref<400xi32, #tpu.memory_space<vmem>>) semaphore(%arg30 : memref<!tpu.dma_semaphore, #tpu.memory_space<semaphore_mem>>) {add = true}
    %dma_wait3A_716 = arith.constant 18 : i32
    %dma_wait3A_717 = arith.constant 0 : i32
    %dma_wait3A_718 = tpu.memref_slice %arg11[%dma_wait3A_716, %dma_wait3A_717] : memref<25x400xi32, #tpu.memory_space<vmem>> -> memref<1x400xi32, #tpu.memory_space<vmem>>
    %dma_wait3A_719 = tpu.memref_squeeze %dma_wait3A_718 : memref<1x400xi32, #tpu.memory_space<vmem>> -> memref<400xi32, #tpu.memory_space<vmem>>
    %dma_wait3A_720 = arith.constant 0 : i32
    %dma_wait3A_721 = arith.constant 0 : i32
    %dma_wait3A_722 = tpu.memref_slice %arg13[%dma_wait3A_720, %dma_wait3A_721] : memref<10240x16xf32, #tpu.memory_space<vmem_shared>> -> memref<10240x16xf32, #tpu.memory_space<vmem_shared>>
    tpu.wait_indirect_dma semaphore(%arg28 : memref<!tpu.dma_semaphore, #tpu.memory_space<semaphore_mem>>) src(%arg18 : memref<400x16xf32, #tpu.memory_space<vmem>>) dst(%dma_wait3A_722 : memref<10240x16xf32, #tpu.memory_space<vmem_shared>>)
    %dma_start3A_723 = arith.constant 23 : i32
    %dma_start3A_724 = arith.constant 0 : i32
    %dma_start3A_725 = tpu.memref_slice %arg10[%dma_start3A_723, %dma_start3A_724] : memref<25x400xi32, #tpu.memory_space<vmem>> -> memref<1x400xi32, #tpu.memory_space<vmem>>
    %dma_start3A_726 = tpu.memref_squeeze %dma_start3A_725 : memref<1x400xi32, #tpu.memory_space<vmem>> -> memref<400xi32, #tpu.memory_space<vmem>>
    %dma_start3A_727 = arith.constant 0 : i32
    %dma_start3A_728 = arith.constant 0 : i32
    %dma_start3A_729 = tpu.memref_slice %arg2[%dma_start3A_727, %dma_start3A_728] : memref<10000x16xf32, #tpu.memory_space<hbm>> -> memref<10000x16xf32, #tpu.memory_space<hbm>>
    tpu.enqueue_indirect_dma source(%dma_start3A_729 : memref<10000x16xf32, #tpu.memory_space<hbm>>) target(%arg18 : memref<400x16xf32, #tpu.memory_space<vmem>>) offsets(%dma_start3A_726 : memref<400xi32, #tpu.memory_space<vmem>>) semaphore(%arg23 : memref<!tpu.dma_semaphore, #tpu.memory_space<semaphore_mem>>)
    %dma_wait3A_730 = arith.constant 19 : i32
    %dma_wait3A_731 = arith.constant 0 : i32
    %dma_wait3A_732 = tpu.memref_slice %arg10[%dma_wait3A_730, %dma_wait3A_731] : memref<25x400xi32, #tpu.memory_space<vmem>> -> memref<1x400xi32, #tpu.memory_space<vmem>>
    %dma_wait3A_733 = tpu.memref_squeeze %dma_wait3A_732 : memref<1x400xi32, #tpu.memory_space<vmem>> -> memref<400xi32, #tpu.memory_space<vmem>>
    %dma_wait3A_734 = arith.constant 0 : i32
    %dma_wait3A_735 = arith.constant 0 : i32
    %dma_wait3A_736 = tpu.memref_slice %arg2[%dma_wait3A_734, %dma_wait3A_735] : memref<10000x16xf32, #tpu.memory_space<hbm>> -> memref<10000x16xf32, #tpu.memory_space<hbm>>
    tpu.wait_indirect_dma semaphore(%arg24 : memref<!tpu.dma_semaphore, #tpu.memory_space<semaphore_mem>>) src(%dma_wait3A_736 : memref<10000x16xf32, #tpu.memory_space<hbm>>) dst(%arg19 : memref<400x16xf32, #tpu.memory_space<vmem>>)
    %dma_start3A_737 = arith.constant 19 : i32
    %dma_start3A_738 = arith.constant 0 : i32
    %dma_start3A_739 = tpu.memref_slice %arg11[%dma_start3A_737, %dma_start3A_738] : memref<25x400xi32, #tpu.memory_space<vmem>> -> memref<1x400xi32, #tpu.memory_space<vmem>>
    %dma_start3A_740 = tpu.memref_squeeze %dma_start3A_739 : memref<1x400xi32, #tpu.memory_space<vmem>> -> memref<400xi32, #tpu.memory_space<vmem>>
    %dma_start3A_741 = arith.constant 0 : i32
    %dma_start3A_742 = arith.constant 0 : i32
    %dma_start3A_743 = tpu.memref_slice %arg13[%dma_start3A_741, %dma_start3A_742] : memref<10240x16xf32, #tpu.memory_space<vmem_shared>> -> memref<10240x16xf32, #tpu.memory_space<vmem_shared>>
    tpu.enqueue_indirect_dma source(%arg19 : memref<400x16xf32, #tpu.memory_space<vmem>>) target(%dma_start3A_743 : memref<10240x16xf32, #tpu.memory_space<vmem_shared>>) offsets(%dma_start3A_740 : memref<400xi32, #tpu.memory_space<vmem>>) semaphore(%arg29 : memref<!tpu.dma_semaphore, #tpu.memory_space<semaphore_mem>>) {add = true}
    %dma_start3A_744 = arith.constant 19 : i32
    %dma_start3A_745 = arith.constant 0 : i32
    %dma_start3A_746 = tpu.memref_slice %arg11[%dma_start3A_744, %dma_start3A_745] : memref<25x400xi32, #tpu.memory_space<vmem>> -> memref<1x400xi32, #tpu.memory_space<vmem>>
    %dma_start3A_747 = tpu.memref_squeeze %dma_start3A_746 : memref<1x400xi32, #tpu.memory_space<vmem>> -> memref<400xi32, #tpu.memory_space<vmem>>
    %dma_start3A_748 = arith.constant 0 : i32
    %dma_start3A_749 = tpu.memref_slice %arg14[%dma_start3A_748] : memref<10240xf32, #tpu.memory_space<vmem_shared>> -> memref<10240xf32, #tpu.memory_space<vmem_shared>>
    tpu.enqueue_indirect_dma source(%arg12 : memref<400xf32, #tpu.memory_space<vmem>>) target(%dma_start3A_749 : memref<10240xf32, #tpu.memory_space<vmem_shared>>) offsets(%dma_start3A_747 : memref<400xi32, #tpu.memory_space<vmem>>) semaphore(%arg30 : memref<!tpu.dma_semaphore, #tpu.memory_space<semaphore_mem>>) {add = true}
    %dma_wait3A_750 = arith.constant 19 : i32
    %dma_wait3A_751 = arith.constant 0 : i32
    %dma_wait3A_752 = tpu.memref_slice %arg11[%dma_wait3A_750, %dma_wait3A_751] : memref<25x400xi32, #tpu.memory_space<vmem>> -> memref<1x400xi32, #tpu.memory_space<vmem>>
    %dma_wait3A_753 = tpu.memref_squeeze %dma_wait3A_752 : memref<1x400xi32, #tpu.memory_space<vmem>> -> memref<400xi32, #tpu.memory_space<vmem>>
    %dma_wait3A_754 = arith.constant 0 : i32
    %dma_wait3A_755 = arith.constant 0 : i32
    %dma_wait3A_756 = tpu.memref_slice %arg13[%dma_wait3A_754, %dma_wait3A_755] : memref<10240x16xf32, #tpu.memory_space<vmem_shared>> -> memref<10240x16xf32, #tpu.memory_space<vmem_shared>>
    tpu.wait_indirect_dma semaphore(%arg29 : memref<!tpu.dma_semaphore, #tpu.memory_space<semaphore_mem>>) src(%arg19 : memref<400x16xf32, #tpu.memory_space<vmem>>) dst(%dma_wait3A_756 : memref<10240x16xf32, #tpu.memory_space<vmem_shared>>)
    %dma_start3A_757 = arith.constant 24 : i32
    %dma_start3A_758 = arith.constant 0 : i32
    %dma_start3A_759 = tpu.memref_slice %arg10[%dma_start3A_757, %dma_start3A_758] : memref<25x400xi32, #tpu.memory_space<vmem>> -> memref<1x400xi32, #tpu.memory_space<vmem>>
    %dma_start3A_760 = tpu.memref_squeeze %dma_start3A_759 : memref<1x400xi32, #tpu.memory_space<vmem>> -> memref<400xi32, #tpu.memory_space<vmem>>
    %dma_start3A_761 = arith.constant 0 : i32
    %dma_start3A_762 = arith.constant 0 : i32
    %dma_start3A_763 = tpu.memref_slice %arg2[%dma_start3A_761, %dma_start3A_762] : memref<10000x16xf32, #tpu.memory_space<hbm>> -> memref<10000x16xf32, #tpu.memory_space<hbm>>
    tpu.enqueue_indirect_dma source(%dma_start3A_763 : memref<10000x16xf32, #tpu.memory_space<hbm>>) target(%arg19 : memref<400x16xf32, #tpu.memory_space<vmem>>) offsets(%dma_start3A_760 : memref<400xi32, #tpu.memory_space<vmem>>) semaphore(%arg24 : memref<!tpu.dma_semaphore, #tpu.memory_space<semaphore_mem>>)
    %dma_wait3A_764 = arith.constant 20 : i32
    %dma_wait3A_765 = arith.constant 0 : i32
    %dma_wait3A_766 = tpu.memref_slice %arg10[%dma_wait3A_764, %dma_wait3A_765] : memref<25x400xi32, #tpu.memory_space<vmem>> -> memref<1x400xi32, #tpu.memory_space<vmem>>
    %dma_wait3A_767 = tpu.memref_squeeze %dma_wait3A_766 : memref<1x400xi32, #tpu.memory_space<vmem>> -> memref<400xi32, #tpu.memory_space<vmem>>
    %dma_wait3A_768 = arith.constant 0 : i32
    %dma_wait3A_769 = arith.constant 0 : i32
    %dma_wait3A_770 = tpu.memref_slice %arg2[%dma_wait3A_768, %dma_wait3A_769] : memref<10000x16xf32, #tpu.memory_space<hbm>> -> memref<10000x16xf32, #tpu.memory_space<hbm>>
    tpu.wait_indirect_dma semaphore(%arg20 : memref<!tpu.dma_semaphore, #tpu.memory_space<semaphore_mem>>) src(%dma_wait3A_770 : memref<10000x16xf32, #tpu.memory_space<hbm>>) dst(%arg15 : memref<400x16xf32, #tpu.memory_space<vmem>>)
    %dma_start3A_771 = arith.constant 20 : i32
    %dma_start3A_772 = arith.constant 0 : i32
    %dma_start3A_773 = tpu.memref_slice %arg11[%dma_start3A_771, %dma_start3A_772] : memref<25x400xi32, #tpu.memory_space<vmem>> -> memref<1x400xi32, #tpu.memory_space<vmem>>
    %dma_start3A_774 = tpu.memref_squeeze %dma_start3A_773 : memref<1x400xi32, #tpu.memory_space<vmem>> -> memref<400xi32, #tpu.memory_space<vmem>>
    %dma_start3A_775 = arith.constant 0 : i32
    %dma_start3A_776 = arith.constant 0 : i32
    %dma_start3A_777 = tpu.memref_slice %arg13[%dma_start3A_775, %dma_start3A_776] : memref<10240x16xf32, #tpu.memory_space<vmem_shared>> -> memref<10240x16xf32, #tpu.memory_space<vmem_shared>>
    tpu.enqueue_indirect_dma source(%arg15 : memref<400x16xf32, #tpu.memory_space<vmem>>) target(%dma_start3A_777 : memref<10240x16xf32, #tpu.memory_space<vmem_shared>>) offsets(%dma_start3A_774 : memref<400xi32, #tpu.memory_space<vmem>>) semaphore(%arg25 : memref<!tpu.dma_semaphore, #tpu.memory_space<semaphore_mem>>) {add = true}
    %dma_start3A_778 = arith.constant 20 : i32
    %dma_start3A_779 = arith.constant 0 : i32
    %dma_start3A_780 = tpu.memref_slice %arg11[%dma_start3A_778, %dma_start3A_779] : memref<25x400xi32, #tpu.memory_space<vmem>> -> memref<1x400xi32, #tpu.memory_space<vmem>>
    %dma_start3A_781 = tpu.memref_squeeze %dma_start3A_780 : memref<1x400xi32, #tpu.memory_space<vmem>> -> memref<400xi32, #tpu.memory_space<vmem>>
    %dma_start3A_782 = arith.constant 0 : i32
    %dma_start3A_783 = tpu.memref_slice %arg14[%dma_start3A_782] : memref<10240xf32, #tpu.memory_space<vmem_shared>> -> memref<10240xf32, #tpu.memory_space<vmem_shared>>
    tpu.enqueue_indirect_dma source(%arg12 : memref<400xf32, #tpu.memory_space<vmem>>) target(%dma_start3A_783 : memref<10240xf32, #tpu.memory_space<vmem_shared>>) offsets(%dma_start3A_781 : memref<400xi32, #tpu.memory_space<vmem>>) semaphore(%arg30 : memref<!tpu.dma_semaphore, #tpu.memory_space<semaphore_mem>>) {add = true}
    %dma_wait3A_784 = arith.constant 21 : i32
    %dma_wait3A_785 = arith.constant 0 : i32
    %dma_wait3A_786 = tpu.memref_slice %arg10[%dma_wait3A_784, %dma_wait3A_785] : memref<25x400xi32, #tpu.memory_space<vmem>> -> memref<1x400xi32, #tpu.memory_space<vmem>>
    %dma_wait3A_787 = tpu.memref_squeeze %dma_wait3A_786 : memref<1x400xi32, #tpu.memory_space<vmem>> -> memref<400xi32, #tpu.memory_space<vmem>>
    %dma_wait3A_788 = arith.constant 0 : i32
    %dma_wait3A_789 = arith.constant 0 : i32
    %dma_wait3A_790 = tpu.memref_slice %arg2[%dma_wait3A_788, %dma_wait3A_789] : memref<10000x16xf32, #tpu.memory_space<hbm>> -> memref<10000x16xf32, #tpu.memory_space<hbm>>
    tpu.wait_indirect_dma semaphore(%arg21 : memref<!tpu.dma_semaphore, #tpu.memory_space<semaphore_mem>>) src(%dma_wait3A_790 : memref<10000x16xf32, #tpu.memory_space<hbm>>) dst(%arg16 : memref<400x16xf32, #tpu.memory_space<vmem>>)
    %dma_start3A_791 = arith.constant 21 : i32
    %dma_start3A_792 = arith.constant 0 : i32
    %dma_start3A_793 = tpu.memref_slice %arg11[%dma_start3A_791, %dma_start3A_792] : memref<25x400xi32, #tpu.memory_space<vmem>> -> memref<1x400xi32, #tpu.memory_space<vmem>>
    %dma_start3A_794 = tpu.memref_squeeze %dma_start3A_793 : memref<1x400xi32, #tpu.memory_space<vmem>> -> memref<400xi32, #tpu.memory_space<vmem>>
    %dma_start3A_795 = arith.constant 0 : i32
    %dma_start3A_796 = arith.constant 0 : i32
    %dma_start3A_797 = tpu.memref_slice %arg13[%dma_start3A_795, %dma_start3A_796] : memref<10240x16xf32, #tpu.memory_space<vmem_shared>> -> memref<10240x16xf32, #tpu.memory_space<vmem_shared>>
    tpu.enqueue_indirect_dma source(%arg16 : memref<400x16xf32, #tpu.memory_space<vmem>>) target(%dma_start3A_797 : memref<10240x16xf32, #tpu.memory_space<vmem_shared>>) offsets(%dma_start3A_794 : memref<400xi32, #tpu.memory_space<vmem>>) semaphore(%arg26 : memref<!tpu.dma_semaphore, #tpu.memory_space<semaphore_mem>>) {add = true}
    %dma_start3A_798 = arith.constant 21 : i32
    %dma_start3A_799 = arith.constant 0 : i32
    %dma_start3A_800 = tpu.memref_slice %arg11[%dma_start3A_798, %dma_start3A_799] : memref<25x400xi32, #tpu.memory_space<vmem>> -> memref<1x400xi32, #tpu.memory_space<vmem>>
    %dma_start3A_801 = tpu.memref_squeeze %dma_start3A_800 : memref<1x400xi32, #tpu.memory_space<vmem>> -> memref<400xi32, #tpu.memory_space<vmem>>
    %dma_start3A_802 = arith.constant 0 : i32
    %dma_start3A_803 = tpu.memref_slice %arg14[%dma_start3A_802] : memref<10240xf32, #tpu.memory_space<vmem_shared>> -> memref<10240xf32, #tpu.memory_space<vmem_shared>>
    tpu.enqueue_indirect_dma source(%arg12 : memref<400xf32, #tpu.memory_space<vmem>>) target(%dma_start3A_803 : memref<10240xf32, #tpu.memory_space<vmem_shared>>) offsets(%dma_start3A_801 : memref<400xi32, #tpu.memory_space<vmem>>) semaphore(%arg30 : memref<!tpu.dma_semaphore, #tpu.memory_space<semaphore_mem>>) {add = true}
    %dma_wait3A_804 = arith.constant 22 : i32
    %dma_wait3A_805 = arith.constant 0 : i32
    %dma_wait3A_806 = tpu.memref_slice %arg10[%dma_wait3A_804, %dma_wait3A_805] : memref<25x400xi32, #tpu.memory_space<vmem>> -> memref<1x400xi32, #tpu.memory_space<vmem>>
    %dma_wait3A_807 = tpu.memref_squeeze %dma_wait3A_806 : memref<1x400xi32, #tpu.memory_space<vmem>> -> memref<400xi32, #tpu.memory_space<vmem>>
    %dma_wait3A_808 = arith.constant 0 : i32
    %dma_wait3A_809 = arith.constant 0 : i32
    %dma_wait3A_810 = tpu.memref_slice %arg2[%dma_wait3A_808, %dma_wait3A_809] : memref<10000x16xf32, #tpu.memory_space<hbm>> -> memref<10000x16xf32, #tpu.memory_space<hbm>>
    tpu.wait_indirect_dma semaphore(%arg22 : memref<!tpu.dma_semaphore, #tpu.memory_space<semaphore_mem>>) src(%dma_wait3A_810 : memref<10000x16xf32, #tpu.memory_space<hbm>>) dst(%arg17 : memref<400x16xf32, #tpu.memory_space<vmem>>)
    %dma_start3A_811 = arith.constant 22 : i32
    %dma_start3A_812 = arith.constant 0 : i32
    %dma_start3A_813 = tpu.memref_slice %arg11[%dma_start3A_811, %dma_start3A_812] : memref<25x400xi32, #tpu.memory_space<vmem>> -> memref<1x400xi32, #tpu.memory_space<vmem>>
    %dma_start3A_814 = tpu.memref_squeeze %dma_start3A_813 : memref<1x400xi32, #tpu.memory_space<vmem>> -> memref<400xi32, #tpu.memory_space<vmem>>
    %dma_start3A_815 = arith.constant 0 : i32
    %dma_start3A_816 = arith.constant 0 : i32
    %dma_start3A_817 = tpu.memref_slice %arg13[%dma_start3A_815, %dma_start3A_816] : memref<10240x16xf32, #tpu.memory_space<vmem_shared>> -> memref<10240x16xf32, #tpu.memory_space<vmem_shared>>
    tpu.enqueue_indirect_dma source(%arg17 : memref<400x16xf32, #tpu.memory_space<vmem>>) target(%dma_start3A_817 : memref<10240x16xf32, #tpu.memory_space<vmem_shared>>) offsets(%dma_start3A_814 : memref<400xi32, #tpu.memory_space<vmem>>) semaphore(%arg27 : memref<!tpu.dma_semaphore, #tpu.memory_space<semaphore_mem>>) {add = true}
    %dma_start3A_818 = arith.constant 22 : i32
    %dma_start3A_819 = arith.constant 0 : i32
    %dma_start3A_820 = tpu.memref_slice %arg11[%dma_start3A_818, %dma_start3A_819] : memref<25x400xi32, #tpu.memory_space<vmem>> -> memref<1x400xi32, #tpu.memory_space<vmem>>
    %dma_start3A_821 = tpu.memref_squeeze %dma_start3A_820 : memref<1x400xi32, #tpu.memory_space<vmem>> -> memref<400xi32, #tpu.memory_space<vmem>>
    %dma_start3A_822 = arith.constant 0 : i32
    %dma_start3A_823 = tpu.memref_slice %arg14[%dma_start3A_822] : memref<10240xf32, #tpu.memory_space<vmem_shared>> -> memref<10240xf32, #tpu.memory_space<vmem_shared>>
    tpu.enqueue_indirect_dma source(%arg12 : memref<400xf32, #tpu.memory_space<vmem>>) target(%dma_start3A_823 : memref<10240xf32, #tpu.memory_space<vmem_shared>>) offsets(%dma_start3A_821 : memref<400xi32, #tpu.memory_space<vmem>>) semaphore(%arg30 : memref<!tpu.dma_semaphore, #tpu.memory_space<semaphore_mem>>) {add = true}
    %dma_wait3A_824 = arith.constant 23 : i32
    %dma_wait3A_825 = arith.constant 0 : i32
    %dma_wait3A_826 = tpu.memref_slice %arg10[%dma_wait3A_824, %dma_wait3A_825] : memref<25x400xi32, #tpu.memory_space<vmem>> -> memref<1x400xi32, #tpu.memory_space<vmem>>
    %dma_wait3A_827 = tpu.memref_squeeze %dma_wait3A_826 : memref<1x400xi32, #tpu.memory_space<vmem>> -> memref<400xi32, #tpu.memory_space<vmem>>
    %dma_wait3A_828 = arith.constant 0 : i32
    %dma_wait3A_829 = arith.constant 0 : i32
    %dma_wait3A_830 = tpu.memref_slice %arg2[%dma_wait3A_828, %dma_wait3A_829] : memref<10000x16xf32, #tpu.memory_space<hbm>> -> memref<10000x16xf32, #tpu.memory_space<hbm>>
    tpu.wait_indirect_dma semaphore(%arg23 : memref<!tpu.dma_semaphore, #tpu.memory_space<semaphore_mem>>) src(%dma_wait3A_830 : memref<10000x16xf32, #tpu.memory_space<hbm>>) dst(%arg18 : memref<400x16xf32, #tpu.memory_space<vmem>>)
    %dma_start3A_831 = arith.constant 23 : i32
    %dma_start3A_832 = arith.constant 0 : i32
    %dma_start3A_833 = tpu.memref_slice %arg11[%dma_start3A_831, %dma_start3A_832] : memref<25x400xi32, #tpu.memory_space<vmem>> -> memref<1x400xi32, #tpu.memory_space<vmem>>
    %dma_start3A_834 = tpu.memref_squeeze %dma_start3A_833 : memref<1x400xi32, #tpu.memory_space<vmem>> -> memref<400xi32, #tpu.memory_space<vmem>>
    %dma_start3A_835 = arith.constant 0 : i32
    %dma_start3A_836 = arith.constant 0 : i32
    %dma_start3A_837 = tpu.memref_slice %arg13[%dma_start3A_835, %dma_start3A_836] : memref<10240x16xf32, #tpu.memory_space<vmem_shared>> -> memref<10240x16xf32, #tpu.memory_space<vmem_shared>>
    tpu.enqueue_indirect_dma source(%arg18 : memref<400x16xf32, #tpu.memory_space<vmem>>) target(%dma_start3A_837 : memref<10240x16xf32, #tpu.memory_space<vmem_shared>>) offsets(%dma_start3A_834 : memref<400xi32, #tpu.memory_space<vmem>>) semaphore(%arg28 : memref<!tpu.dma_semaphore, #tpu.memory_space<semaphore_mem>>) {add = true}
    %dma_start3A_838 = arith.constant 23 : i32
    %dma_start3A_839 = arith.constant 0 : i32
    %dma_start3A_840 = tpu.memref_slice %arg11[%dma_start3A_838, %dma_start3A_839] : memref<25x400xi32, #tpu.memory_space<vmem>> -> memref<1x400xi32, #tpu.memory_space<vmem>>
    %dma_start3A_841 = tpu.memref_squeeze %dma_start3A_840 : memref<1x400xi32, #tpu.memory_space<vmem>> -> memref<400xi32, #tpu.memory_space<vmem>>
    %dma_start3A_842 = arith.constant 0 : i32
    %dma_start3A_843 = tpu.memref_slice %arg14[%dma_start3A_842] : memref<10240xf32, #tpu.memory_space<vmem_shared>> -> memref<10240xf32, #tpu.memory_space<vmem_shared>>
    tpu.enqueue_indirect_dma source(%arg12 : memref<400xf32, #tpu.memory_space<vmem>>) target(%dma_start3A_843 : memref<10240xf32, #tpu.memory_space<vmem_shared>>) offsets(%dma_start3A_841 : memref<400xi32, #tpu.memory_space<vmem>>) semaphore(%arg30 : memref<!tpu.dma_semaphore, #tpu.memory_space<semaphore_mem>>) {add = true}
    %dma_wait3A_844 = arith.constant 24 : i32
    %dma_wait3A_845 = arith.constant 0 : i32
    %dma_wait3A_846 = tpu.memref_slice %arg10[%dma_wait3A_844, %dma_wait3A_845] : memref<25x400xi32, #tpu.memory_space<vmem>> -> memref<1x400xi32, #tpu.memory_space<vmem>>
    %dma_wait3A_847 = tpu.memref_squeeze %dma_wait3A_846 : memref<1x400xi32, #tpu.memory_space<vmem>> -> memref<400xi32, #tpu.memory_space<vmem>>
    %dma_wait3A_848 = arith.constant 0 : i32
    %dma_wait3A_849 = arith.constant 0 : i32
    %dma_wait3A_850 = tpu.memref_slice %arg2[%dma_wait3A_848, %dma_wait3A_849] : memref<10000x16xf32, #tpu.memory_space<hbm>> -> memref<10000x16xf32, #tpu.memory_space<hbm>>
    tpu.wait_indirect_dma semaphore(%arg24 : memref<!tpu.dma_semaphore, #tpu.memory_space<semaphore_mem>>) src(%dma_wait3A_850 : memref<10000x16xf32, #tpu.memory_space<hbm>>) dst(%arg19 : memref<400x16xf32, #tpu.memory_space<vmem>>)
    %dma_start3A_851 = arith.constant 24 : i32
    %dma_start3A_852 = arith.constant 0 : i32
    %dma_start3A_853 = tpu.memref_slice %arg11[%dma_start3A_851, %dma_start3A_852] : memref<25x400xi32, #tpu.memory_space<vmem>> -> memref<1x400xi32, #tpu.memory_space<vmem>>
    %dma_start3A_854 = tpu.memref_squeeze %dma_start3A_853 : memref<1x400xi32, #tpu.memory_space<vmem>> -> memref<400xi32, #tpu.memory_space<vmem>>
    %dma_start3A_855 = arith.constant 0 : i32
    %dma_start3A_856 = arith.constant 0 : i32
    %dma_start3A_857 = tpu.memref_slice %arg13[%dma_start3A_855, %dma_start3A_856] : memref<10240x16xf32, #tpu.memory_space<vmem_shared>> -> memref<10240x16xf32, #tpu.memory_space<vmem_shared>>
    tpu.enqueue_indirect_dma source(%arg19 : memref<400x16xf32, #tpu.memory_space<vmem>>) target(%dma_start3A_857 : memref<10240x16xf32, #tpu.memory_space<vmem_shared>>) offsets(%dma_start3A_854 : memref<400xi32, #tpu.memory_space<vmem>>) semaphore(%arg29 : memref<!tpu.dma_semaphore, #tpu.memory_space<semaphore_mem>>) {add = true}
    %dma_start3A_858 = arith.constant 24 : i32
    %dma_start3A_859 = arith.constant 0 : i32
    %dma_start3A_860 = tpu.memref_slice %arg11[%dma_start3A_858, %dma_start3A_859] : memref<25x400xi32, #tpu.memory_space<vmem>> -> memref<1x400xi32, #tpu.memory_space<vmem>>
    %dma_start3A_861 = tpu.memref_squeeze %dma_start3A_860 : memref<1x400xi32, #tpu.memory_space<vmem>> -> memref<400xi32, #tpu.memory_space<vmem>>
    %dma_start3A_862 = arith.constant 0 : i32
    %dma_start3A_863 = tpu.memref_slice %arg14[%dma_start3A_862] : memref<10240xf32, #tpu.memory_space<vmem_shared>> -> memref<10240xf32, #tpu.memory_space<vmem_shared>>
    tpu.enqueue_indirect_dma source(%arg12 : memref<400xf32, #tpu.memory_space<vmem>>) target(%dma_start3A_863 : memref<10240xf32, #tpu.memory_space<vmem_shared>>) offsets(%dma_start3A_861 : memref<400xi32, #tpu.memory_space<vmem>>) semaphore(%arg30 : memref<!tpu.dma_semaphore, #tpu.memory_space<semaphore_mem>>) {add = true}
    %dma_wait3A_864 = arith.constant 20 : i32
    %dma_wait3A_865 = arith.constant 0 : i32
    %dma_wait3A_866 = tpu.memref_slice %arg11[%dma_wait3A_864, %dma_wait3A_865] : memref<25x400xi32, #tpu.memory_space<vmem>> -> memref<1x400xi32, #tpu.memory_space<vmem>>
    %dma_wait3A_867 = tpu.memref_squeeze %dma_wait3A_866 : memref<1x400xi32, #tpu.memory_space<vmem>> -> memref<400xi32, #tpu.memory_space<vmem>>
    %dma_wait3A_868 = arith.constant 0 : i32
    %dma_wait3A_869 = arith.constant 0 : i32
    %dma_wait3A_870 = tpu.memref_slice %arg13[%dma_wait3A_868, %dma_wait3A_869] : memref<10240x16xf32, #tpu.memory_space<vmem_shared>> -> memref<10240x16xf32, #tpu.memory_space<vmem_shared>>
    tpu.wait_indirect_dma semaphore(%arg25 : memref<!tpu.dma_semaphore, #tpu.memory_space<semaphore_mem>>) src(%arg15 : memref<400x16xf32, #tpu.memory_space<vmem>>) dst(%dma_wait3A_870 : memref<10240x16xf32, #tpu.memory_space<vmem_shared>>)
    %dma_wait3A_871 = arith.constant 21 : i32
    %dma_wait3A_872 = arith.constant 0 : i32
    %dma_wait3A_873 = tpu.memref_slice %arg11[%dma_wait3A_871, %dma_wait3A_872] : memref<25x400xi32, #tpu.memory_space<vmem>> -> memref<1x400xi32, #tpu.memory_space<vmem>>
    %dma_wait3A_874 = tpu.memref_squeeze %dma_wait3A_873 : memref<1x400xi32, #tpu.memory_space<vmem>> -> memref<400xi32, #tpu.memory_space<vmem>>
    %dma_wait3A_875 = arith.constant 0 : i32
    %dma_wait3A_876 = arith.constant 0 : i32
    %dma_wait3A_877 = tpu.memref_slice %arg13[%dma_wait3A_875, %dma_wait3A_876] : memref<10240x16xf32, #tpu.memory_space<vmem_shared>> -> memref<10240x16xf32, #tpu.memory_space<vmem_shared>>
    tpu.wait_indirect_dma semaphore(%arg26 : memref<!tpu.dma_semaphore, #tpu.memory_space<semaphore_mem>>) src(%arg16 : memref<400x16xf32, #tpu.memory_space<vmem>>) dst(%dma_wait3A_877 : memref<10240x16xf32, #tpu.memory_space<vmem_shared>>)
    %dma_wait3A_878 = arith.constant 22 : i32
    %dma_wait3A_879 = arith.constant 0 : i32
    %dma_wait3A_880 = tpu.memref_slice %arg11[%dma_wait3A_878, %dma_wait3A_879] : memref<25x400xi32, #tpu.memory_space<vmem>> -> memref<1x400xi32, #tpu.memory_space<vmem>>
    %dma_wait3A_881 = tpu.memref_squeeze %dma_wait3A_880 : memref<1x400xi32, #tpu.memory_space<vmem>> -> memref<400xi32, #tpu.memory_space<vmem>>
    %dma_wait3A_882 = arith.constant 0 : i32
    %dma_wait3A_883 = arith.constant 0 : i32
    %dma_wait3A_884 = tpu.memref_slice %arg13[%dma_wait3A_882, %dma_wait3A_883] : memref<10240x16xf32, #tpu.memory_space<vmem_shared>> -> memref<10240x16xf32, #tpu.memory_space<vmem_shared>>
    tpu.wait_indirect_dma semaphore(%arg27 : memref<!tpu.dma_semaphore, #tpu.memory_space<semaphore_mem>>) src(%arg17 : memref<400x16xf32, #tpu.memory_space<vmem>>) dst(%dma_wait3A_884 : memref<10240x16xf32, #tpu.memory_space<vmem_shared>>)
    %dma_wait3A_885 = arith.constant 23 : i32
    %dma_wait3A_886 = arith.constant 0 : i32
    %dma_wait3A_887 = tpu.memref_slice %arg11[%dma_wait3A_885, %dma_wait3A_886] : memref<25x400xi32, #tpu.memory_space<vmem>> -> memref<1x400xi32, #tpu.memory_space<vmem>>
    %dma_wait3A_888 = tpu.memref_squeeze %dma_wait3A_887 : memref<1x400xi32, #tpu.memory_space<vmem>> -> memref<400xi32, #tpu.memory_space<vmem>>
    %dma_wait3A_889 = arith.constant 0 : i32
    %dma_wait3A_890 = arith.constant 0 : i32
    %dma_wait3A_891 = tpu.memref_slice %arg13[%dma_wait3A_889, %dma_wait3A_890] : memref<10240x16xf32, #tpu.memory_space<vmem_shared>> -> memref<10240x16xf32, #tpu.memory_space<vmem_shared>>
    tpu.wait_indirect_dma semaphore(%arg28 : memref<!tpu.dma_semaphore, #tpu.memory_space<semaphore_mem>>) src(%arg18 : memref<400x16xf32, #tpu.memory_space<vmem>>) dst(%dma_wait3A_891 : memref<10240x16xf32, #tpu.memory_space<vmem_shared>>)
    %dma_wait3A_892 = arith.constant 24 : i32
    %dma_wait3A_893 = arith.constant 0 : i32
    %dma_wait3A_894 = tpu.memref_slice %arg11[%dma_wait3A_892, %dma_wait3A_893] : memref<25x400xi32, #tpu.memory_space<vmem>> -> memref<1x400xi32, #tpu.memory_space<vmem>>
    %dma_wait3A_895 = tpu.memref_squeeze %dma_wait3A_894 : memref<1x400xi32, #tpu.memory_space<vmem>> -> memref<400xi32, #tpu.memory_space<vmem>>
    %dma_wait3A_896 = arith.constant 0 : i32
    %dma_wait3A_897 = arith.constant 0 : i32
    %dma_wait3A_898 = tpu.memref_slice %arg13[%dma_wait3A_896, %dma_wait3A_897] : memref<10240x16xf32, #tpu.memory_space<vmem_shared>> -> memref<10240x16xf32, #tpu.memory_space<vmem_shared>>
    tpu.wait_indirect_dma semaphore(%arg29 : memref<!tpu.dma_semaphore, #tpu.memory_space<semaphore_mem>>) src(%arg19 : memref<400x16xf32, #tpu.memory_space<vmem>>) dst(%dma_wait3A_898 : memref<10240x16xf32, #tpu.memory_space<vmem_shared>>)
    %dma_wait3A_899 = arith.constant 0 : i32
    %dma_wait3A_900 = arith.constant 0 : i32
    %dma_wait3A_901 = tpu.memref_slice %arg11[%dma_wait3A_899, %dma_wait3A_900] : memref<25x400xi32, #tpu.memory_space<vmem>> -> memref<1x400xi32, #tpu.memory_space<vmem>>
    %dma_wait3A_902 = tpu.memref_squeeze %dma_wait3A_901 : memref<1x400xi32, #tpu.memory_space<vmem>> -> memref<400xi32, #tpu.memory_space<vmem>>
    %dma_wait3A_903 = arith.constant 0 : i32
    %dma_wait3A_904 = tpu.memref_slice %arg14[%dma_wait3A_903] : memref<10240xf32, #tpu.memory_space<vmem_shared>> -> memref<10240xf32, #tpu.memory_space<vmem_shared>>
    tpu.wait_indirect_dma semaphore(%arg30 : memref<!tpu.dma_semaphore, #tpu.memory_space<semaphore_mem>>) src(%arg12 : memref<400xf32, #tpu.memory_space<vmem>>) dst(%dma_wait3A_904 : memref<10240xf32, #tpu.memory_space<vmem_shared>>)
    %dma_wait3A_905 = arith.constant 1 : i32
    %dma_wait3A_906 = arith.constant 0 : i32
    %dma_wait3A_907 = tpu.memref_slice %arg11[%dma_wait3A_905, %dma_wait3A_906] : memref<25x400xi32, #tpu.memory_space<vmem>> -> memref<1x400xi32, #tpu.memory_space<vmem>>
    %dma_wait3A_908 = tpu.memref_squeeze %dma_wait3A_907 : memref<1x400xi32, #tpu.memory_space<vmem>> -> memref<400xi32, #tpu.memory_space<vmem>>
    %dma_wait3A_909 = arith.constant 0 : i32
    %dma_wait3A_910 = tpu.memref_slice %arg14[%dma_wait3A_909] : memref<10240xf32, #tpu.memory_space<vmem_shared>> -> memref<10240xf32, #tpu.memory_space<vmem_shared>>
    tpu.wait_indirect_dma semaphore(%arg30 : memref<!tpu.dma_semaphore, #tpu.memory_space<semaphore_mem>>) src(%arg12 : memref<400xf32, #tpu.memory_space<vmem>>) dst(%dma_wait3A_910 : memref<10240xf32, #tpu.memory_space<vmem_shared>>)
    %dma_wait3A_911 = arith.constant 2 : i32
    %dma_wait3A_912 = arith.constant 0 : i32
    %dma_wait3A_913 = tpu.memref_slice %arg11[%dma_wait3A_911, %dma_wait3A_912] : memref<25x400xi32, #tpu.memory_space<vmem>> -> memref<1x400xi32, #tpu.memory_space<vmem>>
    %dma_wait3A_914 = tpu.memref_squeeze %dma_wait3A_913 : memref<1x400xi32, #tpu.memory_space<vmem>> -> memref<400xi32, #tpu.memory_space<vmem>>
    %dma_wait3A_915 = arith.constant 0 : i32
    %dma_wait3A_916 = tpu.memref_slice %arg14[%dma_wait3A_915] : memref<10240xf32, #tpu.memory_space<vmem_shared>> -> memref<10240xf32, #tpu.memory_space<vmem_shared>>
    tpu.wait_indirect_dma semaphore(%arg30 : memref<!tpu.dma_semaphore, #tpu.memory_space<semaphore_mem>>) src(%arg12 : memref<400xf32, #tpu.memory_space<vmem>>) dst(%dma_wait3A_916 : memref<10240xf32, #tpu.memory_space<vmem_shared>>)
    %dma_wait3A_917 = arith.constant 3 : i32
    %dma_wait3A_918 = arith.constant 0 : i32
    %dma_wait3A_919 = tpu.memref_slice %arg11[%dma_wait3A_917, %dma_wait3A_918] : memref<25x400xi32, #tpu.memory_space<vmem>> -> memref<1x400xi32, #tpu.memory_space<vmem>>
    %dma_wait3A_920 = tpu.memref_squeeze %dma_wait3A_919 : memref<1x400xi32, #tpu.memory_space<vmem>> -> memref<400xi32, #tpu.memory_space<vmem>>
    %dma_wait3A_921 = arith.constant 0 : i32
    %dma_wait3A_922 = tpu.memref_slice %arg14[%dma_wait3A_921] : memref<10240xf32, #tpu.memory_space<vmem_shared>> -> memref<10240xf32, #tpu.memory_space<vmem_shared>>
    tpu.wait_indirect_dma semaphore(%arg30 : memref<!tpu.dma_semaphore, #tpu.memory_space<semaphore_mem>>) src(%arg12 : memref<400xf32, #tpu.memory_space<vmem>>) dst(%dma_wait3A_922 : memref<10240xf32, #tpu.memory_space<vmem_shared>>)
    %dma_wait3A_923 = arith.constant 4 : i32
    %dma_wait3A_924 = arith.constant 0 : i32
    %dma_wait3A_925 = tpu.memref_slice %arg11[%dma_wait3A_923, %dma_wait3A_924] : memref<25x400xi32, #tpu.memory_space<vmem>> -> memref<1x400xi32, #tpu.memory_space<vmem>>
    %dma_wait3A_926 = tpu.memref_squeeze %dma_wait3A_925 : memref<1x400xi32, #tpu.memory_space<vmem>> -> memref<400xi32, #tpu.memory_space<vmem>>
    %dma_wait3A_927 = arith.constant 0 : i32
    %dma_wait3A_928 = tpu.memref_slice %arg14[%dma_wait3A_927] : memref<10240xf32, #tpu.memory_space<vmem_shared>> -> memref<10240xf32, #tpu.memory_space<vmem_shared>>
    tpu.wait_indirect_dma semaphore(%arg30 : memref<!tpu.dma_semaphore, #tpu.memory_space<semaphore_mem>>) src(%arg12 : memref<400xf32, #tpu.memory_space<vmem>>) dst(%dma_wait3A_928 : memref<10240xf32, #tpu.memory_space<vmem_shared>>)
    %dma_wait3A_929 = arith.constant 5 : i32
    %dma_wait3A_930 = arith.constant 0 : i32
    %dma_wait3A_931 = tpu.memref_slice %arg11[%dma_wait3A_929, %dma_wait3A_930] : memref<25x400xi32, #tpu.memory_space<vmem>> -> memref<1x400xi32, #tpu.memory_space<vmem>>
    %dma_wait3A_932 = tpu.memref_squeeze %dma_wait3A_931 : memref<1x400xi32, #tpu.memory_space<vmem>> -> memref<400xi32, #tpu.memory_space<vmem>>
    %dma_wait3A_933 = arith.constant 0 : i32
    %dma_wait3A_934 = tpu.memref_slice %arg14[%dma_wait3A_933] : memref<10240xf32, #tpu.memory_space<vmem_shared>> -> memref<10240xf32, #tpu.memory_space<vmem_shared>>
    tpu.wait_indirect_dma semaphore(%arg30 : memref<!tpu.dma_semaphore, #tpu.memory_space<semaphore_mem>>) src(%arg12 : memref<400xf32, #tpu.memory_space<vmem>>) dst(%dma_wait3A_934 : memref<10240xf32, #tpu.memory_space<vmem_shared>>)
    %dma_wait3A_935 = arith.constant 6 : i32
    %dma_wait3A_936 = arith.constant 0 : i32
    %dma_wait3A_937 = tpu.memref_slice %arg11[%dma_wait3A_935, %dma_wait3A_936] : memref<25x400xi32, #tpu.memory_space<vmem>> -> memref<1x400xi32, #tpu.memory_space<vmem>>
    %dma_wait3A_938 = tpu.memref_squeeze %dma_wait3A_937 : memref<1x400xi32, #tpu.memory_space<vmem>> -> memref<400xi32, #tpu.memory_space<vmem>>
    %dma_wait3A_939 = arith.constant 0 : i32
    %dma_wait3A_940 = tpu.memref_slice %arg14[%dma_wait3A_939] : memref<10240xf32, #tpu.memory_space<vmem_shared>> -> memref<10240xf32, #tpu.memory_space<vmem_shared>>
    tpu.wait_indirect_dma semaphore(%arg30 : memref<!tpu.dma_semaphore, #tpu.memory_space<semaphore_mem>>) src(%arg12 : memref<400xf32, #tpu.memory_space<vmem>>) dst(%dma_wait3A_940 : memref<10240xf32, #tpu.memory_space<vmem_shared>>)
    %dma_wait3A_941 = arith.constant 7 : i32
    %dma_wait3A_942 = arith.constant 0 : i32
    %dma_wait3A_943 = tpu.memref_slice %arg11[%dma_wait3A_941, %dma_wait3A_942] : memref<25x400xi32, #tpu.memory_space<vmem>> -> memref<1x400xi32, #tpu.memory_space<vmem>>
    %dma_wait3A_944 = tpu.memref_squeeze %dma_wait3A_943 : memref<1x400xi32, #tpu.memory_space<vmem>> -> memref<400xi32, #tpu.memory_space<vmem>>
    %dma_wait3A_945 = arith.constant 0 : i32
    %dma_wait3A_946 = tpu.memref_slice %arg14[%dma_wait3A_945] : memref<10240xf32, #tpu.memory_space<vmem_shared>> -> memref<10240xf32, #tpu.memory_space<vmem_shared>>
    tpu.wait_indirect_dma semaphore(%arg30 : memref<!tpu.dma_semaphore, #tpu.memory_space<semaphore_mem>>) src(%arg12 : memref<400xf32, #tpu.memory_space<vmem>>) dst(%dma_wait3A_946 : memref<10240xf32, #tpu.memory_space<vmem_shared>>)
    %dma_wait3A_947 = arith.constant 8 : i32
    %dma_wait3A_948 = arith.constant 0 : i32
    %dma_wait3A_949 = tpu.memref_slice %arg11[%dma_wait3A_947, %dma_wait3A_948] : memref<25x400xi32, #tpu.memory_space<vmem>> -> memref<1x400xi32, #tpu.memory_space<vmem>>
    %dma_wait3A_950 = tpu.memref_squeeze %dma_wait3A_949 : memref<1x400xi32, #tpu.memory_space<vmem>> -> memref<400xi32, #tpu.memory_space<vmem>>
    %dma_wait3A_951 = arith.constant 0 : i32
    %dma_wait3A_952 = tpu.memref_slice %arg14[%dma_wait3A_951] : memref<10240xf32, #tpu.memory_space<vmem_shared>> -> memref<10240xf32, #tpu.memory_space<vmem_shared>>
    tpu.wait_indirect_dma semaphore(%arg30 : memref<!tpu.dma_semaphore, #tpu.memory_space<semaphore_mem>>) src(%arg12 : memref<400xf32, #tpu.memory_space<vmem>>) dst(%dma_wait3A_952 : memref<10240xf32, #tpu.memory_space<vmem_shared>>)
    %dma_wait3A_953 = arith.constant 9 : i32
    %dma_wait3A_954 = arith.constant 0 : i32
    %dma_wait3A_955 = tpu.memref_slice %arg11[%dma_wait3A_953, %dma_wait3A_954] : memref<25x400xi32, #tpu.memory_space<vmem>> -> memref<1x400xi32, #tpu.memory_space<vmem>>
    %dma_wait3A_956 = tpu.memref_squeeze %dma_wait3A_955 : memref<1x400xi32, #tpu.memory_space<vmem>> -> memref<400xi32, #tpu.memory_space<vmem>>
    %dma_wait3A_957 = arith.constant 0 : i32
    %dma_wait3A_958 = tpu.memref_slice %arg14[%dma_wait3A_957] : memref<10240xf32, #tpu.memory_space<vmem_shared>> -> memref<10240xf32, #tpu.memory_space<vmem_shared>>
    tpu.wait_indirect_dma semaphore(%arg30 : memref<!tpu.dma_semaphore, #tpu.memory_space<semaphore_mem>>) src(%arg12 : memref<400xf32, #tpu.memory_space<vmem>>) dst(%dma_wait3A_958 : memref<10240xf32, #tpu.memory_space<vmem_shared>>)
    %dma_wait3A_959 = arith.constant 10 : i32
    %dma_wait3A_960 = arith.constant 0 : i32
    %dma_wait3A_961 = tpu.memref_slice %arg11[%dma_wait3A_959, %dma_wait3A_960] : memref<25x400xi32, #tpu.memory_space<vmem>> -> memref<1x400xi32, #tpu.memory_space<vmem>>
    %dma_wait3A_962 = tpu.memref_squeeze %dma_wait3A_961 : memref<1x400xi32, #tpu.memory_space<vmem>> -> memref<400xi32, #tpu.memory_space<vmem>>
    %dma_wait3A_963 = arith.constant 0 : i32
    %dma_wait3A_964 = tpu.memref_slice %arg14[%dma_wait3A_963] : memref<10240xf32, #tpu.memory_space<vmem_shared>> -> memref<10240xf32, #tpu.memory_space<vmem_shared>>
    tpu.wait_indirect_dma semaphore(%arg30 : memref<!tpu.dma_semaphore, #tpu.memory_space<semaphore_mem>>) src(%arg12 : memref<400xf32, #tpu.memory_space<vmem>>) dst(%dma_wait3A_964 : memref<10240xf32, #tpu.memory_space<vmem_shared>>)
    %dma_wait3A_965 = arith.constant 11 : i32
    %dma_wait3A_966 = arith.constant 0 : i32
    %dma_wait3A_967 = tpu.memref_slice %arg11[%dma_wait3A_965, %dma_wait3A_966] : memref<25x400xi32, #tpu.memory_space<vmem>> -> memref<1x400xi32, #tpu.memory_space<vmem>>
    %dma_wait3A_968 = tpu.memref_squeeze %dma_wait3A_967 : memref<1x400xi32, #tpu.memory_space<vmem>> -> memref<400xi32, #tpu.memory_space<vmem>>
    %dma_wait3A_969 = arith.constant 0 : i32
    %dma_wait3A_970 = tpu.memref_slice %arg14[%dma_wait3A_969] : memref<10240xf32, #tpu.memory_space<vmem_shared>> -> memref<10240xf32, #tpu.memory_space<vmem_shared>>
    tpu.wait_indirect_dma semaphore(%arg30 : memref<!tpu.dma_semaphore, #tpu.memory_space<semaphore_mem>>) src(%arg12 : memref<400xf32, #tpu.memory_space<vmem>>) dst(%dma_wait3A_970 : memref<10240xf32, #tpu.memory_space<vmem_shared>>)
    %dma_wait3A_971 = arith.constant 12 : i32
    %dma_wait3A_972 = arith.constant 0 : i32
    %dma_wait3A_973 = tpu.memref_slice %arg11[%dma_wait3A_971, %dma_wait3A_972] : memref<25x400xi32, #tpu.memory_space<vmem>> -> memref<1x400xi32, #tpu.memory_space<vmem>>
    %dma_wait3A_974 = tpu.memref_squeeze %dma_wait3A_973 : memref<1x400xi32, #tpu.memory_space<vmem>> -> memref<400xi32, #tpu.memory_space<vmem>>
    %dma_wait3A_975 = arith.constant 0 : i32
    %dma_wait3A_976 = tpu.memref_slice %arg14[%dma_wait3A_975] : memref<10240xf32, #tpu.memory_space<vmem_shared>> -> memref<10240xf32, #tpu.memory_space<vmem_shared>>
    tpu.wait_indirect_dma semaphore(%arg30 : memref<!tpu.dma_semaphore, #tpu.memory_space<semaphore_mem>>) src(%arg12 : memref<400xf32, #tpu.memory_space<vmem>>) dst(%dma_wait3A_976 : memref<10240xf32, #tpu.memory_space<vmem_shared>>)
    %dma_wait3A_977 = arith.constant 13 : i32
    %dma_wait3A_978 = arith.constant 0 : i32
    %dma_wait3A_979 = tpu.memref_slice %arg11[%dma_wait3A_977, %dma_wait3A_978] : memref<25x400xi32, #tpu.memory_space<vmem>> -> memref<1x400xi32, #tpu.memory_space<vmem>>
    %dma_wait3A_980 = tpu.memref_squeeze %dma_wait3A_979 : memref<1x400xi32, #tpu.memory_space<vmem>> -> memref<400xi32, #tpu.memory_space<vmem>>
    %dma_wait3A_981 = arith.constant 0 : i32
    %dma_wait3A_982 = tpu.memref_slice %arg14[%dma_wait3A_981] : memref<10240xf32, #tpu.memory_space<vmem_shared>> -> memref<10240xf32, #tpu.memory_space<vmem_shared>>
    tpu.wait_indirect_dma semaphore(%arg30 : memref<!tpu.dma_semaphore, #tpu.memory_space<semaphore_mem>>) src(%arg12 : memref<400xf32, #tpu.memory_space<vmem>>) dst(%dma_wait3A_982 : memref<10240xf32, #tpu.memory_space<vmem_shared>>)
    %dma_wait3A_983 = arith.constant 14 : i32
    %dma_wait3A_984 = arith.constant 0 : i32
    %dma_wait3A_985 = tpu.memref_slice %arg11[%dma_wait3A_983, %dma_wait3A_984] : memref<25x400xi32, #tpu.memory_space<vmem>> -> memref<1x400xi32, #tpu.memory_space<vmem>>
    %dma_wait3A_986 = tpu.memref_squeeze %dma_wait3A_985 : memref<1x400xi32, #tpu.memory_space<vmem>> -> memref<400xi32, #tpu.memory_space<vmem>>
    %dma_wait3A_987 = arith.constant 0 : i32
    %dma_wait3A_988 = tpu.memref_slice %arg14[%dma_wait3A_987] : memref<10240xf32, #tpu.memory_space<vmem_shared>> -> memref<10240xf32, #tpu.memory_space<vmem_shared>>
    tpu.wait_indirect_dma semaphore(%arg30 : memref<!tpu.dma_semaphore, #tpu.memory_space<semaphore_mem>>) src(%arg12 : memref<400xf32, #tpu.memory_space<vmem>>) dst(%dma_wait3A_988 : memref<10240xf32, #tpu.memory_space<vmem_shared>>)
    %dma_wait3A_989 = arith.constant 15 : i32
    %dma_wait3A_990 = arith.constant 0 : i32
    %dma_wait3A_991 = tpu.memref_slice %arg11[%dma_wait3A_989, %dma_wait3A_990] : memref<25x400xi32, #tpu.memory_space<vmem>> -> memref<1x400xi32, #tpu.memory_space<vmem>>
    %dma_wait3A_992 = tpu.memref_squeeze %dma_wait3A_991 : memref<1x400xi32, #tpu.memory_space<vmem>> -> memref<400xi32, #tpu.memory_space<vmem>>
    %dma_wait3A_993 = arith.constant 0 : i32
    %dma_wait3A_994 = tpu.memref_slice %arg14[%dma_wait3A_993] : memref<10240xf32, #tpu.memory_space<vmem_shared>> -> memref<10240xf32, #tpu.memory_space<vmem_shared>>
    tpu.wait_indirect_dma semaphore(%arg30 : memref<!tpu.dma_semaphore, #tpu.memory_space<semaphore_mem>>) src(%arg12 : memref<400xf32, #tpu.memory_space<vmem>>) dst(%dma_wait3A_994 : memref<10240xf32, #tpu.memory_space<vmem_shared>>)
    %dma_wait3A_995 = arith.constant 16 : i32
    %dma_wait3A_996 = arith.constant 0 : i32
    %dma_wait3A_997 = tpu.memref_slice %arg11[%dma_wait3A_995, %dma_wait3A_996] : memref<25x400xi32, #tpu.memory_space<vmem>> -> memref<1x400xi32, #tpu.memory_space<vmem>>
    %dma_wait3A_998 = tpu.memref_squeeze %dma_wait3A_997 : memref<1x400xi32, #tpu.memory_space<vmem>> -> memref<400xi32, #tpu.memory_space<vmem>>
    %dma_wait3A_999 = arith.constant 0 : i32
    %dma_wait3A_1000 = tpu.memref_slice %arg14[%dma_wait3A_999] : memref<10240xf32, #tpu.memory_space<vmem_shared>> -> memref<10240xf32, #tpu.memory_space<vmem_shared>>
    tpu.wait_indirect_dma semaphore(%arg30 : memref<!tpu.dma_semaphore, #tpu.memory_space<semaphore_mem>>) src(%arg12 : memref<400xf32, #tpu.memory_space<vmem>>) dst(%dma_wait3A_1000 : memref<10240xf32, #tpu.memory_space<vmem_shared>>)
    %dma_wait3A_1001 = arith.constant 17 : i32
    %dma_wait3A_1002 = arith.constant 0 : i32
    %dma_wait3A_1003 = tpu.memref_slice %arg11[%dma_wait3A_1001, %dma_wait3A_1002] : memref<25x400xi32, #tpu.memory_space<vmem>> -> memref<1x400xi32, #tpu.memory_space<vmem>>
    %dma_wait3A_1004 = tpu.memref_squeeze %dma_wait3A_1003 : memref<1x400xi32, #tpu.memory_space<vmem>> -> memref<400xi32, #tpu.memory_space<vmem>>
    %dma_wait3A_1005 = arith.constant 0 : i32
    %dma_wait3A_1006 = tpu.memref_slice %arg14[%dma_wait3A_1005] : memref<10240xf32, #tpu.memory_space<vmem_shared>> -> memref<10240xf32, #tpu.memory_space<vmem_shared>>
    tpu.wait_indirect_dma semaphore(%arg30 : memref<!tpu.dma_semaphore, #tpu.memory_space<semaphore_mem>>) src(%arg12 : memref<400xf32, #tpu.memory_space<vmem>>) dst(%dma_wait3A_1006 : memref<10240xf32, #tpu.memory_space<vmem_shared>>)
    %dma_wait3A_1007 = arith.constant 18 : i32
    %dma_wait3A_1008 = arith.constant 0 : i32
    %dma_wait3A_1009 = tpu.memref_slice %arg11[%dma_wait3A_1007, %dma_wait3A_1008] : memref<25x400xi32, #tpu.memory_space<vmem>> -> memref<1x400xi32, #tpu.memory_space<vmem>>
    %dma_wait3A_1010 = tpu.memref_squeeze %dma_wait3A_1009 : memref<1x400xi32, #tpu.memory_space<vmem>> -> memref<400xi32, #tpu.memory_space<vmem>>
    %dma_wait3A_1011 = arith.constant 0 : i32
    %dma_wait3A_1012 = tpu.memref_slice %arg14[%dma_wait3A_1011] : memref<10240xf32, #tpu.memory_space<vmem_shared>> -> memref<10240xf32, #tpu.memory_space<vmem_shared>>
    tpu.wait_indirect_dma semaphore(%arg30 : memref<!tpu.dma_semaphore, #tpu.memory_space<semaphore_mem>>) src(%arg12 : memref<400xf32, #tpu.memory_space<vmem>>) dst(%dma_wait3A_1012 : memref<10240xf32, #tpu.memory_space<vmem_shared>>)
    %dma_wait3A_1013 = arith.constant 19 : i32
    %dma_wait3A_1014 = arith.constant 0 : i32
    %dma_wait3A_1015 = tpu.memref_slice %arg11[%dma_wait3A_1013, %dma_wait3A_1014] : memref<25x400xi32, #tpu.memory_space<vmem>> -> memref<1x400xi32, #tpu.memory_space<vmem>>
    %dma_wait3A_1016 = tpu.memref_squeeze %dma_wait3A_1015 : memref<1x400xi32, #tpu.memory_space<vmem>> -> memref<400xi32, #tpu.memory_space<vmem>>
    %dma_wait3A_1017 = arith.constant 0 : i32
    %dma_wait3A_1018 = tpu.memref_slice %arg14[%dma_wait3A_1017] : memref<10240xf32, #tpu.memory_space<vmem_shared>> -> memref<10240xf32, #tpu.memory_space<vmem_shared>>
    tpu.wait_indirect_dma semaphore(%arg30 : memref<!tpu.dma_semaphore, #tpu.memory_space<semaphore_mem>>) src(%arg12 : memref<400xf32, #tpu.memory_space<vmem>>) dst(%dma_wait3A_1018 : memref<10240xf32, #tpu.memory_space<vmem_shared>>)
    %dma_wait3A_1019 = arith.constant 20 : i32
    %dma_wait3A_1020 = arith.constant 0 : i32
    %dma_wait3A_1021 = tpu.memref_slice %arg11[%dma_wait3A_1019, %dma_wait3A_1020] : memref<25x400xi32, #tpu.memory_space<vmem>> -> memref<1x400xi32, #tpu.memory_space<vmem>>
    %dma_wait3A_1022 = tpu.memref_squeeze %dma_wait3A_1021 : memref<1x400xi32, #tpu.memory_space<vmem>> -> memref<400xi32, #tpu.memory_space<vmem>>
    %dma_wait3A_1023 = arith.constant 0 : i32
    %dma_wait3A_1024 = tpu.memref_slice %arg14[%dma_wait3A_1023] : memref<10240xf32, #tpu.memory_space<vmem_shared>> -> memref<10240xf32, #tpu.memory_space<vmem_shared>>
    tpu.wait_indirect_dma semaphore(%arg30 : memref<!tpu.dma_semaphore, #tpu.memory_space<semaphore_mem>>) src(%arg12 : memref<400xf32, #tpu.memory_space<vmem>>) dst(%dma_wait3A_1024 : memref<10240xf32, #tpu.memory_space<vmem_shared>>)
    %dma_wait3A_1025 = arith.constant 21 : i32
    %dma_wait3A_1026 = arith.constant 0 : i32
    %dma_wait3A_1027 = tpu.memref_slice %arg11[%dma_wait3A_1025, %dma_wait3A_1026] : memref<25x400xi32, #tpu.memory_space<vmem>> -> memref<1x400xi32, #tpu.memory_space<vmem>>
    %dma_wait3A_1028 = tpu.memref_squeeze %dma_wait3A_1027 : memref<1x400xi32, #tpu.memory_space<vmem>> -> memref<400xi32, #tpu.memory_space<vmem>>
    %dma_wait3A_1029 = arith.constant 0 : i32
    %dma_wait3A_1030 = tpu.memref_slice %arg14[%dma_wait3A_1029] : memref<10240xf32, #tpu.memory_space<vmem_shared>> -> memref<10240xf32, #tpu.memory_space<vmem_shared>>
    tpu.wait_indirect_dma semaphore(%arg30 : memref<!tpu.dma_semaphore, #tpu.memory_space<semaphore_mem>>) src(%arg12 : memref<400xf32, #tpu.memory_space<vmem>>) dst(%dma_wait3A_1030 : memref<10240xf32, #tpu.memory_space<vmem_shared>>)
    %dma_wait3A_1031 = arith.constant 22 : i32
    %dma_wait3A_1032 = arith.constant 0 : i32
    %dma_wait3A_1033 = tpu.memref_slice %arg11[%dma_wait3A_1031, %dma_wait3A_1032] : memref<25x400xi32, #tpu.memory_space<vmem>> -> memref<1x400xi32, #tpu.memory_space<vmem>>
    %dma_wait3A_1034 = tpu.memref_squeeze %dma_wait3A_1033 : memref<1x400xi32, #tpu.memory_space<vmem>> -> memref<400xi32, #tpu.memory_space<vmem>>
    %dma_wait3A_1035 = arith.constant 0 : i32
    %dma_wait3A_1036 = tpu.memref_slice %arg14[%dma_wait3A_1035] : memref<10240xf32, #tpu.memory_space<vmem_shared>> -> memref<10240xf32, #tpu.memory_space<vmem_shared>>
    tpu.wait_indirect_dma semaphore(%arg30 : memref<!tpu.dma_semaphore, #tpu.memory_space<semaphore_mem>>) src(%arg12 : memref<400xf32, #tpu.memory_space<vmem>>) dst(%dma_wait3A_1036 : memref<10240xf32, #tpu.memory_space<vmem_shared>>)
    %dma_wait3A_1037 = arith.constant 23 : i32
    %dma_wait3A_1038 = arith.constant 0 : i32
    %dma_wait3A_1039 = tpu.memref_slice %arg11[%dma_wait3A_1037, %dma_wait3A_1038] : memref<25x400xi32, #tpu.memory_space<vmem>> -> memref<1x400xi32, #tpu.memory_space<vmem>>
    %dma_wait3A_1040 = tpu.memref_squeeze %dma_wait3A_1039 : memref<1x400xi32, #tpu.memory_space<vmem>> -> memref<400xi32, #tpu.memory_space<vmem>>
    %dma_wait3A_1041 = arith.constant 0 : i32
    %dma_wait3A_1042 = tpu.memref_slice %arg14[%dma_wait3A_1041] : memref<10240xf32, #tpu.memory_space<vmem_shared>> -> memref<10240xf32, #tpu.memory_space<vmem_shared>>
    tpu.wait_indirect_dma semaphore(%arg30 : memref<!tpu.dma_semaphore, #tpu.memory_space<semaphore_mem>>) src(%arg12 : memref<400xf32, #tpu.memory_space<vmem>>) dst(%dma_wait3A_1042 : memref<10240xf32, #tpu.memory_space<vmem_shared>>)
    %dma_wait3A_1043 = arith.constant 24 : i32
    %dma_wait3A_1044 = arith.constant 0 : i32
    %dma_wait3A_1045 = tpu.memref_slice %arg11[%dma_wait3A_1043, %dma_wait3A_1044] : memref<25x400xi32, #tpu.memory_space<vmem>> -> memref<1x400xi32, #tpu.memory_space<vmem>>
    %dma_wait3A_1046 = tpu.memref_squeeze %dma_wait3A_1045 : memref<1x400xi32, #tpu.memory_space<vmem>> -> memref<400xi32, #tpu.memory_space<vmem>>
    %dma_wait3A_1047 = arith.constant 0 : i32
    %dma_wait3A_1048 = tpu.memref_slice %arg14[%dma_wait3A_1047] : memref<10240xf32, #tpu.memory_space<vmem_shared>> -> memref<10240xf32, #tpu.memory_space<vmem_shared>>
    tpu.wait_indirect_dma semaphore(%arg30 : memref<!tpu.dma_semaphore, #tpu.memory_space<semaphore_mem>>) src(%arg12 : memref<400xf32, #tpu.memory_space<vmem>>) dst(%dma_wait3A_1048 : memref<10240xf32, #tpu.memory_space<vmem_shared>>)
    %barrier3A_1049 = arith.constant 0 : index
    tpu.barrier barrier_id(%barrier3A_1049)
    %mul3A_1050 = arith.constant 640 : i32
    %mul3A_1051 = arith.muli %arg1, %mul3A_1050 : i32
    "tpu.region"() ({
      %run_scoped3A = tpu.sem_alloc : memref<!tpu.dma_semaphore, #tpu.memory_space<semaphore_mem>>
      %dma_start3A_1052 = arith.constant 0 : i32
      %dma_start3A_1053 = tpu.memref_slice %arg8[%arg0, %mul3A_1051, %dma_start3A_1052] : memref<2x10240x16xf32, #tpu.memory_space<hbm>> -> memref<1x640x16xf32, #tpu.memory_space<hbm>>
      %dma_start3A_1054 = tpu.memref_squeeze %dma_start3A_1053 : memref<1x640x16xf32, #tpu.memory_space<hbm>> -> memref<640x16xf32, #tpu.memory_space<hbm>>
      %dma_start3A_1055 = arith.constant 0 : i32
      %dma_start3A_1056 = tpu.memref_slice %arg13[%mul3A_1051, %dma_start3A_1055] : memref<10240x16xf32, #tpu.memory_space<vmem_shared>> -> memref<640x16xf32, #tpu.memory_space<vmem_shared>>
      tpu.enqueue_dma source(%dma_start3A_1056 : memref<640x16xf32, #tpu.memory_space<vmem_shared>>) target(%dma_start3A_1054 : memref<640x16xf32, #tpu.memory_space<hbm>>) target_semaphore(%run_scoped3A : memref<!tpu.dma_semaphore, #tpu.memory_space<semaphore_mem>>)
      %dma_wait3A_1057 = arith.constant 0 : i32
      %dma_wait3A_1058 = tpu.memref_slice %arg8[%arg0, %mul3A_1051, %dma_wait3A_1057] : memref<2x10240x16xf32, #tpu.memory_space<hbm>> -> memref<1x640x16xf32, #tpu.memory_space<hbm>>
      %dma_wait3A_1059 = tpu.memref_squeeze %dma_wait3A_1058 : memref<1x640x16xf32, #tpu.memory_space<hbm>> -> memref<640x16xf32, #tpu.memory_space<hbm>>
      %dma_wait3A_1060 = arith.constant 0 : i32
      %dma_wait3A_1061 = tpu.memref_slice %arg13[%mul3A_1051, %dma_wait3A_1060] : memref<10240x16xf32, #tpu.memory_space<vmem_shared>> -> memref<640x16xf32, #tpu.memory_space<vmem_shared>>
      tpu.wait_dma2 semaphore(%run_scoped3A : memref<!tpu.dma_semaphore, #tpu.memory_space<semaphore_mem>>) src(%dma_wait3A_1061 : memref<640x16xf32, #tpu.memory_space<vmem_shared>>) dst(%dma_wait3A_1059 : memref<640x16xf32, #tpu.memory_space<hbm>>)
      tpu.yield
    }) : () -> ()
    "tpu.region"() ({
      %run_scoped3A = tpu.sem_alloc : memref<!tpu.dma_semaphore, #tpu.memory_space<semaphore_mem>>
      %dma_start3A_1052 = tpu.memref_slice %arg9[%arg0, %mul3A_1051] : memref<2x10240xf32, #tpu.memory_space<hbm>> -> memref<1x640xf32, #tpu.memory_space<hbm>>
      %dma_start3A_1053 = tpu.memref_squeeze %dma_start3A_1052 : memref<1x640xf32, #tpu.memory_space<hbm>> -> memref<640xf32, #tpu.memory_space<hbm>>
      %dma_start3A_1054 = tpu.memref_slice %arg14[%mul3A_1051] : memref<10240xf32, #tpu.memory_space<vmem_shared>> -> memref<640xf32, #tpu.memory_space<vmem_shared>>
      tpu.enqueue_dma source(%dma_start3A_1054 : memref<640xf32, #tpu.memory_space<vmem_shared>>) target(%dma_start3A_1053 : memref<640xf32, #tpu.memory_space<hbm>>) target_semaphore(%run_scoped3A : memref<!tpu.dma_semaphore, #tpu.memory_space<semaphore_mem>>)
      %dma_wait3A_1055 = tpu.memref_slice %arg9[%arg0, %mul3A_1051] : memref<2x10240xf32, #tpu.memory_space<hbm>> -> memref<1x640xf32, #tpu.memory_space<hbm>>
      %dma_wait3A_1056 = tpu.memref_squeeze %dma_wait3A_1055 : memref<1x640xf32, #tpu.memory_space<hbm>> -> memref<640xf32, #tpu.memory_space<hbm>>
      %dma_wait3A_1057 = tpu.memref_slice %arg14[%mul3A_1051] : memref<10240xf32, #tpu.memory_space<vmem_shared>> -> memref<640xf32, #tpu.memory_space<vmem_shared>>
      tpu.wait_dma2 semaphore(%run_scoped3A : memref<!tpu.dma_semaphore, #tpu.memory_space<semaphore_mem>>) src(%dma_wait3A_1057 : memref<640xf32, #tpu.memory_space<vmem_shared>>) dst(%dma_wait3A_1056 : memref<640xf32, #tpu.memory_space<hbm>>)
      tpu.yield
    }) : () -> ()
    return
  }
}

#map = affine_map<(d0, d1) -> (0, 0)>
#map1 = affine_map<(d0, d1) -> (0, 0, 0)>
#map2 = affine_map<(d0, d1) -> (0)>
module attributes {stable_mosaic.version = 14 : i64} {
  func.func @_seg_body(%arg0: i32, %arg1: i32, %arg2: memref<10000x16xf32, #tpu.memory_space<hbm>>, %arg3: memref<32x25x400xi32, #tpu.memory_space<hbm>>, %arg4: memref<32x25x400xi32, #tpu.memory_space<hbm>>, %arg5: memref<640x16xf32, #tpu.memory_space<hbm>>, %arg6: memref<640xf32, #tpu.memory_space<hbm>>, %arg7: memref<2048xf32, #tpu.memory_space<hbm>>, %arg8: memref<2x10240x16xf32, #tpu.memory_space<hbm>>, %arg9: memref<25x400xi32, #tpu.memory_space<vmem>>, %arg10: memref<25x400xi32, #tpu.memory_space<vmem>>, %arg11: memref<400xf32, #tpu.memory_space<vmem>>, %arg12: memref<10240x16xf32, #tpu.memory_space<vmem_shared>>, %arg13: memref<400x16xf32, #tpu.memory_space<vmem>>, %arg14: memref<400x16xf32, #tpu.memory_space<vmem>>, %arg15: memref<400x16xf32, #tpu.memory_space<vmem>>, %arg16: memref<400x16xf32, #tpu.memory_space<vmem>>, %arg17: memref<400x16xf32, #tpu.memory_space<vmem>>, %arg18: memref<!tpu.dma_semaphore, #tpu.memory_space<semaphore_mem>>, %arg19: memref<!tpu.dma_semaphore, #tpu.memory_space<semaphore_mem>>, %arg20: memref<!tpu.dma_semaphore, #tpu.memory_space<semaphore_mem>>, %arg21: memref<!tpu.dma_semaphore, #tpu.memory_space<semaphore_mem>>, %arg22: memref<!tpu.dma_semaphore, #tpu.memory_space<semaphore_mem>>, %arg23: memref<!tpu.dma_semaphore, #tpu.memory_space<semaphore_mem>>, %arg24: memref<!tpu.dma_semaphore, #tpu.memory_space<semaphore_mem>>, %arg25: memref<!tpu.dma_semaphore, #tpu.memory_space<semaphore_mem>>, %arg26: memref<!tpu.dma_semaphore, #tpu.memory_space<semaphore_mem>>, %arg27: memref<!tpu.dma_semaphore, #tpu.memory_space<semaphore_mem>>, %arg28: memref<!tpu.dma_semaphore, #tpu.memory_space<semaphore_mem>>) attributes {dimension_semantics = [#tpu.dimension_semantics<core_parallel>, #tpu.dimension_semantics<subcore_parallel>], iteration_bounds = array<i64: 2, 16>, scalar_prefetch = 0 : i64, scratch_operands = 20 : i64, tpu.core_type = #tpu.core_type<sc_vector_subcore>, window_params = [{transform_indices = #map}, {transform_indices = #map1}, {transform_indices = #map1}, {transform_indices = #map}, {transform_indices = #map2}, {transform_indices = #map2}, {transform_indices = #map1}]} {
    %mul3A = arith.constant 2 : i32
    %mul3A_0 = arith.muli %arg1, %mul3A : i32
    %add3A = arith.addi %mul3A_0, %arg0 : i32
    %dma_start3A = arith.constant 0 : i32
    %dma_start3A_1 = arith.constant 0 : i32
    %dma_start3A_2 = tpu.memref_slice %arg3[%add3A, %dma_start3A, %dma_start3A_1] : memref<32x25x400xi32, #tpu.memory_space<hbm>> -> memref<1x25x400xi32, #tpu.memory_space<hbm>>
    %dma_start3A_3 = tpu.memref_squeeze %dma_start3A_2 : memref<1x25x400xi32, #tpu.memory_space<hbm>> -> memref<25x400xi32, #tpu.memory_space<hbm>>
    %dma_start3A_4 = arith.constant 0 : i32
    %dma_start3A_5 = arith.constant 0 : i32
    %dma_start3A_6 = tpu.memref_slice %arg3[%add3A, %dma_start3A_4, %dma_start3A_5] : memref<32x25x400xi32, #tpu.memory_space<hbm>> -> memref<1x25x400xi32, #tpu.memory_space<hbm>>
    %dma_start3A_7 = tpu.memref_squeeze %dma_start3A_6 : memref<1x25x400xi32, #tpu.memory_space<hbm>> -> memref<25x400xi32, #tpu.memory_space<hbm>>
    tpu.enqueue_dma source(%dma_start3A_7 : memref<25x400xi32, #tpu.memory_space<hbm>>) target(%arg9 : memref<25x400xi32, #tpu.memory_space<vmem>>) target_semaphore(%arg18 : memref<!tpu.dma_semaphore, #tpu.memory_space<semaphore_mem>>)
    %dma_start3A_8 = arith.constant 0 : i32
    %dma_start3A_9 = arith.constant 0 : i32
    %dma_start3A_10 = tpu.memref_slice %arg4[%add3A, %dma_start3A_8, %dma_start3A_9] : memref<32x25x400xi32, #tpu.memory_space<hbm>> -> memref<1x25x400xi32, #tpu.memory_space<hbm>>
    %dma_start3A_11 = tpu.memref_squeeze %dma_start3A_10 : memref<1x25x400xi32, #tpu.memory_space<hbm>> -> memref<25x400xi32, #tpu.memory_space<hbm>>
    %dma_start3A_12 = arith.constant 0 : i32
    %dma_start3A_13 = arith.constant 0 : i32
    %dma_start3A_14 = tpu.memref_slice %arg4[%add3A, %dma_start3A_12, %dma_start3A_13] : memref<32x25x400xi32, #tpu.memory_space<hbm>> -> memref<1x25x400xi32, #tpu.memory_space<hbm>>
    %dma_start3A_15 = tpu.memref_squeeze %dma_start3A_14 : memref<1x25x400xi32, #tpu.memory_space<hbm>> -> memref<25x400xi32, #tpu.memory_space<hbm>>
    tpu.enqueue_dma source(%dma_start3A_15 : memref<25x400xi32, #tpu.memory_space<hbm>>) target(%arg10 : memref<25x400xi32, #tpu.memory_space<vmem>>) target_semaphore(%arg19 : memref<!tpu.dma_semaphore, #tpu.memory_space<semaphore_mem>>)
    %mul3A_16 = arith.constant 640 : i32
    %mul3A_17 = arith.muli %arg1, %mul3A_16 : i32
    %dma_start3A_18 = arith.constant 0 : i32
    %dma_start3A_19 = tpu.memref_slice %arg12[%mul3A_17, %dma_start3A_18] : memref<10240x16xf32, #tpu.memory_space<vmem_shared>> -> memref<640x16xf32, #tpu.memory_space<vmem_shared>>
    tpu.enqueue_dma source(%arg5 : memref<640x16xf32, #tpu.memory_space<hbm>>) target(%dma_start3A_19 : memref<640x16xf32, #tpu.memory_space<vmem_shared>>) target_semaphore(%arg23 : memref<!tpu.dma_semaphore, #tpu.memory_space<semaphore_mem>>)
    %dma_wait3A = arith.constant 0 : i32
    %dma_wait3A_20 = arith.constant 0 : i32
    %dma_wait3A_21 = tpu.memref_slice %arg3[%add3A, %dma_wait3A, %dma_wait3A_20] : memref<32x25x400xi32, #tpu.memory_space<hbm>> -> memref<1x25x400xi32, #tpu.memory_space<hbm>>
    %dma_wait3A_22 = tpu.memref_squeeze %dma_wait3A_21 : memref<1x25x400xi32, #tpu.memory_space<hbm>> -> memref<25x400xi32, #tpu.memory_space<hbm>>
    %dma_wait3A_23 = arith.constant 0 : i32
    %dma_wait3A_24 = arith.constant 0 : i32
    %dma_wait3A_25 = tpu.memref_slice %arg3[%add3A, %dma_wait3A_23, %dma_wait3A_24] : memref<32x25x400xi32, #tpu.memory_space<hbm>> -> memref<1x25x400xi32, #tpu.memory_space<hbm>>
    %dma_wait3A_26 = tpu.memref_squeeze %dma_wait3A_25 : memref<1x25x400xi32, #tpu.memory_space<hbm>> -> memref<25x400xi32, #tpu.memory_space<hbm>>
    tpu.wait_dma2 semaphore(%arg18 : memref<!tpu.dma_semaphore, #tpu.memory_space<semaphore_mem>>) src(%dma_wait3A_26 : memref<25x400xi32, #tpu.memory_space<hbm>>) dst(%arg9 : memref<25x400xi32, #tpu.memory_space<vmem>>)
    %dma_start3A_27 = arith.constant 0 : i32
    %dma_start3A_28 = arith.constant 0 : i32
    %dma_start3A_29 = tpu.memref_slice %arg9[%dma_start3A_27, %dma_start3A_28] : memref<25x400xi32, #tpu.memory_space<vmem>> -> memref<1x400xi32, #tpu.memory_space<vmem>>
    %dma_start3A_30 = tpu.memref_squeeze %dma_start3A_29 : memref<1x400xi32, #tpu.memory_space<vmem>> -> memref<400xi32, #tpu.memory_space<vmem>>
    %dma_start3A_31 = arith.constant 0 : i32
    %dma_start3A_32 = arith.constant 0 : i32
    %dma_start3A_33 = tpu.memref_slice %arg2[%dma_start3A_31, %dma_start3A_32] : memref<10000x16xf32, #tpu.memory_space<hbm>> -> memref<10000x16xf32, #tpu.memory_space<hbm>>
    tpu.enqueue_indirect_dma source(%dma_start3A_33 : memref<10000x16xf32, #tpu.memory_space<hbm>>) target(%arg13 : memref<400x16xf32, #tpu.memory_space<vmem>>) offsets(%dma_start3A_30 : memref<400xi32, #tpu.memory_space<vmem>>) semaphore(%arg18 : memref<!tpu.dma_semaphore, #tpu.memory_space<semaphore_mem>>)
    %dma_start3A_34 = arith.constant 1 : i32
    %dma_start3A_35 = arith.constant 0 : i32
    %dma_start3A_36 = tpu.memref_slice %arg9[%dma_start3A_34, %dma_start3A_35] : memref<25x400xi32, #tpu.memory_space<vmem>> -> memref<1x400xi32, #tpu.memory_space<vmem>>
    %dma_start3A_37 = tpu.memref_squeeze %dma_start3A_36 : memref<1x400xi32, #tpu.memory_space<vmem>> -> memref<400xi32, #tpu.memory_space<vmem>>
    %dma_start3A_38 = arith.constant 0 : i32
    %dma_start3A_39 = arith.constant 0 : i32
    %dma_start3A_40 = tpu.memref_slice %arg2[%dma_start3A_38, %dma_start3A_39] : memref<10000x16xf32, #tpu.memory_space<hbm>> -> memref<10000x16xf32, #tpu.memory_space<hbm>>
    tpu.enqueue_indirect_dma source(%dma_start3A_40 : memref<10000x16xf32, #tpu.memory_space<hbm>>) target(%arg14 : memref<400x16xf32, #tpu.memory_space<vmem>>) offsets(%dma_start3A_37 : memref<400xi32, #tpu.memory_space<vmem>>) semaphore(%arg19 : memref<!tpu.dma_semaphore, #tpu.memory_space<semaphore_mem>>)
    %dma_start3A_41 = arith.constant 2 : i32
    %dma_start3A_42 = arith.constant 0 : i32
    %dma_start3A_43 = tpu.memref_slice %arg9[%dma_start3A_41, %dma_start3A_42] : memref<25x400xi32, #tpu.memory_space<vmem>> -> memref<1x400xi32, #tpu.memory_space<vmem>>
    %dma_start3A_44 = tpu.memref_squeeze %dma_start3A_43 : memref<1x400xi32, #tpu.memory_space<vmem>> -> memref<400xi32, #tpu.memory_space<vmem>>
    %dma_start3A_45 = arith.constant 0 : i32
    %dma_start3A_46 = arith.constant 0 : i32
    %dma_start3A_47 = tpu.memref_slice %arg2[%dma_start3A_45, %dma_start3A_46] : memref<10000x16xf32, #tpu.memory_space<hbm>> -> memref<10000x16xf32, #tpu.memory_space<hbm>>
    tpu.enqueue_indirect_dma source(%dma_start3A_47 : memref<10000x16xf32, #tpu.memory_space<hbm>>) target(%arg15 : memref<400x16xf32, #tpu.memory_space<vmem>>) offsets(%dma_start3A_44 : memref<400xi32, #tpu.memory_space<vmem>>) semaphore(%arg20 : memref<!tpu.dma_semaphore, #tpu.memory_space<semaphore_mem>>)
    %dma_start3A_48 = arith.constant 3 : i32
    %dma_start3A_49 = arith.constant 0 : i32
    %dma_start3A_50 = tpu.memref_slice %arg9[%dma_start3A_48, %dma_start3A_49] : memref<25x400xi32, #tpu.memory_space<vmem>> -> memref<1x400xi32, #tpu.memory_space<vmem>>
    %dma_start3A_51 = tpu.memref_squeeze %dma_start3A_50 : memref<1x400xi32, #tpu.memory_space<vmem>> -> memref<400xi32, #tpu.memory_space<vmem>>
    %dma_start3A_52 = arith.constant 0 : i32
    %dma_start3A_53 = arith.constant 0 : i32
    %dma_start3A_54 = tpu.memref_slice %arg2[%dma_start3A_52, %dma_start3A_53] : memref<10000x16xf32, #tpu.memory_space<hbm>> -> memref<10000x16xf32, #tpu.memory_space<hbm>>
    tpu.enqueue_indirect_dma source(%dma_start3A_54 : memref<10000x16xf32, #tpu.memory_space<hbm>>) target(%arg16 : memref<400x16xf32, #tpu.memory_space<vmem>>) offsets(%dma_start3A_51 : memref<400xi32, #tpu.memory_space<vmem>>) semaphore(%arg21 : memref<!tpu.dma_semaphore, #tpu.memory_space<semaphore_mem>>)
    %dma_start3A_55 = arith.constant 4 : i32
    %dma_start3A_56 = arith.constant 0 : i32
    %dma_start3A_57 = tpu.memref_slice %arg9[%dma_start3A_55, %dma_start3A_56] : memref<25x400xi32, #tpu.memory_space<vmem>> -> memref<1x400xi32, #tpu.memory_space<vmem>>
    %dma_start3A_58 = tpu.memref_squeeze %dma_start3A_57 : memref<1x400xi32, #tpu.memory_space<vmem>> -> memref<400xi32, #tpu.memory_space<vmem>>
    %dma_start3A_59 = arith.constant 0 : i32
    %dma_start3A_60 = arith.constant 0 : i32
    %dma_start3A_61 = tpu.memref_slice %arg2[%dma_start3A_59, %dma_start3A_60] : memref<10000x16xf32, #tpu.memory_space<hbm>> -> memref<10000x16xf32, #tpu.memory_space<hbm>>
    tpu.enqueue_indirect_dma source(%dma_start3A_61 : memref<10000x16xf32, #tpu.memory_space<hbm>>) target(%arg17 : memref<400x16xf32, #tpu.memory_space<vmem>>) offsets(%dma_start3A_58 : memref<400xi32, #tpu.memory_space<vmem>>) semaphore(%arg22 : memref<!tpu.dma_semaphore, #tpu.memory_space<semaphore_mem>>)
    %dma_wait3A_62 = arith.constant 0 : i32
    %dma_wait3A_63 = arith.constant 0 : i32
    %dma_wait3A_64 = tpu.memref_slice %arg4[%add3A, %dma_wait3A_62, %dma_wait3A_63] : memref<32x25x400xi32, #tpu.memory_space<hbm>> -> memref<1x25x400xi32, #tpu.memory_space<hbm>>
    %dma_wait3A_65 = tpu.memref_squeeze %dma_wait3A_64 : memref<1x25x400xi32, #tpu.memory_space<hbm>> -> memref<25x400xi32, #tpu.memory_space<hbm>>
    %dma_wait3A_66 = arith.constant 0 : i32
    %dma_wait3A_67 = arith.constant 0 : i32
    %dma_wait3A_68 = tpu.memref_slice %arg4[%add3A, %dma_wait3A_66, %dma_wait3A_67] : memref<32x25x400xi32, #tpu.memory_space<hbm>> -> memref<1x25x400xi32, #tpu.memory_space<hbm>>
    %dma_wait3A_69 = tpu.memref_squeeze %dma_wait3A_68 : memref<1x25x400xi32, #tpu.memory_space<hbm>> -> memref<25x400xi32, #tpu.memory_space<hbm>>
    tpu.wait_dma2 semaphore(%arg19 : memref<!tpu.dma_semaphore, #tpu.memory_space<semaphore_mem>>) src(%dma_wait3A_69 : memref<25x400xi32, #tpu.memory_space<hbm>>) dst(%arg10 : memref<25x400xi32, #tpu.memory_space<vmem>>)
    %dma_wait3A_70 = arith.constant 0 : i32
    %dma_wait3A_71 = tpu.memref_slice %arg12[%mul3A_17, %dma_wait3A_70] : memref<10240x16xf32, #tpu.memory_space<vmem_shared>> -> memref<640x16xf32, #tpu.memory_space<vmem_shared>>
    tpu.wait_dma2 semaphore(%arg23 : memref<!tpu.dma_semaphore, #tpu.memory_space<semaphore_mem>>) src(%arg5 : memref<640x16xf32, #tpu.memory_space<hbm>>) dst(%dma_wait3A_71 : memref<640x16xf32, #tpu.memory_space<vmem_shared>>)
    %barrier3A = arith.constant 0 : index
    tpu.barrier barrier_id(%barrier3A)
    %dma_wait3A_72 = arith.constant 0 : i32
    %dma_wait3A_73 = arith.constant 0 : i32
    %dma_wait3A_74 = tpu.memref_slice %arg9[%dma_wait3A_72, %dma_wait3A_73] : memref<25x400xi32, #tpu.memory_space<vmem>> -> memref<1x400xi32, #tpu.memory_space<vmem>>
    %dma_wait3A_75 = tpu.memref_squeeze %dma_wait3A_74 : memref<1x400xi32, #tpu.memory_space<vmem>> -> memref<400xi32, #tpu.memory_space<vmem>>
    %dma_wait3A_76 = arith.constant 0 : i32
    %dma_wait3A_77 = arith.constant 0 : i32
    %dma_wait3A_78 = tpu.memref_slice %arg2[%dma_wait3A_76, %dma_wait3A_77] : memref<10000x16xf32, #tpu.memory_space<hbm>> -> memref<10000x16xf32, #tpu.memory_space<hbm>>
    tpu.wait_indirect_dma semaphore(%arg18 : memref<!tpu.dma_semaphore, #tpu.memory_space<semaphore_mem>>) src(%dma_wait3A_78 : memref<10000x16xf32, #tpu.memory_space<hbm>>) dst(%arg13 : memref<400x16xf32, #tpu.memory_space<vmem>>)
    %dma_start3A_79 = arith.constant 0 : i32
    %dma_start3A_80 = arith.constant 0 : i32
    %dma_start3A_81 = tpu.memref_slice %arg10[%dma_start3A_79, %dma_start3A_80] : memref<25x400xi32, #tpu.memory_space<vmem>> -> memref<1x400xi32, #tpu.memory_space<vmem>>
    %dma_start3A_82 = tpu.memref_squeeze %dma_start3A_81 : memref<1x400xi32, #tpu.memory_space<vmem>> -> memref<400xi32, #tpu.memory_space<vmem>>
    %dma_start3A_83 = arith.constant 0 : i32
    %dma_start3A_84 = arith.constant 0 : i32
    %dma_start3A_85 = tpu.memref_slice %arg12[%dma_start3A_83, %dma_start3A_84] : memref<10240x16xf32, #tpu.memory_space<vmem_shared>> -> memref<10240x16xf32, #tpu.memory_space<vmem_shared>>
    tpu.enqueue_indirect_dma source(%arg13 : memref<400x16xf32, #tpu.memory_space<vmem>>) target(%dma_start3A_85 : memref<10240x16xf32, #tpu.memory_space<vmem_shared>>) offsets(%dma_start3A_82 : memref<400xi32, #tpu.memory_space<vmem>>) semaphore(%arg23 : memref<!tpu.dma_semaphore, #tpu.memory_space<semaphore_mem>>) {add = true}
    %dma_wait3A_86 = arith.constant 0 : i32
    %dma_wait3A_87 = arith.constant 0 : i32
    %dma_wait3A_88 = tpu.memref_slice %arg10[%dma_wait3A_86, %dma_wait3A_87] : memref<25x400xi32, #tpu.memory_space<vmem>> -> memref<1x400xi32, #tpu.memory_space<vmem>>
    %dma_wait3A_89 = tpu.memref_squeeze %dma_wait3A_88 : memref<1x400xi32, #tpu.memory_space<vmem>> -> memref<400xi32, #tpu.memory_space<vmem>>
    %dma_wait3A_90 = arith.constant 0 : i32
    %dma_wait3A_91 = arith.constant 0 : i32
    %dma_wait3A_92 = tpu.memref_slice %arg12[%dma_wait3A_90, %dma_wait3A_91] : memref<10240x16xf32, #tpu.memory_space<vmem_shared>> -> memref<10240x16xf32, #tpu.memory_space<vmem_shared>>
    tpu.wait_indirect_dma semaphore(%arg23 : memref<!tpu.dma_semaphore, #tpu.memory_space<semaphore_mem>>) src(%arg13 : memref<400x16xf32, #tpu.memory_space<vmem>>) dst(%dma_wait3A_92 : memref<10240x16xf32, #tpu.memory_space<vmem_shared>>)
    %dma_start3A_93 = arith.constant 5 : i32
    %dma_start3A_94 = arith.constant 0 : i32
    %dma_start3A_95 = tpu.memref_slice %arg9[%dma_start3A_93, %dma_start3A_94] : memref<25x400xi32, #tpu.memory_space<vmem>> -> memref<1x400xi32, #tpu.memory_space<vmem>>
    %dma_start3A_96 = tpu.memref_squeeze %dma_start3A_95 : memref<1x400xi32, #tpu.memory_space<vmem>> -> memref<400xi32, #tpu.memory_space<vmem>>
    %dma_start3A_97 = arith.constant 0 : i32
    %dma_start3A_98 = arith.constant 0 : i32
    %dma_start3A_99 = tpu.memref_slice %arg2[%dma_start3A_97, %dma_start3A_98] : memref<10000x16xf32, #tpu.memory_space<hbm>> -> memref<10000x16xf32, #tpu.memory_space<hbm>>
    tpu.enqueue_indirect_dma source(%dma_start3A_99 : memref<10000x16xf32, #tpu.memory_space<hbm>>) target(%arg13 : memref<400x16xf32, #tpu.memory_space<vmem>>) offsets(%dma_start3A_96 : memref<400xi32, #tpu.memory_space<vmem>>) semaphore(%arg18 : memref<!tpu.dma_semaphore, #tpu.memory_space<semaphore_mem>>)
    %dma_wait3A_100 = arith.constant 1 : i32
    %dma_wait3A_101 = arith.constant 0 : i32
    %dma_wait3A_102 = tpu.memref_slice %arg9[%dma_wait3A_100, %dma_wait3A_101] : memref<25x400xi32, #tpu.memory_space<vmem>> -> memref<1x400xi32, #tpu.memory_space<vmem>>
    %dma_wait3A_103 = tpu.memref_squeeze %dma_wait3A_102 : memref<1x400xi32, #tpu.memory_space<vmem>> -> memref<400xi32, #tpu.memory_space<vmem>>
    %dma_wait3A_104 = arith.constant 0 : i32
    %dma_wait3A_105 = arith.constant 0 : i32
    %dma_wait3A_106 = tpu.memref_slice %arg2[%dma_wait3A_104, %dma_wait3A_105] : memref<10000x16xf32, #tpu.memory_space<hbm>> -> memref<10000x16xf32, #tpu.memory_space<hbm>>
    tpu.wait_indirect_dma semaphore(%arg19 : memref<!tpu.dma_semaphore, #tpu.memory_space<semaphore_mem>>) src(%dma_wait3A_106 : memref<10000x16xf32, #tpu.memory_space<hbm>>) dst(%arg14 : memref<400x16xf32, #tpu.memory_space<vmem>>)
    %dma_start3A_107 = arith.constant 1 : i32
    %dma_start3A_108 = arith.constant 0 : i32
    %dma_start3A_109 = tpu.memref_slice %arg10[%dma_start3A_107, %dma_start3A_108] : memref<25x400xi32, #tpu.memory_space<vmem>> -> memref<1x400xi32, #tpu.memory_space<vmem>>
    %dma_start3A_110 = tpu.memref_squeeze %dma_start3A_109 : memref<1x400xi32, #tpu.memory_space<vmem>> -> memref<400xi32, #tpu.memory_space<vmem>>
    %dma_start3A_111 = arith.constant 0 : i32
    %dma_start3A_112 = arith.constant 0 : i32
    %dma_start3A_113 = tpu.memref_slice %arg12[%dma_start3A_111, %dma_start3A_112] : memref<10240x16xf32, #tpu.memory_space<vmem_shared>> -> memref<10240x16xf32, #tpu.memory_space<vmem_shared>>
    tpu.enqueue_indirect_dma source(%arg14 : memref<400x16xf32, #tpu.memory_space<vmem>>) target(%dma_start3A_113 : memref<10240x16xf32, #tpu.memory_space<vmem_shared>>) offsets(%dma_start3A_110 : memref<400xi32, #tpu.memory_space<vmem>>) semaphore(%arg24 : memref<!tpu.dma_semaphore, #tpu.memory_space<semaphore_mem>>) {add = true}
    %dma_wait3A_114 = arith.constant 1 : i32
    %dma_wait3A_115 = arith.constant 0 : i32
    %dma_wait3A_116 = tpu.memref_slice %arg10[%dma_wait3A_114, %dma_wait3A_115] : memref<25x400xi32, #tpu.memory_space<vmem>> -> memref<1x400xi32, #tpu.memory_space<vmem>>
    %dma_wait3A_117 = tpu.memref_squeeze %dma_wait3A_116 : memref<1x400xi32, #tpu.memory_space<vmem>> -> memref<400xi32, #tpu.memory_space<vmem>>
    %dma_wait3A_118 = arith.constant 0 : i32
    %dma_wait3A_119 = arith.constant 0 : i32
    %dma_wait3A_120 = tpu.memref_slice %arg12[%dma_wait3A_118, %dma_wait3A_119] : memref<10240x16xf32, #tpu.memory_space<vmem_shared>> -> memref<10240x16xf32, #tpu.memory_space<vmem_shared>>
    tpu.wait_indirect_dma semaphore(%arg24 : memref<!tpu.dma_semaphore, #tpu.memory_space<semaphore_mem>>) src(%arg14 : memref<400x16xf32, #tpu.memory_space<vmem>>) dst(%dma_wait3A_120 : memref<10240x16xf32, #tpu.memory_space<vmem_shared>>)
    %dma_start3A_121 = arith.constant 6 : i32
    %dma_start3A_122 = arith.constant 0 : i32
    %dma_start3A_123 = tpu.memref_slice %arg9[%dma_start3A_121, %dma_start3A_122] : memref<25x400xi32, #tpu.memory_space<vmem>> -> memref<1x400xi32, #tpu.memory_space<vmem>>
    %dma_start3A_124 = tpu.memref_squeeze %dma_start3A_123 : memref<1x400xi32, #tpu.memory_space<vmem>> -> memref<400xi32, #tpu.memory_space<vmem>>
    %dma_start3A_125 = arith.constant 0 : i32
    %dma_start3A_126 = arith.constant 0 : i32
    %dma_start3A_127 = tpu.memref_slice %arg2[%dma_start3A_125, %dma_start3A_126] : memref<10000x16xf32, #tpu.memory_space<hbm>> -> memref<10000x16xf32, #tpu.memory_space<hbm>>
    tpu.enqueue_indirect_dma source(%dma_start3A_127 : memref<10000x16xf32, #tpu.memory_space<hbm>>) target(%arg14 : memref<400x16xf32, #tpu.memory_space<vmem>>) offsets(%dma_start3A_124 : memref<400xi32, #tpu.memory_space<vmem>>) semaphore(%arg19 : memref<!tpu.dma_semaphore, #tpu.memory_space<semaphore_mem>>)
    %dma_wait3A_128 = arith.constant 2 : i32
    %dma_wait3A_129 = arith.constant 0 : i32
    %dma_wait3A_130 = tpu.memref_slice %arg9[%dma_wait3A_128, %dma_wait3A_129] : memref<25x400xi32, #tpu.memory_space<vmem>> -> memref<1x400xi32, #tpu.memory_space<vmem>>
    %dma_wait3A_131 = tpu.memref_squeeze %dma_wait3A_130 : memref<1x400xi32, #tpu.memory_space<vmem>> -> memref<400xi32, #tpu.memory_space<vmem>>
    %dma_wait3A_132 = arith.constant 0 : i32
    %dma_wait3A_133 = arith.constant 0 : i32
    %dma_wait3A_134 = tpu.memref_slice %arg2[%dma_wait3A_132, %dma_wait3A_133] : memref<10000x16xf32, #tpu.memory_space<hbm>> -> memref<10000x16xf32, #tpu.memory_space<hbm>>
    tpu.wait_indirect_dma semaphore(%arg20 : memref<!tpu.dma_semaphore, #tpu.memory_space<semaphore_mem>>) src(%dma_wait3A_134 : memref<10000x16xf32, #tpu.memory_space<hbm>>) dst(%arg15 : memref<400x16xf32, #tpu.memory_space<vmem>>)
    %dma_start3A_135 = arith.constant 2 : i32
    %dma_start3A_136 = arith.constant 0 : i32
    %dma_start3A_137 = tpu.memref_slice %arg10[%dma_start3A_135, %dma_start3A_136] : memref<25x400xi32, #tpu.memory_space<vmem>> -> memref<1x400xi32, #tpu.memory_space<vmem>>
    %dma_start3A_138 = tpu.memref_squeeze %dma_start3A_137 : memref<1x400xi32, #tpu.memory_space<vmem>> -> memref<400xi32, #tpu.memory_space<vmem>>
    %dma_start3A_139 = arith.constant 0 : i32
    %dma_start3A_140 = arith.constant 0 : i32
    %dma_start3A_141 = tpu.memref_slice %arg12[%dma_start3A_139, %dma_start3A_140] : memref<10240x16xf32, #tpu.memory_space<vmem_shared>> -> memref<10240x16xf32, #tpu.memory_space<vmem_shared>>
    tpu.enqueue_indirect_dma source(%arg15 : memref<400x16xf32, #tpu.memory_space<vmem>>) target(%dma_start3A_141 : memref<10240x16xf32, #tpu.memory_space<vmem_shared>>) offsets(%dma_start3A_138 : memref<400xi32, #tpu.memory_space<vmem>>) semaphore(%arg25 : memref<!tpu.dma_semaphore, #tpu.memory_space<semaphore_mem>>) {add = true}
    %dma_wait3A_142 = arith.constant 2 : i32
    %dma_wait3A_143 = arith.constant 0 : i32
    %dma_wait3A_144 = tpu.memref_slice %arg10[%dma_wait3A_142, %dma_wait3A_143] : memref<25x400xi32, #tpu.memory_space<vmem>> -> memref<1x400xi32, #tpu.memory_space<vmem>>
    %dma_wait3A_145 = tpu.memref_squeeze %dma_wait3A_144 : memref<1x400xi32, #tpu.memory_space<vmem>> -> memref<400xi32, #tpu.memory_space<vmem>>
    %dma_wait3A_146 = arith.constant 0 : i32
    %dma_wait3A_147 = arith.constant 0 : i32
    %dma_wait3A_148 = tpu.memref_slice %arg12[%dma_wait3A_146, %dma_wait3A_147] : memref<10240x16xf32, #tpu.memory_space<vmem_shared>> -> memref<10240x16xf32, #tpu.memory_space<vmem_shared>>
    tpu.wait_indirect_dma semaphore(%arg25 : memref<!tpu.dma_semaphore, #tpu.memory_space<semaphore_mem>>) src(%arg15 : memref<400x16xf32, #tpu.memory_space<vmem>>) dst(%dma_wait3A_148 : memref<10240x16xf32, #tpu.memory_space<vmem_shared>>)
    %dma_start3A_149 = arith.constant 7 : i32
    %dma_start3A_150 = arith.constant 0 : i32
    %dma_start3A_151 = tpu.memref_slice %arg9[%dma_start3A_149, %dma_start3A_150] : memref<25x400xi32, #tpu.memory_space<vmem>> -> memref<1x400xi32, #tpu.memory_space<vmem>>
    %dma_start3A_152 = tpu.memref_squeeze %dma_start3A_151 : memref<1x400xi32, #tpu.memory_space<vmem>> -> memref<400xi32, #tpu.memory_space<vmem>>
    %dma_start3A_153 = arith.constant 0 : i32
    %dma_start3A_154 = arith.constant 0 : i32
    %dma_start3A_155 = tpu.memref_slice %arg2[%dma_start3A_153, %dma_start3A_154] : memref<10000x16xf32, #tpu.memory_space<hbm>> -> memref<10000x16xf32, #tpu.memory_space<hbm>>
    tpu.enqueue_indirect_dma source(%dma_start3A_155 : memref<10000x16xf32, #tpu.memory_space<hbm>>) target(%arg15 : memref<400x16xf32, #tpu.memory_space<vmem>>) offsets(%dma_start3A_152 : memref<400xi32, #tpu.memory_space<vmem>>) semaphore(%arg20 : memref<!tpu.dma_semaphore, #tpu.memory_space<semaphore_mem>>)
    %dma_wait3A_156 = arith.constant 3 : i32
    %dma_wait3A_157 = arith.constant 0 : i32
    %dma_wait3A_158 = tpu.memref_slice %arg9[%dma_wait3A_156, %dma_wait3A_157] : memref<25x400xi32, #tpu.memory_space<vmem>> -> memref<1x400xi32, #tpu.memory_space<vmem>>
    %dma_wait3A_159 = tpu.memref_squeeze %dma_wait3A_158 : memref<1x400xi32, #tpu.memory_space<vmem>> -> memref<400xi32, #tpu.memory_space<vmem>>
    %dma_wait3A_160 = arith.constant 0 : i32
    %dma_wait3A_161 = arith.constant 0 : i32
    %dma_wait3A_162 = tpu.memref_slice %arg2[%dma_wait3A_160, %dma_wait3A_161] : memref<10000x16xf32, #tpu.memory_space<hbm>> -> memref<10000x16xf32, #tpu.memory_space<hbm>>
    tpu.wait_indirect_dma semaphore(%arg21 : memref<!tpu.dma_semaphore, #tpu.memory_space<semaphore_mem>>) src(%dma_wait3A_162 : memref<10000x16xf32, #tpu.memory_space<hbm>>) dst(%arg16 : memref<400x16xf32, #tpu.memory_space<vmem>>)
    %dma_start3A_163 = arith.constant 3 : i32
    %dma_start3A_164 = arith.constant 0 : i32
    %dma_start3A_165 = tpu.memref_slice %arg10[%dma_start3A_163, %dma_start3A_164] : memref<25x400xi32, #tpu.memory_space<vmem>> -> memref<1x400xi32, #tpu.memory_space<vmem>>
    %dma_start3A_166 = tpu.memref_squeeze %dma_start3A_165 : memref<1x400xi32, #tpu.memory_space<vmem>> -> memref<400xi32, #tpu.memory_space<vmem>>
    %dma_start3A_167 = arith.constant 0 : i32
    %dma_start3A_168 = arith.constant 0 : i32
    %dma_start3A_169 = tpu.memref_slice %arg12[%dma_start3A_167, %dma_start3A_168] : memref<10240x16xf32, #tpu.memory_space<vmem_shared>> -> memref<10240x16xf32, #tpu.memory_space<vmem_shared>>
    tpu.enqueue_indirect_dma source(%arg16 : memref<400x16xf32, #tpu.memory_space<vmem>>) target(%dma_start3A_169 : memref<10240x16xf32, #tpu.memory_space<vmem_shared>>) offsets(%dma_start3A_166 : memref<400xi32, #tpu.memory_space<vmem>>) semaphore(%arg26 : memref<!tpu.dma_semaphore, #tpu.memory_space<semaphore_mem>>) {add = true}
    %dma_wait3A_170 = arith.constant 3 : i32
    %dma_wait3A_171 = arith.constant 0 : i32
    %dma_wait3A_172 = tpu.memref_slice %arg10[%dma_wait3A_170, %dma_wait3A_171] : memref<25x400xi32, #tpu.memory_space<vmem>> -> memref<1x400xi32, #tpu.memory_space<vmem>>
    %dma_wait3A_173 = tpu.memref_squeeze %dma_wait3A_172 : memref<1x400xi32, #tpu.memory_space<vmem>> -> memref<400xi32, #tpu.memory_space<vmem>>
    %dma_wait3A_174 = arith.constant 0 : i32
    %dma_wait3A_175 = arith.constant 0 : i32
    %dma_wait3A_176 = tpu.memref_slice %arg12[%dma_wait3A_174, %dma_wait3A_175] : memref<10240x16xf32, #tpu.memory_space<vmem_shared>> -> memref<10240x16xf32, #tpu.memory_space<vmem_shared>>
    tpu.wait_indirect_dma semaphore(%arg26 : memref<!tpu.dma_semaphore, #tpu.memory_space<semaphore_mem>>) src(%arg16 : memref<400x16xf32, #tpu.memory_space<vmem>>) dst(%dma_wait3A_176 : memref<10240x16xf32, #tpu.memory_space<vmem_shared>>)
    %dma_start3A_177 = arith.constant 8 : i32
    %dma_start3A_178 = arith.constant 0 : i32
    %dma_start3A_179 = tpu.memref_slice %arg9[%dma_start3A_177, %dma_start3A_178] : memref<25x400xi32, #tpu.memory_space<vmem>> -> memref<1x400xi32, #tpu.memory_space<vmem>>
    %dma_start3A_180 = tpu.memref_squeeze %dma_start3A_179 : memref<1x400xi32, #tpu.memory_space<vmem>> -> memref<400xi32, #tpu.memory_space<vmem>>
    %dma_start3A_181 = arith.constant 0 : i32
    %dma_start3A_182 = arith.constant 0 : i32
    %dma_start3A_183 = tpu.memref_slice %arg2[%dma_start3A_181, %dma_start3A_182] : memref<10000x16xf32, #tpu.memory_space<hbm>> -> memref<10000x16xf32, #tpu.memory_space<hbm>>
    tpu.enqueue_indirect_dma source(%dma_start3A_183 : memref<10000x16xf32, #tpu.memory_space<hbm>>) target(%arg16 : memref<400x16xf32, #tpu.memory_space<vmem>>) offsets(%dma_start3A_180 : memref<400xi32, #tpu.memory_space<vmem>>) semaphore(%arg21 : memref<!tpu.dma_semaphore, #tpu.memory_space<semaphore_mem>>)
    %dma_wait3A_184 = arith.constant 4 : i32
    %dma_wait3A_185 = arith.constant 0 : i32
    %dma_wait3A_186 = tpu.memref_slice %arg9[%dma_wait3A_184, %dma_wait3A_185] : memref<25x400xi32, #tpu.memory_space<vmem>> -> memref<1x400xi32, #tpu.memory_space<vmem>>
    %dma_wait3A_187 = tpu.memref_squeeze %dma_wait3A_186 : memref<1x400xi32, #tpu.memory_space<vmem>> -> memref<400xi32, #tpu.memory_space<vmem>>
    %dma_wait3A_188 = arith.constant 0 : i32
    %dma_wait3A_189 = arith.constant 0 : i32
    %dma_wait3A_190 = tpu.memref_slice %arg2[%dma_wait3A_188, %dma_wait3A_189] : memref<10000x16xf32, #tpu.memory_space<hbm>> -> memref<10000x16xf32, #tpu.memory_space<hbm>>
    tpu.wait_indirect_dma semaphore(%arg22 : memref<!tpu.dma_semaphore, #tpu.memory_space<semaphore_mem>>) src(%dma_wait3A_190 : memref<10000x16xf32, #tpu.memory_space<hbm>>) dst(%arg17 : memref<400x16xf32, #tpu.memory_space<vmem>>)
    %dma_start3A_191 = arith.constant 4 : i32
    %dma_start3A_192 = arith.constant 0 : i32
    %dma_start3A_193 = tpu.memref_slice %arg10[%dma_start3A_191, %dma_start3A_192] : memref<25x400xi32, #tpu.memory_space<vmem>> -> memref<1x400xi32, #tpu.memory_space<vmem>>
    %dma_start3A_194 = tpu.memref_squeeze %dma_start3A_193 : memref<1x400xi32, #tpu.memory_space<vmem>> -> memref<400xi32, #tpu.memory_space<vmem>>
    %dma_start3A_195 = arith.constant 0 : i32
    %dma_start3A_196 = arith.constant 0 : i32
    %dma_start3A_197 = tpu.memref_slice %arg12[%dma_start3A_195, %dma_start3A_196] : memref<10240x16xf32, #tpu.memory_space<vmem_shared>> -> memref<10240x16xf32, #tpu.memory_space<vmem_shared>>
    tpu.enqueue_indirect_dma source(%arg17 : memref<400x16xf32, #tpu.memory_space<vmem>>) target(%dma_start3A_197 : memref<10240x16xf32, #tpu.memory_space<vmem_shared>>) offsets(%dma_start3A_194 : memref<400xi32, #tpu.memory_space<vmem>>) semaphore(%arg27 : memref<!tpu.dma_semaphore, #tpu.memory_space<semaphore_mem>>) {add = true}
    %dma_wait3A_198 = arith.constant 4 : i32
    %dma_wait3A_199 = arith.constant 0 : i32
    %dma_wait3A_200 = tpu.memref_slice %arg10[%dma_wait3A_198, %dma_wait3A_199] : memref<25x400xi32, #tpu.memory_space<vmem>> -> memref<1x400xi32, #tpu.memory_space<vmem>>
    %dma_wait3A_201 = tpu.memref_squeeze %dma_wait3A_200 : memref<1x400xi32, #tpu.memory_space<vmem>> -> memref<400xi32, #tpu.memory_space<vmem>>
    %dma_wait3A_202 = arith.constant 0 : i32
    %dma_wait3A_203 = arith.constant 0 : i32
    %dma_wait3A_204 = tpu.memref_slice %arg12[%dma_wait3A_202, %dma_wait3A_203] : memref<10240x16xf32, #tpu.memory_space<vmem_shared>> -> memref<10240x16xf32, #tpu.memory_space<vmem_shared>>
    tpu.wait_indirect_dma semaphore(%arg27 : memref<!tpu.dma_semaphore, #tpu.memory_space<semaphore_mem>>) src(%arg17 : memref<400x16xf32, #tpu.memory_space<vmem>>) dst(%dma_wait3A_204 : memref<10240x16xf32, #tpu.memory_space<vmem_shared>>)
    %dma_start3A_205 = arith.constant 9 : i32
    %dma_start3A_206 = arith.constant 0 : i32
    %dma_start3A_207 = tpu.memref_slice %arg9[%dma_start3A_205, %dma_start3A_206] : memref<25x400xi32, #tpu.memory_space<vmem>> -> memref<1x400xi32, #tpu.memory_space<vmem>>
    %dma_start3A_208 = tpu.memref_squeeze %dma_start3A_207 : memref<1x400xi32, #tpu.memory_space<vmem>> -> memref<400xi32, #tpu.memory_space<vmem>>
    %dma_start3A_209 = arith.constant 0 : i32
    %dma_start3A_210 = arith.constant 0 : i32
    %dma_start3A_211 = tpu.memref_slice %arg2[%dma_start3A_209, %dma_start3A_210] : memref<10000x16xf32, #tpu.memory_space<hbm>> -> memref<10000x16xf32, #tpu.memory_space<hbm>>
    tpu.enqueue_indirect_dma source(%dma_start3A_211 : memref<10000x16xf32, #tpu.memory_space<hbm>>) target(%arg17 : memref<400x16xf32, #tpu.memory_space<vmem>>) offsets(%dma_start3A_208 : memref<400xi32, #tpu.memory_space<vmem>>) semaphore(%arg22 : memref<!tpu.dma_semaphore, #tpu.memory_space<semaphore_mem>>)
    %dma_wait3A_212 = arith.constant 5 : i32
    %dma_wait3A_213 = arith.constant 0 : i32
    %dma_wait3A_214 = tpu.memref_slice %arg9[%dma_wait3A_212, %dma_wait3A_213] : memref<25x400xi32, #tpu.memory_space<vmem>> -> memref<1x400xi32, #tpu.memory_space<vmem>>
    %dma_wait3A_215 = tpu.memref_squeeze %dma_wait3A_214 : memref<1x400xi32, #tpu.memory_space<vmem>> -> memref<400xi32, #tpu.memory_space<vmem>>
    %dma_wait3A_216 = arith.constant 0 : i32
    %dma_wait3A_217 = arith.constant 0 : i32
    %dma_wait3A_218 = tpu.memref_slice %arg2[%dma_wait3A_216, %dma_wait3A_217] : memref<10000x16xf32, #tpu.memory_space<hbm>> -> memref<10000x16xf32, #tpu.memory_space<hbm>>
    tpu.wait_indirect_dma semaphore(%arg18 : memref<!tpu.dma_semaphore, #tpu.memory_space<semaphore_mem>>) src(%dma_wait3A_218 : memref<10000x16xf32, #tpu.memory_space<hbm>>) dst(%arg13 : memref<400x16xf32, #tpu.memory_space<vmem>>)
    %dma_start3A_219 = arith.constant 5 : i32
    %dma_start3A_220 = arith.constant 0 : i32
    %dma_start3A_221 = tpu.memref_slice %arg10[%dma_start3A_219, %dma_start3A_220] : memref<25x400xi32, #tpu.memory_space<vmem>> -> memref<1x400xi32, #tpu.memory_space<vmem>>
    %dma_start3A_222 = tpu.memref_squeeze %dma_start3A_221 : memref<1x400xi32, #tpu.memory_space<vmem>> -> memref<400xi32, #tpu.memory_space<vmem>>
    %dma_start3A_223 = arith.constant 0 : i32
    %dma_start3A_224 = arith.constant 0 : i32
    %dma_start3A_225 = tpu.memref_slice %arg12[%dma_start3A_223, %dma_start3A_224] : memref<10240x16xf32, #tpu.memory_space<vmem_shared>> -> memref<10240x16xf32, #tpu.memory_space<vmem_shared>>
    tpu.enqueue_indirect_dma source(%arg13 : memref<400x16xf32, #tpu.memory_space<vmem>>) target(%dma_start3A_225 : memref<10240x16xf32, #tpu.memory_space<vmem_shared>>) offsets(%dma_start3A_222 : memref<400xi32, #tpu.memory_space<vmem>>) semaphore(%arg23 : memref<!tpu.dma_semaphore, #tpu.memory_space<semaphore_mem>>) {add = true}
    %dma_wait3A_226 = arith.constant 5 : i32
    %dma_wait3A_227 = arith.constant 0 : i32
    %dma_wait3A_228 = tpu.memref_slice %arg10[%dma_wait3A_226, %dma_wait3A_227] : memref<25x400xi32, #tpu.memory_space<vmem>> -> memref<1x400xi32, #tpu.memory_space<vmem>>
    %dma_wait3A_229 = tpu.memref_squeeze %dma_wait3A_228 : memref<1x400xi32, #tpu.memory_space<vmem>> -> memref<400xi32, #tpu.memory_space<vmem>>
    %dma_wait3A_230 = arith.constant 0 : i32
    %dma_wait3A_231 = arith.constant 0 : i32
    %dma_wait3A_232 = tpu.memref_slice %arg12[%dma_wait3A_230, %dma_wait3A_231] : memref<10240x16xf32, #tpu.memory_space<vmem_shared>> -> memref<10240x16xf32, #tpu.memory_space<vmem_shared>>
    tpu.wait_indirect_dma semaphore(%arg23 : memref<!tpu.dma_semaphore, #tpu.memory_space<semaphore_mem>>) src(%arg13 : memref<400x16xf32, #tpu.memory_space<vmem>>) dst(%dma_wait3A_232 : memref<10240x16xf32, #tpu.memory_space<vmem_shared>>)
    %dma_start3A_233 = arith.constant 10 : i32
    %dma_start3A_234 = arith.constant 0 : i32
    %dma_start3A_235 = tpu.memref_slice %arg9[%dma_start3A_233, %dma_start3A_234] : memref<25x400xi32, #tpu.memory_space<vmem>> -> memref<1x400xi32, #tpu.memory_space<vmem>>
    %dma_start3A_236 = tpu.memref_squeeze %dma_start3A_235 : memref<1x400xi32, #tpu.memory_space<vmem>> -> memref<400xi32, #tpu.memory_space<vmem>>
    %dma_start3A_237 = arith.constant 0 : i32
    %dma_start3A_238 = arith.constant 0 : i32
    %dma_start3A_239 = tpu.memref_slice %arg2[%dma_start3A_237, %dma_start3A_238] : memref<10000x16xf32, #tpu.memory_space<hbm>> -> memref<10000x16xf32, #tpu.memory_space<hbm>>
    tpu.enqueue_indirect_dma source(%dma_start3A_239 : memref<10000x16xf32, #tpu.memory_space<hbm>>) target(%arg13 : memref<400x16xf32, #tpu.memory_space<vmem>>) offsets(%dma_start3A_236 : memref<400xi32, #tpu.memory_space<vmem>>) semaphore(%arg18 : memref<!tpu.dma_semaphore, #tpu.memory_space<semaphore_mem>>)
    %dma_wait3A_240 = arith.constant 6 : i32
    %dma_wait3A_241 = arith.constant 0 : i32
    %dma_wait3A_242 = tpu.memref_slice %arg9[%dma_wait3A_240, %dma_wait3A_241] : memref<25x400xi32, #tpu.memory_space<vmem>> -> memref<1x400xi32, #tpu.memory_space<vmem>>
    %dma_wait3A_243 = tpu.memref_squeeze %dma_wait3A_242 : memref<1x400xi32, #tpu.memory_space<vmem>> -> memref<400xi32, #tpu.memory_space<vmem>>
    %dma_wait3A_244 = arith.constant 0 : i32
    %dma_wait3A_245 = arith.constant 0 : i32
    %dma_wait3A_246 = tpu.memref_slice %arg2[%dma_wait3A_244, %dma_wait3A_245] : memref<10000x16xf32, #tpu.memory_space<hbm>> -> memref<10000x16xf32, #tpu.memory_space<hbm>>
    tpu.wait_indirect_dma semaphore(%arg19 : memref<!tpu.dma_semaphore, #tpu.memory_space<semaphore_mem>>) src(%dma_wait3A_246 : memref<10000x16xf32, #tpu.memory_space<hbm>>) dst(%arg14 : memref<400x16xf32, #tpu.memory_space<vmem>>)
    %dma_start3A_247 = arith.constant 6 : i32
    %dma_start3A_248 = arith.constant 0 : i32
    %dma_start3A_249 = tpu.memref_slice %arg10[%dma_start3A_247, %dma_start3A_248] : memref<25x400xi32, #tpu.memory_space<vmem>> -> memref<1x400xi32, #tpu.memory_space<vmem>>
    %dma_start3A_250 = tpu.memref_squeeze %dma_start3A_249 : memref<1x400xi32, #tpu.memory_space<vmem>> -> memref<400xi32, #tpu.memory_space<vmem>>
    %dma_start3A_251 = arith.constant 0 : i32
    %dma_start3A_252 = arith.constant 0 : i32
    %dma_start3A_253 = tpu.memref_slice %arg12[%dma_start3A_251, %dma_start3A_252] : memref<10240x16xf32, #tpu.memory_space<vmem_shared>> -> memref<10240x16xf32, #tpu.memory_space<vmem_shared>>
    tpu.enqueue_indirect_dma source(%arg14 : memref<400x16xf32, #tpu.memory_space<vmem>>) target(%dma_start3A_253 : memref<10240x16xf32, #tpu.memory_space<vmem_shared>>) offsets(%dma_start3A_250 : memref<400xi32, #tpu.memory_space<vmem>>) semaphore(%arg24 : memref<!tpu.dma_semaphore, #tpu.memory_space<semaphore_mem>>) {add = true}
    %dma_wait3A_254 = arith.constant 6 : i32
    %dma_wait3A_255 = arith.constant 0 : i32
    %dma_wait3A_256 = tpu.memref_slice %arg10[%dma_wait3A_254, %dma_wait3A_255] : memref<25x400xi32, #tpu.memory_space<vmem>> -> memref<1x400xi32, #tpu.memory_space<vmem>>
    %dma_wait3A_257 = tpu.memref_squeeze %dma_wait3A_256 : memref<1x400xi32, #tpu.memory_space<vmem>> -> memref<400xi32, #tpu.memory_space<vmem>>
    %dma_wait3A_258 = arith.constant 0 : i32
    %dma_wait3A_259 = arith.constant 0 : i32
    %dma_wait3A_260 = tpu.memref_slice %arg12[%dma_wait3A_258, %dma_wait3A_259] : memref<10240x16xf32, #tpu.memory_space<vmem_shared>> -> memref<10240x16xf32, #tpu.memory_space<vmem_shared>>
    tpu.wait_indirect_dma semaphore(%arg24 : memref<!tpu.dma_semaphore, #tpu.memory_space<semaphore_mem>>) src(%arg14 : memref<400x16xf32, #tpu.memory_space<vmem>>) dst(%dma_wait3A_260 : memref<10240x16xf32, #tpu.memory_space<vmem_shared>>)
    %dma_start3A_261 = arith.constant 11 : i32
    %dma_start3A_262 = arith.constant 0 : i32
    %dma_start3A_263 = tpu.memref_slice %arg9[%dma_start3A_261, %dma_start3A_262] : memref<25x400xi32, #tpu.memory_space<vmem>> -> memref<1x400xi32, #tpu.memory_space<vmem>>
    %dma_start3A_264 = tpu.memref_squeeze %dma_start3A_263 : memref<1x400xi32, #tpu.memory_space<vmem>> -> memref<400xi32, #tpu.memory_space<vmem>>
    %dma_start3A_265 = arith.constant 0 : i32
    %dma_start3A_266 = arith.constant 0 : i32
    %dma_start3A_267 = tpu.memref_slice %arg2[%dma_start3A_265, %dma_start3A_266] : memref<10000x16xf32, #tpu.memory_space<hbm>> -> memref<10000x16xf32, #tpu.memory_space<hbm>>
    tpu.enqueue_indirect_dma source(%dma_start3A_267 : memref<10000x16xf32, #tpu.memory_space<hbm>>) target(%arg14 : memref<400x16xf32, #tpu.memory_space<vmem>>) offsets(%dma_start3A_264 : memref<400xi32, #tpu.memory_space<vmem>>) semaphore(%arg19 : memref<!tpu.dma_semaphore, #tpu.memory_space<semaphore_mem>>)
    %dma_wait3A_268 = arith.constant 7 : i32
    %dma_wait3A_269 = arith.constant 0 : i32
    %dma_wait3A_270 = tpu.memref_slice %arg9[%dma_wait3A_268, %dma_wait3A_269] : memref<25x400xi32, #tpu.memory_space<vmem>> -> memref<1x400xi32, #tpu.memory_space<vmem>>
    %dma_wait3A_271 = tpu.memref_squeeze %dma_wait3A_270 : memref<1x400xi32, #tpu.memory_space<vmem>> -> memref<400xi32, #tpu.memory_space<vmem>>
    %dma_wait3A_272 = arith.constant 0 : i32
    %dma_wait3A_273 = arith.constant 0 : i32
    %dma_wait3A_274 = tpu.memref_slice %arg2[%dma_wait3A_272, %dma_wait3A_273] : memref<10000x16xf32, #tpu.memory_space<hbm>> -> memref<10000x16xf32, #tpu.memory_space<hbm>>
    tpu.wait_indirect_dma semaphore(%arg20 : memref<!tpu.dma_semaphore, #tpu.memory_space<semaphore_mem>>) src(%dma_wait3A_274 : memref<10000x16xf32, #tpu.memory_space<hbm>>) dst(%arg15 : memref<400x16xf32, #tpu.memory_space<vmem>>)
    %dma_start3A_275 = arith.constant 7 : i32
    %dma_start3A_276 = arith.constant 0 : i32
    %dma_start3A_277 = tpu.memref_slice %arg10[%dma_start3A_275, %dma_start3A_276] : memref<25x400xi32, #tpu.memory_space<vmem>> -> memref<1x400xi32, #tpu.memory_space<vmem>>
    %dma_start3A_278 = tpu.memref_squeeze %dma_start3A_277 : memref<1x400xi32, #tpu.memory_space<vmem>> -> memref<400xi32, #tpu.memory_space<vmem>>
    %dma_start3A_279 = arith.constant 0 : i32
    %dma_start3A_280 = arith.constant 0 : i32
    %dma_start3A_281 = tpu.memref_slice %arg12[%dma_start3A_279, %dma_start3A_280] : memref<10240x16xf32, #tpu.memory_space<vmem_shared>> -> memref<10240x16xf32, #tpu.memory_space<vmem_shared>>
    tpu.enqueue_indirect_dma source(%arg15 : memref<400x16xf32, #tpu.memory_space<vmem>>) target(%dma_start3A_281 : memref<10240x16xf32, #tpu.memory_space<vmem_shared>>) offsets(%dma_start3A_278 : memref<400xi32, #tpu.memory_space<vmem>>) semaphore(%arg25 : memref<!tpu.dma_semaphore, #tpu.memory_space<semaphore_mem>>) {add = true}
    %dma_wait3A_282 = arith.constant 7 : i32
    %dma_wait3A_283 = arith.constant 0 : i32
    %dma_wait3A_284 = tpu.memref_slice %arg10[%dma_wait3A_282, %dma_wait3A_283] : memref<25x400xi32, #tpu.memory_space<vmem>> -> memref<1x400xi32, #tpu.memory_space<vmem>>
    %dma_wait3A_285 = tpu.memref_squeeze %dma_wait3A_284 : memref<1x400xi32, #tpu.memory_space<vmem>> -> memref<400xi32, #tpu.memory_space<vmem>>
    %dma_wait3A_286 = arith.constant 0 : i32
    %dma_wait3A_287 = arith.constant 0 : i32
    %dma_wait3A_288 = tpu.memref_slice %arg12[%dma_wait3A_286, %dma_wait3A_287] : memref<10240x16xf32, #tpu.memory_space<vmem_shared>> -> memref<10240x16xf32, #tpu.memory_space<vmem_shared>>
    tpu.wait_indirect_dma semaphore(%arg25 : memref<!tpu.dma_semaphore, #tpu.memory_space<semaphore_mem>>) src(%arg15 : memref<400x16xf32, #tpu.memory_space<vmem>>) dst(%dma_wait3A_288 : memref<10240x16xf32, #tpu.memory_space<vmem_shared>>)
    %dma_start3A_289 = arith.constant 12 : i32
    %dma_start3A_290 = arith.constant 0 : i32
    %dma_start3A_291 = tpu.memref_slice %arg9[%dma_start3A_289, %dma_start3A_290] : memref<25x400xi32, #tpu.memory_space<vmem>> -> memref<1x400xi32, #tpu.memory_space<vmem>>
    %dma_start3A_292 = tpu.memref_squeeze %dma_start3A_291 : memref<1x400xi32, #tpu.memory_space<vmem>> -> memref<400xi32, #tpu.memory_space<vmem>>
    %dma_start3A_293 = arith.constant 0 : i32
    %dma_start3A_294 = arith.constant 0 : i32
    %dma_start3A_295 = tpu.memref_slice %arg2[%dma_start3A_293, %dma_start3A_294] : memref<10000x16xf32, #tpu.memory_space<hbm>> -> memref<10000x16xf32, #tpu.memory_space<hbm>>
    tpu.enqueue_indirect_dma source(%dma_start3A_295 : memref<10000x16xf32, #tpu.memory_space<hbm>>) target(%arg15 : memref<400x16xf32, #tpu.memory_space<vmem>>) offsets(%dma_start3A_292 : memref<400xi32, #tpu.memory_space<vmem>>) semaphore(%arg20 : memref<!tpu.dma_semaphore, #tpu.memory_space<semaphore_mem>>)
    %dma_wait3A_296 = arith.constant 8 : i32
    %dma_wait3A_297 = arith.constant 0 : i32
    %dma_wait3A_298 = tpu.memref_slice %arg9[%dma_wait3A_296, %dma_wait3A_297] : memref<25x400xi32, #tpu.memory_space<vmem>> -> memref<1x400xi32, #tpu.memory_space<vmem>>
    %dma_wait3A_299 = tpu.memref_squeeze %dma_wait3A_298 : memref<1x400xi32, #tpu.memory_space<vmem>> -> memref<400xi32, #tpu.memory_space<vmem>>
    %dma_wait3A_300 = arith.constant 0 : i32
    %dma_wait3A_301 = arith.constant 0 : i32
    %dma_wait3A_302 = tpu.memref_slice %arg2[%dma_wait3A_300, %dma_wait3A_301] : memref<10000x16xf32, #tpu.memory_space<hbm>> -> memref<10000x16xf32, #tpu.memory_space<hbm>>
    tpu.wait_indirect_dma semaphore(%arg21 : memref<!tpu.dma_semaphore, #tpu.memory_space<semaphore_mem>>) src(%dma_wait3A_302 : memref<10000x16xf32, #tpu.memory_space<hbm>>) dst(%arg16 : memref<400x16xf32, #tpu.memory_space<vmem>>)
    %dma_start3A_303 = arith.constant 8 : i32
    %dma_start3A_304 = arith.constant 0 : i32
    %dma_start3A_305 = tpu.memref_slice %arg10[%dma_start3A_303, %dma_start3A_304] : memref<25x400xi32, #tpu.memory_space<vmem>> -> memref<1x400xi32, #tpu.memory_space<vmem>>
    %dma_start3A_306 = tpu.memref_squeeze %dma_start3A_305 : memref<1x400xi32, #tpu.memory_space<vmem>> -> memref<400xi32, #tpu.memory_space<vmem>>
    %dma_start3A_307 = arith.constant 0 : i32
    %dma_start3A_308 = arith.constant 0 : i32
    %dma_start3A_309 = tpu.memref_slice %arg12[%dma_start3A_307, %dma_start3A_308] : memref<10240x16xf32, #tpu.memory_space<vmem_shared>> -> memref<10240x16xf32, #tpu.memory_space<vmem_shared>>
    tpu.enqueue_indirect_dma source(%arg16 : memref<400x16xf32, #tpu.memory_space<vmem>>) target(%dma_start3A_309 : memref<10240x16xf32, #tpu.memory_space<vmem_shared>>) offsets(%dma_start3A_306 : memref<400xi32, #tpu.memory_space<vmem>>) semaphore(%arg26 : memref<!tpu.dma_semaphore, #tpu.memory_space<semaphore_mem>>) {add = true}
    %dma_wait3A_310 = arith.constant 8 : i32
    %dma_wait3A_311 = arith.constant 0 : i32
    %dma_wait3A_312 = tpu.memref_slice %arg10[%dma_wait3A_310, %dma_wait3A_311] : memref<25x400xi32, #tpu.memory_space<vmem>> -> memref<1x400xi32, #tpu.memory_space<vmem>>
    %dma_wait3A_313 = tpu.memref_squeeze %dma_wait3A_312 : memref<1x400xi32, #tpu.memory_space<vmem>> -> memref<400xi32, #tpu.memory_space<vmem>>
    %dma_wait3A_314 = arith.constant 0 : i32
    %dma_wait3A_315 = arith.constant 0 : i32
    %dma_wait3A_316 = tpu.memref_slice %arg12[%dma_wait3A_314, %dma_wait3A_315] : memref<10240x16xf32, #tpu.memory_space<vmem_shared>> -> memref<10240x16xf32, #tpu.memory_space<vmem_shared>>
    tpu.wait_indirect_dma semaphore(%arg26 : memref<!tpu.dma_semaphore, #tpu.memory_space<semaphore_mem>>) src(%arg16 : memref<400x16xf32, #tpu.memory_space<vmem>>) dst(%dma_wait3A_316 : memref<10240x16xf32, #tpu.memory_space<vmem_shared>>)
    %dma_start3A_317 = arith.constant 13 : i32
    %dma_start3A_318 = arith.constant 0 : i32
    %dma_start3A_319 = tpu.memref_slice %arg9[%dma_start3A_317, %dma_start3A_318] : memref<25x400xi32, #tpu.memory_space<vmem>> -> memref<1x400xi32, #tpu.memory_space<vmem>>
    %dma_start3A_320 = tpu.memref_squeeze %dma_start3A_319 : memref<1x400xi32, #tpu.memory_space<vmem>> -> memref<400xi32, #tpu.memory_space<vmem>>
    %dma_start3A_321 = arith.constant 0 : i32
    %dma_start3A_322 = arith.constant 0 : i32
    %dma_start3A_323 = tpu.memref_slice %arg2[%dma_start3A_321, %dma_start3A_322] : memref<10000x16xf32, #tpu.memory_space<hbm>> -> memref<10000x16xf32, #tpu.memory_space<hbm>>
    tpu.enqueue_indirect_dma source(%dma_start3A_323 : memref<10000x16xf32, #tpu.memory_space<hbm>>) target(%arg16 : memref<400x16xf32, #tpu.memory_space<vmem>>) offsets(%dma_start3A_320 : memref<400xi32, #tpu.memory_space<vmem>>) semaphore(%arg21 : memref<!tpu.dma_semaphore, #tpu.memory_space<semaphore_mem>>)
    %dma_wait3A_324 = arith.constant 9 : i32
    %dma_wait3A_325 = arith.constant 0 : i32
    %dma_wait3A_326 = tpu.memref_slice %arg9[%dma_wait3A_324, %dma_wait3A_325] : memref<25x400xi32, #tpu.memory_space<vmem>> -> memref<1x400xi32, #tpu.memory_space<vmem>>
    %dma_wait3A_327 = tpu.memref_squeeze %dma_wait3A_326 : memref<1x400xi32, #tpu.memory_space<vmem>> -> memref<400xi32, #tpu.memory_space<vmem>>
    %dma_wait3A_328 = arith.constant 0 : i32
    %dma_wait3A_329 = arith.constant 0 : i32
    %dma_wait3A_330 = tpu.memref_slice %arg2[%dma_wait3A_328, %dma_wait3A_329] : memref<10000x16xf32, #tpu.memory_space<hbm>> -> memref<10000x16xf32, #tpu.memory_space<hbm>>
    tpu.wait_indirect_dma semaphore(%arg22 : memref<!tpu.dma_semaphore, #tpu.memory_space<semaphore_mem>>) src(%dma_wait3A_330 : memref<10000x16xf32, #tpu.memory_space<hbm>>) dst(%arg17 : memref<400x16xf32, #tpu.memory_space<vmem>>)
    %dma_start3A_331 = arith.constant 9 : i32
    %dma_start3A_332 = arith.constant 0 : i32
    %dma_start3A_333 = tpu.memref_slice %arg10[%dma_start3A_331, %dma_start3A_332] : memref<25x400xi32, #tpu.memory_space<vmem>> -> memref<1x400xi32, #tpu.memory_space<vmem>>
    %dma_start3A_334 = tpu.memref_squeeze %dma_start3A_333 : memref<1x400xi32, #tpu.memory_space<vmem>> -> memref<400xi32, #tpu.memory_space<vmem>>
    %dma_start3A_335 = arith.constant 0 : i32
    %dma_start3A_336 = arith.constant 0 : i32
    %dma_start3A_337 = tpu.memref_slice %arg12[%dma_start3A_335, %dma_start3A_336] : memref<10240x16xf32, #tpu.memory_space<vmem_shared>> -> memref<10240x16xf32, #tpu.memory_space<vmem_shared>>
    tpu.enqueue_indirect_dma source(%arg17 : memref<400x16xf32, #tpu.memory_space<vmem>>) target(%dma_start3A_337 : memref<10240x16xf32, #tpu.memory_space<vmem_shared>>) offsets(%dma_start3A_334 : memref<400xi32, #tpu.memory_space<vmem>>) semaphore(%arg27 : memref<!tpu.dma_semaphore, #tpu.memory_space<semaphore_mem>>) {add = true}
    %dma_wait3A_338 = arith.constant 9 : i32
    %dma_wait3A_339 = arith.constant 0 : i32
    %dma_wait3A_340 = tpu.memref_slice %arg10[%dma_wait3A_338, %dma_wait3A_339] : memref<25x400xi32, #tpu.memory_space<vmem>> -> memref<1x400xi32, #tpu.memory_space<vmem>>
    %dma_wait3A_341 = tpu.memref_squeeze %dma_wait3A_340 : memref<1x400xi32, #tpu.memory_space<vmem>> -> memref<400xi32, #tpu.memory_space<vmem>>
    %dma_wait3A_342 = arith.constant 0 : i32
    %dma_wait3A_343 = arith.constant 0 : i32
    %dma_wait3A_344 = tpu.memref_slice %arg12[%dma_wait3A_342, %dma_wait3A_343] : memref<10240x16xf32, #tpu.memory_space<vmem_shared>> -> memref<10240x16xf32, #tpu.memory_space<vmem_shared>>
    tpu.wait_indirect_dma semaphore(%arg27 : memref<!tpu.dma_semaphore, #tpu.memory_space<semaphore_mem>>) src(%arg17 : memref<400x16xf32, #tpu.memory_space<vmem>>) dst(%dma_wait3A_344 : memref<10240x16xf32, #tpu.memory_space<vmem_shared>>)
    %dma_start3A_345 = arith.constant 14 : i32
    %dma_start3A_346 = arith.constant 0 : i32
    %dma_start3A_347 = tpu.memref_slice %arg9[%dma_start3A_345, %dma_start3A_346] : memref<25x400xi32, #tpu.memory_space<vmem>> -> memref<1x400xi32, #tpu.memory_space<vmem>>
    %dma_start3A_348 = tpu.memref_squeeze %dma_start3A_347 : memref<1x400xi32, #tpu.memory_space<vmem>> -> memref<400xi32, #tpu.memory_space<vmem>>
    %dma_start3A_349 = arith.constant 0 : i32
    %dma_start3A_350 = arith.constant 0 : i32
    %dma_start3A_351 = tpu.memref_slice %arg2[%dma_start3A_349, %dma_start3A_350] : memref<10000x16xf32, #tpu.memory_space<hbm>> -> memref<10000x16xf32, #tpu.memory_space<hbm>>
    tpu.enqueue_indirect_dma source(%dma_start3A_351 : memref<10000x16xf32, #tpu.memory_space<hbm>>) target(%arg17 : memref<400x16xf32, #tpu.memory_space<vmem>>) offsets(%dma_start3A_348 : memref<400xi32, #tpu.memory_space<vmem>>) semaphore(%arg22 : memref<!tpu.dma_semaphore, #tpu.memory_space<semaphore_mem>>)
    %dma_wait3A_352 = arith.constant 10 : i32
    %dma_wait3A_353 = arith.constant 0 : i32
    %dma_wait3A_354 = tpu.memref_slice %arg9[%dma_wait3A_352, %dma_wait3A_353] : memref<25x400xi32, #tpu.memory_space<vmem>> -> memref<1x400xi32, #tpu.memory_space<vmem>>
    %dma_wait3A_355 = tpu.memref_squeeze %dma_wait3A_354 : memref<1x400xi32, #tpu.memory_space<vmem>> -> memref<400xi32, #tpu.memory_space<vmem>>
    %dma_wait3A_356 = arith.constant 0 : i32
    %dma_wait3A_357 = arith.constant 0 : i32
    %dma_wait3A_358 = tpu.memref_slice %arg2[%dma_wait3A_356, %dma_wait3A_357] : memref<10000x16xf32, #tpu.memory_space<hbm>> -> memref<10000x16xf32, #tpu.memory_space<hbm>>
    tpu.wait_indirect_dma semaphore(%arg18 : memref<!tpu.dma_semaphore, #tpu.memory_space<semaphore_mem>>) src(%dma_wait3A_358 : memref<10000x16xf32, #tpu.memory_space<hbm>>) dst(%arg13 : memref<400x16xf32, #tpu.memory_space<vmem>>)
    %dma_start3A_359 = arith.constant 10 : i32
    %dma_start3A_360 = arith.constant 0 : i32
    %dma_start3A_361 = tpu.memref_slice %arg10[%dma_start3A_359, %dma_start3A_360] : memref<25x400xi32, #tpu.memory_space<vmem>> -> memref<1x400xi32, #tpu.memory_space<vmem>>
    %dma_start3A_362 = tpu.memref_squeeze %dma_start3A_361 : memref<1x400xi32, #tpu.memory_space<vmem>> -> memref<400xi32, #tpu.memory_space<vmem>>
    %dma_start3A_363 = arith.constant 0 : i32
    %dma_start3A_364 = arith.constant 0 : i32
    %dma_start3A_365 = tpu.memref_slice %arg12[%dma_start3A_363, %dma_start3A_364] : memref<10240x16xf32, #tpu.memory_space<vmem_shared>> -> memref<10240x16xf32, #tpu.memory_space<vmem_shared>>
    tpu.enqueue_indirect_dma source(%arg13 : memref<400x16xf32, #tpu.memory_space<vmem>>) target(%dma_start3A_365 : memref<10240x16xf32, #tpu.memory_space<vmem_shared>>) offsets(%dma_start3A_362 : memref<400xi32, #tpu.memory_space<vmem>>) semaphore(%arg23 : memref<!tpu.dma_semaphore, #tpu.memory_space<semaphore_mem>>) {add = true}
    %dma_wait3A_366 = arith.constant 10 : i32
    %dma_wait3A_367 = arith.constant 0 : i32
    %dma_wait3A_368 = tpu.memref_slice %arg10[%dma_wait3A_366, %dma_wait3A_367] : memref<25x400xi32, #tpu.memory_space<vmem>> -> memref<1x400xi32, #tpu.memory_space<vmem>>
    %dma_wait3A_369 = tpu.memref_squeeze %dma_wait3A_368 : memref<1x400xi32, #tpu.memory_space<vmem>> -> memref<400xi32, #tpu.memory_space<vmem>>
    %dma_wait3A_370 = arith.constant 0 : i32
    %dma_wait3A_371 = arith.constant 0 : i32
    %dma_wait3A_372 = tpu.memref_slice %arg12[%dma_wait3A_370, %dma_wait3A_371] : memref<10240x16xf32, #tpu.memory_space<vmem_shared>> -> memref<10240x16xf32, #tpu.memory_space<vmem_shared>>
    tpu.wait_indirect_dma semaphore(%arg23 : memref<!tpu.dma_semaphore, #tpu.memory_space<semaphore_mem>>) src(%arg13 : memref<400x16xf32, #tpu.memory_space<vmem>>) dst(%dma_wait3A_372 : memref<10240x16xf32, #tpu.memory_space<vmem_shared>>)
    %dma_start3A_373 = arith.constant 15 : i32
    %dma_start3A_374 = arith.constant 0 : i32
    %dma_start3A_375 = tpu.memref_slice %arg9[%dma_start3A_373, %dma_start3A_374] : memref<25x400xi32, #tpu.memory_space<vmem>> -> memref<1x400xi32, #tpu.memory_space<vmem>>
    %dma_start3A_376 = tpu.memref_squeeze %dma_start3A_375 : memref<1x400xi32, #tpu.memory_space<vmem>> -> memref<400xi32, #tpu.memory_space<vmem>>
    %dma_start3A_377 = arith.constant 0 : i32
    %dma_start3A_378 = arith.constant 0 : i32
    %dma_start3A_379 = tpu.memref_slice %arg2[%dma_start3A_377, %dma_start3A_378] : memref<10000x16xf32, #tpu.memory_space<hbm>> -> memref<10000x16xf32, #tpu.memory_space<hbm>>
    tpu.enqueue_indirect_dma source(%dma_start3A_379 : memref<10000x16xf32, #tpu.memory_space<hbm>>) target(%arg13 : memref<400x16xf32, #tpu.memory_space<vmem>>) offsets(%dma_start3A_376 : memref<400xi32, #tpu.memory_space<vmem>>) semaphore(%arg18 : memref<!tpu.dma_semaphore, #tpu.memory_space<semaphore_mem>>)
    %dma_wait3A_380 = arith.constant 11 : i32
    %dma_wait3A_381 = arith.constant 0 : i32
    %dma_wait3A_382 = tpu.memref_slice %arg9[%dma_wait3A_380, %dma_wait3A_381] : memref<25x400xi32, #tpu.memory_space<vmem>> -> memref<1x400xi32, #tpu.memory_space<vmem>>
    %dma_wait3A_383 = tpu.memref_squeeze %dma_wait3A_382 : memref<1x400xi32, #tpu.memory_space<vmem>> -> memref<400xi32, #tpu.memory_space<vmem>>
    %dma_wait3A_384 = arith.constant 0 : i32
    %dma_wait3A_385 = arith.constant 0 : i32
    %dma_wait3A_386 = tpu.memref_slice %arg2[%dma_wait3A_384, %dma_wait3A_385] : memref<10000x16xf32, #tpu.memory_space<hbm>> -> memref<10000x16xf32, #tpu.memory_space<hbm>>
    tpu.wait_indirect_dma semaphore(%arg19 : memref<!tpu.dma_semaphore, #tpu.memory_space<semaphore_mem>>) src(%dma_wait3A_386 : memref<10000x16xf32, #tpu.memory_space<hbm>>) dst(%arg14 : memref<400x16xf32, #tpu.memory_space<vmem>>)
    %dma_start3A_387 = arith.constant 11 : i32
    %dma_start3A_388 = arith.constant 0 : i32
    %dma_start3A_389 = tpu.memref_slice %arg10[%dma_start3A_387, %dma_start3A_388] : memref<25x400xi32, #tpu.memory_space<vmem>> -> memref<1x400xi32, #tpu.memory_space<vmem>>
    %dma_start3A_390 = tpu.memref_squeeze %dma_start3A_389 : memref<1x400xi32, #tpu.memory_space<vmem>> -> memref<400xi32, #tpu.memory_space<vmem>>
    %dma_start3A_391 = arith.constant 0 : i32
    %dma_start3A_392 = arith.constant 0 : i32
    %dma_start3A_393 = tpu.memref_slice %arg12[%dma_start3A_391, %dma_start3A_392] : memref<10240x16xf32, #tpu.memory_space<vmem_shared>> -> memref<10240x16xf32, #tpu.memory_space<vmem_shared>>
    tpu.enqueue_indirect_dma source(%arg14 : memref<400x16xf32, #tpu.memory_space<vmem>>) target(%dma_start3A_393 : memref<10240x16xf32, #tpu.memory_space<vmem_shared>>) offsets(%dma_start3A_390 : memref<400xi32, #tpu.memory_space<vmem>>) semaphore(%arg24 : memref<!tpu.dma_semaphore, #tpu.memory_space<semaphore_mem>>) {add = true}
    %dma_wait3A_394 = arith.constant 11 : i32
    %dma_wait3A_395 = arith.constant 0 : i32
    %dma_wait3A_396 = tpu.memref_slice %arg10[%dma_wait3A_394, %dma_wait3A_395] : memref<25x400xi32, #tpu.memory_space<vmem>> -> memref<1x400xi32, #tpu.memory_space<vmem>>
    %dma_wait3A_397 = tpu.memref_squeeze %dma_wait3A_396 : memref<1x400xi32, #tpu.memory_space<vmem>> -> memref<400xi32, #tpu.memory_space<vmem>>
    %dma_wait3A_398 = arith.constant 0 : i32
    %dma_wait3A_399 = arith.constant 0 : i32
    %dma_wait3A_400 = tpu.memref_slice %arg12[%dma_wait3A_398, %dma_wait3A_399] : memref<10240x16xf32, #tpu.memory_space<vmem_shared>> -> memref<10240x16xf32, #tpu.memory_space<vmem_shared>>
    tpu.wait_indirect_dma semaphore(%arg24 : memref<!tpu.dma_semaphore, #tpu.memory_space<semaphore_mem>>) src(%arg14 : memref<400x16xf32, #tpu.memory_space<vmem>>) dst(%dma_wait3A_400 : memref<10240x16xf32, #tpu.memory_space<vmem_shared>>)
    %dma_start3A_401 = arith.constant 16 : i32
    %dma_start3A_402 = arith.constant 0 : i32
    %dma_start3A_403 = tpu.memref_slice %arg9[%dma_start3A_401, %dma_start3A_402] : memref<25x400xi32, #tpu.memory_space<vmem>> -> memref<1x400xi32, #tpu.memory_space<vmem>>
    %dma_start3A_404 = tpu.memref_squeeze %dma_start3A_403 : memref<1x400xi32, #tpu.memory_space<vmem>> -> memref<400xi32, #tpu.memory_space<vmem>>
    %dma_start3A_405 = arith.constant 0 : i32
    %dma_start3A_406 = arith.constant 0 : i32
    %dma_start3A_407 = tpu.memref_slice %arg2[%dma_start3A_405, %dma_start3A_406] : memref<10000x16xf32, #tpu.memory_space<hbm>> -> memref<10000x16xf32, #tpu.memory_space<hbm>>
    tpu.enqueue_indirect_dma source(%dma_start3A_407 : memref<10000x16xf32, #tpu.memory_space<hbm>>) target(%arg14 : memref<400x16xf32, #tpu.memory_space<vmem>>) offsets(%dma_start3A_404 : memref<400xi32, #tpu.memory_space<vmem>>) semaphore(%arg19 : memref<!tpu.dma_semaphore, #tpu.memory_space<semaphore_mem>>)
    %dma_wait3A_408 = arith.constant 12 : i32
    %dma_wait3A_409 = arith.constant 0 : i32
    %dma_wait3A_410 = tpu.memref_slice %arg9[%dma_wait3A_408, %dma_wait3A_409] : memref<25x400xi32, #tpu.memory_space<vmem>> -> memref<1x400xi32, #tpu.memory_space<vmem>>
    %dma_wait3A_411 = tpu.memref_squeeze %dma_wait3A_410 : memref<1x400xi32, #tpu.memory_space<vmem>> -> memref<400xi32, #tpu.memory_space<vmem>>
    %dma_wait3A_412 = arith.constant 0 : i32
    %dma_wait3A_413 = arith.constant 0 : i32
    %dma_wait3A_414 = tpu.memref_slice %arg2[%dma_wait3A_412, %dma_wait3A_413] : memref<10000x16xf32, #tpu.memory_space<hbm>> -> memref<10000x16xf32, #tpu.memory_space<hbm>>
    tpu.wait_indirect_dma semaphore(%arg20 : memref<!tpu.dma_semaphore, #tpu.memory_space<semaphore_mem>>) src(%dma_wait3A_414 : memref<10000x16xf32, #tpu.memory_space<hbm>>) dst(%arg15 : memref<400x16xf32, #tpu.memory_space<vmem>>)
    %dma_start3A_415 = arith.constant 12 : i32
    %dma_start3A_416 = arith.constant 0 : i32
    %dma_start3A_417 = tpu.memref_slice %arg10[%dma_start3A_415, %dma_start3A_416] : memref<25x400xi32, #tpu.memory_space<vmem>> -> memref<1x400xi32, #tpu.memory_space<vmem>>
    %dma_start3A_418 = tpu.memref_squeeze %dma_start3A_417 : memref<1x400xi32, #tpu.memory_space<vmem>> -> memref<400xi32, #tpu.memory_space<vmem>>
    %dma_start3A_419 = arith.constant 0 : i32
    %dma_start3A_420 = arith.constant 0 : i32
    %dma_start3A_421 = tpu.memref_slice %arg12[%dma_start3A_419, %dma_start3A_420] : memref<10240x16xf32, #tpu.memory_space<vmem_shared>> -> memref<10240x16xf32, #tpu.memory_space<vmem_shared>>
    tpu.enqueue_indirect_dma source(%arg15 : memref<400x16xf32, #tpu.memory_space<vmem>>) target(%dma_start3A_421 : memref<10240x16xf32, #tpu.memory_space<vmem_shared>>) offsets(%dma_start3A_418 : memref<400xi32, #tpu.memory_space<vmem>>) semaphore(%arg25 : memref<!tpu.dma_semaphore, #tpu.memory_space<semaphore_mem>>) {add = true}
    %dma_wait3A_422 = arith.constant 12 : i32
    %dma_wait3A_423 = arith.constant 0 : i32
    %dma_wait3A_424 = tpu.memref_slice %arg10[%dma_wait3A_422, %dma_wait3A_423] : memref<25x400xi32, #tpu.memory_space<vmem>> -> memref<1x400xi32, #tpu.memory_space<vmem>>
    %dma_wait3A_425 = tpu.memref_squeeze %dma_wait3A_424 : memref<1x400xi32, #tpu.memory_space<vmem>> -> memref<400xi32, #tpu.memory_space<vmem>>
    %dma_wait3A_426 = arith.constant 0 : i32
    %dma_wait3A_427 = arith.constant 0 : i32
    %dma_wait3A_428 = tpu.memref_slice %arg12[%dma_wait3A_426, %dma_wait3A_427] : memref<10240x16xf32, #tpu.memory_space<vmem_shared>> -> memref<10240x16xf32, #tpu.memory_space<vmem_shared>>
    tpu.wait_indirect_dma semaphore(%arg25 : memref<!tpu.dma_semaphore, #tpu.memory_space<semaphore_mem>>) src(%arg15 : memref<400x16xf32, #tpu.memory_space<vmem>>) dst(%dma_wait3A_428 : memref<10240x16xf32, #tpu.memory_space<vmem_shared>>)
    %dma_start3A_429 = arith.constant 17 : i32
    %dma_start3A_430 = arith.constant 0 : i32
    %dma_start3A_431 = tpu.memref_slice %arg9[%dma_start3A_429, %dma_start3A_430] : memref<25x400xi32, #tpu.memory_space<vmem>> -> memref<1x400xi32, #tpu.memory_space<vmem>>
    %dma_start3A_432 = tpu.memref_squeeze %dma_start3A_431 : memref<1x400xi32, #tpu.memory_space<vmem>> -> memref<400xi32, #tpu.memory_space<vmem>>
    %dma_start3A_433 = arith.constant 0 : i32
    %dma_start3A_434 = arith.constant 0 : i32
    %dma_start3A_435 = tpu.memref_slice %arg2[%dma_start3A_433, %dma_start3A_434] : memref<10000x16xf32, #tpu.memory_space<hbm>> -> memref<10000x16xf32, #tpu.memory_space<hbm>>
    tpu.enqueue_indirect_dma source(%dma_start3A_435 : memref<10000x16xf32, #tpu.memory_space<hbm>>) target(%arg15 : memref<400x16xf32, #tpu.memory_space<vmem>>) offsets(%dma_start3A_432 : memref<400xi32, #tpu.memory_space<vmem>>) semaphore(%arg20 : memref<!tpu.dma_semaphore, #tpu.memory_space<semaphore_mem>>)
    %dma_wait3A_436 = arith.constant 13 : i32
    %dma_wait3A_437 = arith.constant 0 : i32
    %dma_wait3A_438 = tpu.memref_slice %arg9[%dma_wait3A_436, %dma_wait3A_437] : memref<25x400xi32, #tpu.memory_space<vmem>> -> memref<1x400xi32, #tpu.memory_space<vmem>>
    %dma_wait3A_439 = tpu.memref_squeeze %dma_wait3A_438 : memref<1x400xi32, #tpu.memory_space<vmem>> -> memref<400xi32, #tpu.memory_space<vmem>>
    %dma_wait3A_440 = arith.constant 0 : i32
    %dma_wait3A_441 = arith.constant 0 : i32
    %dma_wait3A_442 = tpu.memref_slice %arg2[%dma_wait3A_440, %dma_wait3A_441] : memref<10000x16xf32, #tpu.memory_space<hbm>> -> memref<10000x16xf32, #tpu.memory_space<hbm>>
    tpu.wait_indirect_dma semaphore(%arg21 : memref<!tpu.dma_semaphore, #tpu.memory_space<semaphore_mem>>) src(%dma_wait3A_442 : memref<10000x16xf32, #tpu.memory_space<hbm>>) dst(%arg16 : memref<400x16xf32, #tpu.memory_space<vmem>>)
    %dma_start3A_443 = arith.constant 13 : i32
    %dma_start3A_444 = arith.constant 0 : i32
    %dma_start3A_445 = tpu.memref_slice %arg10[%dma_start3A_443, %dma_start3A_444] : memref<25x400xi32, #tpu.memory_space<vmem>> -> memref<1x400xi32, #tpu.memory_space<vmem>>
    %dma_start3A_446 = tpu.memref_squeeze %dma_start3A_445 : memref<1x400xi32, #tpu.memory_space<vmem>> -> memref<400xi32, #tpu.memory_space<vmem>>
    %dma_start3A_447 = arith.constant 0 : i32
    %dma_start3A_448 = arith.constant 0 : i32
    %dma_start3A_449 = tpu.memref_slice %arg12[%dma_start3A_447, %dma_start3A_448] : memref<10240x16xf32, #tpu.memory_space<vmem_shared>> -> memref<10240x16xf32, #tpu.memory_space<vmem_shared>>
    tpu.enqueue_indirect_dma source(%arg16 : memref<400x16xf32, #tpu.memory_space<vmem>>) target(%dma_start3A_449 : memref<10240x16xf32, #tpu.memory_space<vmem_shared>>) offsets(%dma_start3A_446 : memref<400xi32, #tpu.memory_space<vmem>>) semaphore(%arg26 : memref<!tpu.dma_semaphore, #tpu.memory_space<semaphore_mem>>) {add = true}
    %dma_wait3A_450 = arith.constant 13 : i32
    %dma_wait3A_451 = arith.constant 0 : i32
    %dma_wait3A_452 = tpu.memref_slice %arg10[%dma_wait3A_450, %dma_wait3A_451] : memref<25x400xi32, #tpu.memory_space<vmem>> -> memref<1x400xi32, #tpu.memory_space<vmem>>
    %dma_wait3A_453 = tpu.memref_squeeze %dma_wait3A_452 : memref<1x400xi32, #tpu.memory_space<vmem>> -> memref<400xi32, #tpu.memory_space<vmem>>
    %dma_wait3A_454 = arith.constant 0 : i32
    %dma_wait3A_455 = arith.constant 0 : i32
    %dma_wait3A_456 = tpu.memref_slice %arg12[%dma_wait3A_454, %dma_wait3A_455] : memref<10240x16xf32, #tpu.memory_space<vmem_shared>> -> memref<10240x16xf32, #tpu.memory_space<vmem_shared>>
    tpu.wait_indirect_dma semaphore(%arg26 : memref<!tpu.dma_semaphore, #tpu.memory_space<semaphore_mem>>) src(%arg16 : memref<400x16xf32, #tpu.memory_space<vmem>>) dst(%dma_wait3A_456 : memref<10240x16xf32, #tpu.memory_space<vmem_shared>>)
    %dma_start3A_457 = arith.constant 18 : i32
    %dma_start3A_458 = arith.constant 0 : i32
    %dma_start3A_459 = tpu.memref_slice %arg9[%dma_start3A_457, %dma_start3A_458] : memref<25x400xi32, #tpu.memory_space<vmem>> -> memref<1x400xi32, #tpu.memory_space<vmem>>
    %dma_start3A_460 = tpu.memref_squeeze %dma_start3A_459 : memref<1x400xi32, #tpu.memory_space<vmem>> -> memref<400xi32, #tpu.memory_space<vmem>>
    %dma_start3A_461 = arith.constant 0 : i32
    %dma_start3A_462 = arith.constant 0 : i32
    %dma_start3A_463 = tpu.memref_slice %arg2[%dma_start3A_461, %dma_start3A_462] : memref<10000x16xf32, #tpu.memory_space<hbm>> -> memref<10000x16xf32, #tpu.memory_space<hbm>>
    tpu.enqueue_indirect_dma source(%dma_start3A_463 : memref<10000x16xf32, #tpu.memory_space<hbm>>) target(%arg16 : memref<400x16xf32, #tpu.memory_space<vmem>>) offsets(%dma_start3A_460 : memref<400xi32, #tpu.memory_space<vmem>>) semaphore(%arg21 : memref<!tpu.dma_semaphore, #tpu.memory_space<semaphore_mem>>)
    %dma_wait3A_464 = arith.constant 14 : i32
    %dma_wait3A_465 = arith.constant 0 : i32
    %dma_wait3A_466 = tpu.memref_slice %arg9[%dma_wait3A_464, %dma_wait3A_465] : memref<25x400xi32, #tpu.memory_space<vmem>> -> memref<1x400xi32, #tpu.memory_space<vmem>>
    %dma_wait3A_467 = tpu.memref_squeeze %dma_wait3A_466 : memref<1x400xi32, #tpu.memory_space<vmem>> -> memref<400xi32, #tpu.memory_space<vmem>>
    %dma_wait3A_468 = arith.constant 0 : i32
    %dma_wait3A_469 = arith.constant 0 : i32
    %dma_wait3A_470 = tpu.memref_slice %arg2[%dma_wait3A_468, %dma_wait3A_469] : memref<10000x16xf32, #tpu.memory_space<hbm>> -> memref<10000x16xf32, #tpu.memory_space<hbm>>
    tpu.wait_indirect_dma semaphore(%arg22 : memref<!tpu.dma_semaphore, #tpu.memory_space<semaphore_mem>>) src(%dma_wait3A_470 : memref<10000x16xf32, #tpu.memory_space<hbm>>) dst(%arg17 : memref<400x16xf32, #tpu.memory_space<vmem>>)
    %dma_start3A_471 = arith.constant 14 : i32
    %dma_start3A_472 = arith.constant 0 : i32
    %dma_start3A_473 = tpu.memref_slice %arg10[%dma_start3A_471, %dma_start3A_472] : memref<25x400xi32, #tpu.memory_space<vmem>> -> memref<1x400xi32, #tpu.memory_space<vmem>>
    %dma_start3A_474 = tpu.memref_squeeze %dma_start3A_473 : memref<1x400xi32, #tpu.memory_space<vmem>> -> memref<400xi32, #tpu.memory_space<vmem>>
    %dma_start3A_475 = arith.constant 0 : i32
    %dma_start3A_476 = arith.constant 0 : i32
    %dma_start3A_477 = tpu.memref_slice %arg12[%dma_start3A_475, %dma_start3A_476] : memref<10240x16xf32, #tpu.memory_space<vmem_shared>> -> memref<10240x16xf32, #tpu.memory_space<vmem_shared>>
    tpu.enqueue_indirect_dma source(%arg17 : memref<400x16xf32, #tpu.memory_space<vmem>>) target(%dma_start3A_477 : memref<10240x16xf32, #tpu.memory_space<vmem_shared>>) offsets(%dma_start3A_474 : memref<400xi32, #tpu.memory_space<vmem>>) semaphore(%arg27 : memref<!tpu.dma_semaphore, #tpu.memory_space<semaphore_mem>>) {add = true}
    %dma_wait3A_478 = arith.constant 14 : i32
    %dma_wait3A_479 = arith.constant 0 : i32
    %dma_wait3A_480 = tpu.memref_slice %arg10[%dma_wait3A_478, %dma_wait3A_479] : memref<25x400xi32, #tpu.memory_space<vmem>> -> memref<1x400xi32, #tpu.memory_space<vmem>>
    %dma_wait3A_481 = tpu.memref_squeeze %dma_wait3A_480 : memref<1x400xi32, #tpu.memory_space<vmem>> -> memref<400xi32, #tpu.memory_space<vmem>>
    %dma_wait3A_482 = arith.constant 0 : i32
    %dma_wait3A_483 = arith.constant 0 : i32
    %dma_wait3A_484 = tpu.memref_slice %arg12[%dma_wait3A_482, %dma_wait3A_483] : memref<10240x16xf32, #tpu.memory_space<vmem_shared>> -> memref<10240x16xf32, #tpu.memory_space<vmem_shared>>
    tpu.wait_indirect_dma semaphore(%arg27 : memref<!tpu.dma_semaphore, #tpu.memory_space<semaphore_mem>>) src(%arg17 : memref<400x16xf32, #tpu.memory_space<vmem>>) dst(%dma_wait3A_484 : memref<10240x16xf32, #tpu.memory_space<vmem_shared>>)
    %dma_start3A_485 = arith.constant 19 : i32
    %dma_start3A_486 = arith.constant 0 : i32
    %dma_start3A_487 = tpu.memref_slice %arg9[%dma_start3A_485, %dma_start3A_486] : memref<25x400xi32, #tpu.memory_space<vmem>> -> memref<1x400xi32, #tpu.memory_space<vmem>>
    %dma_start3A_488 = tpu.memref_squeeze %dma_start3A_487 : memref<1x400xi32, #tpu.memory_space<vmem>> -> memref<400xi32, #tpu.memory_space<vmem>>
    %dma_start3A_489 = arith.constant 0 : i32
    %dma_start3A_490 = arith.constant 0 : i32
    %dma_start3A_491 = tpu.memref_slice %arg2[%dma_start3A_489, %dma_start3A_490] : memref<10000x16xf32, #tpu.memory_space<hbm>> -> memref<10000x16xf32, #tpu.memory_space<hbm>>
    tpu.enqueue_indirect_dma source(%dma_start3A_491 : memref<10000x16xf32, #tpu.memory_space<hbm>>) target(%arg17 : memref<400x16xf32, #tpu.memory_space<vmem>>) offsets(%dma_start3A_488 : memref<400xi32, #tpu.memory_space<vmem>>) semaphore(%arg22 : memref<!tpu.dma_semaphore, #tpu.memory_space<semaphore_mem>>)
    %dma_wait3A_492 = arith.constant 15 : i32
    %dma_wait3A_493 = arith.constant 0 : i32
    %dma_wait3A_494 = tpu.memref_slice %arg9[%dma_wait3A_492, %dma_wait3A_493] : memref<25x400xi32, #tpu.memory_space<vmem>> -> memref<1x400xi32, #tpu.memory_space<vmem>>
    %dma_wait3A_495 = tpu.memref_squeeze %dma_wait3A_494 : memref<1x400xi32, #tpu.memory_space<vmem>> -> memref<400xi32, #tpu.memory_space<vmem>>
    %dma_wait3A_496 = arith.constant 0 : i32
    %dma_wait3A_497 = arith.constant 0 : i32
    %dma_wait3A_498 = tpu.memref_slice %arg2[%dma_wait3A_496, %dma_wait3A_497] : memref<10000x16xf32, #tpu.memory_space<hbm>> -> memref<10000x16xf32, #tpu.memory_space<hbm>>
    tpu.wait_indirect_dma semaphore(%arg18 : memref<!tpu.dma_semaphore, #tpu.memory_space<semaphore_mem>>) src(%dma_wait3A_498 : memref<10000x16xf32, #tpu.memory_space<hbm>>) dst(%arg13 : memref<400x16xf32, #tpu.memory_space<vmem>>)
    %dma_start3A_499 = arith.constant 15 : i32
    %dma_start3A_500 = arith.constant 0 : i32
    %dma_start3A_501 = tpu.memref_slice %arg10[%dma_start3A_499, %dma_start3A_500] : memref<25x400xi32, #tpu.memory_space<vmem>> -> memref<1x400xi32, #tpu.memory_space<vmem>>
    %dma_start3A_502 = tpu.memref_squeeze %dma_start3A_501 : memref<1x400xi32, #tpu.memory_space<vmem>> -> memref<400xi32, #tpu.memory_space<vmem>>
    %dma_start3A_503 = arith.constant 0 : i32
    %dma_start3A_504 = arith.constant 0 : i32
    %dma_start3A_505 = tpu.memref_slice %arg12[%dma_start3A_503, %dma_start3A_504] : memref<10240x16xf32, #tpu.memory_space<vmem_shared>> -> memref<10240x16xf32, #tpu.memory_space<vmem_shared>>
    tpu.enqueue_indirect_dma source(%arg13 : memref<400x16xf32, #tpu.memory_space<vmem>>) target(%dma_start3A_505 : memref<10240x16xf32, #tpu.memory_space<vmem_shared>>) offsets(%dma_start3A_502 : memref<400xi32, #tpu.memory_space<vmem>>) semaphore(%arg23 : memref<!tpu.dma_semaphore, #tpu.memory_space<semaphore_mem>>) {add = true}
    %dma_wait3A_506 = arith.constant 15 : i32
    %dma_wait3A_507 = arith.constant 0 : i32
    %dma_wait3A_508 = tpu.memref_slice %arg10[%dma_wait3A_506, %dma_wait3A_507] : memref<25x400xi32, #tpu.memory_space<vmem>> -> memref<1x400xi32, #tpu.memory_space<vmem>>
    %dma_wait3A_509 = tpu.memref_squeeze %dma_wait3A_508 : memref<1x400xi32, #tpu.memory_space<vmem>> -> memref<400xi32, #tpu.memory_space<vmem>>
    %dma_wait3A_510 = arith.constant 0 : i32
    %dma_wait3A_511 = arith.constant 0 : i32
    %dma_wait3A_512 = tpu.memref_slice %arg12[%dma_wait3A_510, %dma_wait3A_511] : memref<10240x16xf32, #tpu.memory_space<vmem_shared>> -> memref<10240x16xf32, #tpu.memory_space<vmem_shared>>
    tpu.wait_indirect_dma semaphore(%arg23 : memref<!tpu.dma_semaphore, #tpu.memory_space<semaphore_mem>>) src(%arg13 : memref<400x16xf32, #tpu.memory_space<vmem>>) dst(%dma_wait3A_512 : memref<10240x16xf32, #tpu.memory_space<vmem_shared>>)
    %dma_start3A_513 = arith.constant 20 : i32
    %dma_start3A_514 = arith.constant 0 : i32
    %dma_start3A_515 = tpu.memref_slice %arg9[%dma_start3A_513, %dma_start3A_514] : memref<25x400xi32, #tpu.memory_space<vmem>> -> memref<1x400xi32, #tpu.memory_space<vmem>>
    %dma_start3A_516 = tpu.memref_squeeze %dma_start3A_515 : memref<1x400xi32, #tpu.memory_space<vmem>> -> memref<400xi32, #tpu.memory_space<vmem>>
    %dma_start3A_517 = arith.constant 0 : i32
    %dma_start3A_518 = arith.constant 0 : i32
    %dma_start3A_519 = tpu.memref_slice %arg2[%dma_start3A_517, %dma_start3A_518] : memref<10000x16xf32, #tpu.memory_space<hbm>> -> memref<10000x16xf32, #tpu.memory_space<hbm>>
    tpu.enqueue_indirect_dma source(%dma_start3A_519 : memref<10000x16xf32, #tpu.memory_space<hbm>>) target(%arg13 : memref<400x16xf32, #tpu.memory_space<vmem>>) offsets(%dma_start3A_516 : memref<400xi32, #tpu.memory_space<vmem>>) semaphore(%arg18 : memref<!tpu.dma_semaphore, #tpu.memory_space<semaphore_mem>>)
    %dma_wait3A_520 = arith.constant 16 : i32
    %dma_wait3A_521 = arith.constant 0 : i32
    %dma_wait3A_522 = tpu.memref_slice %arg9[%dma_wait3A_520, %dma_wait3A_521] : memref<25x400xi32, #tpu.memory_space<vmem>> -> memref<1x400xi32, #tpu.memory_space<vmem>>
    %dma_wait3A_523 = tpu.memref_squeeze %dma_wait3A_522 : memref<1x400xi32, #tpu.memory_space<vmem>> -> memref<400xi32, #tpu.memory_space<vmem>>
    %dma_wait3A_524 = arith.constant 0 : i32
    %dma_wait3A_525 = arith.constant 0 : i32
    %dma_wait3A_526 = tpu.memref_slice %arg2[%dma_wait3A_524, %dma_wait3A_525] : memref<10000x16xf32, #tpu.memory_space<hbm>> -> memref<10000x16xf32, #tpu.memory_space<hbm>>
    tpu.wait_indirect_dma semaphore(%arg19 : memref<!tpu.dma_semaphore, #tpu.memory_space<semaphore_mem>>) src(%dma_wait3A_526 : memref<10000x16xf32, #tpu.memory_space<hbm>>) dst(%arg14 : memref<400x16xf32, #tpu.memory_space<vmem>>)
    %dma_start3A_527 = arith.constant 16 : i32
    %dma_start3A_528 = arith.constant 0 : i32
    %dma_start3A_529 = tpu.memref_slice %arg10[%dma_start3A_527, %dma_start3A_528] : memref<25x400xi32, #tpu.memory_space<vmem>> -> memref<1x400xi32, #tpu.memory_space<vmem>>
    %dma_start3A_530 = tpu.memref_squeeze %dma_start3A_529 : memref<1x400xi32, #tpu.memory_space<vmem>> -> memref<400xi32, #tpu.memory_space<vmem>>
    %dma_start3A_531 = arith.constant 0 : i32
    %dma_start3A_532 = arith.constant 0 : i32
    %dma_start3A_533 = tpu.memref_slice %arg12[%dma_start3A_531, %dma_start3A_532] : memref<10240x16xf32, #tpu.memory_space<vmem_shared>> -> memref<10240x16xf32, #tpu.memory_space<vmem_shared>>
    tpu.enqueue_indirect_dma source(%arg14 : memref<400x16xf32, #tpu.memory_space<vmem>>) target(%dma_start3A_533 : memref<10240x16xf32, #tpu.memory_space<vmem_shared>>) offsets(%dma_start3A_530 : memref<400xi32, #tpu.memory_space<vmem>>) semaphore(%arg24 : memref<!tpu.dma_semaphore, #tpu.memory_space<semaphore_mem>>) {add = true}
    %dma_wait3A_534 = arith.constant 16 : i32
    %dma_wait3A_535 = arith.constant 0 : i32
    %dma_wait3A_536 = tpu.memref_slice %arg10[%dma_wait3A_534, %dma_wait3A_535] : memref<25x400xi32, #tpu.memory_space<vmem>> -> memref<1x400xi32, #tpu.memory_space<vmem>>
    %dma_wait3A_537 = tpu.memref_squeeze %dma_wait3A_536 : memref<1x400xi32, #tpu.memory_space<vmem>> -> memref<400xi32, #tpu.memory_space<vmem>>
    %dma_wait3A_538 = arith.constant 0 : i32
    %dma_wait3A_539 = arith.constant 0 : i32
    %dma_wait3A_540 = tpu.memref_slice %arg12[%dma_wait3A_538, %dma_wait3A_539] : memref<10240x16xf32, #tpu.memory_space<vmem_shared>> -> memref<10240x16xf32, #tpu.memory_space<vmem_shared>>
    tpu.wait_indirect_dma semaphore(%arg24 : memref<!tpu.dma_semaphore, #tpu.memory_space<semaphore_mem>>) src(%arg14 : memref<400x16xf32, #tpu.memory_space<vmem>>) dst(%dma_wait3A_540 : memref<10240x16xf32, #tpu.memory_space<vmem_shared>>)
    %dma_start3A_541 = arith.constant 21 : i32
    %dma_start3A_542 = arith.constant 0 : i32
    %dma_start3A_543 = tpu.memref_slice %arg9[%dma_start3A_541, %dma_start3A_542] : memref<25x400xi32, #tpu.memory_space<vmem>> -> memref<1x400xi32, #tpu.memory_space<vmem>>
    %dma_start3A_544 = tpu.memref_squeeze %dma_start3A_543 : memref<1x400xi32, #tpu.memory_space<vmem>> -> memref<400xi32, #tpu.memory_space<vmem>>
    %dma_start3A_545 = arith.constant 0 : i32
    %dma_start3A_546 = arith.constant 0 : i32
    %dma_start3A_547 = tpu.memref_slice %arg2[%dma_start3A_545, %dma_start3A_546] : memref<10000x16xf32, #tpu.memory_space<hbm>> -> memref<10000x16xf32, #tpu.memory_space<hbm>>
    tpu.enqueue_indirect_dma source(%dma_start3A_547 : memref<10000x16xf32, #tpu.memory_space<hbm>>) target(%arg14 : memref<400x16xf32, #tpu.memory_space<vmem>>) offsets(%dma_start3A_544 : memref<400xi32, #tpu.memory_space<vmem>>) semaphore(%arg19 : memref<!tpu.dma_semaphore, #tpu.memory_space<semaphore_mem>>)
    %dma_wait3A_548 = arith.constant 17 : i32
    %dma_wait3A_549 = arith.constant 0 : i32
    %dma_wait3A_550 = tpu.memref_slice %arg9[%dma_wait3A_548, %dma_wait3A_549] : memref<25x400xi32, #tpu.memory_space<vmem>> -> memref<1x400xi32, #tpu.memory_space<vmem>>
    %dma_wait3A_551 = tpu.memref_squeeze %dma_wait3A_550 : memref<1x400xi32, #tpu.memory_space<vmem>> -> memref<400xi32, #tpu.memory_space<vmem>>
    %dma_wait3A_552 = arith.constant 0 : i32
    %dma_wait3A_553 = arith.constant 0 : i32
    %dma_wait3A_554 = tpu.memref_slice %arg2[%dma_wait3A_552, %dma_wait3A_553] : memref<10000x16xf32, #tpu.memory_space<hbm>> -> memref<10000x16xf32, #tpu.memory_space<hbm>>
    tpu.wait_indirect_dma semaphore(%arg20 : memref<!tpu.dma_semaphore, #tpu.memory_space<semaphore_mem>>) src(%dma_wait3A_554 : memref<10000x16xf32, #tpu.memory_space<hbm>>) dst(%arg15 : memref<400x16xf32, #tpu.memory_space<vmem>>)
    %dma_start3A_555 = arith.constant 17 : i32
    %dma_start3A_556 = arith.constant 0 : i32
    %dma_start3A_557 = tpu.memref_slice %arg10[%dma_start3A_555, %dma_start3A_556] : memref<25x400xi32, #tpu.memory_space<vmem>> -> memref<1x400xi32, #tpu.memory_space<vmem>>
    %dma_start3A_558 = tpu.memref_squeeze %dma_start3A_557 : memref<1x400xi32, #tpu.memory_space<vmem>> -> memref<400xi32, #tpu.memory_space<vmem>>
    %dma_start3A_559 = arith.constant 0 : i32
    %dma_start3A_560 = arith.constant 0 : i32
    %dma_start3A_561 = tpu.memref_slice %arg12[%dma_start3A_559, %dma_start3A_560] : memref<10240x16xf32, #tpu.memory_space<vmem_shared>> -> memref<10240x16xf32, #tpu.memory_space<vmem_shared>>
    tpu.enqueue_indirect_dma source(%arg15 : memref<400x16xf32, #tpu.memory_space<vmem>>) target(%dma_start3A_561 : memref<10240x16xf32, #tpu.memory_space<vmem_shared>>) offsets(%dma_start3A_558 : memref<400xi32, #tpu.memory_space<vmem>>) semaphore(%arg25 : memref<!tpu.dma_semaphore, #tpu.memory_space<semaphore_mem>>) {add = true}
    %dma_wait3A_562 = arith.constant 17 : i32
    %dma_wait3A_563 = arith.constant 0 : i32
    %dma_wait3A_564 = tpu.memref_slice %arg10[%dma_wait3A_562, %dma_wait3A_563] : memref<25x400xi32, #tpu.memory_space<vmem>> -> memref<1x400xi32, #tpu.memory_space<vmem>>
    %dma_wait3A_565 = tpu.memref_squeeze %dma_wait3A_564 : memref<1x400xi32, #tpu.memory_space<vmem>> -> memref<400xi32, #tpu.memory_space<vmem>>
    %dma_wait3A_566 = arith.constant 0 : i32
    %dma_wait3A_567 = arith.constant 0 : i32
    %dma_wait3A_568 = tpu.memref_slice %arg12[%dma_wait3A_566, %dma_wait3A_567] : memref<10240x16xf32, #tpu.memory_space<vmem_shared>> -> memref<10240x16xf32, #tpu.memory_space<vmem_shared>>
    tpu.wait_indirect_dma semaphore(%arg25 : memref<!tpu.dma_semaphore, #tpu.memory_space<semaphore_mem>>) src(%arg15 : memref<400x16xf32, #tpu.memory_space<vmem>>) dst(%dma_wait3A_568 : memref<10240x16xf32, #tpu.memory_space<vmem_shared>>)
    %dma_start3A_569 = arith.constant 22 : i32
    %dma_start3A_570 = arith.constant 0 : i32
    %dma_start3A_571 = tpu.memref_slice %arg9[%dma_start3A_569, %dma_start3A_570] : memref<25x400xi32, #tpu.memory_space<vmem>> -> memref<1x400xi32, #tpu.memory_space<vmem>>
    %dma_start3A_572 = tpu.memref_squeeze %dma_start3A_571 : memref<1x400xi32, #tpu.memory_space<vmem>> -> memref<400xi32, #tpu.memory_space<vmem>>
    %dma_start3A_573 = arith.constant 0 : i32
    %dma_start3A_574 = arith.constant 0 : i32
    %dma_start3A_575 = tpu.memref_slice %arg2[%dma_start3A_573, %dma_start3A_574] : memref<10000x16xf32, #tpu.memory_space<hbm>> -> memref<10000x16xf32, #tpu.memory_space<hbm>>
    tpu.enqueue_indirect_dma source(%dma_start3A_575 : memref<10000x16xf32, #tpu.memory_space<hbm>>) target(%arg15 : memref<400x16xf32, #tpu.memory_space<vmem>>) offsets(%dma_start3A_572 : memref<400xi32, #tpu.memory_space<vmem>>) semaphore(%arg20 : memref<!tpu.dma_semaphore, #tpu.memory_space<semaphore_mem>>)
    %dma_wait3A_576 = arith.constant 18 : i32
    %dma_wait3A_577 = arith.constant 0 : i32
    %dma_wait3A_578 = tpu.memref_slice %arg9[%dma_wait3A_576, %dma_wait3A_577] : memref<25x400xi32, #tpu.memory_space<vmem>> -> memref<1x400xi32, #tpu.memory_space<vmem>>
    %dma_wait3A_579 = tpu.memref_squeeze %dma_wait3A_578 : memref<1x400xi32, #tpu.memory_space<vmem>> -> memref<400xi32, #tpu.memory_space<vmem>>
    %dma_wait3A_580 = arith.constant 0 : i32
    %dma_wait3A_581 = arith.constant 0 : i32
    %dma_wait3A_582 = tpu.memref_slice %arg2[%dma_wait3A_580, %dma_wait3A_581] : memref<10000x16xf32, #tpu.memory_space<hbm>> -> memref<10000x16xf32, #tpu.memory_space<hbm>>
    tpu.wait_indirect_dma semaphore(%arg21 : memref<!tpu.dma_semaphore, #tpu.memory_space<semaphore_mem>>) src(%dma_wait3A_582 : memref<10000x16xf32, #tpu.memory_space<hbm>>) dst(%arg16 : memref<400x16xf32, #tpu.memory_space<vmem>>)
    %dma_start3A_583 = arith.constant 18 : i32
    %dma_start3A_584 = arith.constant 0 : i32
    %dma_start3A_585 = tpu.memref_slice %arg10[%dma_start3A_583, %dma_start3A_584] : memref<25x400xi32, #tpu.memory_space<vmem>> -> memref<1x400xi32, #tpu.memory_space<vmem>>
    %dma_start3A_586 = tpu.memref_squeeze %dma_start3A_585 : memref<1x400xi32, #tpu.memory_space<vmem>> -> memref<400xi32, #tpu.memory_space<vmem>>
    %dma_start3A_587 = arith.constant 0 : i32
    %dma_start3A_588 = arith.constant 0 : i32
    %dma_start3A_589 = tpu.memref_slice %arg12[%dma_start3A_587, %dma_start3A_588] : memref<10240x16xf32, #tpu.memory_space<vmem_shared>> -> memref<10240x16xf32, #tpu.memory_space<vmem_shared>>
    tpu.enqueue_indirect_dma source(%arg16 : memref<400x16xf32, #tpu.memory_space<vmem>>) target(%dma_start3A_589 : memref<10240x16xf32, #tpu.memory_space<vmem_shared>>) offsets(%dma_start3A_586 : memref<400xi32, #tpu.memory_space<vmem>>) semaphore(%arg26 : memref<!tpu.dma_semaphore, #tpu.memory_space<semaphore_mem>>) {add = true}
    %dma_wait3A_590 = arith.constant 18 : i32
    %dma_wait3A_591 = arith.constant 0 : i32
    %dma_wait3A_592 = tpu.memref_slice %arg10[%dma_wait3A_590, %dma_wait3A_591] : memref<25x400xi32, #tpu.memory_space<vmem>> -> memref<1x400xi32, #tpu.memory_space<vmem>>
    %dma_wait3A_593 = tpu.memref_squeeze %dma_wait3A_592 : memref<1x400xi32, #tpu.memory_space<vmem>> -> memref<400xi32, #tpu.memory_space<vmem>>
    %dma_wait3A_594 = arith.constant 0 : i32
    %dma_wait3A_595 = arith.constant 0 : i32
    %dma_wait3A_596 = tpu.memref_slice %arg12[%dma_wait3A_594, %dma_wait3A_595] : memref<10240x16xf32, #tpu.memory_space<vmem_shared>> -> memref<10240x16xf32, #tpu.memory_space<vmem_shared>>
    tpu.wait_indirect_dma semaphore(%arg26 : memref<!tpu.dma_semaphore, #tpu.memory_space<semaphore_mem>>) src(%arg16 : memref<400x16xf32, #tpu.memory_space<vmem>>) dst(%dma_wait3A_596 : memref<10240x16xf32, #tpu.memory_space<vmem_shared>>)
    %dma_start3A_597 = arith.constant 23 : i32
    %dma_start3A_598 = arith.constant 0 : i32
    %dma_start3A_599 = tpu.memref_slice %arg9[%dma_start3A_597, %dma_start3A_598] : memref<25x400xi32, #tpu.memory_space<vmem>> -> memref<1x400xi32, #tpu.memory_space<vmem>>
    %dma_start3A_600 = tpu.memref_squeeze %dma_start3A_599 : memref<1x400xi32, #tpu.memory_space<vmem>> -> memref<400xi32, #tpu.memory_space<vmem>>
    %dma_start3A_601 = arith.constant 0 : i32
    %dma_start3A_602 = arith.constant 0 : i32
    %dma_start3A_603 = tpu.memref_slice %arg2[%dma_start3A_601, %dma_start3A_602] : memref<10000x16xf32, #tpu.memory_space<hbm>> -> memref<10000x16xf32, #tpu.memory_space<hbm>>
    tpu.enqueue_indirect_dma source(%dma_start3A_603 : memref<10000x16xf32, #tpu.memory_space<hbm>>) target(%arg16 : memref<400x16xf32, #tpu.memory_space<vmem>>) offsets(%dma_start3A_600 : memref<400xi32, #tpu.memory_space<vmem>>) semaphore(%arg21 : memref<!tpu.dma_semaphore, #tpu.memory_space<semaphore_mem>>)
    %dma_wait3A_604 = arith.constant 19 : i32
    %dma_wait3A_605 = arith.constant 0 : i32
    %dma_wait3A_606 = tpu.memref_slice %arg9[%dma_wait3A_604, %dma_wait3A_605] : memref<25x400xi32, #tpu.memory_space<vmem>> -> memref<1x400xi32, #tpu.memory_space<vmem>>
    %dma_wait3A_607 = tpu.memref_squeeze %dma_wait3A_606 : memref<1x400xi32, #tpu.memory_space<vmem>> -> memref<400xi32, #tpu.memory_space<vmem>>
    %dma_wait3A_608 = arith.constant 0 : i32
    %dma_wait3A_609 = arith.constant 0 : i32
    %dma_wait3A_610 = tpu.memref_slice %arg2[%dma_wait3A_608, %dma_wait3A_609] : memref<10000x16xf32, #tpu.memory_space<hbm>> -> memref<10000x16xf32, #tpu.memory_space<hbm>>
    tpu.wait_indirect_dma semaphore(%arg22 : memref<!tpu.dma_semaphore, #tpu.memory_space<semaphore_mem>>) src(%dma_wait3A_610 : memref<10000x16xf32, #tpu.memory_space<hbm>>) dst(%arg17 : memref<400x16xf32, #tpu.memory_space<vmem>>)
    %dma_start3A_611 = arith.constant 19 : i32
    %dma_start3A_612 = arith.constant 0 : i32
    %dma_start3A_613 = tpu.memref_slice %arg10[%dma_start3A_611, %dma_start3A_612] : memref<25x400xi32, #tpu.memory_space<vmem>> -> memref<1x400xi32, #tpu.memory_space<vmem>>
    %dma_start3A_614 = tpu.memref_squeeze %dma_start3A_613 : memref<1x400xi32, #tpu.memory_space<vmem>> -> memref<400xi32, #tpu.memory_space<vmem>>
    %dma_start3A_615 = arith.constant 0 : i32
    %dma_start3A_616 = arith.constant 0 : i32
    %dma_start3A_617 = tpu.memref_slice %arg12[%dma_start3A_615, %dma_start3A_616] : memref<10240x16xf32, #tpu.memory_space<vmem_shared>> -> memref<10240x16xf32, #tpu.memory_space<vmem_shared>>
    tpu.enqueue_indirect_dma source(%arg17 : memref<400x16xf32, #tpu.memory_space<vmem>>) target(%dma_start3A_617 : memref<10240x16xf32, #tpu.memory_space<vmem_shared>>) offsets(%dma_start3A_614 : memref<400xi32, #tpu.memory_space<vmem>>) semaphore(%arg27 : memref<!tpu.dma_semaphore, #tpu.memory_space<semaphore_mem>>) {add = true}
    %dma_wait3A_618 = arith.constant 19 : i32
    %dma_wait3A_619 = arith.constant 0 : i32
    %dma_wait3A_620 = tpu.memref_slice %arg10[%dma_wait3A_618, %dma_wait3A_619] : memref<25x400xi32, #tpu.memory_space<vmem>> -> memref<1x400xi32, #tpu.memory_space<vmem>>
    %dma_wait3A_621 = tpu.memref_squeeze %dma_wait3A_620 : memref<1x400xi32, #tpu.memory_space<vmem>> -> memref<400xi32, #tpu.memory_space<vmem>>
    %dma_wait3A_622 = arith.constant 0 : i32
    %dma_wait3A_623 = arith.constant 0 : i32
    %dma_wait3A_624 = tpu.memref_slice %arg12[%dma_wait3A_622, %dma_wait3A_623] : memref<10240x16xf32, #tpu.memory_space<vmem_shared>> -> memref<10240x16xf32, #tpu.memory_space<vmem_shared>>
    tpu.wait_indirect_dma semaphore(%arg27 : memref<!tpu.dma_semaphore, #tpu.memory_space<semaphore_mem>>) src(%arg17 : memref<400x16xf32, #tpu.memory_space<vmem>>) dst(%dma_wait3A_624 : memref<10240x16xf32, #tpu.memory_space<vmem_shared>>)
    %dma_start3A_625 = arith.constant 24 : i32
    %dma_start3A_626 = arith.constant 0 : i32
    %dma_start3A_627 = tpu.memref_slice %arg9[%dma_start3A_625, %dma_start3A_626] : memref<25x400xi32, #tpu.memory_space<vmem>> -> memref<1x400xi32, #tpu.memory_space<vmem>>
    %dma_start3A_628 = tpu.memref_squeeze %dma_start3A_627 : memref<1x400xi32, #tpu.memory_space<vmem>> -> memref<400xi32, #tpu.memory_space<vmem>>
    %dma_start3A_629 = arith.constant 0 : i32
    %dma_start3A_630 = arith.constant 0 : i32
    %dma_start3A_631 = tpu.memref_slice %arg2[%dma_start3A_629, %dma_start3A_630] : memref<10000x16xf32, #tpu.memory_space<hbm>> -> memref<10000x16xf32, #tpu.memory_space<hbm>>
    tpu.enqueue_indirect_dma source(%dma_start3A_631 : memref<10000x16xf32, #tpu.memory_space<hbm>>) target(%arg17 : memref<400x16xf32, #tpu.memory_space<vmem>>) offsets(%dma_start3A_628 : memref<400xi32, #tpu.memory_space<vmem>>) semaphore(%arg22 : memref<!tpu.dma_semaphore, #tpu.memory_space<semaphore_mem>>)
    %dma_wait3A_632 = arith.constant 20 : i32
    %dma_wait3A_633 = arith.constant 0 : i32
    %dma_wait3A_634 = tpu.memref_slice %arg9[%dma_wait3A_632, %dma_wait3A_633] : memref<25x400xi32, #tpu.memory_space<vmem>> -> memref<1x400xi32, #tpu.memory_space<vmem>>
    %dma_wait3A_635 = tpu.memref_squeeze %dma_wait3A_634 : memref<1x400xi32, #tpu.memory_space<vmem>> -> memref<400xi32, #tpu.memory_space<vmem>>
    %dma_wait3A_636 = arith.constant 0 : i32
    %dma_wait3A_637 = arith.constant 0 : i32
    %dma_wait3A_638 = tpu.memref_slice %arg2[%dma_wait3A_636, %dma_wait3A_637] : memref<10000x16xf32, #tpu.memory_space<hbm>> -> memref<10000x16xf32, #tpu.memory_space<hbm>>
    tpu.wait_indirect_dma semaphore(%arg18 : memref<!tpu.dma_semaphore, #tpu.memory_space<semaphore_mem>>) src(%dma_wait3A_638 : memref<10000x16xf32, #tpu.memory_space<hbm>>) dst(%arg13 : memref<400x16xf32, #tpu.memory_space<vmem>>)
    %dma_start3A_639 = arith.constant 20 : i32
    %dma_start3A_640 = arith.constant 0 : i32
    %dma_start3A_641 = tpu.memref_slice %arg10[%dma_start3A_639, %dma_start3A_640] : memref<25x400xi32, #tpu.memory_space<vmem>> -> memref<1x400xi32, #tpu.memory_space<vmem>>
    %dma_start3A_642 = tpu.memref_squeeze %dma_start3A_641 : memref<1x400xi32, #tpu.memory_space<vmem>> -> memref<400xi32, #tpu.memory_space<vmem>>
    %dma_start3A_643 = arith.constant 0 : i32
    %dma_start3A_644 = arith.constant 0 : i32
    %dma_start3A_645 = tpu.memref_slice %arg12[%dma_start3A_643, %dma_start3A_644] : memref<10240x16xf32, #tpu.memory_space<vmem_shared>> -> memref<10240x16xf32, #tpu.memory_space<vmem_shared>>
    tpu.enqueue_indirect_dma source(%arg13 : memref<400x16xf32, #tpu.memory_space<vmem>>) target(%dma_start3A_645 : memref<10240x16xf32, #tpu.memory_space<vmem_shared>>) offsets(%dma_start3A_642 : memref<400xi32, #tpu.memory_space<vmem>>) semaphore(%arg23 : memref<!tpu.dma_semaphore, #tpu.memory_space<semaphore_mem>>) {add = true}
    %dma_wait3A_646 = arith.constant 21 : i32
    %dma_wait3A_647 = arith.constant 0 : i32
    %dma_wait3A_648 = tpu.memref_slice %arg9[%dma_wait3A_646, %dma_wait3A_647] : memref<25x400xi32, #tpu.memory_space<vmem>> -> memref<1x400xi32, #tpu.memory_space<vmem>>
    %dma_wait3A_649 = tpu.memref_squeeze %dma_wait3A_648 : memref<1x400xi32, #tpu.memory_space<vmem>> -> memref<400xi32, #tpu.memory_space<vmem>>
    %dma_wait3A_650 = arith.constant 0 : i32
    %dma_wait3A_651 = arith.constant 0 : i32
    %dma_wait3A_652 = tpu.memref_slice %arg2[%dma_wait3A_650, %dma_wait3A_651] : memref<10000x16xf32, #tpu.memory_space<hbm>> -> memref<10000x16xf32, #tpu.memory_space<hbm>>
    tpu.wait_indirect_dma semaphore(%arg19 : memref<!tpu.dma_semaphore, #tpu.memory_space<semaphore_mem>>) src(%dma_wait3A_652 : memref<10000x16xf32, #tpu.memory_space<hbm>>) dst(%arg14 : memref<400x16xf32, #tpu.memory_space<vmem>>)
    %dma_start3A_653 = arith.constant 21 : i32
    %dma_start3A_654 = arith.constant 0 : i32
    %dma_start3A_655 = tpu.memref_slice %arg10[%dma_start3A_653, %dma_start3A_654] : memref<25x400xi32, #tpu.memory_space<vmem>> -> memref<1x400xi32, #tpu.memory_space<vmem>>
    %dma_start3A_656 = tpu.memref_squeeze %dma_start3A_655 : memref<1x400xi32, #tpu.memory_space<vmem>> -> memref<400xi32, #tpu.memory_space<vmem>>
    %dma_start3A_657 = arith.constant 0 : i32
    %dma_start3A_658 = arith.constant 0 : i32
    %dma_start3A_659 = tpu.memref_slice %arg12[%dma_start3A_657, %dma_start3A_658] : memref<10240x16xf32, #tpu.memory_space<vmem_shared>> -> memref<10240x16xf32, #tpu.memory_space<vmem_shared>>
    tpu.enqueue_indirect_dma source(%arg14 : memref<400x16xf32, #tpu.memory_space<vmem>>) target(%dma_start3A_659 : memref<10240x16xf32, #tpu.memory_space<vmem_shared>>) offsets(%dma_start3A_656 : memref<400xi32, #tpu.memory_space<vmem>>) semaphore(%arg24 : memref<!tpu.dma_semaphore, #tpu.memory_space<semaphore_mem>>) {add = true}
    %dma_wait3A_660 = arith.constant 22 : i32
    %dma_wait3A_661 = arith.constant 0 : i32
    %dma_wait3A_662 = tpu.memref_slice %arg9[%dma_wait3A_660, %dma_wait3A_661] : memref<25x400xi32, #tpu.memory_space<vmem>> -> memref<1x400xi32, #tpu.memory_space<vmem>>
    %dma_wait3A_663 = tpu.memref_squeeze %dma_wait3A_662 : memref<1x400xi32, #tpu.memory_space<vmem>> -> memref<400xi32, #tpu.memory_space<vmem>>
    %dma_wait3A_664 = arith.constant 0 : i32
    %dma_wait3A_665 = arith.constant 0 : i32
    %dma_wait3A_666 = tpu.memref_slice %arg2[%dma_wait3A_664, %dma_wait3A_665] : memref<10000x16xf32, #tpu.memory_space<hbm>> -> memref<10000x16xf32, #tpu.memory_space<hbm>>
    tpu.wait_indirect_dma semaphore(%arg20 : memref<!tpu.dma_semaphore, #tpu.memory_space<semaphore_mem>>) src(%dma_wait3A_666 : memref<10000x16xf32, #tpu.memory_space<hbm>>) dst(%arg15 : memref<400x16xf32, #tpu.memory_space<vmem>>)
    %dma_start3A_667 = arith.constant 22 : i32
    %dma_start3A_668 = arith.constant 0 : i32
    %dma_start3A_669 = tpu.memref_slice %arg10[%dma_start3A_667, %dma_start3A_668] : memref<25x400xi32, #tpu.memory_space<vmem>> -> memref<1x400xi32, #tpu.memory_space<vmem>>
    %dma_start3A_670 = tpu.memref_squeeze %dma_start3A_669 : memref<1x400xi32, #tpu.memory_space<vmem>> -> memref<400xi32, #tpu.memory_space<vmem>>
    %dma_start3A_671 = arith.constant 0 : i32
    %dma_start3A_672 = arith.constant 0 : i32
    %dma_start3A_673 = tpu.memref_slice %arg12[%dma_start3A_671, %dma_start3A_672] : memref<10240x16xf32, #tpu.memory_space<vmem_shared>> -> memref<10240x16xf32, #tpu.memory_space<vmem_shared>>
    tpu.enqueue_indirect_dma source(%arg15 : memref<400x16xf32, #tpu.memory_space<vmem>>) target(%dma_start3A_673 : memref<10240x16xf32, #tpu.memory_space<vmem_shared>>) offsets(%dma_start3A_670 : memref<400xi32, #tpu.memory_space<vmem>>) semaphore(%arg25 : memref<!tpu.dma_semaphore, #tpu.memory_space<semaphore_mem>>) {add = true}
    %dma_wait3A_674 = arith.constant 23 : i32
    %dma_wait3A_675 = arith.constant 0 : i32
    %dma_wait3A_676 = tpu.memref_slice %arg9[%dma_wait3A_674, %dma_wait3A_675] : memref<25x400xi32, #tpu.memory_space<vmem>> -> memref<1x400xi32, #tpu.memory_space<vmem>>
    %dma_wait3A_677 = tpu.memref_squeeze %dma_wait3A_676 : memref<1x400xi32, #tpu.memory_space<vmem>> -> memref<400xi32, #tpu.memory_space<vmem>>
    %dma_wait3A_678 = arith.constant 0 : i32
    %dma_wait3A_679 = arith.constant 0 : i32
    %dma_wait3A_680 = tpu.memref_slice %arg2[%dma_wait3A_678, %dma_wait3A_679] : memref<10000x16xf32, #tpu.memory_space<hbm>> -> memref<10000x16xf32, #tpu.memory_space<hbm>>
    tpu.wait_indirect_dma semaphore(%arg21 : memref<!tpu.dma_semaphore, #tpu.memory_space<semaphore_mem>>) src(%dma_wait3A_680 : memref<10000x16xf32, #tpu.memory_space<hbm>>) dst(%arg16 : memref<400x16xf32, #tpu.memory_space<vmem>>)
    %dma_start3A_681 = arith.constant 23 : i32
    %dma_start3A_682 = arith.constant 0 : i32
    %dma_start3A_683 = tpu.memref_slice %arg10[%dma_start3A_681, %dma_start3A_682] : memref<25x400xi32, #tpu.memory_space<vmem>> -> memref<1x400xi32, #tpu.memory_space<vmem>>
    %dma_start3A_684 = tpu.memref_squeeze %dma_start3A_683 : memref<1x400xi32, #tpu.memory_space<vmem>> -> memref<400xi32, #tpu.memory_space<vmem>>
    %dma_start3A_685 = arith.constant 0 : i32
    %dma_start3A_686 = arith.constant 0 : i32
    %dma_start3A_687 = tpu.memref_slice %arg12[%dma_start3A_685, %dma_start3A_686] : memref<10240x16xf32, #tpu.memory_space<vmem_shared>> -> memref<10240x16xf32, #tpu.memory_space<vmem_shared>>
    tpu.enqueue_indirect_dma source(%arg16 : memref<400x16xf32, #tpu.memory_space<vmem>>) target(%dma_start3A_687 : memref<10240x16xf32, #tpu.memory_space<vmem_shared>>) offsets(%dma_start3A_684 : memref<400xi32, #tpu.memory_space<vmem>>) semaphore(%arg26 : memref<!tpu.dma_semaphore, #tpu.memory_space<semaphore_mem>>) {add = true}
    %dma_wait3A_688 = arith.constant 24 : i32
    %dma_wait3A_689 = arith.constant 0 : i32
    %dma_wait3A_690 = tpu.memref_slice %arg9[%dma_wait3A_688, %dma_wait3A_689] : memref<25x400xi32, #tpu.memory_space<vmem>> -> memref<1x400xi32, #tpu.memory_space<vmem>>
    %dma_wait3A_691 = tpu.memref_squeeze %dma_wait3A_690 : memref<1x400xi32, #tpu.memory_space<vmem>> -> memref<400xi32, #tpu.memory_space<vmem>>
    %dma_wait3A_692 = arith.constant 0 : i32
    %dma_wait3A_693 = arith.constant 0 : i32
    %dma_wait3A_694 = tpu.memref_slice %arg2[%dma_wait3A_692, %dma_wait3A_693] : memref<10000x16xf32, #tpu.memory_space<hbm>> -> memref<10000x16xf32, #tpu.memory_space<hbm>>
    tpu.wait_indirect_dma semaphore(%arg22 : memref<!tpu.dma_semaphore, #tpu.memory_space<semaphore_mem>>) src(%dma_wait3A_694 : memref<10000x16xf32, #tpu.memory_space<hbm>>) dst(%arg17 : memref<400x16xf32, #tpu.memory_space<vmem>>)
    %dma_start3A_695 = arith.constant 24 : i32
    %dma_start3A_696 = arith.constant 0 : i32
    %dma_start3A_697 = tpu.memref_slice %arg10[%dma_start3A_695, %dma_start3A_696] : memref<25x400xi32, #tpu.memory_space<vmem>> -> memref<1x400xi32, #tpu.memory_space<vmem>>
    %dma_start3A_698 = tpu.memref_squeeze %dma_start3A_697 : memref<1x400xi32, #tpu.memory_space<vmem>> -> memref<400xi32, #tpu.memory_space<vmem>>
    %dma_start3A_699 = arith.constant 0 : i32
    %dma_start3A_700 = arith.constant 0 : i32
    %dma_start3A_701 = tpu.memref_slice %arg12[%dma_start3A_699, %dma_start3A_700] : memref<10240x16xf32, #tpu.memory_space<vmem_shared>> -> memref<10240x16xf32, #tpu.memory_space<vmem_shared>>
    tpu.enqueue_indirect_dma source(%arg17 : memref<400x16xf32, #tpu.memory_space<vmem>>) target(%dma_start3A_701 : memref<10240x16xf32, #tpu.memory_space<vmem_shared>>) offsets(%dma_start3A_698 : memref<400xi32, #tpu.memory_space<vmem>>) semaphore(%arg27 : memref<!tpu.dma_semaphore, #tpu.memory_space<semaphore_mem>>) {add = true}
    %dma_wait3A_702 = arith.constant 20 : i32
    %dma_wait3A_703 = arith.constant 0 : i32
    %dma_wait3A_704 = tpu.memref_slice %arg10[%dma_wait3A_702, %dma_wait3A_703] : memref<25x400xi32, #tpu.memory_space<vmem>> -> memref<1x400xi32, #tpu.memory_space<vmem>>
    %dma_wait3A_705 = tpu.memref_squeeze %dma_wait3A_704 : memref<1x400xi32, #tpu.memory_space<vmem>> -> memref<400xi32, #tpu.memory_space<vmem>>
    %dma_wait3A_706 = arith.constant 0 : i32
    %dma_wait3A_707 = arith.constant 0 : i32
    %dma_wait3A_708 = tpu.memref_slice %arg12[%dma_wait3A_706, %dma_wait3A_707] : memref<10240x16xf32, #tpu.memory_space<vmem_shared>> -> memref<10240x16xf32, #tpu.memory_space<vmem_shared>>
    tpu.wait_indirect_dma semaphore(%arg23 : memref<!tpu.dma_semaphore, #tpu.memory_space<semaphore_mem>>) src(%arg13 : memref<400x16xf32, #tpu.memory_space<vmem>>) dst(%dma_wait3A_708 : memref<10240x16xf32, #tpu.memory_space<vmem_shared>>)
    %dma_wait3A_709 = arith.constant 21 : i32
    %dma_wait3A_710 = arith.constant 0 : i32
    %dma_wait3A_711 = tpu.memref_slice %arg10[%dma_wait3A_709, %dma_wait3A_710] : memref<25x400xi32, #tpu.memory_space<vmem>> -> memref<1x400xi32, #tpu.memory_space<vmem>>
    %dma_wait3A_712 = tpu.memref_squeeze %dma_wait3A_711 : memref<1x400xi32, #tpu.memory_space<vmem>> -> memref<400xi32, #tpu.memory_space<vmem>>
    %dma_wait3A_713 = arith.constant 0 : i32
    %dma_wait3A_714 = arith.constant 0 : i32
    %dma_wait3A_715 = tpu.memref_slice %arg12[%dma_wait3A_713, %dma_wait3A_714] : memref<10240x16xf32, #tpu.memory_space<vmem_shared>> -> memref<10240x16xf32, #tpu.memory_space<vmem_shared>>
    tpu.wait_indirect_dma semaphore(%arg24 : memref<!tpu.dma_semaphore, #tpu.memory_space<semaphore_mem>>) src(%arg14 : memref<400x16xf32, #tpu.memory_space<vmem>>) dst(%dma_wait3A_715 : memref<10240x16xf32, #tpu.memory_space<vmem_shared>>)
    %dma_wait3A_716 = arith.constant 22 : i32
    %dma_wait3A_717 = arith.constant 0 : i32
    %dma_wait3A_718 = tpu.memref_slice %arg10[%dma_wait3A_716, %dma_wait3A_717] : memref<25x400xi32, #tpu.memory_space<vmem>> -> memref<1x400xi32, #tpu.memory_space<vmem>>
    %dma_wait3A_719 = tpu.memref_squeeze %dma_wait3A_718 : memref<1x400xi32, #tpu.memory_space<vmem>> -> memref<400xi32, #tpu.memory_space<vmem>>
    %dma_wait3A_720 = arith.constant 0 : i32
    %dma_wait3A_721 = arith.constant 0 : i32
    %dma_wait3A_722 = tpu.memref_slice %arg12[%dma_wait3A_720, %dma_wait3A_721] : memref<10240x16xf32, #tpu.memory_space<vmem_shared>> -> memref<10240x16xf32, #tpu.memory_space<vmem_shared>>
    tpu.wait_indirect_dma semaphore(%arg25 : memref<!tpu.dma_semaphore, #tpu.memory_space<semaphore_mem>>) src(%arg15 : memref<400x16xf32, #tpu.memory_space<vmem>>) dst(%dma_wait3A_722 : memref<10240x16xf32, #tpu.memory_space<vmem_shared>>)
    %dma_wait3A_723 = arith.constant 23 : i32
    %dma_wait3A_724 = arith.constant 0 : i32
    %dma_wait3A_725 = tpu.memref_slice %arg10[%dma_wait3A_723, %dma_wait3A_724] : memref<25x400xi32, #tpu.memory_space<vmem>> -> memref<1x400xi32, #tpu.memory_space<vmem>>
    %dma_wait3A_726 = tpu.memref_squeeze %dma_wait3A_725 : memref<1x400xi32, #tpu.memory_space<vmem>> -> memref<400xi32, #tpu.memory_space<vmem>>
    %dma_wait3A_727 = arith.constant 0 : i32
    %dma_wait3A_728 = arith.constant 0 : i32
    %dma_wait3A_729 = tpu.memref_slice %arg12[%dma_wait3A_727, %dma_wait3A_728] : memref<10240x16xf32, #tpu.memory_space<vmem_shared>> -> memref<10240x16xf32, #tpu.memory_space<vmem_shared>>
    tpu.wait_indirect_dma semaphore(%arg26 : memref<!tpu.dma_semaphore, #tpu.memory_space<semaphore_mem>>) src(%arg16 : memref<400x16xf32, #tpu.memory_space<vmem>>) dst(%dma_wait3A_729 : memref<10240x16xf32, #tpu.memory_space<vmem_shared>>)
    %dma_wait3A_730 = arith.constant 24 : i32
    %dma_wait3A_731 = arith.constant 0 : i32
    %dma_wait3A_732 = tpu.memref_slice %arg10[%dma_wait3A_730, %dma_wait3A_731] : memref<25x400xi32, #tpu.memory_space<vmem>> -> memref<1x400xi32, #tpu.memory_space<vmem>>
    %dma_wait3A_733 = tpu.memref_squeeze %dma_wait3A_732 : memref<1x400xi32, #tpu.memory_space<vmem>> -> memref<400xi32, #tpu.memory_space<vmem>>
    %dma_wait3A_734 = arith.constant 0 : i32
    %dma_wait3A_735 = arith.constant 0 : i32
    %dma_wait3A_736 = tpu.memref_slice %arg12[%dma_wait3A_734, %dma_wait3A_735] : memref<10240x16xf32, #tpu.memory_space<vmem_shared>> -> memref<10240x16xf32, #tpu.memory_space<vmem_shared>>
    tpu.wait_indirect_dma semaphore(%arg27 : memref<!tpu.dma_semaphore, #tpu.memory_space<semaphore_mem>>) src(%arg17 : memref<400x16xf32, #tpu.memory_space<vmem>>) dst(%dma_wait3A_736 : memref<10240x16xf32, #tpu.memory_space<vmem_shared>>)
    %barrier3A_737 = arith.constant 0 : index
    tpu.barrier barrier_id(%barrier3A_737)
    %mul3A_738 = arith.constant 640 : i32
    %mul3A_739 = arith.muli %arg1, %mul3A_738 : i32
    "tpu.region"() ({
      %run_scoped3A = tpu.sem_alloc : memref<!tpu.dma_semaphore, #tpu.memory_space<semaphore_mem>>
      %dma_start3A_740 = arith.constant 0 : i32
      %dma_start3A_741 = tpu.memref_slice %arg8[%arg0, %mul3A_739, %dma_start3A_740] : memref<2x10240x16xf32, #tpu.memory_space<hbm>> -> memref<1x640x16xf32, #tpu.memory_space<hbm>>
      %dma_start3A_742 = tpu.memref_squeeze %dma_start3A_741 : memref<1x640x16xf32, #tpu.memory_space<hbm>> -> memref<640x16xf32, #tpu.memory_space<hbm>>
      %dma_start3A_743 = arith.constant 0 : i32
      %dma_start3A_744 = tpu.memref_slice %arg12[%mul3A_739, %dma_start3A_743] : memref<10240x16xf32, #tpu.memory_space<vmem_shared>> -> memref<640x16xf32, #tpu.memory_space<vmem_shared>>
      tpu.enqueue_dma source(%dma_start3A_744 : memref<640x16xf32, #tpu.memory_space<vmem_shared>>) target(%dma_start3A_742 : memref<640x16xf32, #tpu.memory_space<hbm>>) target_semaphore(%run_scoped3A : memref<!tpu.dma_semaphore, #tpu.memory_space<semaphore_mem>>)
      %dma_wait3A_745 = arith.constant 0 : i32
      %dma_wait3A_746 = tpu.memref_slice %arg8[%arg0, %mul3A_739, %dma_wait3A_745] : memref<2x10240x16xf32, #tpu.memory_space<hbm>> -> memref<1x640x16xf32, #tpu.memory_space<hbm>>
      %dma_wait3A_747 = tpu.memref_squeeze %dma_wait3A_746 : memref<1x640x16xf32, #tpu.memory_space<hbm>> -> memref<640x16xf32, #tpu.memory_space<hbm>>
      %dma_wait3A_748 = arith.constant 0 : i32
      %dma_wait3A_749 = tpu.memref_slice %arg12[%mul3A_739, %dma_wait3A_748] : memref<10240x16xf32, #tpu.memory_space<vmem_shared>> -> memref<640x16xf32, #tpu.memory_space<vmem_shared>>
      tpu.wait_dma2 semaphore(%run_scoped3A : memref<!tpu.dma_semaphore, #tpu.memory_space<semaphore_mem>>) src(%dma_wait3A_749 : memref<640x16xf32, #tpu.memory_space<vmem_shared>>) dst(%dma_wait3A_747 : memref<640x16xf32, #tpu.memory_space<hbm>>)
      tpu.yield
    }) : () -> ()
    return
  }
}

module attributes {stable_mosaic.version = 14 : i64} {
  func.func @_mid_body(%arg0: memref<2x1280x128xf32, #tpu.memory_space<vmem>>, %arg1: memref<2x1280x8xf32, #tpu.memory_space<vmem>>, %arg2: memref<1250x128xf32, #tpu.memory_space<vmem>>, %arg3: memref<16x16xf32, #tpu.memory_space<vmem>>, %arg4: memref<16x16xf32, #tpu.memory_space<vmem>>, %arg5: memref<1x16xf32, #tpu.memory_space<vmem>>, %arg6: memref<1250x128xf32, #tpu.memory_space<vmem>>, %arg7: memref<1250x128xf32, #tpu.memory_space<vmem>>) attributes {dimension_semantics = [], scalar_prefetch = 0 : i64, scratch_operands = 0 : i64, tpu.core_type = #tpu.core_type<tc>} {
    %get3A = arith.constant 0 : index
    %get3A_0 = arith.constant 0 : index
    %get3A_1 = arith.constant 0 : index
    %get3A_2 = vector.load %arg1[%get3A, %get3A_0, %get3A_1] : memref<2x1280x8xf32, #tpu.memory_space<vmem>>, vector<1x1250x8xf32>
    %get3A_3 = vector.shape_cast %get3A_2 : vector<1x1250x8xf32> to vector<1250x8xf32>
    %get3A_4 = arith.constant 1 : index
    %get3A_5 = arith.constant 0 : index
    %get3A_6 = arith.constant 0 : index
    %get3A_7 = vector.load %arg1[%get3A_4, %get3A_5, %get3A_6] : memref<2x1280x8xf32, #tpu.memory_space<vmem>>, vector<1x1250x8xf32>
    %get3A_8 = vector.shape_cast %get3A_7 : vector<1x1250x8xf32> to vector<1250x8xf32>
    %add3A = arith.addf %get3A_3, %get3A_8 : vector<1250x8xf32>
    %iota3A = tpu.iota {dimensions = array<i32: 1>} : vector<8x128xi32>
    %jit3A = arith.constant 16 : i32
    %div3A = vector.broadcast %jit3A : i32 to vector<8x128xi32>
    %div3A_9 = arith.divsi %iota3A, %div3A : vector<8x128xi32>
    %sign3A = arith.constant 0 : i32
    %sign3A_10 = vector.broadcast %sign3A : i32 to vector<8x128xi32>
    %sign3A_11 = arith.cmpi sgt, %iota3A, %sign3A_10 : vector<8x128xi32>
    %sign3A_12 = arith.extui %sign3A_11 : vector<8x128xi1> to vector<8x128xi32>
    %sign3A_13 = arith.constant 0 : i32
    %sign3A_14 = vector.broadcast %sign3A_13 : i32 to vector<8x128xi32>
    %sign3A_15 = arith.cmpi slt, %iota3A, %sign3A_14 : vector<8x128xi32>
    %sign3A_16 = arith.extui %sign3A_15 : vector<8x128xi1> to vector<8x128xi32>
    %sign3A_17 = arith.subi %sign3A_12, %sign3A_16 : vector<8x128xi32>
    %sign3A_18 = arith.constant 0 : i32
    %sign3A_19 = arith.cmpi sgt, %jit3A, %sign3A_18 : i32
    %sign3A_20 = arith.extui %sign3A_19 : i1 to i32
    %sign3A_21 = arith.constant 0 : i32
    %sign3A_22 = arith.cmpi slt, %jit3A, %sign3A_21 : i32
    %sign3A_23 = arith.extui %sign3A_22 : i1 to i32
    %sign3A_24 = arith.subi %sign3A_20, %sign3A_23 : i32
    %ne3A = vector.broadcast %sign3A_24 : i32 to vector<8x128xi32>
    %ne3A_25 = arith.cmpi ne, %sign3A_17, %ne3A : vector<8x128xi32>
    %rem3A = vector.broadcast %jit3A : i32 to vector<8x128xi32>
    %rem3A_26 = arith.remsi %iota3A, %rem3A : vector<8x128xi32>
    %ne3A_27 = arith.constant 0 : i32
    %ne3A_28 = vector.broadcast %ne3A_27 : i32 to vector<8x128xi32>
    %ne3A_29 = arith.cmpi ne, %rem3A_26, %ne3A_28 : vector<8x128xi32>
    %and3A = arith.andi %ne3A_25, %ne3A_29 : vector<8x128xi1>
    %sub3A = arith.constant 1 : i32
    %sub3A_30 = vector.broadcast %sub3A : i32 to vector<8x128xi32>
    %sub3A_31 = arith.subi %div3A_9, %sub3A_30 : vector<8x128xi32>
    %select_n3A = arith.select %and3A, %sub3A_31, %div3A_9 : vector<8x128xi1>, vector<8x128xi32>
    %iota3A_32 = tpu.iota {dimensions = array<i32: 0>} : vector<8x128xi32>
    %eq3A = arith.cmpi eq, %select_n3A, %iota3A_32 : vector<8x128xi32>
    %convert_element_type3A = arith.extui %eq3A : vector<8x128xi1> to vector<8x128xi32>
    %convert_element_type3A_33 = arith.sitofp %convert_element_type3A : vector<8x128xi32> to vector<8x128xf32>
    %dot_general3A = arith.constant dense<0.000000e+00> : vector<1250x128xf32>
    %dot_general3A_34 = tpu.matmul %add3A, %convert_element_type3A_33, %dot_general3A {dimension_numbers = #tpu.dot_dimension_numbers<[1], [0], [0], [1], [0, 0, 1, 1], [], []>, transpose_lhs_hint = false} : vector<1250x8xf32>, vector<8x128xf32>, vector<1250x128xf32> -> vector<1250x128xf32>
    %max3A = arith.constant 1.000000e+00 : f32
    %max3A_35 = vector.broadcast %max3A : f32 to vector<1250x128xf32>
    %max3A_36 = arith.maximumf %dot_general3A_34, %max3A_35 : vector<1250x128xf32>
    %get3A_37 = arith.constant 0 : index
    %get3A_38 = arith.constant 0 : index
    %get3A_39 = arith.constant 0 : index
    %get3A_40 = vector.load %arg0[%get3A_37, %get3A_38, %get3A_39] : memref<2x1280x128xf32, #tpu.memory_space<vmem>>, vector<1x1250x128xf32>
    %get3A_41 = vector.shape_cast %get3A_40 : vector<1x1250x128xf32> to vector<1250x128xf32>
    %get3A_42 = arith.constant 1 : index
    %get3A_43 = arith.constant 0 : index
    %get3A_44 = arith.constant 0 : index
    %get3A_45 = vector.load %arg0[%get3A_42, %get3A_43, %get3A_44] : memref<2x1280x128xf32, #tpu.memory_space<vmem>>, vector<1x1250x128xf32>
    %get3A_46 = vector.shape_cast %get3A_45 : vector<1x1250x128xf32> to vector<1250x128xf32>
    %add3A_47 = arith.addf %get3A_41, %get3A_46 : vector<1250x128xf32>
    %div3A_48 = arith.divf %add3A_47, %max3A_36 : vector<1250x128xf32>
    %get3A_49 = arith.constant 0 : index
    %get3A_50 = arith.constant 0 : index
    %get3A_51 = vector.load %arg2[%get3A_49, %get3A_50] : memref<1250x128xf32, #tpu.memory_space<vmem>>, vector<1250x128xf32>
    %add3A_52 = arith.addf %div3A_48, %get3A_51 : vector<1250x128xf32>
    %max3A_53 = arith.constant 0.000000e+00 : f32
    %max3A_54 = vector.broadcast %max3A_53 : f32 to vector<1250x128xf32>
    %max3A_55 = arith.maximumf %add3A_52, %max3A_54 : vector<1250x128xf32>
    %get3A_56 = arith.constant 0 : index
    %get3A_57 = arith.constant 0 : index
    %get3A_58 = vector.load %arg3[%get3A_56, %get3A_57] : memref<16x16xf32, #tpu.memory_space<vmem>>, vector<16x16xf32>
    %concatenate3A = tpu.concatenate %get3A_58, %get3A_58, %get3A_58, %get3A_58, %get3A_58, %get3A_58, %get3A_58, %get3A_58 in 1 : vector<16x16xf32>, vector<16x16xf32>, vector<16x16xf32>, vector<16x16xf32>, vector<16x16xf32>, vector<16x16xf32>, vector<16x16xf32>, vector<16x16xf32> -> vector<16x128xf32>
    %concatenate3A_59 = tpu.concatenate %concatenate3A, %concatenate3A, %concatenate3A, %concatenate3A, %concatenate3A, %concatenate3A, %concatenate3A, %concatenate3A in 0 : vector<16x128xf32>, vector<16x128xf32>, vector<16x128xf32>, vector<16x128xf32>, vector<16x128xf32>, vector<16x128xf32>, vector<16x128xf32>, vector<16x128xf32> -> vector<128x128xf32>
    %iota3A_60 = tpu.iota {dimensions = array<i32: 0>} : vector<128x128xi32>
    %jit3A_61 = arith.constant 16 : i32
    %div3A_62 = vector.broadcast %jit3A_61 : i32 to vector<128x128xi32>
    %div3A_63 = arith.divsi %iota3A_60, %div3A_62 : vector<128x128xi32>
    %sign3A_64 = arith.constant 0 : i32
    %sign3A_65 = vector.broadcast %sign3A_64 : i32 to vector<128x128xi32>
    %sign3A_66 = arith.cmpi sgt, %iota3A_60, %sign3A_65 : vector<128x128xi32>
    %sign3A_67 = arith.extui %sign3A_66 : vector<128x128xi1> to vector<128x128xi32>
    %sign3A_68 = arith.constant 0 : i32
    %sign3A_69 = vector.broadcast %sign3A_68 : i32 to vector<128x128xi32>
    %sign3A_70 = arith.cmpi slt, %iota3A_60, %sign3A_69 : vector<128x128xi32>
    %sign3A_71 = arith.extui %sign3A_70 : vector<128x128xi1> to vector<128x128xi32>
    %sign3A_72 = arith.subi %sign3A_67, %sign3A_71 : vector<128x128xi32>
    %sign3A_73 = arith.constant 0 : i32
    %sign3A_74 = arith.cmpi sgt, %jit3A_61, %sign3A_73 : i32
    %sign3A_75 = arith.extui %sign3A_74 : i1 to i32
    %sign3A_76 = arith.constant 0 : i32
    %sign3A_77 = arith.cmpi slt, %jit3A_61, %sign3A_76 : i32
    %sign3A_78 = arith.extui %sign3A_77 : i1 to i32
    %sign3A_79 = arith.subi %sign3A_75, %sign3A_78 : i32
    %ne3A_80 = vector.broadcast %sign3A_79 : i32 to vector<128x128xi32>
    %ne3A_81 = arith.cmpi ne, %sign3A_72, %ne3A_80 : vector<128x128xi32>
    %rem3A_82 = vector.broadcast %jit3A_61 : i32 to vector<128x128xi32>
    %rem3A_83 = arith.remsi %iota3A_60, %rem3A_82 : vector<128x128xi32>
    %ne3A_84 = arith.constant 0 : i32
    %ne3A_85 = vector.broadcast %ne3A_84 : i32 to vector<128x128xi32>
    %ne3A_86 = arith.cmpi ne, %rem3A_83, %ne3A_85 : vector<128x128xi32>
    %and3A_87 = arith.andi %ne3A_81, %ne3A_86 : vector<128x128xi1>
    %sub3A_88 = arith.constant 1 : i32
    %sub3A_89 = vector.broadcast %sub3A_88 : i32 to vector<128x128xi32>
    %sub3A_90 = arith.subi %div3A_63, %sub3A_89 : vector<128x128xi32>
    %select_n3A_91 = arith.select %and3A_87, %sub3A_90, %div3A_63 : vector<128x128xi1>, vector<128x128xi32>
    %iota3A_92 = tpu.iota {dimensions = array<i32: 1>} : vector<128x128xi32>
    %jit3A_93 = arith.constant 16 : i32
    %div3A_94 = vector.broadcast %jit3A_93 : i32 to vector<128x128xi32>
    %div3A_95 = arith.divsi %iota3A_92, %div3A_94 : vector<128x128xi32>
    %sign3A_96 = arith.constant 0 : i32
    %sign3A_97 = vector.broadcast %sign3A_96 : i32 to vector<128x128xi32>
    %sign3A_98 = arith.cmpi sgt, %iota3A_92, %sign3A_97 : vector<128x128xi32>
    %sign3A_99 = arith.extui %sign3A_98 : vector<128x128xi1> to vector<128x128xi32>
    %sign3A_100 = arith.constant 0 : i32
    %sign3A_101 = vector.broadcast %sign3A_100 : i32 to vector<128x128xi32>
    %sign3A_102 = arith.cmpi slt, %iota3A_92, %sign3A_101 : vector<128x128xi32>
    %sign3A_103 = arith.extui %sign3A_102 : vector<128x128xi1> to vector<128x128xi32>
    %sign3A_104 = arith.subi %sign3A_99, %sign3A_103 : vector<128x128xi32>
    %sign3A_105 = arith.constant 0 : i32
    %sign3A_106 = arith.cmpi sgt, %jit3A_93, %sign3A_105 : i32
    %sign3A_107 = arith.extui %sign3A_106 : i1 to i32
    %sign3A_108 = arith.constant 0 : i32
    %sign3A_109 = arith.cmpi slt, %jit3A_93, %sign3A_108 : i32
    %sign3A_110 = arith.extui %sign3A_109 : i1 to i32
    %sign3A_111 = arith.subi %sign3A_107, %sign3A_110 : i32
    %ne3A_112 = vector.broadcast %sign3A_111 : i32 to vector<128x128xi32>
    %ne3A_113 = arith.cmpi ne, %sign3A_104, %ne3A_112 : vector<128x128xi32>
    %rem3A_114 = vector.broadcast %jit3A_93 : i32 to vector<128x128xi32>
    %rem3A_115 = arith.remsi %iota3A_92, %rem3A_114 : vector<128x128xi32>
    %ne3A_116 = arith.constant 0 : i32
    %ne3A_117 = vector.broadcast %ne3A_116 : i32 to vector<128x128xi32>
    %ne3A_118 = arith.cmpi ne, %rem3A_115, %ne3A_117 : vector<128x128xi32>
    %and3A_119 = arith.andi %ne3A_113, %ne3A_118 : vector<128x128xi1>
    %sub3A_120 = arith.constant 1 : i32
    %sub3A_121 = vector.broadcast %sub3A_120 : i32 to vector<128x128xi32>
    %sub3A_122 = arith.subi %div3A_95, %sub3A_121 : vector<128x128xi32>
    %select_n3A_123 = arith.select %and3A_119, %sub3A_122, %div3A_95 : vector<128x128xi1>, vector<128x128xi32>
    %eq3A_124 = arith.cmpi eq, %select_n3A_91, %select_n3A_123 : vector<128x128xi32>
    %jit3A_125 = arith.constant 0.000000e+00 : f32
    %broadcast_in_dim3A = vector.broadcast %jit3A_125 : f32 to vector<128x128xf32>
    %select_n3A_126 = arith.select %eq3A_124, %concatenate3A_59, %broadcast_in_dim3A : vector<128x128xi1>, vector<128x128xf32>
    %dot_general3A_127 = arith.constant dense<0.000000e+00> : vector<1250x128xf32>
    %dot_general3A_128 = tpu.matmul %max3A_55, %select_n3A_126, %dot_general3A_127 {dimension_numbers = #tpu.dot_dimension_numbers<[1], [0], [0], [1], [0, 0, 1, 1], [], []>, transpose_lhs_hint = false} : vector<1250x128xf32>, vector<128x128xf32>, vector<1250x128xf32> -> vector<1250x128xf32>
    %swap3A = arith.constant 0 : index
    %swap3A_129 = arith.constant 0 : index
    %swap3A_130 = vector.load %arg6[%swap3A, %swap3A_129] : memref<1250x128xf32, #tpu.memory_space<vmem>>, vector<1250x128xf32>
    tpu.vector_store %arg6[%swap3A, %swap3A_129], %dot_general3A_128 {strides = array<i32>} : memref<1250x128xf32, #tpu.memory_space<vmem>>, vector<1250x128xf32>,
    %get3A_131 = arith.constant 0 : index
    %get3A_132 = arith.constant 0 : index
    %get3A_133 = vector.load %arg4[%get3A_131, %get3A_132] : memref<16x16xf32, #tpu.memory_space<vmem>>, vector<16x16xf32>
    %concatenate3A_134 = tpu.concatenate %get3A_133, %get3A_133, %get3A_133, %get3A_133, %get3A_133, %get3A_133, %get3A_133, %get3A_133 in 1 : vector<16x16xf32>, vector<16x16xf32>, vector<16x16xf32>, vector<16x16xf32>, vector<16x16xf32>, vector<16x16xf32>, vector<16x16xf32>, vector<16x16xf32> -> vector<16x128xf32>
    %concatenate3A_135 = tpu.concatenate %concatenate3A_134, %concatenate3A_134, %concatenate3A_134, %concatenate3A_134, %concatenate3A_134, %concatenate3A_134, %concatenate3A_134, %concatenate3A_134 in 0 : vector<16x128xf32>, vector<16x128xf32>, vector<16x128xf32>, vector<16x128xf32>, vector<16x128xf32>, vector<16x128xf32>, vector<16x128xf32>, vector<16x128xf32> -> vector<128x128xf32>
    %iota3A_136 = tpu.iota {dimensions = array<i32: 0>} : vector<128x128xi32>
    %jit3A_137 = arith.constant 16 : i32
    %div3A_138 = vector.broadcast %jit3A_137 : i32 to vector<128x128xi32>
    %div3A_139 = arith.divsi %iota3A_136, %div3A_138 : vector<128x128xi32>
    %sign3A_140 = arith.constant 0 : i32
    %sign3A_141 = vector.broadcast %sign3A_140 : i32 to vector<128x128xi32>
    %sign3A_142 = arith.cmpi sgt, %iota3A_136, %sign3A_141 : vector<128x128xi32>
    %sign3A_143 = arith.extui %sign3A_142 : vector<128x128xi1> to vector<128x128xi32>
    %sign3A_144 = arith.constant 0 : i32
    %sign3A_145 = vector.broadcast %sign3A_144 : i32 to vector<128x128xi32>
    %sign3A_146 = arith.cmpi slt, %iota3A_136, %sign3A_145 : vector<128x128xi32>
    %sign3A_147 = arith.extui %sign3A_146 : vector<128x128xi1> to vector<128x128xi32>
    %sign3A_148 = arith.subi %sign3A_143, %sign3A_147 : vector<128x128xi32>
    %sign3A_149 = arith.constant 0 : i32
    %sign3A_150 = arith.cmpi sgt, %jit3A_137, %sign3A_149 : i32
    %sign3A_151 = arith.extui %sign3A_150 : i1 to i32
    %sign3A_152 = arith.constant 0 : i32
    %sign3A_153 = arith.cmpi slt, %jit3A_137, %sign3A_152 : i32
    %sign3A_154 = arith.extui %sign3A_153 : i1 to i32
    %sign3A_155 = arith.subi %sign3A_151, %sign3A_154 : i32
    %ne3A_156 = vector.broadcast %sign3A_155 : i32 to vector<128x128xi32>
    %ne3A_157 = arith.cmpi ne, %sign3A_148, %ne3A_156 : vector<128x128xi32>
    %rem3A_158 = vector.broadcast %jit3A_137 : i32 to vector<128x128xi32>
    %rem3A_159 = arith.remsi %iota3A_136, %rem3A_158 : vector<128x128xi32>
    %ne3A_160 = arith.constant 0 : i32
    %ne3A_161 = vector.broadcast %ne3A_160 : i32 to vector<128x128xi32>
    %ne3A_162 = arith.cmpi ne, %rem3A_159, %ne3A_161 : vector<128x128xi32>
    %and3A_163 = arith.andi %ne3A_157, %ne3A_162 : vector<128x128xi1>
    %sub3A_164 = arith.constant 1 : i32
    %sub3A_165 = vector.broadcast %sub3A_164 : i32 to vector<128x128xi32>
    %sub3A_166 = arith.subi %div3A_139, %sub3A_165 : vector<128x128xi32>
    %select_n3A_167 = arith.select %and3A_163, %sub3A_166, %div3A_139 : vector<128x128xi1>, vector<128x128xi32>
    %iota3A_168 = tpu.iota {dimensions = array<i32: 1>} : vector<128x128xi32>
    %jit3A_169 = arith.constant 16 : i32
    %div3A_170 = vector.broadcast %jit3A_169 : i32 to vector<128x128xi32>
    %div3A_171 = arith.divsi %iota3A_168, %div3A_170 : vector<128x128xi32>
    %sign3A_172 = arith.constant 0 : i32
    %sign3A_173 = vector.broadcast %sign3A_172 : i32 to vector<128x128xi32>
    %sign3A_174 = arith.cmpi sgt, %iota3A_168, %sign3A_173 : vector<128x128xi32>
    %sign3A_175 = arith.extui %sign3A_174 : vector<128x128xi1> to vector<128x128xi32>
    %sign3A_176 = arith.constant 0 : i32
    %sign3A_177 = vector.broadcast %sign3A_176 : i32 to vector<128x128xi32>
    %sign3A_178 = arith.cmpi slt, %iota3A_168, %sign3A_177 : vector<128x128xi32>
    %sign3A_179 = arith.extui %sign3A_178 : vector<128x128xi1> to vector<128x128xi32>
    %sign3A_180 = arith.subi %sign3A_175, %sign3A_179 : vector<128x128xi32>
    %sign3A_181 = arith.constant 0 : i32
    %sign3A_182 = arith.cmpi sgt, %jit3A_169, %sign3A_181 : i32
    %sign3A_183 = arith.extui %sign3A_182 : i1 to i32
    %sign3A_184 = arith.constant 0 : i32
    %sign3A_185 = arith.cmpi slt, %jit3A_169, %sign3A_184 : i32
    %sign3A_186 = arith.extui %sign3A_185 : i1 to i32
    %sign3A_187 = arith.subi %sign3A_183, %sign3A_186 : i32
    %ne3A_188 = vector.broadcast %sign3A_187 : i32 to vector<128x128xi32>
    %ne3A_189 = arith.cmpi ne, %sign3A_180, %ne3A_188 : vector<128x128xi32>
    %rem3A_190 = vector.broadcast %jit3A_169 : i32 to vector<128x128xi32>
    %rem3A_191 = arith.remsi %iota3A_168, %rem3A_190 : vector<128x128xi32>
    %ne3A_192 = arith.constant 0 : i32
    %ne3A_193 = vector.broadcast %ne3A_192 : i32 to vector<128x128xi32>
    %ne3A_194 = arith.cmpi ne, %rem3A_191, %ne3A_193 : vector<128x128xi32>
    %and3A_195 = arith.andi %ne3A_189, %ne3A_194 : vector<128x128xi1>
    %sub3A_196 = arith.constant 1 : i32
    %sub3A_197 = vector.broadcast %sub3A_196 : i32 to vector<128x128xi32>
    %sub3A_198 = arith.subi %div3A_171, %sub3A_197 : vector<128x128xi32>
    %select_n3A_199 = arith.select %and3A_195, %sub3A_198, %div3A_171 : vector<128x128xi1>, vector<128x128xi32>
    %eq3A_200 = arith.cmpi eq, %select_n3A_167, %select_n3A_199 : vector<128x128xi32>
    %jit3A_201 = arith.constant 0.000000e+00 : f32
    %broadcast_in_dim3A_202 = vector.broadcast %jit3A_201 : f32 to vector<128x128xf32>
    %select_n3A_203 = arith.select %eq3A_200, %concatenate3A_135, %broadcast_in_dim3A_202 : vector<128x128xi1>, vector<128x128xf32>
    %dot_general3A_204 = arith.constant dense<0.000000e+00> : vector<1250x128xf32>
    %dot_general3A_205 = tpu.matmul %max3A_55, %select_n3A_203, %dot_general3A_204 {dimension_numbers = #tpu.dot_dimension_numbers<[1], [0], [0], [1], [0, 0, 1, 1], [], []>, transpose_lhs_hint = false} : vector<1250x128xf32>, vector<128x128xf32>, vector<1250x128xf32> -> vector<1250x128xf32>
    %get3A_206 = arith.constant 0 : index
    %get3A_207 = arith.constant 0 : index
    %get3A_208 = vector.load %arg5[%get3A_206, %get3A_207] : memref<1x16xf32, #tpu.memory_space<vmem>>, vector<1x16xf32>
    %concatenate3A_209 = tpu.concatenate %get3A_208, %get3A_208, %get3A_208, %get3A_208, %get3A_208, %get3A_208, %get3A_208, %get3A_208 in 1 : vector<1x16xf32>, vector<1x16xf32>, vector<1x16xf32>, vector<1x16xf32>, vector<1x16xf32>, vector<1x16xf32>, vector<1x16xf32>, vector<1x16xf32> -> vector<1x128xf32>
    %add3A_210 = vector.broadcast %concatenate3A_209 : vector<1x128xf32> to vector<1250x128xf32>
    %add3A_211 = arith.addf %dot_general3A_205, %add3A_210 : vector<1250x128xf32>
    %swap3A_212 = arith.constant 0 : index
    %swap3A_213 = arith.constant 0 : index
    %swap3A_214 = vector.load %arg7[%swap3A_212, %swap3A_213] : memref<1250x128xf32, #tpu.memory_space<vmem>>, vector<1250x128xf32>
    tpu.vector_store %arg7[%swap3A_212, %swap3A_213], %add3A_211 {strides = array<i32>} : memref<1250x128xf32, #tpu.memory_space<vmem>>, vector<1250x128xf32>,
    return
  }
}

module attributes {stable_mosaic.version = 14 : i64} {
  func.func @_fin_body(%arg0: memref<2x1280x128xf32, #tpu.memory_space<vmem>>, %arg1: memref<2x1280x8xf32, #tpu.memory_space<vmem>>, %arg2: memref<1250x128xf32, #tpu.memory_space<vmem>>, %arg3: memref<1250x128xf32, #tpu.memory_space<vmem>>) attributes {dimension_semantics = [], scalar_prefetch = 0 : i64, scratch_operands = 0 : i64, tpu.core_type = #tpu.core_type<tc>} {
    %get3A = arith.constant 0 : index
    %get3A_0 = arith.constant 0 : index
    %get3A_1 = arith.constant 0 : index
    %get3A_2 = vector.load %arg1[%get3A, %get3A_0, %get3A_1] : memref<2x1280x8xf32, #tpu.memory_space<vmem>>, vector<1x1250x8xf32>
    %get3A_3 = vector.shape_cast %get3A_2 : vector<1x1250x8xf32> to vector<1250x8xf32>
    %get3A_4 = arith.constant 1 : index
    %get3A_5 = arith.constant 0 : index
    %get3A_6 = arith.constant 0 : index
    %get3A_7 = vector.load %arg1[%get3A_4, %get3A_5, %get3A_6] : memref<2x1280x8xf32, #tpu.memory_space<vmem>>, vector<1x1250x8xf32>
    %get3A_8 = vector.shape_cast %get3A_7 : vector<1x1250x8xf32> to vector<1250x8xf32>
    %add3A = arith.addf %get3A_3, %get3A_8 : vector<1250x8xf32>
    %iota3A = tpu.iota {dimensions = array<i32: 1>} : vector<8x128xi32>
    %jit3A = arith.constant 16 : i32
    %div3A = vector.broadcast %jit3A : i32 to vector<8x128xi32>
    %div3A_9 = arith.divsi %iota3A, %div3A : vector<8x128xi32>
    %sign3A = arith.constant 0 : i32
    %sign3A_10 = vector.broadcast %sign3A : i32 to vector<8x128xi32>
    %sign3A_11 = arith.cmpi sgt, %iota3A, %sign3A_10 : vector<8x128xi32>
    %sign3A_12 = arith.extui %sign3A_11 : vector<8x128xi1> to vector<8x128xi32>
    %sign3A_13 = arith.constant 0 : i32
    %sign3A_14 = vector.broadcast %sign3A_13 : i32 to vector<8x128xi32>
    %sign3A_15 = arith.cmpi slt, %iota3A, %sign3A_14 : vector<8x128xi32>
    %sign3A_16 = arith.extui %sign3A_15 : vector<8x128xi1> to vector<8x128xi32>
    %sign3A_17 = arith.subi %sign3A_12, %sign3A_16 : vector<8x128xi32>
    %sign3A_18 = arith.constant 0 : i32
    %sign3A_19 = arith.cmpi sgt, %jit3A, %sign3A_18 : i32
    %sign3A_20 = arith.extui %sign3A_19 : i1 to i32
    %sign3A_21 = arith.constant 0 : i32
    %sign3A_22 = arith.cmpi slt, %jit3A, %sign3A_21 : i32
    %sign3A_23 = arith.extui %sign3A_22 : i1 to i32
    %sign3A_24 = arith.subi %sign3A_20, %sign3A_23 : i32
    %ne3A = vector.broadcast %sign3A_24 : i32 to vector<8x128xi32>
    %ne3A_25 = arith.cmpi ne, %sign3A_17, %ne3A : vector<8x128xi32>
    %rem3A = vector.broadcast %jit3A : i32 to vector<8x128xi32>
    %rem3A_26 = arith.remsi %iota3A, %rem3A : vector<8x128xi32>
    %ne3A_27 = arith.constant 0 : i32
    %ne3A_28 = vector.broadcast %ne3A_27 : i32 to vector<8x128xi32>
    %ne3A_29 = arith.cmpi ne, %rem3A_26, %ne3A_28 : vector<8x128xi32>
    %and3A = arith.andi %ne3A_25, %ne3A_29 : vector<8x128xi1>
    %sub3A = arith.constant 1 : i32
    %sub3A_30 = vector.broadcast %sub3A : i32 to vector<8x128xi32>
    %sub3A_31 = arith.subi %div3A_9, %sub3A_30 : vector<8x128xi32>
    %select_n3A = arith.select %and3A, %sub3A_31, %div3A_9 : vector<8x128xi1>, vector<8x128xi32>
    %iota3A_32 = tpu.iota {dimensions = array<i32: 0>} : vector<8x128xi32>
    %eq3A = arith.cmpi eq, %select_n3A, %iota3A_32 : vector<8x128xi32>
    %convert_element_type3A = arith.extui %eq3A : vector<8x128xi1> to vector<8x128xi32>
    %convert_element_type3A_33 = arith.sitofp %convert_element_type3A : vector<8x128xi32> to vector<8x128xf32>
    %dot_general3A = arith.constant dense<0.000000e+00> : vector<1250x128xf32>
    %dot_general3A_34 = tpu.matmul %add3A, %convert_element_type3A_33, %dot_general3A {dimension_numbers = #tpu.dot_dimension_numbers<[1], [0], [0], [1], [0, 0, 1, 1], [], []>, transpose_lhs_hint = false} : vector<1250x8xf32>, vector<8x128xf32>, vector<1250x128xf32> -> vector<1250x128xf32>
    %max3A = arith.constant 1.000000e+00 : f32
    %max3A_35 = vector.broadcast %max3A : f32 to vector<1250x128xf32>
    %max3A_36 = arith.maximumf %dot_general3A_34, %max3A_35 : vector<1250x128xf32>
    %get3A_37 = arith.constant 0 : index
    %get3A_38 = arith.constant 0 : index
    %get3A_39 = arith.constant 0 : index
    %get3A_40 = vector.load %arg0[%get3A_37, %get3A_38, %get3A_39] : memref<2x1280x128xf32, #tpu.memory_space<vmem>>, vector<1x1250x128xf32>
    %get3A_41 = vector.shape_cast %get3A_40 : vector<1x1250x128xf32> to vector<1250x128xf32>
    %get3A_42 = arith.constant 1 : index
    %get3A_43 = arith.constant 0 : index
    %get3A_44 = arith.constant 0 : index
    %get3A_45 = vector.load %arg0[%get3A_42, %get3A_43, %get3A_44] : memref<2x1280x128xf32, #tpu.memory_space<vmem>>, vector<1x1250x128xf32>
    %get3A_46 = vector.shape_cast %get3A_45 : vector<1x1250x128xf32> to vector<1250x128xf32>
    %add3A_47 = arith.addf %get3A_41, %get3A_46 : vector<1250x128xf32>
    %div3A_48 = arith.divf %add3A_47, %max3A_36 : vector<1250x128xf32>
    %get3A_49 = arith.constant 0 : index
    %get3A_50 = arith.constant 0 : index
    %get3A_51 = vector.load %arg2[%get3A_49, %get3A_50] : memref<1250x128xf32, #tpu.memory_space<vmem>>, vector<1250x128xf32>
    %add3A_52 = arith.addf %div3A_48, %get3A_51 : vector<1250x128xf32>
    %swap3A = arith.constant 0 : index
    %swap3A_53 = arith.constant 0 : index
    %swap3A_54 = vector.load %arg3[%swap3A, %swap3A_53] : memref<1250x128xf32, #tpu.memory_space<vmem>>, vector<1250x128xf32>
    tpu.vector_store %arg3[%swap3A, %swap3A_53], %add3A_52 {strides = array<i32>} : memref<1250x128xf32, #tpu.memory_space<vmem>>, vector<1250x128xf32>,
    return
  }
}

module attributes {stable_mosaic.version = 14 : i64} {
  func.func @_mm1_body(%arg0: memref<10000x128xf32, #tpu.memory_space<vmem>>, %arg1: memref<2x320000xi32, #tpu.memory_space<vmem>>, %arg2: memref<16x128xf32, #tpu.memory_space<vmem>>, %arg3: memref<16x128xf32, #tpu.memory_space<vmem>>, %arg4: memref<1x16xf32, #tpu.memory_space<vmem>>, %arg5: memref<1250x128xf32, #tpu.memory_space<vmem>>, %arg6: memref<1250x128xf32, #tpu.memory_space<vmem>>, %arg7: memref<2500x128xi32, #tpu.memory_space<vmem>>, %arg8: memref<2500x128xi32, #tpu.memory_space<vmem>>, %arg9: memref<80x128xf32, #tpu.memory_space<vmem>>, %arg10: memref<5x128xf32, #tpu.memory_space<vmem>>, %arg11: memref<16x128xf32, #tpu.memory_space<vmem>>) attributes {dimension_semantics = [], scalar_prefetch = 0 : i64, scratch_operands = 0 : i64, tpu.core_type = #tpu.core_type<tc>} {
    %get3A = arith.constant 0 : index
    %get3A_0 = arith.constant 0 : index
    %get3A_1 = vector.load %arg0[%get3A, %get3A_0] : memref<10000x128xf32, #tpu.memory_space<vmem>>, vector<10000x128xf32>
    %iota3A = tpu.iota {dimensions = array<i32: 1>} : vector<8x128xi32>
    %jit3A = arith.constant 16 : i32
    %div3A = vector.broadcast %jit3A : i32 to vector<8x128xi32>
    %div3A_2 = arith.divsi %iota3A, %div3A : vector<8x128xi32>
    %sign3A = arith.constant 0 : i32
    %sign3A_3 = vector.broadcast %sign3A : i32 to vector<8x128xi32>
    %sign3A_4 = arith.cmpi sgt, %iota3A, %sign3A_3 : vector<8x128xi32>
    %sign3A_5 = arith.extui %sign3A_4 : vector<8x128xi1> to vector<8x128xi32>
    %sign3A_6 = arith.constant 0 : i32
    %sign3A_7 = vector.broadcast %sign3A_6 : i32 to vector<8x128xi32>
    %sign3A_8 = arith.cmpi slt, %iota3A, %sign3A_7 : vector<8x128xi32>
    %sign3A_9 = arith.extui %sign3A_8 : vector<8x128xi1> to vector<8x128xi32>
    %sign3A_10 = arith.subi %sign3A_5, %sign3A_9 : vector<8x128xi32>
    %sign3A_11 = arith.constant 0 : i32
    %sign3A_12 = arith.cmpi sgt, %jit3A, %sign3A_11 : i32
    %sign3A_13 = arith.extui %sign3A_12 : i1 to i32
    %sign3A_14 = arith.constant 0 : i32
    %sign3A_15 = arith.cmpi slt, %jit3A, %sign3A_14 : i32
    %sign3A_16 = arith.extui %sign3A_15 : i1 to i32
    %sign3A_17 = arith.subi %sign3A_13, %sign3A_16 : i32
    %ne3A = vector.broadcast %sign3A_17 : i32 to vector<8x128xi32>
    %ne3A_18 = arith.cmpi ne, %sign3A_10, %ne3A : vector<8x128xi32>
    %rem3A = vector.broadcast %jit3A : i32 to vector<8x128xi32>
    %rem3A_19 = arith.remsi %iota3A, %rem3A : vector<8x128xi32>
    %ne3A_20 = arith.constant 0 : i32
    %ne3A_21 = vector.broadcast %ne3A_20 : i32 to vector<8x128xi32>
    %ne3A_22 = arith.cmpi ne, %rem3A_19, %ne3A_21 : vector<8x128xi32>
    %and3A = arith.andi %ne3A_18, %ne3A_22 : vector<8x128xi1>
    %sub3A = arith.constant 1 : i32
    %sub3A_23 = vector.broadcast %sub3A : i32 to vector<8x128xi32>
    %sub3A_24 = arith.subi %div3A_2, %sub3A_23 : vector<8x128xi32>
    %select_n3A = arith.select %and3A, %sub3A_24, %div3A_2 : vector<8x128xi1>, vector<8x128xi32>
    %iota3A_25 = tpu.iota {dimensions = array<i32: 0>} : vector<8x128xi32>
    %eq3A = arith.cmpi eq, %select_n3A, %iota3A_25 : vector<8x128xi32>
    %convert_element_type3A = arith.extui %eq3A : vector<8x128xi1> to vector<8x128xi32>
    %convert_element_type3A_26 = arith.sitofp %convert_element_type3A : vector<8x128xi32> to vector<8x128xf32>
    %broadcast_in_dim3A = vector.shape_cast %convert_element_type3A_26 : vector<8x128xf32> to vector<1x8x128xf32>
    %get3A_27 = arith.constant 0 : index
    %get3A_28 = arith.constant 0 : index
    %get3A_29 = vector.load %arg2[%get3A_27, %get3A_28] : memref<16x128xf32, #tpu.memory_space<vmem>>, vector<16x128xf32>
    %concatenate3A = tpu.concatenate %get3A_29, %get3A_29, %get3A_29, %get3A_29, %get3A_29, %get3A_29, %get3A_29, %get3A_29 in 0 : vector<16x128xf32>, vector<16x128xf32>, vector<16x128xf32>, vector<16x128xf32>, vector<16x128xf32>, vector<16x128xf32>, vector<16x128xf32>, vector<16x128xf32> -> vector<128x128xf32>
    %get3A_30 = arith.constant 0 : index
    %get3A_31 = arith.constant 0 : index
    %get3A_32 = vector.load %arg3[%get3A_30, %get3A_31] : memref<16x128xf32, #tpu.memory_space<vmem>>, vector<16x128xf32>
    %concatenate3A_33 = tpu.concatenate %get3A_32, %get3A_32, %get3A_32, %get3A_32, %get3A_32, %get3A_32, %get3A_32, %get3A_32 in 0 : vector<16x128xf32>, vector<16x128xf32>, vector<16x128xf32>, vector<16x128xf32>, vector<16x128xf32>, vector<16x128xf32>, vector<16x128xf32>, vector<16x128xf32> -> vector<128x128xf32>
    %dot_general3A = arith.constant dense<0.000000e+00> : vector<10000x128xf32>
    %dot_general3A_34 = tpu.matmul %get3A_1, %concatenate3A, %dot_general3A {dimension_numbers = #tpu.dot_dimension_numbers<[1], [1], [0], [0], [0, 0, 1, 0], [], []>, transpose_lhs_hint = false} : vector<10000x128xf32>, vector<128x128xf32>, vector<10000x128xf32> -> vector<10000x128xf32>
    %reshape3A = vector.shape_cast %dot_general3A_34 : vector<10000x128xf32> to vector<1250x8x128xf32>
    %mul3A = vector.broadcast %broadcast_in_dim3A : vector<1x8x128xf32> to vector<1250x8x128xf32>
    %mul3A_35 = arith.mulf %reshape3A, %mul3A : vector<1250x8x128xf32>
    %reduce_sum3A = arith.constant dense<0.000000e+00> : vector<1250x128xf32>
    %reduce_sum3A_36 = vector.multi_reduction <add>, %mul3A_35, %reduce_sum3A [1] : vector<1250x8x128xf32> to vector<1250x128xf32>
    %swap3A = arith.constant 0 : index
    %swap3A_37 = arith.constant 0 : index
    %swap3A_38 = vector.load %arg5[%swap3A, %swap3A_37] : memref<1250x128xf32, #tpu.memory_space<vmem>>, vector<1250x128xf32>
    tpu.vector_store %arg5[%swap3A, %swap3A_37], %reduce_sum3A_36 {strides = array<i32>} : memref<1250x128xf32, #tpu.memory_space<vmem>>, vector<1250x128xf32>,
    %dot_general3A_39 = arith.constant dense<0.000000e+00> : vector<10000x128xf32>
    %dot_general3A_40 = tpu.matmul %get3A_1, %concatenate3A_33, %dot_general3A_39 {dimension_numbers = #tpu.dot_dimension_numbers<[1], [1], [0], [0], [0, 0, 1, 0], [], []>, transpose_lhs_hint = false} : vector<10000x128xf32>, vector<128x128xf32>, vector<10000x128xf32> -> vector<10000x128xf32>
    %reshape3A_41 = vector.shape_cast %dot_general3A_40 : vector<10000x128xf32> to vector<1250x8x128xf32>
    %mul3A_42 = vector.broadcast %broadcast_in_dim3A : vector<1x8x128xf32> to vector<1250x8x128xf32>
    %mul3A_43 = arith.mulf %reshape3A_41, %mul3A_42 : vector<1250x8x128xf32>
    %reduce_sum3A_44 = arith.constant dense<0.000000e+00> : vector<1250x128xf32>
    %reduce_sum3A_45 = vector.multi_reduction <add>, %mul3A_43, %reduce_sum3A_44 [1] : vector<1250x8x128xf32> to vector<1250x128xf32>
    %get3A_46 = arith.constant 0 : index
    %get3A_47 = arith.constant 0 : index
    %get3A_48 = vector.load %arg4[%get3A_46, %get3A_47] : memref<1x16xf32, #tpu.memory_space<vmem>>, vector<1x16xf32>
    %concatenate3A_49 = tpu.concatenate %get3A_48, %get3A_48, %get3A_48, %get3A_48, %get3A_48, %get3A_48, %get3A_48, %get3A_48 in 1 : vector<1x16xf32>, vector<1x16xf32>, vector<1x16xf32>, vector<1x16xf32>, vector<1x16xf32>, vector<1x16xf32>, vector<1x16xf32>, vector<1x16xf32> -> vector<1x128xf32>
    %add3A = vector.broadcast %concatenate3A_49 : vector<1x128xf32> to vector<1250x128xf32>
    %add3A_50 = arith.addf %reduce_sum3A_45, %add3A : vector<1250x128xf32>
    %swap3A_51 = arith.constant 0 : index
    %swap3A_52 = arith.constant 0 : index
    %swap3A_53 = vector.load %arg6[%swap3A_51, %swap3A_52] : memref<1250x128xf32, #tpu.memory_space<vmem>>, vector<1250x128xf32>
    tpu.vector_store %arg6[%swap3A_51, %swap3A_52], %add3A_50 {strides = array<i32>} : memref<1250x128xf32, #tpu.memory_space<vmem>>, vector<1250x128xf32>,
    %get3A_54 = arith.constant 0 : index
    %get3A_55 = arith.constant 0 : index
    %get3A_56 = vector.load %arg1[%get3A_54, %get3A_55] : memref<2x320000xi32, #tpu.memory_space<vmem>>, vector<2x320000xi32>
    %slice3A = vector.extract_strided_slice %get3A_56 {offsets = [0, 0], sizes = [1, 320000], strides = [1, 1]} : vector<2x320000xi32> to vector<1x320000xi32>
    %reshape3A_57 = vector.shape_cast %slice3A : vector<1x320000xi32> to vector<2500x128xi32>
    %swap3A_58 = arith.constant 0 : index
    %swap3A_59 = arith.constant 0 : index
    %swap3A_60 = vector.load %arg7[%swap3A_58, %swap3A_59] : memref<2500x128xi32, #tpu.memory_space<vmem>>, vector<2500x128xi32>
    tpu.vector_store %arg7[%swap3A_58, %swap3A_59], %reshape3A_57 {strides = array<i32>} : memref<2500x128xi32, #tpu.memory_space<vmem>>, vector<2500x128xi32>,
    %slice3A_61 = vector.extract_strided_slice %get3A_56 {offsets = [1, 0], sizes = [1, 320000], strides = [1, 1]} : vector<2x320000xi32> to vector<1x320000xi32>
    %reshape3A_62 = vector.shape_cast %slice3A_61 : vector<1x320000xi32> to vector<2500x128xi32>
    %swap3A_63 = arith.constant 0 : index
    %swap3A_64 = arith.constant 0 : index
    %swap3A_65 = vector.load %arg8[%swap3A_63, %swap3A_64] : memref<2500x128xi32, #tpu.memory_space<vmem>>, vector<2500x128xi32>
    tpu.vector_store %arg8[%swap3A_63, %swap3A_64], %reshape3A_62 {strides = array<i32>} : memref<2500x128xi32, #tpu.memory_space<vmem>>, vector<2500x128xi32>,
    %broadcast_in_dim3A_66 = arith.constant 0.000000e+00 : f32
    %broadcast_in_dim3A_67 = vector.broadcast %broadcast_in_dim3A_66 : f32 to vector<80x128xf32>
    %swap3A_68 = arith.constant 0 : index
    %swap3A_69 = arith.constant 0 : index
    %swap3A_70 = vector.load %arg9[%swap3A_68, %swap3A_69] : memref<80x128xf32, #tpu.memory_space<vmem>>, vector<80x128xf32>
    tpu.vector_store %arg9[%swap3A_68, %swap3A_69], %broadcast_in_dim3A_67 {strides = array<i32>} : memref<80x128xf32, #tpu.memory_space<vmem>>, vector<80x128xf32>,
    %broadcast_in_dim3A_71 = arith.constant 0.000000e+00 : f32
    %broadcast_in_dim3A_72 = vector.broadcast %broadcast_in_dim3A_71 : f32 to vector<5x128xf32>
    %swap3A_73 = arith.constant 0 : index
    %swap3A_74 = arith.constant 0 : index
    %swap3A_75 = vector.load %arg10[%swap3A_73, %swap3A_74] : memref<5x128xf32, #tpu.memory_space<vmem>>, vector<5x128xf32>
    tpu.vector_store %arg10[%swap3A_73, %swap3A_74], %broadcast_in_dim3A_72 {strides = array<i32>} : memref<5x128xf32, #tpu.memory_space<vmem>>, vector<5x128xf32>,
    %broadcast_in_dim3A_76 = arith.constant 1.000000e+00 : f32
    %broadcast_in_dim3A_77 = vector.broadcast %broadcast_in_dim3A_76 : f32 to vector<16x128xf32>
    %swap3A_78 = arith.constant 0 : index
    %swap3A_79 = arith.constant 0 : index
    %swap3A_80 = vector.load %arg11[%swap3A_78, %swap3A_79] : memref<16x128xf32, #tpu.memory_space<vmem>>, vector<16x128xf32>
    tpu.vector_store %arg11[%swap3A_78, %swap3A_79], %broadcast_in_dim3A_77 {strides = array<i32>} : memref<16x128xf32, #tpu.memory_space<vmem>>, vector<16x128xf32>,
    return
  }
}

</mosaic_0001>

<sc_bundles>
// kernel: kernel.10.cloned.1.call-start
scs
__scs_entry_jumppad:
0x0: {  	(pc) =	sbr.rel $0x88, $3  }
0x1: {  	(tag) =	ssettag $0x0;
	lr =	simm.s32 $0x1  }
0x2: {  	[smem:$0x3F99] =	sst lr;
	_ =	strace $0xD0000000  }
0x3: {  	_ = 	snop  }
0x4: {  	_ = 	snop  }
0x5: {  	_ = 	snop  }
0x6: {  	_ = 	snop  }
0x7: {  	_ = 	snop  }
__scs_overlays_trampoline_lowered:
0x8: {  	[smem:$0x3FA8] =	sst s0  }
0x9: {  	[smem:$0x3FA9] =	sst s1  }
0xa: {  	[smem:$0x3FAA] =	sst s2  }
0xb: {  	[smem:$0x3FAB] =	sst s3  }
0xc: {  	[smem:$0x3FAC] =	sst s4  }
0xd: {  	[smem:$0x3FAD] =	sst s5  }
0xe: {  	[smem:$0x3FAE] =	sst s6  }
0xf: {  	[smem:$0x3FAF] =	sst s7  }
0x10: {  	[smem:$0x3FB0] =	sst s8  }
0x11: {  	[smem:$0x3FB1] =	sst s9;
	s0 =	simm.s32 @!p0 $0x0  }
0x12: {  	s1 =	sld [smem:$0x3F97];
	s0 =	simm.s32 @p0 $0x1  }
0x13: {  	[smem:$0x3FB2] =	sst s0;
	s0 =	simm.s32 @!p1 $0x0  }
0x14: {  	s2 =	sld [smem:$0x3F96];
	s0 =	simm.s32 @p1 $0x1  }
0x15: {  	[smem:$0x3FB3] =	sst s0;
	s0 =	simm.s32 @!p2 $0x0  }
0x16: {  	s3 =	sld [smem:$0x3FDB];
	s0 =	simm.s32 @p2 $0x1  }
0x17: {  	s4 =	simm.s32 $0x1BF5;
	[smem:$0x3FB5] =	sst s0  }
0x18: {  	s0 =	sld [smem:$0x3F98];
	_ =	swait.ge [sflag:s4], $0x0  }
0x19: {  	s7 =	sld [smem:$0x3F99]  }
0x1a: {  	s8 =	sadd.s32 $0xFFFFE003, lr  }
0x1b: {  	s9 =	sadd.s32 $0xFFFFFEF7, lr;
	s5 =	simm.s32 $0xFFFFFFFF;
	p2 =	slt.u32 s8, $0xFFFFF086  }
0x1c: {  	p1 =	slt.u32 s9, $0xF7A;
	s5 =	simm.s32 @!p2 $0x0  }
0x1d: {  	s5 =	simm.s32 @p1 $0x1;
	p0 =	seq.s32 s7, s2  }
0x1e: {  	s7 =	smul.u32 @!p0 $0xF7A, s2;
	p2 =	seq.s32 @!p0 s5, $0x0  }
0x1f: {  	s9 =	smul.u32 $0xF7A, s1;
	s8 =	simm.s32 @!p0 $0x1BF5;
	p2 =	por !p2, p0  }
0x20: {  	[sflag:s8] =	ssyncset.s32 @!p0 $0xFFFFF086;
	s6 =	sadd.s32 @!p0 s3, s7;
	s7 =	simm.s32 @!p0 $0x108  }
0x21: {  	s3 =	sadd.s32 s3, s9;
	s6 =	sadd.s32 @!p0 $0x88, s6;
	s7 =	simm.s32 @p2 $0x1082  }
0x22: {  	[simem:s7], [sflag:s8] =	dma.local @!p0 [hbm:s6], $0xF7A  }
0x23: {  	s9 =	sor.u32 $0xD0000000, s2;
	s6 =	simm.s32 $0x108;
	_ =	swait.ge @!p0 [sflag:s8], $0x0  }
0x24: {  	s3 =	sadd.s32 $0x88, s3;
	s6 =	simm.s32 @!p1 $0x1082;
	[sflag:s4] =	ssyncset.s32 $0xFFFFF086  }
0x25: {  	[simem:s6], [sflag:s4] =	dma.local [hbm:s3], $0xF7A  }
0x26: {  	[smem:$0x3F99] =	sst s1;
	(tag) =	ssettag s2;
	_ =	strace s9  }
0x27: {  	s1 =	sld [smem:$0x3FA9]  }
0x28: {  	s2 =	sld [smem:$0x3FAA]  }
0x29: {  	s4 =	sld [smem:$0x3FAC]  }
0x2a: {  	p0 =	seq.s32 s5, $0x0;
	s5 =	sld [smem:$0x3FAD]  }
0x2b: {  	s6 =	sld [smem:$0x3FAE]  }
0x2c: {  	s7 =	sld [smem:$0x3FAF]  }
0x2d: {  	s3 =	simm.s32 $0x108;
	s8 =	sld [smem:$0x3FB0]  }
0x2e: {  	s3 =	simm.s32 @!p0 $0x1082;
	s9 =	sld [smem:$0x3FB1]  }
0x2f: {  	lr =	sadd.s32 s0, s3;
	s0 =	sld [smem:$0x3FA8]  }
0x30: {  	s3 =	sld [smem:$0x3FAB]  }
0x31: {  	[smem:$0x3FB4] =	sst s10  }
0x32: {  	s10 =	sld [smem:$0x3FB2];
	_ =	sdelay $0x3  }
0x33: {  	p0 =	seq.s32 s10, $0x1;
	s10 =	sld [smem:$0x3FB4];
	_ =	sdelay $0x3  }
0x34: {  	[smem:$0x3FB4] =	sst s10  }
0x35: {  	s10 =	sld [smem:$0x3FB3];
	_ =	sdelay $0x3  }
0x36: {  	p1 =	seq.s32 s10, $0x1;
	s10 =	sld [smem:$0x3FB4];
	_ =	sdelay $0x3  }
0x37: {  	[smem:$0x3FB4] =	sst s10  }
0x38: {  	s10 =	sld [smem:$0x3FB5]  }
0x39: {  	_ = 	snop;
	(pc) =	sbr.ind lr, $3  }
0x3a: {  	_ = 	snop  }
0x3b: {  	_ = 	snop  }
0x3c: {  	p2 =	seq.s32 s10, $0x1;
	s10 =	sld [smem:$0x3FB4]  }
0x3d: {  	_ =	shalt  }
0x3e: {  	_ =	shalt  }
0x3f: {  	_ =	shalt  }
0x40: {  	_ =	shalt  }
0x41: {  	_ =	shalt  }
0x42: {  	_ =	shalt  }
0x43: {  	_ =	shalt  }
0x44: {  	_ =	shalt  }
0x45: {  	_ =	shalt  }
0x46: {  	_ =	shalt  }
0x47: {  	_ =	shalt  }
0x48: {  	_ =	shalt  }
0x49: {  	_ =	shalt  }
0x4a: {  	_ =	shalt  }
0x4b: {  	_ =	shalt  }
0x4c: {  	_ =	shalt  }
0x4d: {  	_ =	shalt  }
0x4e: {  	_ =	shalt  }
0x4f: {  	_ =	shalt  }
0x50: {  	_ =	shalt  }
0x51: {  	_ =	shalt  }
0x52: {  	_ =	shalt  }
0x53: {  	_ =	shalt  }
0x54: {  	_ =	shalt  }
0x55: {  	_ =	shalt  }
0x56: {  	_ =	shalt  }
0x57: {  	_ =	shalt  }
0x58: {  	_ =	shalt  }
0x59: {  	_ =	shalt  }
0x5a: {  	_ =	shalt  }
0x5b: {  	_ =	shalt  }
0x5c: {  	_ =	shalt  }
0x5d: {  	_ =	shalt  }
0x5e: {  	_ =	shalt  }
0x5f: {  	_ =	shalt  }
0x60: {  	_ =	shalt  }
0x61: {  	_ =	shalt  }
0x62: {  	_ =	shalt  }
0x63: {  	_ =	shalt  }
0x64: {  	_ =	shalt  }
0x65: {  	_ =	shalt  }
0x66: {  	_ =	shalt  }
0x67: {  	_ =	shalt  }
0x68: {  	_ =	shalt  }
0x69: {  	_ =	shalt  }
0x6a: {  	_ =	shalt  }
0x6b: {  	_ =	shalt  }
0x6c: {  	_ =	shalt  }
0x6d: {  	_ =	shalt  }
0x6e: {  	_ =	shalt  }
0x6f: {  	_ =	shalt  }
0x70: {  	_ =	shalt  }
0x71: {  	_ =	shalt  }
0x72: {  	_ =	shalt  }
0x73: {  	_ =	shalt  }
0x74: {  	_ =	shalt  }
0x75: {  	_ =	shalt  }
0x76: {  	_ =	shalt  }
0x77: {  	_ =	shalt  }
0x78: {  	_ =	shalt  }
0x79: {  	_ =	shalt  }
0x7a: {  	_ =	shalt  }
0x7b: {  	_ =	shalt  }
0x7c: {  	_ =	shalt  }
0x7d: {  	_ =	shalt  }
0x7e: {  	_ =	shalt  }
0x7f: {  	_ =	shalt  }
0x80: {  	_ =	shalt  }
0x81: {  	_ =	shalt  }
0x82: {  	_ =	shalt  }
0x83: {  	_ =	shalt  }
0x84: {  	_ =	shalt  }
0x85: {  	_ =	shalt  }
0x86: {  	_ =	shalt  }
0x87: {  	_ =	shalt  }
.Lfunc_end0:
.L_simem_size_0:
called_computation.1_lowered:
.L_overlay_start_0:
0x88: {  	s2 =	sld [smem:$0x3FD9]  }
0x89: {  	s3 =	sld [smem:$0x3FFE];
	_ =	sdelay $0x1  }
0x8a: {  	s1 =	srdreg.scid  }
0x8b: {  	s0 =	sand.u32 $0x1, s1  }
0x8c: {  	s17 =	sshll.u32 s0, $0xA;
	s2 =	sadd.s32 s3, s2  }
0x8d: {  	s2 =	sadd.s32 s2, s17  }
0x8e: {  	[smem:$0x3FC0] =	sst s2  }
0x8f: {  	_ = 	snop  }
0x90: {  	s2 =	sld [smem:$0x3FD0];
	(tm) =	ssettm $0x1  }
0x91: {  	s18 =	sld [smem:$0x3FFB];
	_ =	sdelay $0x3  }
0x92: {  	_ =	strace s18  }
0x93: {  	s3 =	sld [smem:$0x3FFC];
	_ =	sdelay $0x3  }
0x94: {  	_ =	strace s3  }
0x95: {  	s3 =	sld [smem:$0x3FFD];
	_ =	sdelay $0x3  }
0x96: {  	_ =	strace s3  }
0x97: {  	_ =	strace $0x8FFFFFFF  }
0x98: {  	s19 =	sld [smem:$0x3FDB];
	_ =	sdelay $0x1  }
0x99: {  	s4 =	simm.s32 $_scs_section_size  }
0x9a: {  	s5 =	simm.s32 $_size__tile_overlayer_lowered;
	s6 =	simm.s32 $_tile_overlayer_lowered  }
0x9b: {  	s22 =	simm.s32 $0x1BFF;
	s21 =	sshll.u32 s6, $0x1;
	s3 =	sadd.s32 s4, s19  }
0x9c: {  	s7 =	simm.s32 $0x0;
	s20 =	sshll.u32 s5, $0x1;
	s5 =	sadd.s32 s21, s3  }
0x9d: {  	[timem:s7], [sflag:s22] =	dma.local [hbm:s5], s20  }
0x9e: {  	_ =	swait.ge [sflag:s22], s20  }
0x9f: {  	s4 =	ssub.s32 $0x0, s20;
	[sflag:s22] =	ssyncset.done $0x0  }
0xa0: {  	[sflag:s22] =	ssyncadd.s32 s4;
	_ =	sdelay $0x1  }
0xa1: {  	s23 =	simm.s32 $0x1B8B  }
0xa2: {  	_ =	swait.ge [sflag:s23], $0x1  }
0xa3: {  	[sflag:s23] =	ssyncset.done $0x0  }
0xa4: {  	s25 =	simm.s32 $0x1B8E;
	s24 =	sld [smem:$0x3FFE];
	[sflag:s23] =	ssyncadd.s32 $0xFFFFFFFF  }
0xa5: {  	s26 =	simm.s32 $execute0_lowered;
	[smem:$0x3FD2] =	sst s25  }
0xa6: {  	s5 =	sshll.u32 s26, $0x1;
	_ =	strace $0x80000049;
	[dreg:$0x1] =	wrdreg $0xFFFFFFFF  }
0xa7: {  	s28 =	simm.s32 $_size_execute0_lowered;
	s3 =	sadd.s32 s3, s5;
	[dreg:$0x0] =	wrdreg $0x0  }
0xa8: {  	s5 =	sshll.u32 s28, $0x1;
	[dreg:$0x2] =	wrdreg s3  }
0xa9: {  	[dreg:$0x3] =	wrdreg s5  }
0xaa: {  	[dreg:$0x4] =	wrdreg $0xC0  }
0xab: {  	_ =	task [dreg:s7], $0x5FFFF  }
0xac: {  	[dreg:$0x1] =	wrdreg $0xFFFFFFFF  }
0xad: {  	[dreg:$0x0] =	wrdreg $0x60  }
0xae: {  	[dreg:$0x2] =	wrdreg s2  }
0xaf: {  	[dreg:$0x3] =	wrdreg s24  }
0xb0: {  	[dreg:$0x4] =	wrdreg $0x4E200  }
0xb1: {  	[dreg:$0x5] =	wrdreg $0x9  }
0xb2: {  	_ =	task.clear_ibuf [dreg:s7], $0x6FFFF;
	_ =	strace $0x90000049  }
0xb3: {  	s29 =	simm.s32 $0x9;
	_ =	strace $0x8000004B  }
0xb4: {  	_ =	swait.ge [sflag:s29], $0x1  }
0xb5: {  	[sflag:s29] =	ssyncadd.s32 $0xFFFFFFFF  }
0xb6: {  	_ =	strace $0x9000004B  }
0xb7: {  	_ =	sfence  }
0xb8: {  	s30 =	sld [smem:$0x0];
	_ =	sdelay $0x2  }
0xb9: {  	s31 =	sshll.u32 s1, $0xD;
	s1 =	sshrl.u32 s1, $0x2  }
0xba: {  	s3 =	sand.u32 $0x4000, s31;
	s1 =	sadd.s32 s1, s30  }
0xbb: {  	s0 =	sor.u32 s3, s0;
	s1 =	sshll.u32 s1, $0x11  }
0xbc: {  	s0 =	sor.u32 s1, s0  }
0xbd: {  	s0 =	sadd.s32 $0x8F2B, s0  }
0xbe: {  	[sflag:s0] =	ssyncadd.remote.s32 $0x1  }
0xbf: {  	_ =	sfence.sel $0xFFFF  }
0xc0: {  	[dreg:$0x0] =	wrdreg $0xFFFFFFFF;
	(pc) =	sbr.abs _section_cstart, $3  }
0xc1: {  	[dreg:$0x1] =	wrdreg $0xFFFFFFFF  }
0xc2: {  	_ =	task.clear_ibuf [dreg:s7], $0x2FFFF;
	_ =	strace $0x9FFFFFFF  }
0xc3: {  	(tm) =	ssettm $0x7FFFFFFF  }
tec
execute0_lowered:
.L_overlay_start_1:
0x0: {  	(tag) =	ssettag $0x1  }
0x1: {  	s4 =	rddreg [dreg:$0x0]  }
0x2: {  	s0 =	srdreg.scid;
	s6 =	rddreg [dreg:$0x1]  }
0x3: {  	s23 =	stileid.u32;
	s3 =	rddreg [dreg:$0x2];
	s29 =	simm.s32 $0x0  }
0x4: {  	s5 =	sand.u32 $0x1, s0;
	s24 =	sshll.u32 s23, $0x1;
	[smem:$0x7FF] =	sst s29  }
0x5: {  	s7 =	sadd.s32 $0x16E00, s6;
	s0 =	sor.u32 s5, s24;
	s24 =	rddreg [dreg:$0x3]  }
0x6: {  	s9 =	simm.s32 $0x320;
	_ =	strace $0x8000004A;
	[dreg:$0x4] =	wrdreg s7  }
0x7: {  	s10 =	simm.s32 $0x4B0;
	[dreg:$0x9] =	wrdreg s9  }
0x8: {  	s11 =	simm.s32 $0x640;
	[dreg:$0xa] =	wrdreg s10  }
0x9: {  	s12 =	simm.s32 $0x7D0;
	[dreg:$0xb] =	wrdreg s11  }
0xa: {  	s13 =	simm.s32 $0x28A0;
	[dreg:$0xc] =	wrdreg s12  }
0xb: {  	s14 =	simm.s32 $0x960;
	[dreg:$0xd] =	wrdreg s13  }
0xc: {  	s15 =	simm.s32 $0x2A30;
	[dreg:$0xe] =	wrdreg s14  }
0xd: {  	s16 =	simm.s32 $0xAF0;
	[dreg:$0xf] =	wrdreg s15  }
0xe: {  	s17 =	simm.s32 $0x2BC0;
	[dreg:$0x10] =	wrdreg s16  }
0xf: {  	s18 =	simm.s32 $0xC80;
	[dreg:$0x11] =	wrdreg s17  }
0x10: {  	s19 =	simm.s32 $0x2D50;
	[dreg:$0x12] =	wrdreg s18  }
0x11: {  	s20 =	simm.s32 $0xE10;
	[dreg:$0x13] =	wrdreg s19  }
0x12: {  	s21 =	simm.s32 $0x2EE0;
	[dreg:$0x14] =	wrdreg s20  }
0x13: {  	s22 =	simm.s32 $0xFA0;
	s31 =	sshll.u32 s23, $0x6;
	[dreg:$0x15] =	wrdreg s21  }
0x14: {  	s7 =	sor.u32 $0x1C06, s31;
	[dreg:$0x16] =	wrdreg s22  }
0x15: {  	s30 =	simm.s32 $0x2710;
	s9 =	simm.s32 $0x3520;
	[dreg:$0x7] =	wrdreg s7  }
0x16: {  	p0 =	por $0x0, $0x0;
	s11 =	simm.s32 $0x15E0;
	[dreg:$0x1d] =	wrdreg s9  }
0x17: {  	s28 =	simm.s32 $0x47E0;
	s12 =	simm.s32 $0x36B0;
	[dreg:$0x1e] =	wrdreg s11  }
0x18: {  	s1 =	smul.u32 $0x2800, s23;
	s13 =	simm.s32 $0x1770;
	[dreg:$0x1f] =	wrdreg s12  }
0x19: {  	s2 =	smul.u32 $0x28000, s5;
	s14 =	simm.s32 $0x3840;
	[smem:$0x7EB] =	sst s13  }
0x1a: {  	s5 =	ssub.s32 $0x2, s5;
	s15 =	simm.s32 $0x1900;
	[smem:$0x7EC] =	sst s14  }
0x1b: {  	s16 =	simm.s32 $0x39D0;
	s17 =	simm.s32 $0x1A90;
	[smem:$0x7ED] =	sst s15  }
0x1c: {  	s19 =	simm.s32 $0x3B60;
	s20 =	simm.s32 $0x1C20;
	[smem:$0x7EE] =	sst s16  }
0x1d: {  	s21 =	simm.s32 $0x3CF0;
	s22 =	simm.s32 $0x1DB0;
	[smem:$0x7EF] =	sst s17  }
0x1e: {  	s0 =	smul.u32 $0x4E2, s0;
	s7 =	simm.s32 $0x3390;
	[smem:$0x7F0] =	sst s19  }
0x1f: {  	s10 =	sshrl.u32 s5, $0x1;
	s14 =	simm.s32 $0x7620;
	[smem:$0x7F1] =	sst s20  }
0x20: {  	s11 =	simm.s32 $0x8F20;
	[smem:$0x7F2] =	sst s21;
	s9 =	simm.s32 $0xC120  }
0x21: {  	[smem:$0x7F3] =	sst s22;
	s19 =	simm.s32 $0x2;
	s12 =	simm.s32 $0x6  }
0x22: {  	s13 =	simm.s32 $0x7;
	s15 =	simm.s32 $0x41A0;
	[dreg:$0x1b] =	wrdreg s7  }
0x23: {  	s20 =	simm.s32 $0x3;
	s16 =	simm.s32 $0x2260;
	[smem:$0x7F8] =	sst s15  }
0x24: {  	s17 =	simm.s32 $0x4330;
	s22 =	simm.s32 $0x23F0;
	[smem:$0x7F9] =	sst s16  }
0x25: {  	s2 =	sadd.s32 s1, s2;
	s5 =	ssub.s32 s5, s10;
	[smem:$0x7FA] =	sst s17  }
0x26: {  	s1 =	sadd.s32 s1, s3;
	[smem:$0x7FB] =	sst s22;
	s0 =	sadd.s32 s0, s6  }
0x27: {  	s25 =	sshrl.u32 s2, $0x3;
	s2 =	simm.s32 $0x3200;
	s18 =	smax.u32 s5, $0x1  }
0x28: {  	s5 =	sshrl.u32 s1, $0x3;
	s1 =	simm.s32 $0x4010;
	[dreg:$0x19] =	wrdreg s2  }
0x29: {  	s21 =	simm.s32 $0x4;
	s26 =	sadd.s32 $0x3200, s0;
	[smem:$0x7F6] =	sst s1  }
0x2a: {  	s7 =	simm.s32 $0x1;
	s0 =	sadd.s32 $0xD000, s0;
	[dreg:$0x5] =	wrdreg s26  }
0x2b: {  	s6 =	sadd.s32 s25, s6;
	s25 =	simm.s32 $0x3070;
	[dreg:$0x6] =	wrdreg s0  }
0x2c: {  	s10 =	simm.s32 $0xA820;
	s2 =	simm.s32 $0x20D0;
	[dreg:$0x17] =	wrdreg s25  }
0x2d: {  	s15 =	simm.s32 $0x8;
	s16 =	simm.s32 $0x9;
	[smem:$0x7F7] =	sst s2  }
0x2e: {  	s22 =	simm.s32 $0x5;
	s8 =	sadd.s32 $0x17800, s6;
	s0 =	rddreg [dreg:$0x7]  }
0x2f: {  	s17 =	simm.s32 $0xA;
	s26 =	simm.s32 $0x1130;
	[dreg:$0x8] =	wrdreg s8  }
0x30: {  	p1 =	sne.s32 s18, $0x1;
	s6 =	simm.s32 $0x12C0;
	[dreg:$0x18] =	wrdreg s26  }
0x31: {  	s1 =	sadd.s32 $0xFFFFFFFF, s18;
	s25 =	simm.s32 $0x3E80;
	[dreg:$0x1a] =	wrdreg s6  }
.Ltmp0:
0x32: {  	s8 =	simm.s32 $0x1450;
	[smem:$0x7F4] =	sst s25;
	(pc) =	sbr.rel @!p1 .LBB2_1-.Ltmp0, $4  }
0x33: {  	s18 =	simm.s32 $0xB;
	s26 =	simm.s32 $0x1F40;
	[dreg:$0x1c] =	wrdreg s8  }
0x34: {  	s6 =	simm.s32 $0x190;
	s25 =	simm.s32 $0x44C0;
	[smem:$0x7F5] =	sst s26  }
0x35: {  	s8 =	simm.s32 $0xDA20;
	[smem:$0x7FC] =	sst s25;
	s26 =	simm.s32 $0x2580  }
0x36: {  	s25 =	simm.s32 $0x4B00;
	[smem:$0x7FD] =	sst s26;
	s26 =	simm.s32 $0x4970  }
0x37: {  	s23 =	smov.u32 s31;
	s31 =	rddreg [dreg:$0x5]  }
0x38: {  	s2 =	rddreg [dreg:$0x6]  }
0x39: {  	[tilespmem:s29], [sflag:$0x1] =	stream.linear.gather [hbm4b:s31+s29], $0x2710, $0x38;
	[tilespmem:$0xF320] =	vst v63  }
0x3a: {  	s31 =	rddreg [dreg:$0x4]  }
0x3b: {  	[tilespmem:s30], [sflag:$0x2] =	stream.linear.gather [hbm4b:s2+s29], $0x2710, $0x38;
	[tilespmem:$0xF320] =	vst v63  }
0x3c: {  	[spmem:s5], [sflag:s0] =	dma.local [hbm:s31], $0x500  }
0x3d: {  	_ =	swait.ge [sflag:s7], $0x2710  }
0x3e: {  	[sflag:s7] =	ssyncset.done $0x0  }
0x3f: {  	[sflag:s7] =	ssyncadd.s32 $0xFFFFD8F0  }
0x40: {  	[tilespmem:s14], [sflag:$0x1] =	stream.indirect.gather [hbm4b:s4+s6], $0x10, s29, s6, $0xb8;
	[tilespmem:$0xF320] =	vst v63  }
0x41: {  	_ = 	snop  }
0x42: {  	[tilespmem:s11], [sflag:$0x2] =	stream.indirect.gather [hbm4b:s4+s6], $0x10, s6, s6, $0xb8;
	[tilespmem:$0xF320] =	vst v63  }
0x43: {  	s24 =	rddreg [dreg:$0x9]  }
0x44: {  	[tilespmem:s10], [sflag:$0x3] =	stream.indirect.gather [hbm4b:s4+s6], $0x10, s24, s6, $0xb8;
	[tilespmem:$0xF320] =	vst v63  }
0x45: {  	s2 =	rddreg [dreg:$0xa]  }
0x46: {  	[tilespmem:s9], [sflag:$0x4] =	stream.indirect.gather [hbm4b:s4+s6], $0x10, s2, s6, $0xb8;
	[tilespmem:$0xF320] =	vst v63  }
0x47: {  	s24 =	rddreg [dreg:$0xb]  }
0x48: {  	[tilespmem:s8], [sflag:$0x5] =	stream.indirect.gather [hbm4b:s4+s6], $0x10, s24, s6, $0xb8;
	[tilespmem:$0xF320] =	vst v63  }
0x49: {  	_ =	swait.ge [sflag:s19], $0x2710  }
0x4a: {  	[sflag:s19] =	ssyncset.done $0x0  }
0x4b: {  	[sflag:s19] =	ssyncadd.s32 $0xFFFFD8F0  }
0x4c: {  	_ =	swait.ge [sflag:s12], $0x500  }
0x4d: {  	[sflag:s12] =	ssyncset.done $0x0  }
0x4e: {  	[sflag:s12] =	ssyncadd.s32 $0xFFFFFB00  }
0x4f: {  	[bflag:$0x0] =	sbarrier.arrive $0xFFFF  }
0x50: {  	_ =	swait.ge [sflag:s7], $0x1900  }
0x51: {  	[sflag:s7] =	ssyncset.done $0x0  }
0x52: {  	[sflag:s7] =	ssyncadd.s32 $0xFFFFE700  }
0x53: {  	[spmem:s3] =	stream.indirect.scatter.add.f32 [tilespmem:s14], [sflag:$0x6], $0x10, s30, s6, $0xb8;
	[tilespmem:$0xF320] =	vst v63  }
0x54: {  	_ =	swait.ge [sflag:s12], $0x1900  }
0x55: {  	[sflag:s12] =	ssyncset.done $0x0  }
0x56: {  	s24 =	rddreg [dreg:$0xc];
	[sflag:s12] =	ssyncadd.s32 $0xFFFFE700  }
0x57: {  	[tilespmem:s14], [sflag:$0x1] =	stream.indirect.gather [hbm4b:s4+s6], $0x10, s24, s6, $0xb8;
	[tilespmem:$0xF320] =	vst v63  }
0x58: {  	_ =	swait.ge [sflag:s19], $0x1900  }
0x59: {  	[sflag:s19] =	ssyncset.done $0x0  }
0x5a: {  	s24 =	rddreg [dreg:$0xd];
	[sflag:s19] =	ssyncadd.s32 $0xFFFFE700  }
0x5b: {  	[spmem:s3] =	stream.indirect.scatter.add.f32 [tilespmem:s11], [sflag:$0x7], $0x10, s24, s6, $0xb8;
	[tilespmem:$0xF320] =	vst v63  }
0x5c: {  	_ =	swait.ge [sflag:s13], $0x1900  }
0x5d: {  	[sflag:s13] =	ssyncset.done $0x0  }
0x5e: {  	s24 =	rddreg [dreg:$0xe];
	[sflag:s13] =	ssyncadd.s32 $0xFFFFE700  }
0x5f: {  	[tilespmem:s11], [sflag:$0x2] =	stream.indirect.gather [hbm4b:s4+s6], $0x10, s24, s6, $0xb8;
	[tilespmem:$0xF320] =	vst v63  }
0x60: {  	_ =	swait.ge [sflag:s20], $0x1900  }
0x61: {  	[sflag:s20] =	ssyncset.done $0x0  }
0x62: {  	s24 =	rddreg [dreg:$0xf];
	[sflag:s20] =	ssyncadd.s32 $0xFFFFE700  }
0x63: {  	[spmem:s3] =	stream.indirect.scatter.add.f32 [tilespmem:s10], [sflag:$0x8], $0x10, s24, s6, $0xb8;
	[tilespmem:$0xF320] =	vst v63  }
0x64: {  	_ =	swait.ge [sflag:s15], $0x1900  }
0x65: {  	[sflag:s15] =	ssyncset.done $0x0  }
0x66: {  	s24 =	rddreg [dreg:$0x10];
	[sflag:s15] =	ssyncadd.s32 $0xFFFFE700  }
0x67: {  	[tilespmem:s10], [sflag:$0x3] =	stream.indirect.gather [hbm4b:s4+s6], $0x10, s24, s6, $0xb8;
	[tilespmem:$0xF320] =	vst v63  }
0x68: {  	_ =	swait.ge [sflag:s21], $0x1900  }
0x69: {  	[sflag:s21] =	ssyncset.done $0x0  }
0x6a: {  	s24 =	rddreg [dreg:$0x11];
	[sflag:s21] =	ssyncadd.s32 $0xFFFFE700  }
0x6b: {  	[spmem:s3] =	stream.indirect.scatter.add.f32 [tilespmem:s9], [sflag:$0x9], $0x10, s24, s6, $0xb8;
	[tilespmem:$0xF320] =	vst v63  }
0x6c: {  	_ =	swait.ge [sflag:s16], $0x1900  }
0x6d: {  	[sflag:s16] =	ssyncset.done $0x0  }
0x6e: {  	s24 =	rddreg [dreg:$0x12];
	[sflag:s16] =	ssyncadd.s32 $0xFFFFE700  }
0x6f: {  	[tilespmem:s9], [sflag:$0x4] =	stream.indirect.gather [hbm4b:s4+s6], $0x10, s24, s6, $0xb8;
	[tilespmem:$0xF320] =	vst v63  }
0x70: {  	_ =	swait.ge [sflag:s22], $0x1900  }
0x71: {  	[sflag:s22] =	ssyncset.done $0x0  }
0x72: {  	s24 =	rddreg [dreg:$0x13];
	[sflag:s22] =	ssyncadd.s32 $0xFFFFE700  }
0x73: {  	[spmem:s3] =	stream.indirect.scatter.add.f32 [tilespmem:s8], [sflag:$0xA], $0x10, s24, s6, $0xb8;
	[tilespmem:$0xF320] =	vst v63  }
0x74: {  	_ =	swait.ge [sflag:s17], $0x1900  }
0x75: {  	[sflag:s17] =	ssyncset.done $0x0  }
0x76: {  	s24 =	rddreg [dreg:$0x14];
	[sflag:s17] =	ssyncadd.s32 $0xFFFFE700  }
0x77: {  	[tilespmem:s8], [sflag:$0x5] =	stream.indirect.gather [hbm4b:s4+s6], $0x10, s24, s6, $0xb8;
	[tilespmem:$0xF320] =	vst v63  }
0x78: {  	_ =	swait.ge [sflag:s7], $0x1900  }
0x79: {  	[sflag:s7] =	ssyncset.done $0x0  }
0x7a: {  	s24 =	rddreg [dreg:$0x15];
	[sflag:s7] =	ssyncadd.s32 $0xFFFFE700  }
0x7b: {  	[spmem:s3] =	stream.indirect.scatter.add.f32 [tilespmem:s14], [sflag:$0x6], $0x10, s24, s6, $0xb8;
	[tilespmem:$0xF320] =	vst v63  }
0x7c: {  	_ =	swait.ge [sflag:s12], $0x1900  }
0x7d: {  	[sflag:s12] =	ssyncset.done $0x0  }
0x7e: {  	s24 =	rddreg [dreg:$0x16];
	[sflag:s12] =	ssyncadd.s32 $0xFFFFE700  }
0x7f: {  	[tilespmem:s14], [sflag:$0x1] =	stream.indirect.gather [hbm4b:s4+s6], $0x10, s24, s6, $0xb8;
	[tilespmem:$0xF320] =	vst v63  }
0x80: {  	_ =	swait.ge [sflag:s19], $0x1900  }
0x81: {  	[sflag:s19] =	ssyncset.done $0x0  }
0x82: {  	s24 =	rddreg [dreg:$0x17];
	[sflag:s19] =	ssyncadd.s32 $0xFFFFE700  }
0x83: {  	[spmem:s3] =	stream.indirect.scatter.add.f32 [tilespmem:s11], [sflag:$0x7], $0x10, s24, s6, $0xb8;
	[tilespmem:$0xF320] =	vst v63  }
0x84: {  	_ =	swait.ge [sflag:s13], $0x1900  }
0x85: {  	[sflag:s13] =	ssyncset.done $0x0  }
0x86: {  	s24 =	rddreg [dreg:$0x18];
	[sflag:s13] =	ssyncadd.s32 $0xFFFFE700  }
0x87: {  	[tilespmem:s11], [sflag:$0x2] =	stream.indirect.gather [hbm4b:s4+s6], $0x10, s24, s6, $0xb8;
	[tilespmem:$0xF320] =	vst v63  }
0x88: {  	_ =	swait.ge [sflag:s20], $0x1900  }
0x89: {  	[sflag:s20] =	ssyncset.done $0x0  }
0x8a: {  	s24 =	rddreg [dreg:$0x19];
	[sflag:s20] =	ssyncadd.s32 $0xFFFFE700  }
0x8b: {  	[spmem:s3] =	stream.indirect.scatter.add.f32 [tilespmem:s10], [sflag:$0x8], $0x10, s24, s6, $0xb8;
	[tilespmem:$0xF320] =	vst v63  }
0x8c: {  	_ =	swait.ge [sflag:s15], $0x1900  }
0x8d: {  	[sflag:s15] =	ssyncset.done $0x0  }
0x8e: {  	s24 =	rddreg [dreg:$0x1a];
	[sflag:s15] =	ssyncadd.s32 $0xFFFFE700  }
0x8f: {  	[tilespmem:s10], [sflag:$0x3] =	stream.indirect.gather [hbm4b:s4+s6], $0x10, s24, s6, $0xb8;
	[tilespmem:$0xF320] =	vst v63  }
0x90: {  	_ =	swait.ge [sflag:s21], $0x1900  }
0x91: {  	[sflag:s21] =	ssyncset.done $0x0  }
0x92: {  	s24 =	rddreg [dreg:$0x1b];
	[sflag:s21] =	ssyncadd.s32 $0xFFFFE700  }
0x93: {  	[spmem:s3] =	stream.indirect.scatter.add.f32 [tilespmem:s9], [sflag:$0x9], $0x10, s24, s6, $0xb8;
	[tilespmem:$0xF320] =	vst v63  }
0x94: {  	_ =	swait.ge [sflag:s16], $0x1900  }
0x95: {  	[sflag:s16] =	ssyncset.done $0x0  }
0x96: {  	s24 =	rddreg [dreg:$0x1c];
	[sflag:s16] =	ssyncadd.s32 $0xFFFFE700  }
0x97: {  	[tilespmem:s9], [sflag:$0x4] =	stream.indirect.gather [hbm4b:s4+s6], $0x10, s24, s6, $0xb8;
	[tilespmem:$0xF320] =	vst v63  }
0x98: {  	_ =	swait.ge [sflag:s22], $0x1900  }
0x99: {  	[sflag:s22] =	ssyncset.done $0x0  }
0x9a: {  	s24 =	rddreg [dreg:$0x1d];
	[sflag:s22] =	ssyncadd.s32 $0xFFFFE700  }
0x9b: {  	[spmem:s3] =	stream.indirect.scatter.add.f32 [tilespmem:s8], [sflag:$0xA], $0x10, s24, s6, $0xb8;
	[tilespmem:$0xF320] =	vst v63  }
0x9c: {  	_ =	swait.ge [sflag:s17], $0x1900  }
0x9d: {  	[sflag:s17] =	ssyncset.done $0x0  }
0x9e: {  	s24 =	rddreg [dreg:$0x1e];
	[sflag:s17] =	ssyncadd.s32 $0xFFFFE700  }
0x9f: {  	[tilespmem:s8], [sflag:$0x5] =	stream.indirect.gather [hbm4b:s4+s6], $0x10, s24, s6, $0xb8;
	[tilespmem:$0xF320] =	vst v63  }
0xa0: {  	_ =	swait.ge [sflag:s7], $0x1900  }
0xa1: {  	[sflag:s7] =	ssyncset.done $0x0  }
0xa2: {  	s24 =	rddreg [dreg:$0x1f];
	[sflag:s7] =	ssyncadd.s32 $0xFFFFE700  }
0xa3: {  	[spmem:s3] =	stream.indirect.scatter.add.f32 [tilespmem:s14], [sflag:$0x6], $0x10, s24, s6, $0xb8;
	[tilespmem:$0xF320] =	vst v63  }
0xa4: {  	_ =	swait.ge [sflag:s12], $0x1900  }
0xa5: {  	s24 =	sld [smem:$0x7EB]  }
0xa6: {  	[sflag:s12] =	ssyncset.done $0x0  }
0xa7: {  	[sflag:s12] =	ssyncadd.s32 $0xFFFFE700  }
0xa8: {  	[tilespmem:s14], [sflag:$0x1] =	stream.indirect.gather [hbm4b:s4+s6], $0x10, s24, s6, $0xb8;
	[tilespmem:$0xF320] =	vst v63  }
0xa9: {  	_ =	swait.ge [sflag:s19], $0x1900  }
0xaa: {  	s24 =	sld [smem:$0x7EC]  }
0xab: {  	[sflag:s19] =	ssyncset.done $0x0  }
0xac: {  	[sflag:s19] =	ssyncadd.s32 $0xFFFFE700  }
0xad: {  	[spmem:s3] =	stream.indirect.scatter.add.f32 [tilespmem:s11], [sflag:$0x7], $0x10, s24, s6, $0xb8;
	[tilespmem:$0xF320] =	vst v63  }
0xae: {  	_ =	swait.ge [sflag:s13], $0x1900  }
0xaf: {  	s24 =	sld [smem:$0x7ED]  }
0xb0: {  	[sflag:s13] =	ssyncset.done $0x0  }
0xb1: {  	[sflag:s13] =	ssyncadd.s32 $0xFFFFE700  }
0xb2: {  	[tilespmem:s11], [sflag:$0x2] =	stream.indirect.gather [hbm4b:s4+s6], $0x10, s24, s6, $0xb8;
	[tilespmem:$0xF320] =	vst v63  }
0xb3: {  	_ =	swait.ge [sflag:s20], $0x1900  }
0xb4: {  	s24 =	sld [smem:$0x7EE]  }
0xb5: {  	[sflag:s20] =	ssyncset.done $0x0  }
0xb6: {  	[sflag:s20] =	ssyncadd.s32 $0xFFFFE700  }
0xb7: {  	[spmem:s3] =	stream.indirect.scatter.add.f32 [tilespmem:s10], [sflag:$0x8], $0x10, s24, s6, $0xb8;
	[tilespmem:$0xF320] =	vst v63  }
0xb8: {  	_ =	swait.ge [sflag:s15], $0x1900  }
0xb9: {  	s24 =	sld [smem:$0x7EF]  }
0xba: {  	[sflag:s15] =	ssyncset.done $0x0  }
0xbb: {  	[sflag:s15] =	ssyncadd.s32 $0xFFFFE700  }
0xbc: {  	[tilespmem:s10], [sflag:$0x3] =	stream.indirect.gather [hbm4b:s4+s6], $0x10, s24, s6, $0xb8;
	[tilespmem:$0xF320] =	vst v63  }
0xbd: {  	_ =	swait.ge [sflag:s21], $0x1900  }
0xbe: {  	s24 =	sld [smem:$0x7F0]  }
0xbf: {  	[sflag:s21] =	ssyncset.done $0x0  }
0xc0: {  	[sflag:s21] =	ssyncadd.s32 $0xFFFFE700  }
0xc1: {  	[spmem:s3] =	stream.indirect.scatter.add.f32 [tilespmem:s9], [sflag:$0x9], $0x10, s24, s6, $0xb8;
	[tilespmem:$0xF320] =	vst v63  }
0xc2: {  	_ =	swait.ge [sflag:s16], $0x1900  }
0xc3: {  	s24 =	sld [smem:$0x7F1]  }
0xc4: {  	[sflag:s16] =	ssyncset.done $0x0  }
0xc5: {  	[sflag:s16] =	ssyncadd.s32 $0xFFFFE700  }
0xc6: {  	[tilespmem:s9], [sflag:$0x4] =	stream.indirect.gather [hbm4b:s4+s6], $0x10, s24, s6, $0xb8;
	[tilespmem:$0xF320] =	vst v63  }
0xc7: {  	_ =	swait.ge [sflag:s22], $0x1900  }
0xc8: {  	s24 =	sld [smem:$0x7F2]  }
0xc9: {  	[sflag:s22] =	ssyncset.done $0x0  }
0xca: {  	[sflag:s22] =	ssyncadd.s32 $0xFFFFE700  }
0xcb: {  	[spmem:s3] =	stream.indirect.scatter.add.f32 [tilespmem:s8], [sflag:$0xA], $0x10, s24, s6, $0xb8;
	[tilespmem:$0xF320] =	vst v63  }
0xcc: {  	_ =	swait.ge [sflag:s17], $0x1900  }
0xcd: {  	s24 =	sld [smem:$0x7F3]  }
0xce: {  	[sflag:s17] =	ssyncset.done $0x0  }
0xcf: {  	[sflag:s17] =	ssyncadd.s32 $0xFFFFE700  }
0xd0: {  	[tilespmem:s8], [sflag:$0x5] =	stream.indirect.gather [hbm4b:s4+s6], $0x10, s24, s6, $0xb8;
	[tilespmem:$0xF320] =	vst v63  }
0xd1: {  	_ =	swait.ge [sflag:s7], $0x1900  }
0xd2: {  	s24 =	sld [smem:$0x7F4]  }
0xd3: {  	[sflag:s7] =	ssyncset.done $0x0  }
0xd4: {  	[sflag:s7] =	ssyncadd.s32 $0xFFFFE700  }
0xd5: {  	[spmem:s3] =	stream.indirect.scatter.add.f32 [tilespmem:s14], [sflag:$0x6], $0x10, s24, s6, $0xb8;
	[tilespmem:$0xF320] =	vst v63  }
0xd6: {  	_ =	swait.ge [sflag:s12], $0x1900  }
0xd7: {  	s24 =	sld [smem:$0x7F5]  }
0xd8: {  	[sflag:s12] =	ssyncset.done $0x0  }
0xd9: {  	[sflag:s12] =	ssyncadd.s32 $0xFFFFE700  }
0xda: {  	[tilespmem:s14], [sflag:$0x1] =	stream.indirect.gather [hbm4b:s4+s6], $0x10, s24, s6, $0xb8;
	[tilespmem:$0xF320] =	vst v63  }
0xdb: {  	_ =	swait.ge [sflag:s19], $0x1900  }
0xdc: {  	s24 =	sld [smem:$0x7F6]  }
0xdd: {  	[sflag:s19] =	ssyncset.done $0x0  }
0xde: {  	[sflag:s19] =	ssyncadd.s32 $0xFFFFE700  }
0xdf: {  	[spmem:s3] =	stream.indirect.scatter.add.f32 [tilespmem:s11], [sflag:$0x7], $0x10, s24, s6, $0xb8;
	[tilespmem:$0xF320] =	vst v63  }
0xe0: {  	_ =	swait.ge [sflag:s13], $0x1900  }
0xe1: {  	s24 =	sld [smem:$0x7F7]  }
0xe2: {  	[sflag:s13] =	ssyncset.done $0x0  }
0xe3: {  	[sflag:s13] =	ssyncadd.s32 $0xFFFFE700  }
0xe4: {  	[tilespmem:s11], [sflag:$0x2] =	stream.indirect.gather [hbm4b:s4+s6], $0x10, s24, s6, $0xb8;
	[tilespmem:$0xF320] =	vst v63  }
0xe5: {  	_ =	swait.ge [sflag:s20], $0x1900  }
0xe6: {  	s24 =	sld [smem:$0x7F8]  }
0xe7: {  	[sflag:s20] =	ssyncset.done $0x0  }
0xe8: {  	[sflag:s20] =	ssyncadd.s32 $0xFFFFE700  }
0xe9: {  	[spmem:s3] =	stream.indirect.scatter.add.f32 [tilespmem:s10], [sflag:$0x8], $0x10, s24, s6, $0xb8;
	[tilespmem:$0xF320] =	vst v63  }
0xea: {  	_ =	swait.ge [sflag:s15], $0x1900  }
0xeb: {  	s24 =	sld [smem:$0x7F9]  }
0xec: {  	[sflag:s15] =	ssyncset.done $0x0  }
0xed: {  	[sflag:s15] =	ssyncadd.s32 $0xFFFFE700  }
0xee: {  	[tilespmem:s10], [sflag:$0x3] =	stream.indirect.gather [hbm4b:s4+s6], $0x10, s24, s6, $0xb8;
	[tilespmem:$0xF320] =	vst v63  }
0xef: {  	_ =	swait.ge [sflag:s21], $0x1900  }
0xf0: {  	s24 =	sld [smem:$0x7FA]  }
0xf1: {  	[sflag:s21] =	ssyncset.done $0x0  }
0xf2: {  	[sflag:s21] =	ssyncadd.s32 $0xFFFFE700  }
0xf3: {  	[spmem:s3] =	stream.indirect.scatter.add.f32 [tilespmem:s9], [sflag:$0x9], $0x10, s24, s6, $0xb8;
	[tilespmem:$0xF320] =	vst v63  }
0xf4: {  	_ =	swait.ge [sflag:s16], $0x1900  }
0xf5: {  	s24 =	sld [smem:$0x7FB]  }
0xf6: {  	[sflag:s16] =	ssyncset.done $0x0  }
0xf7: {  	[sflag:s16] =	ssyncadd.s32 $0xFFFFE700  }
0xf8: {  	[tilespmem:s9], [sflag:$0x4] =	stream.indirect.gather [hbm4b:s4+s6], $0x10, s24, s6, $0xb8;
	[tilespmem:$0xF320] =	vst v63  }
0xf9: {  	_ =	swait.ge [sflag:s22], $0x1900  }
0xfa: {  	s24 =	sld [smem:$0x7FC]  }
0xfb: {  	[sflag:s22] =	ssyncset.done $0x0  }
0xfc: {  	[sflag:s22] =	ssyncadd.s32 $0xFFFFE700  }
0xfd: {  	[spmem:s3] =	stream.indirect.scatter.add.f32 [tilespmem:s8], [sflag:$0xA], $0x10, s24, s6, $0xb8;
	[tilespmem:$0xF320] =	vst v63  }
0xfe: {  	_ =	swait.ge [sflag:s17], $0x1900  }
0xff: {  	s24 =	sld [smem:$0x7FD]  }
0x100: {  	[sflag:s17] =	ssyncset.done $0x0  }
0x101: {  	[sflag:s17] =	ssyncadd.s32 $0xFFFFE700  }
0x102: {  	[tilespmem:s8], [sflag:$0x5] =	stream.indirect.gather [hbm4b:s4+s6], $0x10, s24, s6, $0xb8;
	[tilespmem:$0xF320] =	vst v63  }
0x103: {  	_ =	swait.ge [sflag:s7], $0x1900  }
0x104: {  	[sflag:s7] =	ssyncset.done $0x0  }
0x105: {  	s24 =	simm.s32 $0x4650;
	[sflag:s7] =	ssyncadd.s32 $0xFFFFE700  }
0x106: {  	[spmem:s3] =	stream.indirect.scatter.add.f32 [tilespmem:s14], [sflag:$0x6], $0x10, s24, s6, $0xb8;
	[tilespmem:$0xF320] =	vst v63  }
0x107: {  	_ =	swait.ge [sflag:s19], $0x1900  }
0x108: {  	[sflag:s19] =	ssyncset.done $0x0  }
0x109: {  	[sflag:s19] =	ssyncadd.s32 $0xFFFFE700  }
0x10a: {  	[spmem:s3] =	stream.indirect.scatter.add.f32 [tilespmem:s11], [sflag:$0x7], $0x10, s28, s6, $0xb8;
	[tilespmem:$0xF320] =	vst v63  }
0x10b: {  	_ =	swait.ge [sflag:s20], $0x1900  }
0x10c: {  	[sflag:s20] =	ssyncset.done $0x0  }
0x10d: {  	[sflag:s20] =	ssyncadd.s32 $0xFFFFE700  }
0x10e: {  	[spmem:s3] =	stream.indirect.scatter.add.f32 [tilespmem:s10], [sflag:$0x8], $0x10, s26, s6, $0xb8;
	[tilespmem:$0xF320] =	vst v63  }
0x10f: {  	_ =	swait.ge [sflag:s21], $0x1900  }
0x110: {  	[sflag:s21] =	ssyncset.done $0x0  }
0x111: {  	[sflag:s21] =	ssyncadd.s32 $0xFFFFE700  }
0x112: {  	[spmem:s3] =	stream.indirect.scatter.add.f32 [tilespmem:s9], [sflag:$0x9], $0x10, s25, s6, $0xb8;
	[tilespmem:$0xF320] =	vst v63  }
0x113: {  	_ =	swait.ge [sflag:s22], $0x1900  }
0x114: {  	[sflag:s22] =	ssyncset.done $0x0  }
0x115: {  	s2 =	simm.s32 $0x4C90;
	[sflag:s22] =	ssyncadd.s32 $0xFFFFE700  }
0x116: {  	[spmem:s3] =	stream.indirect.scatter.add.f32 [tilespmem:s8], [sflag:$0xA], $0x10, s2, s6, $0xb8;
	[tilespmem:$0xF320] =	vst v63  }
0x117: {  	_ =	swait.ge [sflag:s12], $0x1900  }
0x118: {  	[sflag:s12] =	ssyncset.done $0x0  }
0x119: {  	[sflag:s12] =	ssyncadd.s32 $0xFFFFE700  }
0x11a: {  	_ =	swait.ge [sflag:s13], $0x1900  }
0x11b: {  	[sflag:s13] =	ssyncset.done $0x0  }
0x11c: {  	[sflag:s13] =	ssyncadd.s32 $0xFFFFE700  }
0x11d: {  	_ =	swait.ge [sflag:s15], $0x1900  }
0x11e: {  	[sflag:s15] =	ssyncset.done $0x0  }
0x11f: {  	[sflag:s15] =	ssyncadd.s32 $0xFFFFE700  }
0x120: {  	_ =	swait.ge [sflag:s16], $0x1900  }
0x121: {  	[sflag:s16] =	ssyncset.done $0x0  }
0x122: {  	[sflag:s16] =	ssyncadd.s32 $0xFFFFE700  }
0x123: {  	_ =	swait.ge [sflag:s17], $0x1900  }
0x124: {  	[sflag:s17] =	ssyncset.done $0x0  }
0x125: {  	[sflag:s17] =	ssyncadd.s32 $0xFFFFE700  }
0x126: {  	p1 =	sne.s32 s1, $0x1;
	[bflag:$0x0] =	sbarrier.arrive $0xFFFF  }
.Ltmp1:
0x127: {  	s24 =	rddreg [dreg:$0x8];
	(pc) =	sbr.rel @!p1 .LBB2_3-.Ltmp1, $4  }
0x128: {  	s31 =	sor.u32 $0x1C0B, s23;
	[smem:$0x7EA] =	sst s23  }
0x129: {  	[hbm:s24], [sflag:s31] =	dma.local [spmem:s5], $0x500  }
0x12a: {  	s1 =	sadd.s32 $0xFFFFFFFF, s1;
	_ =	swait.ge [sflag:s18], $0x500  }
0x12b: {  	p0 =	por $0x1, $0x1;
	s0 =	rddreg [dreg:$0x7];
	[sflag:s18] =	ssyncset.done $0x0  }
.LBB2_4:
0x12c: {  	s2 =	rddreg [dreg:$0x5]  }
0x12d: {  	[sflag:s18] =	ssyncadd.s32 $0xFFFFFB00;
	s23 =	rddreg [dreg:$0x4]  }
0x12e: {  	[tilespmem:s29], [sflag:$0x1] =	stream.linear.gather [hbm4b:s2+s29], $0x2710, $0x38;
	[tilespmem:$0xF320] =	vst v63  }
0x12f: {  	s24 =	rddreg [dreg:$0x6]  }
0x130: {  	[tilespmem:s30], [sflag:$0x2] =	stream.linear.gather [hbm4b:s24+s29], $0x2710, $0x38;
	[tilespmem:$0xF320] =	vst v63  }
0x131: {  	[spmem:s5], [sflag:s0] =	dma.local [hbm:s23], $0x500  }
0x132: {  	_ =	swait.ge [sflag:s7], $0x2710  }
0x133: {  	[sflag:s7] =	ssyncset.done $0x0  }
0x134: {  	[sflag:s7] =	ssyncadd.s32 $0xFFFFD8F0  }
0x135: {  	[tilespmem:s14], [sflag:$0x1] =	stream.indirect.gather [hbm4b:s4+s6], $0x10, s29, s6, $0xb8;
	[tilespmem:$0xF320] =	vst v63  }
0x136: {  	_ = 	snop  }
0x137: {  	[tilespmem:s11], [sflag:$0x2] =	stream.indirect.gather [hbm4b:s4+s6], $0x10, s6, s6, $0xb8;
	[tilespmem:$0xF320] =	vst v63  }
0x138: {  	s23 =	rddreg [dreg:$0x9]  }
0x139: {  	[tilespmem:s10], [sflag:$0x3] =	stream.indirect.gather [hbm4b:s4+s6], $0x10, s23, s6, $0xb8;
	[tilespmem:$0xF320] =	vst v63  }
0x13a: {  	s24 =	rddreg [dreg:$0xa]  }
0x13b: {  	[tilespmem:s9], [sflag:$0x4] =	stream.indirect.gather [hbm4b:s4+s6], $0x10, s24, s6, $0xb8;
	[tilespmem:$0xF320] =	vst v63  }
0x13c: {  	s23 =	rddreg [dreg:$0xb]  }
0x13d: {  	[tilespmem:s8], [sflag:$0x5] =	stream.indirect.gather [hbm4b:s4+s6], $0x10, s23, s6, $0xb8;
	[tilespmem:$0xF320] =	vst v63  }
0x13e: {  	_ =	swait.ge [sflag:s19], $0x2710  }
0x13f: {  	[sflag:s19] =	ssyncset.done $0x0  }
0x140: {  	[sflag:s19] =	ssyncadd.s32 $0xFFFFD8F0  }
0x141: {  	_ =	swait.ge [sflag:s12], $0x500  }
0x142: {  	[sflag:s12] =	ssyncset.done $0x0  }
0x143: {  	[sflag:s12] =	ssyncadd.s32 $0xFFFFFB00  }
0x144: {  	[bflag:$0x0] =	sbarrier.arrive $0xFFFF  }
0x145: {  	_ =	swait.ge [sflag:s7], $0x1900  }
0x146: {  	[sflag:s7] =	ssyncset.done $0x0  }
0x147: {  	[sflag:s7] =	ssyncadd.s32 $0xFFFFE700  }
0x148: {  	[spmem:s3] =	stream.indirect.scatter.add.f32 [tilespmem:s14], [sflag:$0x6], $0x10, s30, s6, $0xb8;
	[tilespmem:$0xF320] =	vst v63  }
0x149: {  	_ =	swait.ge [sflag:s12], $0x1900  }
0x14a: {  	[sflag:s12] =	ssyncset.done $0x0  }
0x14b: {  	s24 =	rddreg [dreg:$0xc];
	[sflag:s12] =	ssyncadd.s32 $0xFFFFE700  }
0x14c: {  	[tilespmem:s14], [sflag:$0x1] =	stream.indirect.gather [hbm4b:s4+s6], $0x10, s24, s6, $0xb8;
	[tilespmem:$0xF320] =	vst v63  }
0x14d: {  	_ =	swait.ge [sflag:s19], $0x1900  }
0x14e: {  	[sflag:s19] =	ssyncset.done $0x0  }
0x14f: {  	s23 =	rddreg [dreg:$0xd];
	[sflag:s19] =	ssyncadd.s32 $0xFFFFE700  }
0x150: {  	[spmem:s3] =	stream.indirect.scatter.add.f32 [tilespmem:s11], [sflag:$0x7], $0x10, s23, s6, $0xb8;
	[tilespmem:$0xF320] =	vst v63  }
0x151: {  	_ =	swait.ge [sflag:s13], $0x1900  }
0x152: {  	[sflag:s13] =	ssyncset.done $0x0  }
0x153: {  	s24 =	rddreg [dreg:$0xe];
	[sflag:s13] =	ssyncadd.s32 $0xFFFFE700  }
0x154: {  	[tilespmem:s11], [sflag:$0x2] =	stream.indirect.gather [hbm4b:s4+s6], $0x10, s24, s6, $0xb8;
	[tilespmem:$0xF320] =	vst v63  }
0x155: {  	_ =	swait.ge [sflag:s20], $0x1900  }
0x156: {  	[sflag:s20] =	ssyncset.done $0x0  }
0x157: {  	s23 =	rddreg [dreg:$0xf];
	[sflag:s20] =	ssyncadd.s32 $0xFFFFE700  }
0x158: {  	[spmem:s3] =	stream.indirect.scatter.add.f32 [tilespmem:s10], [sflag:$0x8], $0x10, s23, s6, $0xb8;
	[tilespmem:$0xF320] =	vst v63  }
0x159: {  	_ =	swait.ge [sflag:s15], $0x1900  }
0x15a: {  	[sflag:s15] =	ssyncset.done $0x0  }
0x15b: {  	s24 =	rddreg [dreg:$0x10];
	[sflag:s15] =	ssyncadd.s32 $0xFFFFE700  }
0x15c: {  	[tilespmem:s10], [sflag:$0x3] =	stream.indirect.gather [hbm4b:s4+s6], $0x10, s24, s6, $0xb8;
	[tilespmem:$0xF320] =	vst v63  }
0x15d: {  	_ =	swait.ge [sflag:s21], $0x1900  }
0x15e: {  	[sflag:s21] =	ssyncset.done $0x0  }
0x15f: {  	s23 =	rddreg [dreg:$0x11];
	[sflag:s21] =	ssyncadd.s32 $0xFFFFE700  }
0x160: {  	[spmem:s3] =	stream.indirect.scatter.add.f32 [tilespmem:s9], [sflag:$0x9], $0x10, s23, s6, $0xb8;
	[tilespmem:$0xF320] =	vst v63  }
0x161: {  	_ =	swait.ge [sflag:s16], $0x1900  }
0x162: {  	[sflag:s16] =	ssyncset.done $0x0  }
0x163: {  	s24 =	rddreg [dreg:$0x12];
	[sflag:s16] =	ssyncadd.s32 $0xFFFFE700  }
0x164: {  	[tilespmem:s9], [sflag:$0x4] =	stream.indirect.gather [hbm4b:s4+s6], $0x10, s24, s6, $0xb8;
	[tilespmem:$0xF320] =	vst v63  }
0x165: {  	_ =	swait.ge [sflag:s22], $0x1900  }
0x166: {  	[sflag:s22] =	ssyncset.done $0x0  }
0x167: {  	s23 =	rddreg [dreg:$0x13];
	[sflag:s22] =	ssyncadd.s32 $0xFFFFE700  }
0x168: {  	[spmem:s3] =	stream.indirect.scatter.add.f32 [tilespmem:s8], [sflag:$0xA], $0x10, s23, s6, $0xb8;
	[tilespmem:$0xF320] =	vst v63  }
0x169: {  	_ =	swait.ge [sflag:s17], $0x1900  }
0x16a: {  	[sflag:s17] =	ssyncset.done $0x0  }
0x16b: {  	s24 =	rddreg [dreg:$0x14];
	[sflag:s17] =	ssyncadd.s32 $0xFFFFE700  }
0x16c: {  	[tilespmem:s8], [sflag:$0x5] =	stream.indirect.gather [hbm4b:s4+s6], $0x10, s24, s6, $0xb8;
	[tilespmem:$0xF320] =	vst v63  }
0x16d: {  	_ =	swait.ge [sflag:s7], $0x1900  }
0x16e: {  	[sflag:s7] =	ssyncset.done $0x0  }
0x16f: {  	s23 =	rddreg [dreg:$0x15];
	[sflag:s7] =	ssyncadd.s32 $0xFFFFE700  }
0x170: {  	[spmem:s3] =	stream.indirect.scatter.add.f32 [tilespmem:s14], [sflag:$0x6], $0x10, s23, s6, $0xb8;
	[tilespmem:$0xF320] =	vst v63  }
0x171: {  	_ =	swait.ge [sflag:s12], $0x1900  }
0x172: {  	[sflag:s12] =	ssyncset.done $0x0  }
0x173: {  	s24 =	rddreg [dreg:$0x16];
	[sflag:s12] =	ssyncadd.s32 $0xFFFFE700  }
0x174: {  	[tilespmem:s14], [sflag:$0x1] =	stream.indirect.gather [hbm4b:s4+s6], $0x10, s24, s6, $0xb8;
	[tilespmem:$0xF320] =	vst v63  }
0x175: {  	_ =	swait.ge [sflag:s19], $0x1900  }
0x176: {  	[sflag:s19] =	ssyncset.done $0x0  }
0x177: {  	s23 =	rddreg [dreg:$0x17];
	[sflag:s19] =	ssyncadd.s32 $0xFFFFE700  }
0x178: {  	[spmem:s3] =	stream.indirect.scatter.add.f32 [tilespmem:s11], [sflag:$0x7], $0x10, s23, s6, $0xb8;
	[tilespmem:$0xF320] =	vst v63  }
0x179: {  	_ =	swait.ge [sflag:s13], $0x1900  }
0x17a: {  	[sflag:s13] =	ssyncset.done $0x0  }
0x17b: {  	s24 =	rddreg [dreg:$0x18];
	[sflag:s13] =	ssyncadd.s32 $0xFFFFE700  }
0x17c: {  	[tilespmem:s11], [sflag:$0x2] =	stream.indirect.gather [hbm4b:s4+s6], $0x10, s24, s6, $0xb8;
	[tilespmem:$0xF320] =	vst v63  }
0x17d: {  	_ =	swait.ge [sflag:s20], $0x1900  }
0x17e: {  	[sflag:s20] =	ssyncset.done $0x0  }
0x17f: {  	s23 =	rddreg [dreg:$0x19];
	[sflag:s20] =	ssyncadd.s32 $0xFFFFE700  }
0x180: {  	[spmem:s3] =	stream.indirect.scatter.add.f32 [tilespmem:s10], [sflag:$0x8], $0x10, s23, s6, $0xb8;
	[tilespmem:$0xF320] =	vst v63  }
0x181: {  	_ =	swait.ge [sflag:s15], $0x1900  }
0x182: {  	[sflag:s15] =	ssyncset.done $0x0  }
0x183: {  	s24 =	rddreg [dreg:$0x1a];
	[sflag:s15] =	ssyncadd.s32 $0xFFFFE700  }
0x184: {  	[tilespmem:s10], [sflag:$0x3] =	stream.indirect.gather [hbm4b:s4+s6], $0x10, s24, s6, $0xb8;
	[tilespmem:$0xF320] =	vst v63  }
0x185: {  	_ =	swait.ge [sflag:s21], $0x1900  }
0x186: {  	[sflag:s21] =	ssyncset.done $0x0  }
0x187: {  	s23 =	rddreg [dreg:$0x1b];
	[sflag:s21] =	ssyncadd.s32 $0xFFFFE700  }
0x188: {  	[spmem:s3] =	stream.indirect.scatter.add.f32 [tilespmem:s9], [sflag:$0x9], $0x10, s23, s6, $0xb8;
	[tilespmem:$0xF320] =	vst v63  }
0x189: {  	_ =	swait.ge [sflag:s16], $0x1900  }
0x18a: {  	[sflag:s16] =	ssyncset.done $0x0  }
0x18b: {  	s24 =	rddreg [dreg:$0x1c];
	[sflag:s16] =	ssyncadd.s32 $0xFFFFE700  }
0x18c: {  	[tilespmem:s9], [sflag:$0x4] =	stream.indirect.gather [hbm4b:s4+s6], $0x10, s24, s6, $0xb8;
	[tilespmem:$0xF320] =	vst v63  }
0x18d: {  	_ =	swait.ge [sflag:s22], $0x1900  }
0x18e: {  	[sflag:s22] =	ssyncset.done $0x0  }
0x18f: {  	s23 =	rddreg [dreg:$0x1d];
	[sflag:s22] =	ssyncadd.s32 $0xFFFFE700  }
0x190: {  	[spmem:s3] =	stream.indirect.scatter.add.f32 [tilespmem:s8], [sflag:$0xA], $0x10, s23, s6, $0xb8;
	[tilespmem:$0xF320] =	vst v63  }
0x191: {  	_ =	swait.ge [sflag:s17], $0x1900  }
0x192: {  	[sflag:s17] =	ssyncset.done $0x0  }
0x193: {  	s24 =	rddreg [dreg:$0x1e];
	[sflag:s17] =	ssyncadd.s32 $0xFFFFE700  }
0x194: {  	[tilespmem:s8], [sflag:$0x5] =	stream.indirect.gather [hbm4b:s4+s6], $0x10, s24, s6, $0xb8;
	[tilespmem:$0xF320] =	vst v63  }
0x195: {  	_ =	swait.ge [sflag:s7], $0x1900  }
0x196: {  	[sflag:s7] =	ssyncset.done $0x0  }
0x197: {  	s23 =	rddreg [dreg:$0x1f];
	[sflag:s7] =	ssyncadd.s32 $0xFFFFE700  }
0x198: {  	[spmem:s3] =	stream.indirect.scatter.add.f32 [tilespmem:s14], [sflag:$0x6], $0x10, s23, s6, $0xb8;
	[tilespmem:$0xF320] =	vst v63  }
0x199: {  	_ =	swait.ge [sflag:s12], $0x1900  }
0x19a: {  	s24 =	sld [smem:$0x7EB]  }
0x19b: {  	[sflag:s12] =	ssyncset.done $0x0  }
0x19c: {  	[sflag:s12] =	ssyncadd.s32 $0xFFFFE700  }
0x19d: {  	[tilespmem:s14], [sflag:$0x1] =	stream.indirect.gather [hbm4b:s4+s6], $0x10, s24, s6, $0xb8;
	[tilespmem:$0xF320] =	vst v63  }
0x19e: {  	_ =	swait.ge [sflag:s19], $0x1900  }
0x19f: {  	s23 =	sld [smem:$0x7EC]  }
0x1a0: {  	[sflag:s19] =	ssyncset.done $0x0  }
0x1a1: {  	[sflag:s19] =	ssyncadd.s32 $0xFFFFE700  }
0x1a2: {  	[spmem:s3] =	stream.indirect.scatter.add.f32 [tilespmem:s11], [sflag:$0x7], $0x10, s23, s6, $0xb8;
	[tilespmem:$0xF320] =	vst v63  }
0x1a3: {  	_ =	swait.ge [sflag:s13], $0x1900  }
0x1a4: {  	s24 =	sld [smem:$0x7ED]  }
0x1a5: {  	[sflag:s13] =	ssyncset.done $0x0  }
0x1a6: {  	[sflag:s13] =	ssyncadd.s32 $0xFFFFE700  }
0x1a7: {  	[tilespmem:s11], [sflag:$0x2] =	stream.indirect.gather [hbm4b:s4+s6], $0x10, s24, s6, $0xb8;
	[tilespmem:$0xF320] =	vst v63  }
0x1a8: {  	_ =	swait.ge [sflag:s20], $0x1900  }
0x1a9: {  	s23 =	sld [smem:$0x7EE]  }
0x1aa: {  	[sflag:s20] =	ssyncset.done $0x0  }
0x1ab: {  	[sflag:s20] =	ssyncadd.s32 $0xFFFFE700  }
0x1ac: {  	[spmem:s3] =	stream.indirect.scatter.add.f32 [tilespmem:s10], [sflag:$0x8], $0x10, s23, s6, $0xb8;
	[tilespmem:$0xF320] =	vst v63  }
0x1ad: {  	_ =	swait.ge [sflag:s15], $0x1900  }
0x1ae: {  	s24 =	sld [smem:$0x7EF]  }
0x1af: {  	[sflag:s15] =	ssyncset.done $0x0  }
0x1b0: {  	[sflag:s15] =	ssyncadd.s32 $0xFFFFE700  }
0x1b1: {  	[tilespmem:s10], [sflag:$0x3] =	stream.indirect.gather [hbm4b:s4+s6], $0x10, s24, s6, $0xb8;
	[tilespmem:$0xF320] =	vst v63  }
0x1b2: {  	_ =	swait.ge [sflag:s21], $0x1900  }
0x1b3: {  	s23 =	sld [smem:$0x7F0]  }
0x1b4: {  	[sflag:s21] =	ssyncset.done $0x0  }
0x1b5: {  	[sflag:s21] =	ssyncadd.s32 $0xFFFFE700  }
0x1b6: {  	[spmem:s3] =	stream.indirect.scatter.add.f32 [tilespmem:s9], [sflag:$0x9], $0x10, s23, s6, $0xb8;
	[tilespmem:$0xF320] =	vst v63  }
0x1b7: {  	_ =	swait.ge [sflag:s16], $0x1900  }
0x1b8: {  	s24 =	sld [smem:$0x7F1]  }
0x1b9: {  	[sflag:s16] =	ssyncset.done $0x0  }
0x1ba: {  	[sflag:s16] =	ssyncadd.s32 $0xFFFFE700  }
0x1bb: {  	[tilespmem:s9], [sflag:$0x4] =	stream.indirect.gather [hbm4b:s4+s6], $0x10, s24, s6, $0xb8;
	[tilespmem:$0xF320] =	vst v63  }
0x1bc: {  	_ =	swait.ge [sflag:s22], $0x1900  }
0x1bd: {  	s23 =	sld [smem:$0x7F2]  }
0x1be: {  	[sflag:s22] =	ssyncset.done $0x0  }
0x1bf: {  	[sflag:s22] =	ssyncadd.s32 $0xFFFFE700  }
0x1c0: {  	[spmem:s3] =	stream.indirect.scatter.add.f32 [tilespmem:s8], [sflag:$0xA], $0x10, s23, s6, $0xb8;
	[tilespmem:$0xF320] =	vst v63  }
0x1c1: {  	_ =	swait.ge [sflag:s17], $0x1900  }
0x1c2: {  	s24 =	sld [smem:$0x7F3]  }
0x1c3: {  	[sflag:s17] =	ssyncset.done $0x0  }
0x1c4: {  	[sflag:s17] =	ssyncadd.s32 $0xFFFFE700  }
0x1c5: {  	[tilespmem:s8], [sflag:$0x5] =	stream.indirect.gather [hbm4b:s4+s6], $0x10, s24, s6, $0xb8;
	[tilespmem:$0xF320] =	vst v63  }
0x1c6: {  	_ =	swait.ge [sflag:s7], $0x1900  }
0x1c7: {  	s23 =	sld [smem:$0x7F4]  }
0x1c8: {  	[sflag:s7] =	ssyncset.done $0x0  }
0x1c9: {  	[sflag:s7] =	ssyncadd.s32 $0xFFFFE700  }
0x1ca: {  	[spmem:s3] =	stream.indirect.scatter.add.f32 [tilespmem:s14], [sflag:$0x6], $0x10, s23, s6, $0xb8;
	[tilespmem:$0xF320] =	vst v63  }
0x1cb: {  	_ =	swait.ge [sflag:s12], $0x1900  }
0x1cc: {  	s24 =	sld [smem:$0x7F5]  }
0x1cd: {  	[sflag:s12] =	ssyncset.done $0x0  }
0x1ce: {  	[sflag:s12] =	ssyncadd.s32 $0xFFFFE700  }
0x1cf: {  	[tilespmem:s14], [sflag:$0x1] =	stream.indirect.gather [hbm4b:s4+s6], $0x10, s24, s6, $0xb8;
	[tilespmem:$0xF320] =	vst v63  }
0x1d0: {  	_ =	swait.ge [sflag:s19], $0x1900  }
0x1d1: {  	s23 =	sld [smem:$0x7F6]  }
0x1d2: {  	[sflag:s19] =	ssyncset.done $0x0  }
0x1d3: {  	[sflag:s19] =	ssyncadd.s32 $0xFFFFE700  }
0x1d4: {  	[spmem:s3] =	stream.indirect.scatter.add.f32 [tilespmem:s11], [sflag:$0x7], $0x10, s23, s6, $0xb8;
	[tilespmem:$0xF320] =	vst v63  }
0x1d5: {  	_ =	swait.ge [sflag:s13], $0x1900  }
0x1d6: {  	s24 =	sld [smem:$0x7F7]  }
0x1d7: {  	[sflag:s13] =	ssyncset.done $0x0  }
0x1d8: {  	[sflag:s13] =	ssyncadd.s32 $0xFFFFE700  }
0x1d9: {  	[tilespmem:s11], [sflag:$0x2] =	stream.indirect.gather [hbm4b:s4+s6], $0x10, s24, s6, $0xb8;
	[tilespmem:$0xF320] =	vst v63  }
0x1da: {  	_ =	swait.ge [sflag:s20], $0x1900  }
0x1db: {  	s23 =	sld [smem:$0x7F8]  }
0x1dc: {  	[sflag:s20] =	ssyncset.done $0x0  }
0x1dd: {  	[sflag:s20] =	ssyncadd.s32 $0xFFFFE700  }
0x1de: {  	[spmem:s3] =	stream.indirect.scatter.add.f32 [tilespmem:s10], [sflag:$0x8], $0x10, s23, s6, $0xb8;
	[tilespmem:$0xF320] =	vst v63  }
0x1df: {  	_ =	swait.ge [sflag:s15], $0x1900  }
0x1e0: {  	s24 =	sld [smem:$0x7F9]  }
0x1e1: {  	[sflag:s15] =	ssyncset.done $0x0  }
0x1e2: {  	[sflag:s15] =	ssyncadd.s32 $0xFFFFE700  }
0x1e3: {  	[tilespmem:s10], [sflag:$0x3] =	stream.indirect.gather [hbm4b:s4+s6], $0x10, s24, s6, $0xb8;
	[tilespmem:$0xF320] =	vst v63  }
0x1e4: {  	_ =	swait.ge [sflag:s21], $0x1900  }
0x1e5: {  	s23 =	sld [smem:$0x7FA]  }
0x1e6: {  	[sflag:s21] =	ssyncset.done $0x0  }
0x1e7: {  	[sflag:s21] =	ssyncadd.s32 $0xFFFFE700  }
0x1e8: {  	[spmem:s3] =	stream.indirect.scatter.add.f32 [tilespmem:s9], [sflag:$0x9], $0x10, s23, s6, $0xb8;
	[tilespmem:$0xF320] =	vst v63  }
0x1e9: {  	_ =	swait.ge [sflag:s16], $0x1900  }
0x1ea: {  	s24 =	sld [smem:$0x7FB]  }
0x1eb: {  	[sflag:s16] =	ssyncset.done $0x0  }
0x1ec: {  	[sflag:s16] =	ssyncadd.s32 $0xFFFFE700  }
0x1ed: {  	[tilespmem:s9], [sflag:$0x4] =	stream.indirect.gather [hbm4b:s4+s6], $0x10, s24, s6, $0xb8;
	[tilespmem:$0xF320] =	vst v63  }
0x1ee: {  	_ =	swait.ge [sflag:s22], $0x1900  }
0x1ef: {  	s23 =	sld [smem:$0x7FC]  }
0x1f0: {  	[sflag:s22] =	ssyncset.done $0x0  }
0x1f1: {  	[sflag:s22] =	ssyncadd.s32 $0xFFFFE700  }
0x1f2: {  	[spmem:s3] =	stream.indirect.scatter.add.f32 [tilespmem:s8], [sflag:$0xA], $0x10, s23, s6, $0xb8;
	[tilespmem:$0xF320] =	vst v63  }
0x1f3: {  	_ =	swait.ge [sflag:s17], $0x1900  }
0x1f4: {  	s24 =	sld [smem:$0x7FD]  }
0x1f5: {  	[sflag:s17] =	ssyncset.done $0x0  }
0x1f6: {  	[sflag:s17] =	ssyncadd.s32 $0xFFFFE700  }
0x1f7: {  	[tilespmem:s8], [sflag:$0x5] =	stream.indirect.gather [hbm4b:s4+s6], $0x10, s24, s6, $0xb8;
	[tilespmem:$0xF320] =	vst v63  }
0x1f8: {  	_ =	swait.ge [sflag:s7], $0x1900  }
0x1f9: {  	[sflag:s7] =	ssyncset.done $0x0  }
0x1fa: {  	s23 =	simm.s32 $0x4650;
	[sflag:s7] =	ssyncadd.s32 $0xFFFFE700  }
0x1fb: {  	[spmem:s3] =	stream.indirect.scatter.add.f32 [tilespmem:s14], [sflag:$0x6], $0x10, s23, s6, $0xb8;
	[tilespmem:$0xF320] =	vst v63  }
0x1fc: {  	_ =	swait.ge [sflag:s19], $0x1900  }
0x1fd: {  	[sflag:s19] =	ssyncset.done $0x0  }
0x1fe: {  	[sflag:s19] =	ssyncadd.s32 $0xFFFFE700  }
0x1ff: {  	[spmem:s3] =	stream.indirect.scatter.add.f32 [tilespmem:s11], [sflag:$0x7], $0x10, s28, s6, $0xb8;
	[tilespmem:$0xF320] =	vst v63  }
0x200: {  	_ =	swait.ge [sflag:s20], $0x1900  }
0x201: {  	[sflag:s20] =	ssyncset.done $0x0  }
0x202: {  	[sflag:s20] =	ssyncadd.s32 $0xFFFFE700  }
0x203: {  	[spmem:s3] =	stream.indirect.scatter.add.f32 [tilespmem:s10], [sflag:$0x8], $0x10, s26, s6, $0xb8;
	[tilespmem:$0xF320] =	vst v63  }
0x204: {  	_ =	swait.ge [sflag:s21], $0x1900  }
0x205: {  	[sflag:s21] =	ssyncset.done $0x0  }
0x206: {  	[sflag:s21] =	ssyncadd.s32 $0xFFFFE700  }
0x207: {  	[spmem:s3] =	stream.indirect.scatter.add.f32 [tilespmem:s9], [sflag:$0x9], $0x10, s25, s6, $0xb8;
	[tilespmem:$0xF320] =	vst v63  }
0x208: {  	_ =	swait.ge [sflag:s22], $0x1900  }
0x209: {  	[sflag:s22] =	ssyncset.done $0x0  }
0x20a: {  	s2 =	simm.s32 $0x4C90;
	[sflag:s22] =	ssyncadd.s32 $0xFFFFE700  }
0x20b: {  	[spmem:s3] =	stream.indirect.scatter.add.f32 [tilespmem:s8], [sflag:$0xA], $0x10, s2, s6, $0xb8;
	[tilespmem:$0xF320] =	vst v63  }
0x20c: {  	_ =	swait.ge [sflag:s12], $0x1900  }
0x20d: {  	[sflag:s12] =	ssyncset.done $0x0  }
0x20e: {  	[sflag:s12] =	ssyncadd.s32 $0xFFFFE700  }
0x20f: {  	_ =	swait.ge [sflag:s13], $0x1900  }
0x210: {  	[sflag:s13] =	ssyncset.done $0x0  }
0x211: {  	[sflag:s13] =	ssyncadd.s32 $0xFFFFE700  }
0x212: {  	_ =	swait.ge [sflag:s15], $0x1900  }
0x213: {  	[sflag:s15] =	ssyncset.done $0x0  }
0x214: {  	[sflag:s15] =	ssyncadd.s32 $0xFFFFE700  }
0x215: {  	_ =	swait.ge [sflag:s16], $0x1900  }
0x216: {  	[sflag:s16] =	ssyncset.done $0x0  }
0x217: {  	[sflag:s16] =	ssyncadd.s32 $0xFFFFE700  }
0x218: {  	_ =	swait.ge [sflag:s17], $0x1900  }
0x219: {  	[sflag:s17] =	ssyncset.done $0x0  }
0x21a: {  	p1 =	sne.s32 s1, $0x1;
	[sflag:s17] =	ssyncadd.s32 $0xFFFFE700  }
.Ltmp2:
0x21b: {  	[bflag:$0x0] =	sbarrier.arrive $0xFFFF;
	(pc) =	sbr.rel @p1 .LBB2_4-.Ltmp2, $4  }
0x21c: {  	s24 =	rddreg [dreg:$0x8]  }
0x21d: {  	[hbm:s24], [sflag:s31] =	dma.local [spmem:s5], $0x500  }
0x21e: {  	_ =	swait.ge [sflag:s18], $0x500  }
0x21f: {  	s1 =	sadd.s32 $0xFFFFFFFF, s1;
	s0 =	rddreg [dreg:$0x7];
	[sflag:s18] =	ssyncset.done $0x0  }
0x220: {  	s25 =	simm.s32 $0x47E0;
	s28 =	simm.s32 $0x4650;
	s24 =	rddreg [dreg:$0x3]  }
0x221: {  	s26 =	simm.s32 $0x4970;
	s23 =	stileid.u32;
	s31 =	sld [smem:$0x7EA]  }
.LBB2_6:
0x222: {  	s1 =	rddreg [dreg:$0x5]  }
0x223: {  	[sflag:s18] =	ssyncadd.s32 @p0 $0xFFFFFB00;
	s2 =	rddreg [dreg:$0x4]  }
0x224: {  	[tilespmem:s29], [sflag:$0x1] =	stream.linear.gather [hbm4b:s1+s29], $0x2710, $0x38;
	[tilespmem:$0xF320] =	vst v63  }
0x225: {  	s1 =	rddreg [dreg:$0x6]  }
0x226: {  	[tilespmem:s30], [sflag:$0x2] =	stream.linear.gather [hbm4b:s1+s29], $0x2710, $0x38;
	[tilespmem:$0xF320] =	vst v63  }
0x227: {  	[spmem:s5], [sflag:s0] =	dma.local [hbm:s2], $0x500  }
0x228: {  	_ =	swait.ge [sflag:s7], $0x2710  }
0x229: {  	[sflag:s7] =	ssyncset.done $0x0  }
0x22a: {  	[sflag:s7] =	ssyncadd.s32 $0xFFFFD8F0  }
0x22b: {  	[tilespmem:s14], [sflag:$0x1] =	stream.indirect.gather [hbm4b:s4+s6], $0x10, s29, s6, $0xb8;
	[tilespmem:$0xF320] =	vst v63  }
0x22c: {  	_ = 	snop  }
0x22d: {  	[tilespmem:s11], [sflag:$0x2] =	stream.indirect.gather [hbm4b:s4+s6], $0x10, s6, s6, $0xb8;
	[tilespmem:$0xF320] =	vst v63  }
0x22e: {  	s1 =	rddreg [dreg:$0x9]  }
0x22f: {  	[tilespmem:s10], [sflag:$0x3] =	stream.indirect.gather [hbm4b:s4+s6], $0x10, s1, s6, $0xb8;
	[tilespmem:$0xF320] =	vst v63  }
0x230: {  	s2 =	rddreg [dreg:$0xa]  }
0x231: {  	[tilespmem:s9], [sflag:$0x4] =	stream.indirect.gather [hbm4b:s4+s6], $0x10, s2, s6, $0xb8;
	[tilespmem:$0xF320] =	vst v63  }
0x232: {  	s29 =	rddreg [dreg:$0xb]  }
0x233: {  	[tilespmem:s8], [sflag:$0x5] =	stream.indirect.gather [hbm4b:s4+s6], $0x10, s29, s6, $0xb8;
	[tilespmem:$0xF320] =	vst v63  }
0x234: {  	_ =	swait.ge [sflag:s19], $0x2710  }
0x235: {  	[sflag:s19] =	ssyncset.done $0x0  }
0x236: {  	[sflag:s19] =	ssyncadd.s32 $0xFFFFD8F0  }
0x237: {  	_ =	swait.ge [sflag:s12], $0x500  }
0x238: {  	[sflag:s12] =	ssyncset.done $0x0  }
0x239: {  	[sflag:s12] =	ssyncadd.s32 $0xFFFFFB00  }
0x23a: {  	[bflag:$0x0] =	sbarrier.arrive $0xFFFF  }
0x23b: {  	_ =	swait.ge [sflag:s7], $0x1900  }
0x23c: {  	[sflag:s7] =	ssyncset.done $0x0  }
0x23d: {  	[sflag:s7] =	ssyncadd.s32 $0xFFFFE700  }
0x23e: {  	[spmem:s3] =	stream.indirect.scatter.add.f32 [tilespmem:s14], [sflag:$0x6], $0x10, s30, s6, $0xb8;
	[tilespmem:$0xF320] =	vst v63  }
0x23f: {  	_ =	swait.ge [sflag:s12], $0x1900  }
0x240: {  	[sflag:s12] =	ssyncset.done $0x0  }
0x241: {  	s30 =	rddreg [dreg:$0xc];
	[sflag:s12] =	ssyncadd.s32 $0xFFFFE700  }
0x242: {  	[tilespmem:s14], [sflag:$0x1] =	stream.indirect.gather [hbm4b:s4+s6], $0x10, s30, s6, $0xb8;
	[tilespmem:$0xF320] =	vst v63  }
0x243: {  	_ =	swait.ge [sflag:s19], $0x1900  }
0x244: {  	[sflag:s19] =	ssyncset.done $0x0  }
0x245: {  	s1 =	rddreg [dreg:$0xd];
	[sflag:s19] =	ssyncadd.s32 $0xFFFFE700  }
0x246: {  	[spmem:s3] =	stream.indirect.scatter.add.f32 [tilespmem:s11], [sflag:$0x7], $0x10, s1, s6, $0xb8;
	[tilespmem:$0xF320] =	vst v63  }
0x247: {  	_ =	swait.ge [sflag:s13], $0x1900  }
0x248: {  	[sflag:s13] =	ssyncset.done $0x0  }
0x249: {  	s2 =	rddreg [dreg:$0xe];
	[sflag:s13] =	ssyncadd.s32 $0xFFFFE700  }
0x24a: {  	[tilespmem:s11], [sflag:$0x2] =	stream.indirect.gather [hbm4b:s4+s6], $0x10, s2, s6, $0xb8;
	[tilespmem:$0xF320] =	vst v63  }
0x24b: {  	_ =	swait.ge [sflag:s20], $0x1900  }
0x24c: {  	[sflag:s20] =	ssyncset.done $0x0  }
0x24d: {  	s29 =	rddreg [dreg:$0xf];
	[sflag:s20] =	ssyncadd.s32 $0xFFFFE700  }
0x24e: {  	[spmem:s3] =	stream.indirect.scatter.add.f32 [tilespmem:s10], [sflag:$0x8], $0x10, s29, s6, $0xb8;
	[tilespmem:$0xF320] =	vst v63  }
0x24f: {  	_ =	swait.ge [sflag:s15], $0x1900  }
0x250: {  	[sflag:s15] =	ssyncset.done $0x0  }
0x251: {  	s30 =	rddreg [dreg:$0x10];
	[sflag:s15] =	ssyncadd.s32 $0xFFFFE700  }
0x252: {  	[tilespmem:s10], [sflag:$0x3] =	stream.indirect.gather [hbm4b:s4+s6], $0x10, s30, s6, $0xb8;
	[tilespmem:$0xF320] =	vst v63  }
0x253: {  	_ =	swait.ge [sflag:s21], $0x1900  }
0x254: {  	[sflag:s21] =	ssyncset.done $0x0  }
0x255: {  	s1 =	rddreg [dreg:$0x11];
	[sflag:s21] =	ssyncadd.s32 $0xFFFFE700  }
0x256: {  	[spmem:s3] =	stream.indirect.scatter.add.f32 [tilespmem:s9], [sflag:$0x9], $0x10, s1, s6, $0xb8;
	[tilespmem:$0xF320] =	vst v63  }
0x257: {  	_ =	swait.ge [sflag:s16], $0x1900  }
0x258: {  	[sflag:s16] =	ssyncset.done $0x0  }
0x259: {  	s2 =	rddreg [dreg:$0x12];
	[sflag:s16] =	ssyncadd.s32 $0xFFFFE700  }
0x25a: {  	[tilespmem:s9], [sflag:$0x4] =	stream.indirect.gather [hbm4b:s4+s6], $0x10, s2, s6, $0xb8;
	[tilespmem:$0xF320] =	vst v63  }
0x25b: {  	_ =	swait.ge [sflag:s22], $0x1900  }
0x25c: {  	[sflag:s22] =	ssyncset.done $0x0  }
0x25d: {  	s29 =	rddreg [dreg:$0x13];
	[sflag:s22] =	ssyncadd.s32 $0xFFFFE700  }
0x25e: {  	[spmem:s3] =	stream.indirect.scatter.add.f32 [tilespmem:s8], [sflag:$0xA], $0x10, s29, s6, $0xb8;
	[tilespmem:$0xF320] =	vst v63  }
0x25f: {  	_ =	swait.ge [sflag:s17], $0x1900  }
0x260: {  	[sflag:s17] =	ssyncset.done $0x0  }
0x261: {  	s30 =	rddreg [dreg:$0x14];
	[sflag:s17] =	ssyncadd.s32 $0xFFFFE700  }
0x262: {  	[tilespmem:s8], [sflag:$0x5] =	stream.indirect.gather [hbm4b:s4+s6], $0x10, s30, s6, $0xb8;
	[tilespmem:$0xF320] =	vst v63  }
0x263: {  	_ =	swait.ge [sflag:s7], $0x1900  }
0x264: {  	[sflag:s7] =	ssyncset.done $0x0  }
0x265: {  	s1 =	rddreg [dreg:$0x15];
	[sflag:s7] =	ssyncadd.s32 $0xFFFFE700  }
0x266: {  	[spmem:s3] =	stream.indirect.scatter.add.f32 [tilespmem:s14], [sflag:$0x6], $0x10, s1, s6, $0xb8;
	[tilespmem:$0xF320] =	vst v63  }
0x267: {  	_ =	swait.ge [sflag:s12], $0x1900  }
0x268: {  	[sflag:s12] =	ssyncset.done $0x0  }
0x269: {  	s2 =	rddreg [dreg:$0x16];
	[sflag:s12] =	ssyncadd.s32 $0xFFFFE700  }
0x26a: {  	[tilespmem:s14], [sflag:$0x1] =	stream.indirect.gather [hbm4b:s4+s6], $0x10, s2, s6, $0xb8;
	[tilespmem:$0xF320] =	vst v63  }
0x26b: {  	_ =	swait.ge [sflag:s19], $0x1900  }
0x26c: {  	[sflag:s19] =	ssyncset.done $0x0  }
0x26d: {  	s29 =	rddreg [dreg:$0x17];
	[sflag:s19] =	ssyncadd.s32 $0xFFFFE700  }
0x26e: {  	[spmem:s3] =	stream.indirect.scatter.add.f32 [tilespmem:s11], [sflag:$0x7], $0x10, s29, s6, $0xb8;
	[tilespmem:$0xF320] =	vst v63  }
0x26f: {  	_ =	swait.ge [sflag:s13], $0x1900  }
0x270: {  	[sflag:s13] =	ssyncset.done $0x0  }
0x271: {  	s30 =	rddreg [dreg:$0x18];
	[sflag:s13] =	ssyncadd.s32 $0xFFFFE700  }
0x272: {  	[tilespmem:s11], [sflag:$0x2] =	stream.indirect.gather [hbm4b:s4+s6], $0x10, s30, s6, $0xb8;
	[tilespmem:$0xF320] =	vst v63  }
0x273: {  	_ =	swait.ge [sflag:s20], $0x1900  }
0x274: {  	[sflag:s20] =	ssyncset.done $0x0  }
0x275: {  	s1 =	rddreg [dreg:$0x19];
	[sflag:s20] =	ssyncadd.s32 $0xFFFFE700  }
0x276: {  	[spmem:s3] =	stream.indirect.scatter.add.f32 [tilespmem:s10], [sflag:$0x8], $0x10, s1, s6, $0xb8;
	[tilespmem:$0xF320] =	vst v63  }
0x277: {  	_ =	swait.ge [sflag:s15], $0x1900  }
0x278: {  	[sflag:s15] =	ssyncset.done $0x0  }
0x279: {  	s2 =	rddreg [dreg:$0x1a];
	[sflag:s15] =	ssyncadd.s32 $0xFFFFE700  }
0x27a: {  	[tilespmem:s10], [sflag:$0x3] =	stream.indirect.gather [hbm4b:s4+s6], $0x10, s2, s6, $0xb8;
	[tilespmem:$0xF320] =	vst v63  }
0x27b: {  	_ =	swait.ge [sflag:s21], $0x1900  }
0x27c: {  	[sflag:s21] =	ssyncset.done $0x0  }
0x27d: {  	s29 =	rddreg [dreg:$0x1b];
	[sflag:s21] =	ssyncadd.s32 $0xFFFFE700  }
0x27e: {  	[spmem:s3] =	stream.indirect.scatter.add.f32 [tilespmem:s9], [sflag:$0x9], $0x10, s29, s6, $0xb8;
	[tilespmem:$0xF320] =	vst v63  }
0x27f: {  	_ =	swait.ge [sflag:s16], $0x1900  }
0x280: {  	[sflag:s16] =	ssyncset.done $0x0  }
0x281: {  	s30 =	rddreg [dreg:$0x1c];
	[sflag:s16] =	ssyncadd.s32 $0xFFFFE700  }
0x282: {  	[tilespmem:s9], [sflag:$0x4] =	stream.indirect.gather [hbm4b:s4+s6], $0x10, s30, s6, $0xb8;
	[tilespmem:$0xF320] =	vst v63  }
0x283: {  	_ =	swait.ge [sflag:s22], $0x1900  }
0x284: {  	[sflag:s22] =	ssyncset.done $0x0  }
0x285: {  	s1 =	rddreg [dreg:$0x1d];
	[sflag:s22] =	ssyncadd.s32 $0xFFFFE700  }
0x286: {  	[spmem:s3] =	stream.indirect.scatter.add.f32 [tilespmem:s8], [sflag:$0xA], $0x10, s1, s6, $0xb8;
	[tilespmem:$0xF320] =	vst v63  }
0x287: {  	_ =	swait.ge [sflag:s17], $0x1900  }
0x288: {  	[sflag:s17] =	ssyncset.done $0x0  }
0x289: {  	s2 =	rddreg [dreg:$0x1e];
	[sflag:s17] =	ssyncadd.s32 $0xFFFFE700  }
0x28a: {  	[tilespmem:s8], [sflag:$0x5] =	stream.indirect.gather [hbm4b:s4+s6], $0x10, s2, s6, $0xb8;
	[tilespmem:$0xF320] =	vst v63  }
0x28b: {  	_ =	swait.ge [sflag:s7], $0x1900  }
0x28c: {  	[sflag:s7] =	ssyncset.done $0x0  }
0x28d: {  	s29 =	rddreg [dreg:$0x1f];
	[sflag:s7] =	ssyncadd.s32 $0xFFFFE700  }
0x28e: {  	[spmem:s3] =	stream.indirect.scatter.add.f32 [tilespmem:s14], [sflag:$0x6], $0x10, s29, s6, $0xb8;
	[tilespmem:$0xF320] =	vst v63  }
0x28f: {  	_ =	swait.ge [sflag:s12], $0x1900  }
0x290: {  	s30 =	sld [smem:$0x7EB]  }
0x291: {  	[sflag:s12] =	ssyncset.done $0x0  }
0x292: {  	[sflag:s12] =	ssyncadd.s32 $0xFFFFE700  }
0x293: {  	[tilespmem:s14], [sflag:$0x1] =	stream.indirect.gather [hbm4b:s4+s6], $0x10, s30, s6, $0xb8;
	[tilespmem:$0xF320] =	vst v63  }
0x294: {  	_ =	swait.ge [sflag:s19], $0x1900  }
0x295: {  	s1 =	sld [smem:$0x7EC]  }
0x296: {  	[sflag:s19] =	ssyncset.done $0x0  }
0x297: {  	[sflag:s19] =	ssyncadd.s32 $0xFFFFE700  }
0x298: {  	[spmem:s3] =	stream.indirect.scatter.add.f32 [tilespmem:s11], [sflag:$0x7], $0x10, s1, s6, $0xb8;
	[tilespmem:$0xF320] =	vst v63  }
0x299: {  	_ =	swait.ge [sflag:s13], $0x1900  }
0x29a: {  	s2 =	sld [smem:$0x7ED]  }
0x29b: {  	[sflag:s13] =	ssyncset.done $0x0  }
0x29c: {  	[sflag:s13] =	ssyncadd.s32 $0xFFFFE700  }
0x29d: {  	[tilespmem:s11], [sflag:$0x2] =	stream.indirect.gather [hbm4b:s4+s6], $0x10, s2, s6, $0xb8;
	[tilespmem:$0xF320] =	vst v63  }
0x29e: {  	_ =	swait.ge [sflag:s20], $0x1900  }
0x29f: {  	s29 =	sld [smem:$0x7EE]  }
0x2a0: {  	[sflag:s20] =	ssyncset.done $0x0  }
0x2a1: {  	[sflag:s20] =	ssyncadd.s32 $0xFFFFE700  }
0x2a2: {  	[spmem:s3] =	stream.indirect.scatter.add.f32 [tilespmem:s10], [sflag:$0x8], $0x10, s29, s6, $0xb8;
	[tilespmem:$0xF320] =	vst v63  }
0x2a3: {  	_ =	swait.ge [sflag:s15], $0x1900  }
0x2a4: {  	s30 =	sld [smem:$0x7EF]  }
0x2a5: {  	[sflag:s15] =	ssyncset.done $0x0  }
0x2a6: {  	[sflag:s15] =	ssyncadd.s32 $0xFFFFE700  }
0x2a7: {  	[tilespmem:s10], [sflag:$0x3] =	stream.indirect.gather [hbm4b:s4+s6], $0x10, s30, s6, $0xb8;
	[tilespmem:$0xF320] =	vst v63  }
0x2a8: {  	_ =	swait.ge [sflag:s21], $0x1900  }
0x2a9: {  	s1 =	sld [smem:$0x7F0]  }
0x2aa: {  	[sflag:s21] =	ssyncset.done $0x0  }
0x2ab: {  	[sflag:s21] =	ssyncadd.s32 $0xFFFFE700  }
0x2ac: {  	[spmem:s3] =	stream.indirect.scatter.add.f32 [tilespmem:s9], [sflag:$0x9], $0x10, s1, s6, $0xb8;
	[tilespmem:$0xF320] =	vst v63  }
0x2ad: {  	_ =	swait.ge [sflag:s16], $0x1900  }
0x2ae: {  	s2 =	sld [smem:$0x7F1]  }
0x2af: {  	[sflag:s16] =	ssyncset.done $0x0  }
0x2b0: {  	[sflag:s16] =	ssyncadd.s32 $0xFFFFE700  }
0x2b1: {  	[tilespmem:s9], [sflag:$0x4] =	stream.indirect.gather [hbm4b:s4+s6], $0x10, s2, s6, $0xb8;
	[tilespmem:$0xF320] =	vst v63  }
0x2b2: {  	_ =	swait.ge [sflag:s22], $0x1900  }
0x2b3: {  	s29 =	sld [smem:$0x7F2]  }
0x2b4: {  	[sflag:s22] =	ssyncset.done $0x0  }
0x2b5: {  	[sflag:s22] =	ssyncadd.s32 $0xFFFFE700  }
0x2b6: {  	[spmem:s3] =	stream.indirect.scatter.add.f32 [tilespmem:s8], [sflag:$0xA], $0x10, s29, s6, $0xb8;
	[tilespmem:$0xF320] =	vst v63  }
0x2b7: {  	_ =	swait.ge [sflag:s17], $0x1900  }
0x2b8: {  	s30 =	sld [smem:$0x7F3]  }
0x2b9: {  	[sflag:s17] =	ssyncset.done $0x0  }
0x2ba: {  	[sflag:s17] =	ssyncadd.s32 $0xFFFFE700  }
0x2bb: {  	[tilespmem:s8], [sflag:$0x5] =	stream.indirect.gather [hbm4b:s4+s6], $0x10, s30, s6, $0xb8;
	[tilespmem:$0xF320] =	vst v63  }
0x2bc: {  	_ =	swait.ge [sflag:s7], $0x1900  }
0x2bd: {  	s1 =	sld [smem:$0x7F4]  }
0x2be: {  	[sflag:s7] =	ssyncset.done $0x0  }
0x2bf: {  	[sflag:s7] =	ssyncadd.s32 $0xFFFFE700  }
0x2c0: {  	[spmem:s3] =	stream.indirect.scatter.add.f32 [tilespmem:s14], [sflag:$0x6], $0x10, s1, s6, $0xb8;
	[tilespmem:$0xF320] =	vst v63  }
0x2c1: {  	_ =	swait.ge [sflag:s12], $0x1900  }
0x2c2: {  	s2 =	sld [smem:$0x7F5]  }
0x2c3: {  	[sflag:s12] =	ssyncset.done $0x0  }
0x2c4: {  	[sflag:s12] =	ssyncadd.s32 $0xFFFFE700  }
0x2c5: {  	[tilespmem:s14], [sflag:$0x1] =	stream.indirect.gather [hbm4b:s4+s6], $0x10, s2, s6, $0xb8;
	[tilespmem:$0xF320] =	vst v63  }
0x2c6: {  	_ =	swait.ge [sflag:s19], $0x1900  }
0x2c7: {  	s29 =	sld [smem:$0x7F6]  }
0x2c8: {  	[sflag:s19] =	ssyncset.done $0x0  }
0x2c9: {  	[sflag:s19] =	ssyncadd.s32 $0xFFFFE700  }
0x2ca: {  	[spmem:s3] =	stream.indirect.scatter.add.f32 [tilespmem:s11], [sflag:$0x7], $0x10, s29, s6, $0xb8;
	[tilespmem:$0xF320] =	vst v63  }
0x2cb: {  	_ =	swait.ge [sflag:s13], $0x1900  }
0x2cc: {  	s30 =	sld [smem:$0x7F7]  }
0x2cd: {  	[sflag:s13] =	ssyncset.done $0x0  }
0x2ce: {  	[sflag:s13] =	ssyncadd.s32 $0xFFFFE700  }
0x2cf: {  	[tilespmem:s11], [sflag:$0x2] =	stream.indirect.gather [hbm4b:s4+s6], $0x10, s30, s6, $0xb8;
	[tilespmem:$0xF320] =	vst v63  }
0x2d0: {  	_ =	swait.ge [sflag:s20], $0x1900  }
0x2d1: {  	s1 =	sld [smem:$0x7F8]  }
0x2d2: {  	[sflag:s20] =	ssyncset.done $0x0  }
0x2d3: {  	[sflag:s20] =	ssyncadd.s32 $0xFFFFE700  }
0x2d4: {  	[spmem:s3] =	stream.indirect.scatter.add.f32 [tilespmem:s10], [sflag:$0x8], $0x10, s1, s6, $0xb8;
	[tilespmem:$0xF320] =	vst v63  }
0x2d5: {  	_ =	swait.ge [sflag:s15], $0x1900  }
0x2d6: {  	s2 =	sld [smem:$0x7F9]  }
0x2d7: {  	[sflag:s15] =	ssyncset.done $0x0  }
0x2d8: {  	[sflag:s15] =	ssyncadd.s32 $0xFFFFE700  }
0x2d9: {  	[tilespmem:s10], [sflag:$0x3] =	stream.indirect.gather [hbm4b:s4+s6], $0x10, s2, s6, $0xb8;
	[tilespmem:$0xF320] =	vst v63  }
0x2da: {  	_ =	swait.ge [sflag:s21], $0x1900  }
0x2db: {  	s29 =	sld [smem:$0x7FA]  }
0x2dc: {  	[sflag:s21] =	ssyncset.done $0x0  }
0x2dd: {  	[sflag:s21] =	ssyncadd.s32 $0xFFFFE700  }
0x2de: {  	[spmem:s3] =	stream.indirect.scatter.add.f32 [tilespmem:s9], [sflag:$0x9], $0x10, s29, s6, $0xb8;
	[tilespmem:$0xF320] =	vst v63  }
0x2df: {  	_ =	swait.ge [sflag:s16], $0x1900  }
0x2e0: {  	s30 =	sld [smem:$0x7FB]  }
0x2e1: {  	[sflag:s16] =	ssyncset.done $0x0  }
0x2e2: {  	[sflag:s16] =	ssyncadd.s32 $0xFFFFE700  }
0x2e3: {  	[tilespmem:s9], [sflag:$0x4] =	stream.indirect.gather [hbm4b:s4+s6], $0x10, s30, s6, $0xb8;
	[tilespmem:$0xF320] =	vst v63  }
0x2e4: {  	_ =	swait.ge [sflag:s22], $0x1900  }
0x2e5: {  	s1 =	sld [smem:$0x7FC]  }
0x2e6: {  	[sflag:s22] =	ssyncset.done $0x0  }
0x2e7: {  	[sflag:s22] =	ssyncadd.s32 $0xFFFFE700  }
0x2e8: {  	[spmem:s3] =	stream.indirect.scatter.add.f32 [tilespmem:s8], [sflag:$0xA], $0x10, s1, s6, $0xb8;
	[tilespmem:$0xF320] =	vst v63  }
0x2e9: {  	_ =	swait.ge [sflag:s17], $0x1900  }
0x2ea: {  	s2 =	sld [smem:$0x7FD]  }
0x2eb: {  	[sflag:s17] =	ssyncset.done $0x0  }
0x2ec: {  	[sflag:s17] =	ssyncadd.s32 $0xFFFFE700  }
0x2ed: {  	[tilespmem:s8], [sflag:$0x5] =	stream.indirect.gather [hbm4b:s4+s6], $0x10, s2, s6, $0xb8;
	[tilespmem:$0xF320] =	vst v63  }
0x2ee: {  	_ =	swait.ge [sflag:s7], $0x1900  }
0x2ef: {  	[sflag:s7] =	ssyncset.done $0x0  }
0x2f0: {  	[sflag:s7] =	ssyncadd.s32 $0xFFFFE700  }
0x2f1: {  	[spmem:s3] =	stream.indirect.scatter.add.f32 [tilespmem:s14], [sflag:$0x6], $0x10, s28, s6, $0xb8;
	[tilespmem:$0xF320] =	vst v63  }
0x2f2: {  	_ =	swait.ge [sflag:s19], $0x1900  }
0x2f3: {  	[sflag:s19] =	ssyncset.done $0x0  }
0x2f4: {  	[sflag:s19] =	ssyncadd.s32 $0xFFFFE700  }
0x2f5: {  	[spmem:s3] =	stream.indirect.scatter.add.f32 [tilespmem:s11], [sflag:$0x7], $0x10, s25, s6, $0xb8;
	[tilespmem:$0xF320] =	vst v63  }
0x2f6: {  	_ =	swait.ge [sflag:s20], $0x1900  }
0x2f7: {  	[sflag:s20] =	ssyncset.done $0x0  }
0x2f8: {  	[sflag:s20] =	ssyncadd.s32 $0xFFFFE700  }
0x2f9: {  	[spmem:s3] =	stream.indirect.scatter.add.f32 [tilespmem:s10], [sflag:$0x8], $0x10, s26, s6, $0xb8;
	[tilespmem:$0xF320] =	vst v63  }
0x2fa: {  	_ =	swait.ge [sflag:s21], $0x1900  }
0x2fb: {  	[sflag:s21] =	ssyncset.done $0x0  }
0x2fc: {  	s28 =	simm.s32 $0x4B00;
	[sflag:s21] =	ssyncadd.s32 $0xFFFFE700  }
0x2fd: {  	[spmem:s3] =	stream.indirect.scatter.add.f32 [tilespmem:s9], [sflag:$0x9], $0x10, s28, s6, $0xb8;
	[tilespmem:$0xF320] =	vst v63  }
0x2fe: {  	_ =	swait.ge [sflag:s22], $0x1900  }
0x2ff: {  	[sflag:s22] =	ssyncset.done $0x0  }
0x300: {  	s29 =	simm.s32 $0x4C90;
	[sflag:s22] =	ssyncadd.s32 $0xFFFFE700  }
0x301: {  	[spmem:s3] =	stream.indirect.scatter.add.f32 [tilespmem:s8], [sflag:$0xA], $0x10, s29, s6, $0xb8;
	[tilespmem:$0xF320] =	vst v63  }
0x302: {  	_ =	swait.ge [sflag:s12], $0x1900  }
0x303: {  	[sflag:s12] =	ssyncset.done $0x0  }
0x304: {  	[sflag:s12] =	ssyncadd.s32 $0xFFFFE700  }
0x305: {  	_ =	swait.ge [sflag:s13], $0x1900  }
0x306: {  	[sflag:s13] =	ssyncset.done $0x0  }
0x307: {  	[sflag:s13] =	ssyncadd.s32 $0xFFFFE700  }
0x308: {  	_ =	swait.ge [sflag:s15], $0x1900  }
0x309: {  	[sflag:s15] =	ssyncset.done $0x0  }
0x30a: {  	[sflag:s15] =	ssyncadd.s32 $0xFFFFE700  }
0x30b: {  	_ =	swait.ge [sflag:s16], $0x1900  }
0x30c: {  	[sflag:s16] =	ssyncset.done $0x0  }
0x30d: {  	[sflag:s16] =	ssyncadd.s32 $0xFFFFE700  }
0x30e: {  	_ =	swait.ge [sflag:s17], $0x1900  }
0x30f: {  	[sflag:s17] =	ssyncset.done $0x0  }
0x310: {  	[sflag:s17] =	ssyncadd.s32 $0xFFFFE700  }
0x311: {  	[bflag:$0x0] =	sbarrier.arrive $0xFFFF  }
0x312: {  	s31 =	sor.u32 $0x1C0B, s31;
	s30 =	rddreg [dreg:$0x8]  }
0x313: {  	[hbm:s30], [sflag:s31] =	dma.local [spmem:s5], $0x500  }
0x314: {  	_ =	swait.ge [sflag:s18], $0x500  }
0x315: {  	[sflag:s18] =	ssyncset.done $0x0  }
0x316: {  	[sflag:s18] =	ssyncadd.s32 $0xFFFFFB00  }
0x317: {  	_ =	sfence.sel $0x180000  }
0x318: {  	[bflag:$0x0] =	sbarrier.arrive $0xFFFF  }
0x319: {  	p0 =	sne.s32 s23, $0x0;
	_ =	strace $0x9000004A  }
0x31a: {  	s0 =	sadd.s32 @!p0 $0x100000, s24;
	[bflag:$0x2] =	sbarrier.arrive $0xFFFF  }
0x31b: {  	[sflag:s0] =	ssyncadd.tile.s32 @!p0 $0x1;
	_ =	shalt  }
.LBB2_1:
.Ltmp3:
0x31c: {  	(pc) =	sbr.rel .LBB2_6-.Ltmp3, $2  }
0x31d: {  	_ =	sdelay $0x2  }
0x31e: {  	s25 =	simm.s32 $0x47E0;
	s28 =	simm.s32 $0x4650;
	s26 =	simm.s32 $0x4970  }
.LBB2_3:
.Ltmp4:
0x31f: {  	(pc) =	sbr.rel .LBB2_6-.Ltmp4, $3  }
0x320: {  	_ =	sdelay $0x1  }
0x321: {  	s25 =	simm.s32 $0x47E0;
	s28 =	simm.s32 $0x4650;
	s24 =	rddreg [dreg:$0x3]  }
0x322: {  	s26 =	simm.s32 $0x4970;
	s23 =	stileid.u32;
	s31 =	sld [smem:$0x7EA]  }
.Lfunc_end2:
_tile_overlayer_lowered:
.L_overlay_start_2:
0x323: {  	(tag) =	ssettag $0x2  }
0x324: {  	s0 =	rddreg [dreg:$0x0];
	s2 =	stileid.u32  }
0x325: {  	s1 =	rddreg [dreg:$0x1];
	p0 =	sne.s32 s2, $0x0  }
0x326: {  	s3 =	rddreg [dreg:$0x2];
	[bflag:$0x3] =	sbarrier.arrive $0xFFFF;
	s2 =	simm.s32 @!p0 $0x1C0B  }
0x327: {  	[timem:s3], [sflag:s2] =	dma.local @!p0 [hbm:s0], s1  }
0x328: {  	s0 =	simm.s32 @!p0 $0xB  }
0x329: {  	_ =	swait.ge @!p0 [sflag:s0], s1  }
0x32a: {  	s1 =	ssub.s32 @!p0 $0x0, s1;
	[sflag:s0] =	ssyncset.done @!p0 $0x0  }
0x32b: {  	[sflag:s0] =	ssyncadd.s32 @!p0 s1  }
0x32c: {  	[bflag:$0x3] =	sbarrier.arrive $0xFFFF  }
0x32d: {  	_ =	shalt  }

// kernel: kernel.7.cloned.1.call-start
scs
__scs_entry_jumppad:
0x0: {  	(pc) =	sbr.rel $0x88, $3  }
0x1: {  	(tag) =	ssettag $0x0;
	lr =	simm.s32 $0x1  }
0x2: {  	[smem:$0x3F99] =	sst lr;
	_ =	strace $0xD0000000  }
0x3: {  	_ = 	snop  }
0x4: {  	_ = 	snop  }
0x5: {  	_ = 	snop  }
0x6: {  	_ = 	snop  }
0x7: {  	_ = 	snop  }
__scs_overlays_trampoline_lowered:
0x8: {  	[smem:$0x3FA8] =	sst s0  }
0x9: {  	[smem:$0x3FA9] =	sst s1  }
0xa: {  	[smem:$0x3FAA] =	sst s2  }
0xb: {  	[smem:$0x3FAB] =	sst s3  }
0xc: {  	[smem:$0x3FAC] =	sst s4  }
0xd: {  	[smem:$0x3FAD] =	sst s5  }
0xe: {  	[smem:$0x3FAE] =	sst s6  }
0xf: {  	[smem:$0x3FAF] =	sst s7  }
0x10: {  	[smem:$0x3FB0] =	sst s8  }
0x11: {  	[smem:$0x3FB1] =	sst s9;
	s0 =	simm.s32 @!p0 $0x0  }
0x12: {  	s1 =	sld [smem:$0x3F97];
	s0 =	simm.s32 @p0 $0x1  }
0x13: {  	[smem:$0x3FB2] =	sst s0;
	s0 =	simm.s32 @!p1 $0x0  }
0x14: {  	s2 =	sld [smem:$0x3F96];
	s0 =	simm.s32 @p1 $0x1  }
0x15: {  	[smem:$0x3FB3] =	sst s0;
	s0 =	simm.s32 @!p2 $0x0  }
0x16: {  	s3 =	sld [smem:$0x3FDB];
	s0 =	simm.s32 @p2 $0x1  }
0x17: {  	s4 =	simm.s32 $0x1BF5;
	[smem:$0x3FB5] =	sst s0  }
0x18: {  	s0 =	sld [smem:$0x3F98];
	_ =	swait.ge [sflag:s4], $0x0  }
0x19: {  	s7 =	sld [smem:$0x3F99]  }
0x1a: {  	s8 =	sadd.s32 $0xFFFFE003, lr  }
0x1b: {  	s9 =	sadd.s32 $0xFFFFFEF7, lr;
	s5 =	simm.s32 $0xFFFFFFFF;
	p2 =	slt.u32 s8, $0xFFFFF086  }
0x1c: {  	p1 =	slt.u32 s9, $0xF7A;
	s5 =	simm.s32 @!p2 $0x0  }
0x1d: {  	s5 =	simm.s32 @p1 $0x1;
	p0 =	seq.s32 s7, s2  }
0x1e: {  	s7 =	smul.u32 @!p0 $0xF7A, s2;
	p2 =	seq.s32 @!p0 s5, $0x0  }
0x1f: {  	s9 =	smul.u32 $0xF7A, s1;
	s8 =	simm.s32 @!p0 $0x1BF5;
	p2 =	por !p2, p0  }
0x20: {  	[sflag:s8] =	ssyncset.s32 @!p0 $0xFFFFF086;
	s6 =	sadd.s32 @!p0 s3, s7;
	s7 =	simm.s32 @!p0 $0x108  }
0x21: {  	s3 =	sadd.s32 s3, s9;
	s6 =	sadd.s32 @!p0 $0x88, s6;
	s7 =	simm.s32 @p2 $0x1082  }
0x22: {  	[simem:s7], [sflag:s8] =	dma.local @!p0 [hbm:s6], $0xF7A  }
0x23: {  	s9 =	sor.u32 $0xD0000000, s2;
	s6 =	simm.s32 $0x108;
	_ =	swait.ge @!p0 [sflag:s8], $0x0  }
0x24: {  	s3 =	sadd.s32 $0x88, s3;
	s6 =	simm.s32 @!p1 $0x1082;
	[sflag:s4] =	ssyncset.s32 $0xFFFFF086  }
0x25: {  	[simem:s6], [sflag:s4] =	dma.local [hbm:s3], $0xF7A  }
0x26: {  	[smem:$0x3F99] =	sst s1;
	(tag) =	ssettag s2;
	_ =	strace s9  }
0x27: {  	s1 =	sld [smem:$0x3FA9]  }
0x28: {  	s2 =	sld [smem:$0x3FAA]  }
0x29: {  	s4 =	sld [smem:$0x3FAC]  }
0x2a: {  	p0 =	seq.s32 s5, $0x0;
	s5 =	sld [smem:$0x3FAD]  }
0x2b: {  	s6 =	sld [smem:$0x3FAE]  }
0x2c: {  	s7 =	sld [smem:$0x3FAF]  }
0x2d: {  	s3 =	simm.s32 $0x108;
	s8 =	sld [smem:$0x3FB0]  }
0x2e: {  	s3 =	simm.s32 @!p0 $0x1082;
	s9 =	sld [smem:$0x3FB1]  }
0x2f: {  	lr =	sadd.s32 s0, s3;
	s0 =	sld [smem:$0x3FA8]  }
0x30: {  	s3 =	sld [smem:$0x3FAB]  }
0x31: {  	[smem:$0x3FB4] =	sst s10  }
0x32: {  	s10 =	sld [smem:$0x3FB2];
	_ =	sdelay $0x3  }
0x33: {  	p0 =	seq.s32 s10, $0x1;
	s10 =	sld [smem:$0x3FB4];
	_ =	sdelay $0x3  }
0x34: {  	[smem:$0x3FB4] =	sst s10  }
0x35: {  	s10 =	sld [smem:$0x3FB3];
	_ =	sdelay $0x3  }
0x36: {  	p1 =	seq.s32 s10, $0x1;
	s10 =	sld [smem:$0x3FB4];
	_ =	sdelay $0x3  }
0x37: {  	[smem:$0x3FB4] =	sst s10  }
0x38: {  	s10 =	sld [smem:$0x3FB5]  }
0x39: {  	_ = 	snop;
	(pc) =	sbr.ind lr, $3  }
0x3a: {  	_ = 	snop  }
0x3b: {  	_ = 	snop  }
0x3c: {  	p2 =	seq.s32 s10, $0x1;
	s10 =	sld [smem:$0x3FB4]  }
0x3d: {  	_ =	shalt  }
0x3e: {  	_ =	shalt  }
0x3f: {  	_ =	shalt  }
0x40: {  	_ =	shalt  }
0x41: {  	_ =	shalt  }
0x42: {  	_ =	shalt  }
0x43: {  	_ =	shalt  }
0x44: {  	_ =	shalt  }
0x45: {  	_ =	shalt  }
0x46: {  	_ =	shalt  }
0x47: {  	_ =	shalt  }
0x48: {  	_ =	shalt  }
0x49: {  	_ =	shalt  }
0x4a: {  	_ =	shalt  }
0x4b: {  	_ =	shalt  }
0x4c: {  	_ =	shalt  }
0x4d: {  	_ =	shalt  }
0x4e: {  	_ =	shalt  }
0x4f: {  	_ =	shalt  }
0x50: {  	_ =	shalt  }
0x51: {  	_ =	shalt  }
0x52: {  	_ =	shalt  }
0x53: {  	_ =	shalt  }
0x54: {  	_ =	shalt  }
0x55: {  	_ =	shalt  }
0x56: {  	_ =	shalt  }
0x57: {  	_ =	shalt  }
0x58: {  	_ =	shalt  }
0x59: {  	_ =	shalt  }
0x5a: {  	_ =	shalt  }
0x5b: {  	_ =	shalt  }
0x5c: {  	_ =	shalt  }
0x5d: {  	_ =	shalt  }
0x5e: {  	_ =	shalt  }
0x5f: {  	_ =	shalt  }
0x60: {  	_ =	shalt  }
0x61: {  	_ =	shalt  }
0x62: {  	_ =	shalt  }
0x63: {  	_ =	shalt  }
0x64: {  	_ =	shalt  }
0x65: {  	_ =	shalt  }
0x66: {  	_ =	shalt  }
0x67: {  	_ =	shalt  }
0x68: {  	_ =	shalt  }
0x69: {  	_ =	shalt  }
0x6a: {  	_ =	shalt  }
0x6b: {  	_ =	shalt  }
0x6c: {  	_ =	shalt  }
0x6d: {  	_ =	shalt  }
0x6e: {  	_ =	shalt  }
0x6f: {  	_ =	shalt  }
0x70: {  	_ =	shalt  }
0x71: {  	_ =	shalt  }
0x72: {  	_ =	shalt  }
0x73: {  	_ =	shalt  }
0x74: {  	_ =	shalt  }
0x75: {  	_ =	shalt  }
0x76: {  	_ =	shalt  }
0x77: {  	_ =	shalt  }
0x78: {  	_ =	shalt  }
0x79: {  	_ =	shalt  }
0x7a: {  	_ =	shalt  }
0x7b: {  	_ =	shalt  }
0x7c: {  	_ =	shalt  }
0x7d: {  	_ =	shalt  }
0x7e: {  	_ =	shalt  }
0x7f: {  	_ =	shalt  }
0x80: {  	_ =	shalt  }
0x81: {  	_ =	shalt  }
0x82: {  	_ =	shalt  }
0x83: {  	_ =	shalt  }
0x84: {  	_ =	shalt  }
0x85: {  	_ =	shalt  }
0x86: {  	_ =	shalt  }
0x87: {  	_ =	shalt  }
.Lfunc_end0:
.L_simem_size_0:
called_computation_lowered:
.L_overlay_start_0:
0x88: {  	s2 =	sld [smem:$0x3FD9]  }
0x89: {  	s3 =	sld [smem:$0x3FFE];
	_ =	sdelay $0x1  }
0x8a: {  	s1 =	srdreg.scid  }
0x8b: {  	s0 =	sand.u32 $0x1, s1  }
0x8c: {  	s17 =	sshll.u32 s0, $0xA;
	s2 =	sadd.s32 s3, s2  }
0x8d: {  	s2 =	sadd.s32 s2, s17  }
0x8e: {  	[smem:$0x3FC0] =	sst s2  }
0x8f: {  	_ = 	snop  }
0x90: {  	s2 =	sld [smem:$0x3FD0];
	(tm) =	ssettm $0x1  }
0x91: {  	s18 =	sld [smem:$0x3FFB];
	_ =	sdelay $0x3  }
0x92: {  	_ =	strace s18  }
0x93: {  	s3 =	sld [smem:$0x3FFC];
	_ =	sdelay $0x3  }
0x94: {  	_ =	strace s3  }
0x95: {  	s3 =	sld [smem:$0x3FFD];
	_ =	sdelay $0x3  }
0x96: {  	_ =	strace s3  }
0x97: {  	_ =	strace $0x8FFFFFFF  }
0x98: {  	s19 =	sld [smem:$0x3FDB];
	_ =	sdelay $0x1  }
0x99: {  	s4 =	simm.s32 $_scs_section_size  }
0x9a: {  	s5 =	simm.s32 $_size__tile_overlayer_lowered;
	s6 =	simm.s32 $_tile_overlayer_lowered  }
0x9b: {  	s22 =	simm.s32 $0x1BFF;
	s21 =	sshll.u32 s6, $0x1;
	s3 =	sadd.s32 s4, s19  }
0x9c: {  	s7 =	simm.s32 $0x0;
	s20 =	sshll.u32 s5, $0x1;
	s5 =	sadd.s32 s21, s3  }
0x9d: {  	[timem:s7], [sflag:s22] =	dma.local [hbm:s5], s20  }
0x9e: {  	_ =	swait.ge [sflag:s22], s20  }
0x9f: {  	s4 =	ssub.s32 $0x0, s20;
	[sflag:s22] =	ssyncset.done $0x0  }
0xa0: {  	[sflag:s22] =	ssyncadd.s32 s4;
	_ =	sdelay $0x1  }
0xa1: {  	s23 =	simm.s32 $0x1B8B  }
0xa2: {  	_ =	swait.ge [sflag:s23], $0x1  }
0xa3: {  	[sflag:s23] =	ssyncset.done $0x0  }
0xa4: {  	s25 =	simm.s32 $0x1B8E;
	s24 =	sld [smem:$0x3FFE];
	[sflag:s23] =	ssyncadd.s32 $0xFFFFFFFF  }
0xa5: {  	s26 =	simm.s32 $execute0_lowered;
	[smem:$0x3FD2] =	sst s25  }
0xa6: {  	s5 =	sshll.u32 s26, $0x1;
	_ =	strace $0x80000046;
	[dreg:$0x1] =	wrdreg $0xFFFFFFFF  }
0xa7: {  	s28 =	simm.s32 $_size_execute0_lowered;
	s3 =	sadd.s32 s3, s5;
	[dreg:$0x0] =	wrdreg $0x0  }
0xa8: {  	s5 =	sshll.u32 s28, $0x1;
	[dreg:$0x2] =	wrdreg s3  }
0xa9: {  	[dreg:$0x3] =	wrdreg s5  }
0xaa: {  	[dreg:$0x4] =	wrdreg $0xC0  }
0xab: {  	_ =	task [dreg:s7], $0x5FFFF  }
0xac: {  	[dreg:$0x1] =	wrdreg $0xFFFFFFFF  }
0xad: {  	[dreg:$0x0] =	wrdreg $0x60  }
0xae: {  	[dreg:$0x2] =	wrdreg s2  }
0xaf: {  	[dreg:$0x3] =	wrdreg s24  }
0xb0: {  	[dreg:$0x4] =	wrdreg $0x4FB00  }
0xb1: {  	[dreg:$0x5] =	wrdreg $0x77B00  }
0xb2: {  	[dreg:$0x6] =	wrdreg $0x9  }
0xb3: {  	_ =	task.clear_ibuf [dreg:s7], $0x7FFFF;
	_ =	strace $0x90000046  }
0xb4: {  	s29 =	simm.s32 $0x9;
	_ =	strace $0x80000048  }
0xb5: {  	_ =	swait.ge [sflag:s29], $0x1  }
0xb6: {  	[sflag:s29] =	ssyncadd.s32 $0xFFFFFFFF  }
0xb7: {  	_ =	strace $0x90000048  }
0xb8: {  	_ =	sfence  }
0xb9: {  	s30 =	sld [smem:$0x0];
	_ =	sdelay $0x2  }
0xba: {  	s31 =	sshll.u32 s1, $0xD;
	s1 =	sshrl.u32 s1, $0x2  }
0xbb: {  	s3 =	sand.u32 $0x4000, s31;
	s1 =	sadd.s32 s1, s30  }
0xbc: {  	s0 =	sor.u32 s3, s0;
	s1 =	sshll.u32 s1, $0x11  }
0xbd: {  	s0 =	sor.u32 s1, s0  }
0xbe: {  	s0 =	sadd.s32 $0x8F2B, s0  }
0xbf: {  	[sflag:s0] =	ssyncadd.remote.s32 $0x1  }
0xc0: {  	_ =	sfence.sel $0xFFFF  }
0xc1: {  	[dreg:$0x0] =	wrdreg $0xFFFFFFFF;
	(pc) =	sbr.abs _section_cstart, $3  }
0xc2: {  	[dreg:$0x1] =	wrdreg $0xFFFFFFFF  }
0xc3: {  	_ =	task.clear_ibuf [dreg:s7], $0x2FFFF;
	_ =	strace $0x9FFFFFFF  }
0xc4: {  	(tm) =	ssettm $0x7FFFFFFF  }
0xc5: {  	_ =	shalt  }
tec
execute0_lowered:
.L_overlay_start_1:
0x0: {  	(tag) =	ssettag $0x1  }
0x1: {  	s2 =	rddreg [dreg:$0x0]  }
0x2: {  	s7 =	rddreg [dreg:$0x1]  }
0x3: {  	s3 =	rddreg [dreg:$0x2]  }
0x4: {  	s4 =	rddreg [dreg:$0x3];
	s14 =	simm.s32 $0x0  }
0x5: {  	[smem:$0x7FF] =	sst s14;
	s8 =	sadd.s32 $0x16E00, s7  }
0x6: {  	s23 =	sadd.s32 $0x17600, s7;
	_ =	strace $0x80000047;
	[dreg:$0x5] =	wrdreg s8  }
0x7: {  	s10 =	sadd.s32 $0x17400, s7;
	[dreg:$0x6] =	wrdreg s23  }
0x8: {  	s13 =	simm.s32 $0x640;
	[dreg:$0x7] =	wrdreg s10  }
0x9: {  	s15 =	simm.s32 $0x7D0;
	[dreg:$0x10] =	wrdreg s13  }
0xa: {  	s16 =	simm.s32 $0x960;
	[dreg:$0x11] =	wrdreg s15  }
0xb: {  	s17 =	simm.s32 $0xAF0;
	[dreg:$0x12] =	wrdreg s16  }
0xc: {  	s18 =	simm.s32 $0xC80;
	[dreg:$0x13] =	wrdreg s17  }
0xd: {  	s0 =	srdreg.scid;
	s19 =	simm.s32 $0xE10;
	[dreg:$0x14] =	wrdreg s18  }
0xe: {  	s12 =	stileid.u32;
	s20 =	simm.s32 $0xFA0;
	[dreg:$0x15] =	wrdreg s19  }
0xf: {  	s21 =	simm.s32 $0x1130;
	s22 =	simm.s32 $0x12C0;
	[dreg:$0x16] =	wrdreg s20  }
0x10: {  	s0 =	sand.u32 $0x1, s0;
	s1 =	sshll.u32 s12, $0x1;
	[dreg:$0x17] =	wrdreg s21  }
0x11: {  	s6 =	smul.u32 $0x2800, s12;
	[dreg:$0x18] =	wrdreg s22;
	s23 =	simm.s32 $0x1450  }
0x12: {  	s9 =	smul.u32 $0x28000, s0;
	s13 =	simm.s32 $0x2260;
	[dreg:$0x19] =	wrdreg s23  }
0x13: {  	s8 =	smul.u32 $0x280, s12;
	s15 =	simm.s32 $0x23F0;
	[smem:$0x7F9] =	sst s13  }
0x14: {  	s1 =	sor.u32 s0, s1;
	s11 =	smul.u32 $0x2800, s0;
	[smem:$0x7FA] =	sst s15  }
0x15: {  	s20 =	simm.s32 $0x2580;
	s1 =	smul.u32 $0x4E2, s1;
	s18 =	rddreg [dreg:$0x5]  }
0x16: {  	[smem:$0x7FB] =	sst s20;
	s24 =	sadd.s32 s8, s11;
	s11 =	simm.s32 $0x320  }
0x17: {  	s10 =	sshrl.u32 s24, $0x3;
	[dreg:$0xe] =	wrdreg s11;
	s24 =	simm.s32 $0x15E0  }
0x18: {  	s1 =	sadd.s32 s1, s7;
	s11 =	simm.s32 $0x1F40;
	[dreg:$0x1a] =	wrdreg s24  }
0x19: {  	s9 =	sadd.s32 s6, s9;
	s25 =	sadd.s32 $0x3200, s1;
	[smem:$0x7F7] =	sst s11  }
0x1a: {  	s9 =	sshrl.u32 s9, $0x3;
	s26 =	sadd.s32 $0xD000, s1;
	[dreg:$0x8] =	wrdreg s25  }
0x1b: {  	s1 =	sshll.u32 s12, $0x6;
	s12 =	simm.s32 $0x4B0;
	[dreg:$0x9] =	wrdreg s26  }
0x1c: {  	s9 =	sadd.s32 s9, s7;
	s5 =	sor.u32 $0x1C06, s1;
	[dreg:$0xf] =	wrdreg s12  }
0x1d: {  	s7 =	sadd.s32 s10, s7;
	s9 =	sadd.s32 $0x18200, s9;
	[dreg:$0xa] =	wrdreg s5  }
0x1e: {  	s7 =	sadd.s32 $0x17800, s7;
	[dreg:$0xb] =	wrdreg s9  }
0x1f: {  	s10 =	sor.u32 $0x1C07, s1;
	[dreg:$0xc] =	wrdreg s7  }
0x20: {  	s25 =	simm.s32 $0x1770;
	[dreg:$0xd] =	wrdreg s10  }
0x21: {  	s26 =	simm.s32 $0x1900;
	[dreg:$0x1b] =	wrdreg s25  }
0x22: {  	s12 =	simm.s32 $0x20D0;
	[dreg:$0x1c] =	wrdreg s26  }
0x23: {  	[smem:$0x7F8] =	sst s12  }
0x24: {  	s17 =	rddreg [dreg:$0x8]  }
0x25: {  	s5 =	simm.s32 $0x1A90;
	s13 =	rddreg [dreg:$0x9]  }
0x26: {  	s9 =	simm.s32 $0x1C20;
	[dreg:$0x1d] =	wrdreg s5  }
0x27: {  	s10 =	simm.s32 $0x1DB0;
	[dreg:$0x1e] =	wrdreg s9  }
0x28: {  	s19 =	sadd.s32 s6, s3;
	[dreg:$0x1f] =	wrdreg s10  }
0x29: {  	[tilespmem:s14], [sflag:$0x1] =	stream.linear.gather [hbm4b:s17+s14], $0x2710, $0x38;
	[tilespmem:$0xF730] =	vst v63  }
0x2a: {  	s6 =	sshrl.u32 s19, $0x3;
	s16 =	rddreg [dreg:$0xa];
	s5 =	simm.s32 $0x2710  }
0x2b: {  	[tilespmem:s5], [sflag:$0x2] =	stream.linear.gather [hbm4b:s13+s14], $0x2710, $0x38;
	[tilespmem:$0xF730] =	vst v63  }
0x2c: {  	[spmem:s6], [sflag:s16] =	dma.local [hbm:s18], $0x500  }
0x2d: {  	s8 =	sadd.s32 s8, s4;
	s9 =	rddreg [dreg:$0x6]  }
0x2e: {  	s7 =	sshrl.u32 s8, $0x3;
	s10 =	rddreg [dreg:$0xd]  }
0x2f: {  	[spmem:s7], [sflag:s10] =	dma.local [hbm:s9], $0x50  }
0x30: {  	s9 =	simm.s32 $0x4E20;
	s10 =	simm.s32 $0x1;
	s21 =	rddreg [dreg:$0x7]  }
0x31: {  	[tilespmem:s9], [sflag:$0x8] =	stream.linear.gather [hbm4b:s21+s14], $0x190, $0x38;
	[tilespmem:$0xF730] =	vst v63  }
0x32: {  	_ =	swait.ge [sflag:s10], $0x2710  }
0x33: {  	[sflag:s10] =	ssyncset.done $0x0  }
0x34: {  	s11 =	simm.s32 $0x190;
	s12 =	simm.s32 $0x7A30;
	[sflag:s10] =	ssyncadd.s32 $0xFFFFD8F0  }
0x35: {  	[tilespmem:s12], [sflag:$0x1] =	stream.indirect.gather [hbm4b:s2+s11], $0x10, s14, s11, $0xb8;
	[tilespmem:$0xF730] =	vst v63  }
0x36: {  	s13 =	simm.s32 $0x9330  }
0x37: {  	[tilespmem:s13], [sflag:$0x2] =	stream.indirect.gather [hbm4b:s2+s11], $0x10, s11, s11, $0xb8;
	[tilespmem:$0xF730] =	vst v63  }
0x38: {  	s15 =	rddreg [dreg:$0xe];
	s14 =	simm.s32 $0xAC30  }
0x39: {  	[tilespmem:s14], [sflag:$0x3] =	stream.indirect.gather [hbm4b:s2+s11], $0x10, s15, s11, $0xb8;
	[tilespmem:$0xF730] =	vst v63  }
0x3a: {  	s16 =	rddreg [dreg:$0xf];
	s15 =	simm.s32 $0xC530  }
0x3b: {  	[tilespmem:s15], [sflag:$0x4] =	stream.indirect.gather [hbm4b:s2+s11], $0x10, s16, s11, $0xb8;
	[tilespmem:$0xF730] =	vst v63  }
0x3c: {  	s17 =	simm.s32 $0x2;
	s18 =	rddreg [dreg:$0x10];
	s16 =	simm.s32 $0xDE30  }
0x3d: {  	[tilespmem:s16], [sflag:$0x5] =	stream.indirect.gather [hbm4b:s2+s11], $0x10, s18, s11, $0xb8;
	[tilespmem:$0xF730] =	vst v63  }
0x3e: {  	_ =	swait.ge [sflag:s17], $0x2710  }
0x3f: {  	[sflag:s17] =	ssyncset.done $0x0  }
0x40: {  	s18 =	simm.s32 $0x6;
	[sflag:s17] =	ssyncadd.s32 $0xFFFFD8F0  }
0x41: {  	_ =	swait.ge [sflag:s18], $0x500  }
0x42: {  	[sflag:s18] =	ssyncset.done $0x0  }
0x43: {  	s19 =	simm.s32 $0x7;
	[sflag:s18] =	ssyncadd.s32 $0xFFFFFB00  }
0x44: {  	_ =	swait.ge [sflag:s19], $0x50  }
0x45: {  	[sflag:s19] =	ssyncset.done $0x0  }
0x46: {  	s20 =	simm.s32 $0x8;
	[sflag:s19] =	ssyncadd.s32 $0xFFFFFFB0  }
0x47: {  	_ =	swait.ge [sflag:s20], $0x190  }
0x48: {  	[sflag:s20] =	ssyncset.done $0x0  }
0x49: {  	[sflag:s20] =	ssyncadd.s32 $0xFFFFFE70  }
0x4a: {  	[bflag:$0x0] =	sbarrier.arrive $0xFFFF  }
0x4b: {  	_ =	swait.ge [sflag:s10], $0x1900  }
0x4c: {  	[sflag:s10] =	ssyncset.done $0x0  }
0x4d: {  	[sflag:s10] =	ssyncadd.s32 $0xFFFFE700  }
0x4e: {  	[spmem:s3] =	stream.indirect.scatter.add.f32 [tilespmem:s12], [sflag:$0x6], $0x10, s5, s11, $0xb8;
	[tilespmem:$0xF730] =	vst v63  }
0x4f: {  	_ = 	snop  }
0x50: {  	[spmem:s4] =	stream.indirect.scatter.add.f32 [tilespmem:s9], [sflag:$0xB], $0x1, s5, s11, $0xb8;
	[tilespmem:$0xF730] =	vst v63  }
0x51: {  	_ =	swait.ge [sflag:s18], $0x1900  }
0x52: {  	[sflag:s18] =	ssyncset.done $0x0  }
0x53: {  	s21 =	rddreg [dreg:$0x11];
	[sflag:s18] =	ssyncadd.s32 $0xFFFFE700  }
0x54: {  	[tilespmem:s12], [sflag:$0x1] =	stream.indirect.gather [hbm4b:s2+s11], $0x10, s21, s11, $0xb8;
	[tilespmem:$0xF730] =	vst v63  }
0x55: {  	_ =	swait.ge [sflag:s17], $0x1900  }
0x56: {  	[sflag:s17] =	ssyncset.done $0x0  }
0x57: {  	s22 =	simm.s32 $0x28A0;
	[sflag:s17] =	ssyncadd.s32 $0xFFFFE700  }
0x58: {  	[spmem:s3] =	stream.indirect.scatter.add.f32 [tilespmem:s13], [sflag:$0x7], $0x10, s22, s11, $0xb8;
	[tilespmem:$0xF730] =	vst v63  }
0x59: {  	_ = 	snop  }
0x5a: {  	[spmem:s4] =	stream.indirect.scatter.add.f32 [tilespmem:s9], [sflag:$0xB], $0x1, s22, s11, $0xb8;
	[tilespmem:$0xF730] =	vst v63  }
0x5b: {  	_ =	swait.ge [sflag:s19], $0x1900  }
0x5c: {  	[sflag:s19] =	ssyncset.done $0x0  }
0x5d: {  	s22 =	simm.s32 $0x3;
	s23 =	rddreg [dreg:$0x12];
	[sflag:s19] =	ssyncadd.s32 $0xFFFFE700  }
0x5e: {  	[tilespmem:s13], [sflag:$0x2] =	stream.indirect.gather [hbm4b:s2+s11], $0x10, s23, s11, $0xb8;
	[tilespmem:$0xF730] =	vst v63  }
0x5f: {  	_ =	swait.ge [sflag:s22], $0x1900  }
0x60: {  	[sflag:s22] =	ssyncset.done $0x0  }
0x61: {  	s24 =	simm.s32 $0x2A30;
	[sflag:s22] =	ssyncadd.s32 $0xFFFFE700  }
0x62: {  	[spmem:s3] =	stream.indirect.scatter.add.f32 [tilespmem:s14], [sflag:$0x8], $0x10, s24, s11, $0xb8;
	[tilespmem:$0xF730] =	vst v63  }
0x63: {  	_ = 	snop  }
0x64: {  	[spmem:s4] =	stream.indirect.scatter.add.f32 [tilespmem:s9], [sflag:$0xB], $0x1, s24, s11, $0xb8;
	[tilespmem:$0xF730] =	vst v63  }
0x65: {  	_ =	swait.ge [sflag:s20], $0x1900  }
0x66: {  	[sflag:s20] =	ssyncset.done $0x0  }
0x67: {  	s24 =	simm.s32 $0x4;
	s25 =	rddreg [dreg:$0x13];
	[sflag:s20] =	ssyncadd.s32 $0xFFFFE700  }
0x68: {  	[tilespmem:s14], [sflag:$0x3] =	stream.indirect.gather [hbm4b:s2+s11], $0x10, s25, s11, $0xb8;
	[tilespmem:$0xF730] =	vst v63  }
0x69: {  	_ =	swait.ge [sflag:s24], $0x1900  }
0x6a: {  	[sflag:s24] =	ssyncset.done $0x0  }
0x6b: {  	s26 =	simm.s32 $0x2BC0;
	[sflag:s24] =	ssyncadd.s32 $0xFFFFE700  }
0x6c: {  	[spmem:s3] =	stream.indirect.scatter.add.f32 [tilespmem:s15], [sflag:$0x9], $0x10, s26, s11, $0xb8;
	[tilespmem:$0xF730] =	vst v63  }
0x6d: {  	_ = 	snop  }
0x6e: {  	[spmem:s4] =	stream.indirect.scatter.add.f32 [tilespmem:s9], [sflag:$0xB], $0x1, s26, s11, $0xb8;
	[tilespmem:$0xF730] =	vst v63  }
0x6f: {  	s26 =	simm.s32 $0x9  }
0x70: {  	_ =	swait.ge [sflag:s26], $0x1900  }
0x71: {  	[sflag:s26] =	ssyncset.done $0x0  }
0x72: {  	s28 =	simm.s32 $0x5;
	s8 =	rddreg [dreg:$0x14];
	[sflag:s26] =	ssyncadd.s32 $0xFFFFE700  }
0x73: {  	[tilespmem:s15], [sflag:$0x4] =	stream.indirect.gather [hbm4b:s2+s11], $0x10, s8, s11, $0xb8;
	[tilespmem:$0xF730] =	vst v63  }
0x74: {  	_ =	swait.ge [sflag:s28], $0x1900  }
0x75: {  	[sflag:s28] =	ssyncset.done $0x0  }
0x76: {  	s21 =	simm.s32 $0x2D50;
	[sflag:s28] =	ssyncadd.s32 $0xFFFFE700  }
0x77: {  	[spmem:s3] =	stream.indirect.scatter.add.f32 [tilespmem:s16], [sflag:$0xA], $0x10, s21, s11, $0xb8;
	[tilespmem:$0xF730] =	vst v63  }
0x78: {  	s30 =	simm.s32 $0xA  }
0x79: {  	[spmem:s4] =	stream.indirect.scatter.add.f32 [tilespmem:s9], [sflag:$0xB], $0x1, s21, s11, $0xb8;
	[tilespmem:$0xF730] =	vst v63  }
0x7a: {  	_ =	swait.ge [sflag:s30], $0x1900  }
0x7b: {  	[sflag:s30] =	ssyncset.done $0x0  }
0x7c: {  	s23 =	rddreg [dreg:$0x15];
	[sflag:s30] =	ssyncadd.s32 $0xFFFFE700  }
0x7d: {  	[tilespmem:s16], [sflag:$0x5] =	stream.indirect.gather [hbm4b:s2+s11], $0x10, s23, s11, $0xb8;
	[tilespmem:$0xF730] =	vst v63  }
0x7e: {  	_ =	swait.ge [sflag:s10], $0x1900  }
0x7f: {  	[sflag:s10] =	ssyncset.done $0x0  }
0x80: {  	s25 =	simm.s32 $0x2EE0;
	[sflag:s10] =	ssyncadd.s32 $0xFFFFE700  }
0x81: {  	[spmem:s3] =	stream.indirect.scatter.add.f32 [tilespmem:s12], [sflag:$0x6], $0x10, s25, s11, $0xb8;
	[tilespmem:$0xF730] =	vst v63  }
0x82: {  	_ = 	snop  }
0x83: {  	[spmem:s4] =	stream.indirect.scatter.add.f32 [tilespmem:s9], [sflag:$0xB], $0x1, s25, s11, $0xb8;
	[tilespmem:$0xF730] =	vst v63  }
0x84: {  	_ =	swait.ge [sflag:s18], $0x1900  }
0x85: {  	[sflag:s18] =	ssyncset.done $0x0  }
0x86: {  	s8 =	rddreg [dreg:$0x16];
	[sflag:s18] =	ssyncadd.s32 $0xFFFFE700  }
0x87: {  	[tilespmem:s12], [sflag:$0x1] =	stream.indirect.gather [hbm4b:s2+s11], $0x10, s8, s11, $0xb8;
	[tilespmem:$0xF730] =	vst v63  }
0x88: {  	_ =	swait.ge [sflag:s17], $0x1900  }
0x89: {  	[sflag:s17] =	ssyncset.done $0x0  }
0x8a: {  	s21 =	simm.s32 $0x3070;
	[sflag:s17] =	ssyncadd.s32 $0xFFFFE700  }
0x8b: {  	[spmem:s3] =	stream.indirect.scatter.add.f32 [tilespmem:s13], [sflag:$0x7], $0x10, s21, s11, $0xb8;
	[tilespmem:$0xF730] =	vst v63  }
0x8c: {  	_ = 	snop  }
0x8d: {  	[spmem:s4] =	stream.indirect.scatter.add.f32 [tilespmem:s9], [sflag:$0xB], $0x1, s21, s11, $0xb8;
	[tilespmem:$0xF730] =	vst v63  }
0x8e: {  	_ =	swait.ge [sflag:s19], $0x1900  }
0x8f: {  	[sflag:s19] =	ssyncset.done $0x0  }
0x90: {  	s23 =	rddreg [dreg:$0x17];
	[sflag:s19] =	ssyncadd.s32 $0xFFFFE700  }
0x91: {  	[tilespmem:s13], [sflag:$0x2] =	stream.indirect.gather [hbm4b:s2+s11], $0x10, s23, s11, $0xb8;
	[tilespmem:$0xF730] =	vst v63  }
0x92: {  	_ =	swait.ge [sflag:s22], $0x1900  }
0x93: {  	[sflag:s22] =	ssyncset.done $0x0  }
0x94: {  	s25 =	simm.s32 $0x3200;
	[sflag:s22] =	ssyncadd.s32 $0xFFFFE700  }
0x95: {  	[spmem:s3] =	stream.indirect.scatter.add.f32 [tilespmem:s14], [sflag:$0x8], $0x10, s25, s11, $0xb8;
	[tilespmem:$0xF730] =	vst v63  }
0x96: {  	_ = 	snop  }
0x97: {  	[spmem:s4] =	stream.indirect.scatter.add.f32 [tilespmem:s9], [sflag:$0xB], $0x1, s25, s11, $0xb8;
	[tilespmem:$0xF730] =	vst v63  }
0x98: {  	_ =	swait.ge [sflag:s20], $0x1900  }
0x99: {  	[sflag:s20] =	ssyncset.done $0x0  }
0x9a: {  	s8 =	rddreg [dreg:$0x18];
	[sflag:s20] =	ssyncadd.s32 $0xFFFFE700  }
0x9b: {  	[tilespmem:s14], [sflag:$0x3] =	stream.indirect.gather [hbm4b:s2+s11], $0x10, s8, s11, $0xb8;
	[tilespmem:$0xF730] =	vst v63  }
0x9c: {  	_ =	swait.ge [sflag:s24], $0x1900  }
0x9d: {  	[sflag:s24] =	ssyncset.done $0x0  }
0x9e: {  	s21 =	simm.s32 $0x3390;
	[sflag:s24] =	ssyncadd.s32 $0xFFFFE700  }
0x9f: {  	[spmem:s3] =	stream.indirect.scatter.add.f32 [tilespmem:s15], [sflag:$0x9], $0x10, s21, s11, $0xb8;
	[tilespmem:$0xF730] =	vst v63  }
0xa0: {  	_ = 	snop  }
0xa1: {  	[spmem:s4] =	stream.indirect.scatter.add.f32 [tilespmem:s9], [sflag:$0xB], $0x1, s21, s11, $0xb8;
	[tilespmem:$0xF730] =	vst v63  }
0xa2: {  	_ =	swait.ge [sflag:s26], $0x1900  }
0xa3: {  	[sflag:s26] =	ssyncset.done $0x0  }
0xa4: {  	s23 =	rddreg [dreg:$0x19];
	[sflag:s26] =	ssyncadd.s32 $0xFFFFE700  }
0xa5: {  	[tilespmem:s15], [sflag:$0x4] =	stream.indirect.gather [hbm4b:s2+s11], $0x10, s23, s11, $0xb8;
	[tilespmem:$0xF730] =	vst v63  }
0xa6: {  	_ =	swait.ge [sflag:s28], $0x1900  }
0xa7: {  	[sflag:s28] =	ssyncset.done $0x0  }
0xa8: {  	s25 =	simm.s32 $0x3520;
	[sflag:s28] =	ssyncadd.s32 $0xFFFFE700  }
0xa9: {  	[spmem:s3] =	stream.indirect.scatter.add.f32 [tilespmem:s16], [sflag:$0xA], $0x10, s25, s11, $0xb8;
	[tilespmem:$0xF730] =	vst v63  }
0xaa: {  	_ = 	snop  }
0xab: {  	[spmem:s4] =	stream.indirect.scatter.add.f32 [tilespmem:s9], [sflag:$0xB], $0x1, s25, s11, $0xb8;
	[tilespmem:$0xF730] =	vst v63  }
0xac: {  	_ =	swait.ge [sflag:s30], $0x1900  }
0xad: {  	[sflag:s30] =	ssyncset.done $0x0  }
0xae: {  	s8 =	rddreg [dreg:$0x1a];
	[sflag:s30] =	ssyncadd.s32 $0xFFFFE700  }
0xaf: {  	[tilespmem:s16], [sflag:$0x5] =	stream.indirect.gather [hbm4b:s2+s11], $0x10, s8, s11, $0xb8;
	[tilespmem:$0xF730] =	vst v63  }
0xb0: {  	_ =	swait.ge [sflag:s10], $0x1900  }
0xb1: {  	[sflag:s10] =	ssyncset.done $0x0  }
0xb2: {  	s21 =	simm.s32 $0x36B0;
	[sflag:s10] =	ssyncadd.s32 $0xFFFFE700  }
0xb3: {  	[spmem:s3] =	stream.indirect.scatter.add.f32 [tilespmem:s12], [sflag:$0x6], $0x10, s21, s11, $0xb8;
	[tilespmem:$0xF730] =	vst v63  }
0xb4: {  	_ = 	snop  }
0xb5: {  	[spmem:s4] =	stream.indirect.scatter.add.f32 [tilespmem:s9], [sflag:$0xB], $0x1, s21, s11, $0xb8;
	[tilespmem:$0xF730] =	vst v63  }
0xb6: {  	_ =	swait.ge [sflag:s18], $0x1900  }
0xb7: {  	[sflag:s18] =	ssyncset.done $0x0  }
0xb8: {  	s23 =	rddreg [dreg:$0x1b];
	[sflag:s18] =	ssyncadd.s32 $0xFFFFE700  }
0xb9: {  	[tilespmem:s12], [sflag:$0x1] =	stream.indirect.gather [hbm4b:s2+s11], $0x10, s23, s11, $0xb8;
	[tilespmem:$0xF730] =	vst v63  }
0xba: {  	_ =	swait.ge [sflag:s17], $0x1900  }
0xbb: {  	[sflag:s17] =	ssyncset.done $0x0  }
0xbc: {  	s25 =	simm.s32 $0x3840;
	[sflag:s17] =	ssyncadd.s32 $0xFFFFE700  }
0xbd: {  	[spmem:s3] =	stream.indirect.scatter.add.f32 [tilespmem:s13], [sflag:$0x7], $0x10, s25, s11, $0xb8;
	[tilespmem:$0xF730] =	vst v63  }
0xbe: {  	_ = 	snop  }
0xbf: {  	[spmem:s4] =	stream.indirect.scatter.add.f32 [tilespmem:s9], [sflag:$0xB], $0x1, s25, s11, $0xb8;
	[tilespmem:$0xF730] =	vst v63  }
0xc0: {  	_ =	swait.ge [sflag:s19], $0x1900  }
0xc1: {  	[sflag:s19] =	ssyncset.done $0x0  }
0xc2: {  	s8 =	rddreg [dreg:$0x1c];
	[sflag:s19] =	ssyncadd.s32 $0xFFFFE700  }
0xc3: {  	[tilespmem:s13], [sflag:$0x2] =	stream.indirect.gather [hbm4b:s2+s11], $0x10, s8, s11, $0xb8;
	[tilespmem:$0xF730] =	vst v63  }
0xc4: {  	_ =	swait.ge [sflag:s22], $0x1900  }
0xc5: {  	[sflag:s22] =	ssyncset.done $0x0  }
0xc6: {  	s21 =	simm.s32 $0x39D0;
	[sflag:s22] =	ssyncadd.s32 $0xFFFFE700  }
0xc7: {  	[spmem:s3] =	stream.indirect.scatter.add.f32 [tilespmem:s14], [sflag:$0x8], $0x10, s21, s11, $0xb8;
	[tilespmem:$0xF730] =	vst v63  }
0xc8: {  	_ = 	snop  }
0xc9: {  	[spmem:s4] =	stream.indirect.scatter.add.f32 [tilespmem:s9], [sflag:$0xB], $0x1, s21, s11, $0xb8;
	[tilespmem:$0xF730] =	vst v63  }
0xca: {  	_ =	swait.ge [sflag:s20], $0x1900  }
0xcb: {  	[sflag:s20] =	ssyncset.done $0x0  }
0xcc: {  	s23 =	rddreg [dreg:$0x1d];
	[sflag:s20] =	ssyncadd.s32 $0xFFFFE700  }
0xcd: {  	[tilespmem:s14], [sflag:$0x3] =	stream.indirect.gather [hbm4b:s2+s11], $0x10, s23, s11, $0xb8;
	[tilespmem:$0xF730] =	vst v63  }
0xce: {  	_ =	swait.ge [sflag:s24], $0x1900  }
0xcf: {  	[sflag:s24] =	ssyncset.done $0x0  }
0xd0: {  	s25 =	simm.s32 $0x3B60;
	[sflag:s24] =	ssyncadd.s32 $0xFFFFE700  }
0xd1: {  	[spmem:s3] =	stream.indirect.scatter.add.f32 [tilespmem:s15], [sflag:$0x9], $0x10, s25, s11, $0xb8;
	[tilespmem:$0xF730] =	vst v63  }
0xd2: {  	_ = 	snop  }
0xd3: {  	[spmem:s4] =	stream.indirect.scatter.add.f32 [tilespmem:s9], [sflag:$0xB], $0x1, s25, s11, $0xb8;
	[tilespmem:$0xF730] =	vst v63  }
0xd4: {  	_ =	swait.ge [sflag:s26], $0x1900  }
0xd5: {  	[sflag:s26] =	ssyncset.done $0x0  }
0xd6: {  	s8 =	rddreg [dreg:$0x1e];
	[sflag:s26] =	ssyncadd.s32 $0xFFFFE700  }
0xd7: {  	[tilespmem:s15], [sflag:$0x4] =	stream.indirect.gather [hbm4b:s2+s11], $0x10, s8, s11, $0xb8;
	[tilespmem:$0xF730] =	vst v63  }
0xd8: {  	_ =	swait.ge [sflag:s28], $0x1900  }
0xd9: {  	[sflag:s28] =	ssyncset.done $0x0  }
0xda: {  	s21 =	simm.s32 $0x3CF0;
	[sflag:s28] =	ssyncadd.s32 $0xFFFFE700  }
0xdb: {  	[spmem:s3] =	stream.indirect.scatter.add.f32 [tilespmem:s16], [sflag:$0xA], $0x10, s21, s11, $0xb8;
	[tilespmem:$0xF730] =	vst v63  }
0xdc: {  	_ = 	snop  }
0xdd: {  	[spmem:s4] =	stream.indirect.scatter.add.f32 [tilespmem:s9], [sflag:$0xB], $0x1, s21, s11, $0xb8;
	[tilespmem:$0xF730] =	vst v63  }
0xde: {  	_ =	swait.ge [sflag:s30], $0x1900  }
0xdf: {  	[sflag:s30] =	ssyncset.done $0x0  }
0xe0: {  	s23 =	rddreg [dreg:$0x1f];
	[sflag:s30] =	ssyncadd.s32 $0xFFFFE700  }
0xe1: {  	[tilespmem:s16], [sflag:$0x5] =	stream.indirect.gather [hbm4b:s2+s11], $0x10, s23, s11, $0xb8;
	[tilespmem:$0xF730] =	vst v63  }
0xe2: {  	_ =	swait.ge [sflag:s10], $0x1900  }
0xe3: {  	[sflag:s10] =	ssyncset.done $0x0  }
0xe4: {  	s25 =	simm.s32 $0x3E80;
	[sflag:s10] =	ssyncadd.s32 $0xFFFFE700  }
0xe5: {  	[spmem:s3] =	stream.indirect.scatter.add.f32 [tilespmem:s12], [sflag:$0x6], $0x10, s25, s11, $0xb8;
	[tilespmem:$0xF730] =	vst v63  }
0xe6: {  	_ = 	snop  }
0xe7: {  	[spmem:s4] =	stream.indirect.scatter.add.f32 [tilespmem:s9], [sflag:$0xB], $0x1, s25, s11, $0xb8;
	[tilespmem:$0xF730] =	vst v63  }
0xe8: {  	_ =	swait.ge [sflag:s18], $0x1900  }
0xe9: {  	s8 =	sld [smem:$0x7F7]  }
0xea: {  	[sflag:s18] =	ssyncset.done $0x0  }
0xeb: {  	[sflag:s18] =	ssyncadd.s32 $0xFFFFE700  }
0xec: {  	[tilespmem:s12], [sflag:$0x1] =	stream.indirect.gather [hbm4b:s2+s11], $0x10, s8, s11, $0xb8;
	[tilespmem:$0xF730] =	vst v63  }
0xed: {  	_ =	swait.ge [sflag:s17], $0x1900  }
0xee: {  	[sflag:s17] =	ssyncset.done $0x0  }
0xef: {  	s21 =	simm.s32 $0x4010;
	[sflag:s17] =	ssyncadd.s32 $0xFFFFE700  }
0xf0: {  	[spmem:s3] =	stream.indirect.scatter.add.f32 [tilespmem:s13], [sflag:$0x7], $0x10, s21, s11, $0xb8;
	[tilespmem:$0xF730] =	vst v63  }
0xf1: {  	_ = 	snop  }
0xf2: {  	[spmem:s4] =	stream.indirect.scatter.add.f32 [tilespmem:s9], [sflag:$0xB], $0x1, s21, s11, $0xb8;
	[tilespmem:$0xF730] =	vst v63  }
0xf3: {  	_ =	swait.ge [sflag:s19], $0x1900  }
0xf4: {  	s23 =	sld [smem:$0x7F8]  }
0xf5: {  	[sflag:s19] =	ssyncset.done $0x0  }
0xf6: {  	[sflag:s19] =	ssyncadd.s32 $0xFFFFE700  }
0xf7: {  	[tilespmem:s13], [sflag:$0x2] =	stream.indirect.gather [hbm4b:s2+s11], $0x10, s23, s11, $0xb8;
	[tilespmem:$0xF730] =	vst v63  }
0xf8: {  	_ =	swait.ge [sflag:s22], $0x1900  }
0xf9: {  	[sflag:s22] =	ssyncset.done $0x0  }
0xfa: {  	s25 =	simm.s32 $0x41A0;
	[sflag:s22] =	ssyncadd.s32 $0xFFFFE700  }
0xfb: {  	[spmem:s3] =	stream.indirect.scatter.add.f32 [tilespmem:s14], [sflag:$0x8], $0x10, s25, s11, $0xb8;
	[tilespmem:$0xF730] =	vst v63  }
0xfc: {  	_ = 	snop  }
0xfd: {  	[spmem:s4] =	stream.indirect.scatter.add.f32 [tilespmem:s9], [sflag:$0xB], $0x1, s25, s11, $0xb8;
	[tilespmem:$0xF730] =	vst v63  }
0xfe: {  	_ =	swait.ge [sflag:s20], $0x1900  }
0xff: {  	s8 =	sld [smem:$0x7F9]  }
0x100: {  	[sflag:s20] =	ssyncset.done $0x0  }
0x101: {  	[sflag:s20] =	ssyncadd.s32 $0xFFFFE700  }
0x102: {  	[tilespmem:s14], [sflag:$0x3] =	stream.indirect.gather [hbm4b:s2+s11], $0x10, s8, s11, $0xb8;
	[tilespmem:$0xF730] =	vst v63  }
0x103: {  	_ =	swait.ge [sflag:s24], $0x1900  }
0x104: {  	[sflag:s24] =	ssyncset.done $0x0  }
0x105: {  	s21 =	simm.s32 $0x4330;
	[sflag:s24] =	ssyncadd.s32 $0xFFFFE700  }
0x106: {  	[spmem:s3] =	stream.indirect.scatter.add.f32 [tilespmem:s15], [sflag:$0x9], $0x10, s21, s11, $0xb8;
	[tilespmem:$0xF730] =	vst v63  }
0x107: {  	_ = 	snop  }
0x108: {  	[spmem:s4] =	stream.indirect.scatter.add.f32 [tilespmem:s9], [sflag:$0xB], $0x1, s21, s11, $0xb8;
	[tilespmem:$0xF730] =	vst v63  }
0x109: {  	_ =	swait.ge [sflag:s26], $0x1900  }
0x10a: {  	s23 =	sld [smem:$0x7FA]  }
0x10b: {  	[sflag:s26] =	ssyncset.done $0x0  }
0x10c: {  	[sflag:s26] =	ssyncadd.s32 $0xFFFFE700  }
0x10d: {  	[tilespmem:s15], [sflag:$0x4] =	stream.indirect.gather [hbm4b:s2+s11], $0x10, s23, s11, $0xb8;
	[tilespmem:$0xF730] =	vst v63  }
0x10e: {  	_ =	swait.ge [sflag:s28], $0x1900  }
0x10f: {  	[sflag:s28] =	ssyncset.done $0x0  }
0x110: {  	s25 =	simm.s32 $0x44C0;
	[sflag:s28] =	ssyncadd.s32 $0xFFFFE700  }
0x111: {  	[spmem:s3] =	stream.indirect.scatter.add.f32 [tilespmem:s16], [sflag:$0xA], $0x10, s25, s11, $0xb8;
	[tilespmem:$0xF730] =	vst v63  }
0x112: {  	_ = 	snop  }
0x113: {  	[spmem:s4] =	stream.indirect.scatter.add.f32 [tilespmem:s9], [sflag:$0xB], $0x1, s25, s11, $0xb8;
	[tilespmem:$0xF730] =	vst v63  }
0x114: {  	_ =	swait.ge [sflag:s30], $0x1900  }
0x115: {  	s8 =	sld [smem:$0x7FB]  }
0x116: {  	[sflag:s30] =	ssyncset.done $0x0  }
0x117: {  	[sflag:s30] =	ssyncadd.s32 $0xFFFFE700  }
0x118: {  	[tilespmem:s16], [sflag:$0x5] =	stream.indirect.gather [hbm4b:s2+s11], $0x10, s8, s11, $0xb8;
	[tilespmem:$0xF730] =	vst v63  }
0x119: {  	_ =	swait.ge [sflag:s10], $0x1900  }
0x11a: {  	[sflag:s10] =	ssyncset.done $0x0  }
0x11b: {  	s21 =	simm.s32 $0x4650;
	[sflag:s10] =	ssyncadd.s32 $0xFFFFE700  }
0x11c: {  	[spmem:s3] =	stream.indirect.scatter.add.f32 [tilespmem:s12], [sflag:$0x6], $0x10, s21, s11, $0xb8;
	[tilespmem:$0xF730] =	vst v63  }
0x11d: {  	_ = 	snop  }
0x11e: {  	[spmem:s4] =	stream.indirect.scatter.add.f32 [tilespmem:s9], [sflag:$0xB], $0x1, s21, s11, $0xb8;
	[tilespmem:$0xF730] =	vst v63  }
0x11f: {  	_ =	swait.ge [sflag:s17], $0x1900  }
0x120: {  	[sflag:s17] =	ssyncset.done $0x0  }
0x121: {  	s23 =	simm.s32 $0x47E0;
	[sflag:s17] =	ssyncadd.s32 $0xFFFFE700  }
0x122: {  	[spmem:s3] =	stream.indirect.scatter.add.f32 [tilespmem:s13], [sflag:$0x7], $0x10, s23, s11, $0xb8;
	[tilespmem:$0xF730] =	vst v63  }
0x123: {  	_ = 	snop  }
0x124: {  	[spmem:s4] =	stream.indirect.scatter.add.f32 [tilespmem:s9], [sflag:$0xB], $0x1, s23, s11, $0xb8;
	[tilespmem:$0xF730] =	vst v63  }
0x125: {  	_ =	swait.ge [sflag:s22], $0x1900  }
0x126: {  	[sflag:s22] =	ssyncset.done $0x0  }
0x127: {  	s25 =	simm.s32 $0x4970;
	[sflag:s22] =	ssyncadd.s32 $0xFFFFE700  }
0x128: {  	[spmem:s3] =	stream.indirect.scatter.add.f32 [tilespmem:s14], [sflag:$0x8], $0x10, s25, s11, $0xb8;
	[tilespmem:$0xF730] =	vst v63  }
0x129: {  	_ = 	snop  }
0x12a: {  	[spmem:s4] =	stream.indirect.scatter.add.f32 [tilespmem:s9], [sflag:$0xB], $0x1, s25, s11, $0xb8;
	[tilespmem:$0xF730] =	vst v63  }
0x12b: {  	_ =	swait.ge [sflag:s24], $0x1900  }
0x12c: {  	[sflag:s24] =	ssyncset.done $0x0  }
0x12d: {  	s8 =	simm.s32 $0x4B00;
	[sflag:s24] =	ssyncadd.s32 $0xFFFFE700  }
0x12e: {  	[spmem:s3] =	stream.indirect.scatter.add.f32 [tilespmem:s15], [sflag:$0x9], $0x10, s8, s11, $0xb8;
	[tilespmem:$0xF730] =	vst v63  }
0x12f: {  	_ = 	snop  }
0x130: {  	[spmem:s4] =	stream.indirect.scatter.add.f32 [tilespmem:s9], [sflag:$0xB], $0x1, s8, s11, $0xb8;
	[tilespmem:$0xF730] =	vst v63  }
0x131: {  	_ =	swait.ge [sflag:s28], $0x1900  }
0x132: {  	[sflag:s28] =	ssyncset.done $0x0  }
0x133: {  	s21 =	simm.s32 $0x4C90;
	[sflag:s28] =	ssyncadd.s32 $0xFFFFE700  }
0x134: {  	[spmem:s3] =	stream.indirect.scatter.add.f32 [tilespmem:s16], [sflag:$0xA], $0x10, s21, s11, $0xb8;
	[tilespmem:$0xF730] =	vst v63  }
0x135: {  	_ = 	snop  }
0x136: {  	[spmem:s4] =	stream.indirect.scatter.add.f32 [tilespmem:s9], [sflag:$0xB], $0x1, s21, s11, $0xb8;
	[tilespmem:$0xF730] =	vst v63  }
0x137: {  	_ =	swait.ge [sflag:s18], $0x1900  }
0x138: {  	[sflag:s18] =	ssyncset.done $0x0  }
0x139: {  	[sflag:s18] =	ssyncadd.s32 $0xFFFFE700  }
0x13a: {  	_ =	swait.ge [sflag:s19], $0x1900  }
0x13b: {  	[sflag:s19] =	ssyncset.done $0x0  }
0x13c: {  	[sflag:s19] =	ssyncadd.s32 $0xFFFFE700  }
0x13d: {  	_ =	swait.ge [sflag:s20], $0x1900  }
0x13e: {  	[sflag:s20] =	ssyncset.done $0x0  }
0x13f: {  	[sflag:s20] =	ssyncadd.s32 $0xFFFFE700  }
0x140: {  	_ =	swait.ge [sflag:s26], $0x1900  }
0x141: {  	[sflag:s26] =	ssyncset.done $0x0  }
0x142: {  	[sflag:s26] =	ssyncadd.s32 $0xFFFFE700  }
0x143: {  	_ =	swait.ge [sflag:s30], $0x1900  }
0x144: {  	[sflag:s30] =	ssyncset.done $0x0  }
0x145: {  	s29 =	simm.s32 $0xB;
	[sflag:s30] =	ssyncadd.s32 $0xFFFFE700  }
0x146: {  	_ =	swait.ge [sflag:s29], $0x190  }
0x147: {  	[sflag:s29] =	ssyncset.done $0x0  }
0x148: {  	[sflag:s29] =	ssyncadd.s32 $0xFFFFFE70  }
0x149: {  	_ =	swait.ge [sflag:s29], $0x190  }
0x14a: {  	[sflag:s29] =	ssyncset.done $0x0  }
0x14b: {  	[sflag:s29] =	ssyncadd.s32 $0xFFFFFE70  }
0x14c: {  	_ =	swait.ge [sflag:s29], $0x190  }
0x14d: {  	[sflag:s29] =	ssyncset.done $0x0  }
0x14e: {  	[sflag:s29] =	ssyncadd.s32 $0xFFFFFE70  }
0x14f: {  	_ =	swait.ge [sflag:s29], $0x190  }
0x150: {  	[sflag:s29] =	ssyncset.done $0x0  }
0x151: {  	[sflag:s29] =	ssyncadd.s32 $0xFFFFFE70  }
0x152: {  	_ =	swait.ge [sflag:s29], $0x190  }
0x153: {  	[sflag:s29] =	ssyncset.done $0x0  }
0x154: {  	[sflag:s29] =	ssyncadd.s32 $0xFFFFFE70  }
0x155: {  	_ =	swait.ge [sflag:s29], $0x190  }
0x156: {  	[sflag:s29] =	ssyncset.done $0x0  }
0x157: {  	[sflag:s29] =	ssyncadd.s32 $0xFFFFFE70  }
0x158: {  	_ =	swait.ge [sflag:s29], $0x190  }
0x159: {  	[sflag:s29] =	ssyncset.done $0x0  }
0x15a: {  	[sflag:s29] =	ssyncadd.s32 $0xFFFFFE70  }
0x15b: {  	_ =	swait.ge [sflag:s29], $0x190  }
0x15c: {  	[sflag:s29] =	ssyncset.done $0x0  }
0x15d: {  	[sflag:s29] =	ssyncadd.s32 $0xFFFFFE70  }
0x15e: {  	_ =	swait.ge [sflag:s29], $0x190  }
0x15f: {  	[sflag:s29] =	ssyncset.done $0x0  }
0x160: {  	[sflag:s29] =	ssyncadd.s32 $0xFFFFFE70  }
0x161: {  	_ =	swait.ge [sflag:s29], $0x190  }
0x162: {  	[sflag:s29] =	ssyncset.done $0x0  }
0x163: {  	[sflag:s29] =	ssyncadd.s32 $0xFFFFFE70  }
0x164: {  	_ =	swait.ge [sflag:s29], $0x190  }
0x165: {  	[sflag:s29] =	ssyncset.done $0x0  }
0x166: {  	[sflag:s29] =	ssyncadd.s32 $0xFFFFFE70  }
0x167: {  	_ =	swait.ge [sflag:s29], $0x190  }
0x168: {  	[sflag:s29] =	ssyncset.done $0x0  }
0x169: {  	[sflag:s29] =	ssyncadd.s32 $0xFFFFFE70  }
0x16a: {  	_ =	swait.ge [sflag:s29], $0x190  }
0x16b: {  	[sflag:s29] =	ssyncset.done $0x0  }
0x16c: {  	[sflag:s29] =	ssyncadd.s32 $0xFFFFFE70  }
0x16d: {  	_ =	swait.ge [sflag:s29], $0x190  }
0x16e: {  	[sflag:s29] =	ssyncset.done $0x0  }
0x16f: {  	[sflag:s29] =	ssyncadd.s32 $0xFFFFFE70  }
0x170: {  	_ =	swait.ge [sflag:s29], $0x190  }
0x171: {  	[sflag:s29] =	ssyncset.done $0x0  }
0x172: {  	[sflag:s29] =	ssyncadd.s32 $0xFFFFFE70  }
0x173: {  	_ =	swait.ge [sflag:s29], $0x190  }
0x174: {  	[sflag:s29] =	ssyncset.done $0x0  }
0x175: {  	[sflag:s29] =	ssyncadd.s32 $0xFFFFFE70  }
0x176: {  	_ =	swait.ge [sflag:s29], $0x190  }
0x177: {  	[sflag:s29] =	ssyncset.done $0x0  }
0x178: {  	[sflag:s29] =	ssyncadd.s32 $0xFFFFFE70  }
0x179: {  	_ =	swait.ge [sflag:s29], $0x190  }
0x17a: {  	[sflag:s29] =	ssyncset.done $0x0  }
0x17b: {  	[sflag:s29] =	ssyncadd.s32 $0xFFFFFE70  }
0x17c: {  	_ =	swait.ge [sflag:s29], $0x190  }
0x17d: {  	[sflag:s29] =	ssyncset.done $0x0  }
0x17e: {  	[sflag:s29] =	ssyncadd.s32 $0xFFFFFE70  }
0x17f: {  	_ =	swait.ge [sflag:s29], $0x190  }
0x180: {  	[sflag:s29] =	ssyncset.done $0x0  }
0x181: {  	[sflag:s29] =	ssyncadd.s32 $0xFFFFFE70  }
0x182: {  	_ =	swait.ge [sflag:s29], $0x190  }
0x183: {  	[sflag:s29] =	ssyncset.done $0x0  }
0x184: {  	[sflag:s29] =	ssyncadd.s32 $0xFFFFFE70  }
0x185: {  	_ =	swait.ge [sflag:s29], $0x190  }
0x186: {  	[sflag:s29] =	ssyncset.done $0x0  }
0x187: {  	[sflag:s29] =	ssyncadd.s32 $0xFFFFFE70  }
0x188: {  	_ =	swait.ge [sflag:s29], $0x190  }
0x189: {  	[sflag:s29] =	ssyncset.done $0x0  }
0x18a: {  	[sflag:s29] =	ssyncadd.s32 $0xFFFFFE70  }
0x18b: {  	_ =	swait.ge [sflag:s29], $0x190  }
0x18c: {  	[sflag:s29] =	ssyncset.done $0x0  }
0x18d: {  	[sflag:s29] =	ssyncadd.s32 $0xFFFFFE70  }
0x18e: {  	_ =	swait.ge [sflag:s29], $0x190  }
0x18f: {  	[sflag:s29] =	ssyncset.done $0x0  }
0x190: {  	s23 =	ssub.s32 $0x2, s0;
	[sflag:s29] =	ssyncadd.s32 $0xFFFFFE70  }
0x191: {  	s0 =	sshrl.u32 s23, $0x1;
	[bflag:$0x0] =	sbarrier.arrive $0xFFFF  }
0x192: {  	s0 =	ssub.s32 s23, s0;
	s31 =	rddreg [dreg:$0xb]  }
0x193: {  	s1 =	sor.u32 $0x1C0C, s1;
	s0 =	smax.u32 s0, $0x1;
	[smem:$0x7FC] =	sst s6  }
0x194: {  	[hbm:s31], [sflag:s1] =	dma.local [spmem:s6], $0x500  }
0x195: {  	p0 =	sne.s32 s0, $0x1;
	s31 =	simm.s32 $0xC  }
.Ltmp0:
0x196: {  	_ =	swait.ge [sflag:s31], $0x500;
	(pc) =	sbr.rel @!p0 .LBB2_3-.Ltmp0, $4  }
0x197: {  	s25 =	rddreg [dreg:$0xc];
	[sflag:s31] =	ssyncset.done $0x0  }
0x198: {  	[smem:$0x7FD] =	sst s7;
	[sflag:s31] =	ssyncadd.s32 $0xFFFFFB00  }
0x199: {  	[hbm:s25], [sflag:s1] =	dma.local [spmem:s7], $0x50  }
0x19a: {  	s0 =	sadd.s32 $0xFFFFFFFF, s0;
	_ =	swait.ge [sflag:s31], $0x50  }
0x19b: {  	s7 =	simm.s32 $0x0  }
.LBB2_2:
0x19c: {  	s21 =	rddreg [dreg:$0xa]  }
0x19d: {  	s23 =	rddreg [dreg:$0x8]  }
0x19e: {  	[sflag:s31] =	ssyncset.done $0x0;
	s25 =	rddreg [dreg:$0x5]  }
0x19f: {  	s8 =	sld [smem:$0x7FC];
	[sflag:s31] =	ssyncadd.s32 $0xFFFFFFB0  }
0x1a0: {  	[tilespmem:s7], [sflag:$0x1] =	stream.linear.gather [hbm4b:s23+s7], $0x2710, $0x38;
	[tilespmem:$0xF730] =	vst v63  }
0x1a1: {  	s6 =	rddreg [dreg:$0x9];
	s5 =	simm.s32 $0x2710  }
0x1a2: {  	[tilespmem:s5], [sflag:$0x2] =	stream.linear.gather [hbm4b:s6+s7], $0x2710, $0x38;
	[tilespmem:$0xF730] =	vst v63  }
0x1a3: {  	[spmem:s8], [sflag:s21] =	dma.local [hbm:s25], $0x500  }
0x1a4: {  	s25 =	sld [smem:$0x7FD]  }
0x1a5: {  	s23 =	rddreg [dreg:$0x6]  }
0x1a6: {  	s21 =	rddreg [dreg:$0xd]  }
0x1a7: {  	[spmem:s25], [sflag:s21] =	dma.local [hbm:s23], $0x50  }
0x1a8: {  	s6 =	rddreg [dreg:$0x7]  }
0x1a9: {  	[tilespmem:s9], [sflag:$0x8] =	stream.linear.gather [hbm4b:s6+s7], $0x190, $0x38;
	[tilespmem:$0xF730] =	vst v63  }
0x1aa: {  	_ =	swait.ge [sflag:s10], $0x2710  }
0x1ab: {  	[sflag:s10] =	ssyncset.done $0x0  }
0x1ac: {  	[sflag:s10] =	ssyncadd.s32 $0xFFFFD8F0  }
0x1ad: {  	[tilespmem:s12], [sflag:$0x1] =	stream.indirect.gather [hbm4b:s2+s11], $0x10, s7, s11, $0xb8;
	[tilespmem:$0xF730] =	vst v63  }
0x1ae: {  	_ = 	snop  }
0x1af: {  	[tilespmem:s13], [sflag:$0x2] =	stream.indirect.gather [hbm4b:s2+s11], $0x10, s11, s11, $0xb8;
	[tilespmem:$0xF730] =	vst v63  }
0x1b0: {  	s6 =	rddreg [dreg:$0xe]  }
0x1b1: {  	[tilespmem:s14], [sflag:$0x3] =	stream.indirect.gather [hbm4b:s2+s11], $0x10, s6, s11, $0xb8;
	[tilespmem:$0xF730] =	vst v63  }
0x1b2: {  	s21 =	rddreg [dreg:$0xf]  }
0x1b3: {  	[tilespmem:s15], [sflag:$0x4] =	stream.indirect.gather [hbm4b:s2+s11], $0x10, s21, s11, $0xb8;
	[tilespmem:$0xF730] =	vst v63  }
0x1b4: {  	s23 =	rddreg [dreg:$0x10]  }
0x1b5: {  	[tilespmem:s16], [sflag:$0x5] =	stream.indirect.gather [hbm4b:s2+s11], $0x10, s23, s11, $0xb8;
	[tilespmem:$0xF730] =	vst v63  }
0x1b6: {  	_ =	swait.ge [sflag:s17], $0x2710  }
0x1b7: {  	[sflag:s17] =	ssyncset.done $0x0  }
0x1b8: {  	[sflag:s17] =	ssyncadd.s32 $0xFFFFD8F0  }
0x1b9: {  	_ =	swait.ge [sflag:s18], $0x500  }
0x1ba: {  	[sflag:s18] =	ssyncset.done $0x0  }
0x1bb: {  	[sflag:s18] =	ssyncadd.s32 $0xFFFFFB00  }
0x1bc: {  	_ =	swait.ge [sflag:s19], $0x50  }
0x1bd: {  	[sflag:s19] =	ssyncset.done $0x0  }
0x1be: {  	[sflag:s19] =	ssyncadd.s32 $0xFFFFFFB0  }
0x1bf: {  	_ =	swait.ge [sflag:s20], $0x190  }
0x1c0: {  	[sflag:s20] =	ssyncset.done $0x0  }
0x1c1: {  	[sflag:s20] =	ssyncadd.s32 $0xFFFFFE70  }
0x1c2: {  	[bflag:$0x0] =	sbarrier.arrive $0xFFFF  }
0x1c3: {  	_ =	swait.ge [sflag:s10], $0x1900  }
0x1c4: {  	[sflag:s10] =	ssyncset.done $0x0  }
0x1c5: {  	[sflag:s10] =	ssyncadd.s32 $0xFFFFE700  }
0x1c6: {  	[spmem:s3] =	stream.indirect.scatter.add.f32 [tilespmem:s12], [sflag:$0x6], $0x10, s5, s11, $0xb8;
	[tilespmem:$0xF730] =	vst v63  }
0x1c7: {  	_ = 	snop  }
0x1c8: {  	[spmem:s4] =	stream.indirect.scatter.add.f32 [tilespmem:s9], [sflag:$0xB], $0x1, s5, s11, $0xb8;
	[tilespmem:$0xF730] =	vst v63  }
0x1c9: {  	_ =	swait.ge [sflag:s18], $0x1900  }
0x1ca: {  	[sflag:s18] =	ssyncset.done $0x0  }
0x1cb: {  	s5 =	rddreg [dreg:$0x11];
	[sflag:s18] =	ssyncadd.s32 $0xFFFFE700  }
0x1cc: {  	[tilespmem:s12], [sflag:$0x1] =	stream.indirect.gather [hbm4b:s2+s11], $0x10, s5, s11, $0xb8;
	[tilespmem:$0xF730] =	vst v63  }
0x1cd: {  	_ =	swait.ge [sflag:s17], $0x1900  }
0x1ce: {  	[sflag:s17] =	ssyncset.done $0x0  }
0x1cf: {  	s6 =	simm.s32 $0x28A0;
	[sflag:s17] =	ssyncadd.s32 $0xFFFFE700  }
0x1d0: {  	[spmem:s3] =	stream.indirect.scatter.add.f32 [tilespmem:s13], [sflag:$0x7], $0x10, s6, s11, $0xb8;
	[tilespmem:$0xF730] =	vst v63  }
0x1d1: {  	_ = 	snop  }
0x1d2: {  	[spmem:s4] =	stream.indirect.scatter.add.f32 [tilespmem:s9], [sflag:$0xB], $0x1, s6, s11, $0xb8;
	[tilespmem:$0xF730] =	vst v63  }
0x1d3: {  	_ =	swait.ge [sflag:s19], $0x1900  }
0x1d4: {  	[sflag:s19] =	ssyncset.done $0x0  }
0x1d5: {  	s21 =	rddreg [dreg:$0x12];
	[sflag:s19] =	ssyncadd.s32 $0xFFFFE700  }
0x1d6: {  	[tilespmem:s13], [sflag:$0x2] =	stream.indirect.gather [hbm4b:s2+s11], $0x10, s21, s11, $0xb8;
	[tilespmem:$0xF730] =	vst v63  }
0x1d7: {  	_ =	swait.ge [sflag:s22], $0x1900  }
0x1d8: {  	[sflag:s22] =	ssyncset.done $0x0  }
0x1d9: {  	s23 =	simm.s32 $0x2A30;
	[sflag:s22] =	ssyncadd.s32 $0xFFFFE700  }
0x1da: {  	[spmem:s3] =	stream.indirect.scatter.add.f32 [tilespmem:s14], [sflag:$0x8], $0x10, s23, s11, $0xb8;
	[tilespmem:$0xF730] =	vst v63  }
0x1db: {  	_ = 	snop  }
0x1dc: {  	[spmem:s4] =	stream.indirect.scatter.add.f32 [tilespmem:s9], [sflag:$0xB], $0x1, s23, s11, $0xb8;
	[tilespmem:$0xF730] =	vst v63  }
0x1dd: {  	_ =	swait.ge [sflag:s20], $0x1900  }
0x1de: {  	[sflag:s20] =	ssyncset.done $0x0  }
0x1df: {  	s5 =	rddreg [dreg:$0x13];
	[sflag:s20] =	ssyncadd.s32 $0xFFFFE700  }
0x1e0: {  	[tilespmem:s14], [sflag:$0x3] =	stream.indirect.gather [hbm4b:s2+s11], $0x10, s5, s11, $0xb8;
	[tilespmem:$0xF730] =	vst v63  }
0x1e1: {  	_ =	swait.ge [sflag:s24], $0x1900  }
0x1e2: {  	[sflag:s24] =	ssyncset.done $0x0  }
0x1e3: {  	s6 =	simm.s32 $0x2BC0;
	[sflag:s24] =	ssyncadd.s32 $0xFFFFE700  }
0x1e4: {  	[spmem:s3] =	stream.indirect.scatter.add.f32 [tilespmem:s15], [sflag:$0x9], $0x10, s6, s11, $0xb8;
	[tilespmem:$0xF730] =	vst v63  }
0x1e5: {  	_ = 	snop  }
0x1e6: {  	[spmem:s4] =	stream.indirect.scatter.add.f32 [tilespmem:s9], [sflag:$0xB], $0x1, s6, s11, $0xb8;
	[tilespmem:$0xF730] =	vst v63  }
0x1e7: {  	_ =	swait.ge [sflag:s26], $0x1900  }
0x1e8: {  	[sflag:s26] =	ssyncset.done $0x0  }
0x1e9: {  	s21 =	rddreg [dreg:$0x14];
	[sflag:s26] =	ssyncadd.s32 $0xFFFFE700  }
0x1ea: {  	[tilespmem:s15], [sflag:$0x4] =	stream.indirect.gather [hbm4b:s2+s11], $0x10, s21, s11, $0xb8;
	[tilespmem:$0xF730] =	vst v63  }
0x1eb: {  	_ =	swait.ge [sflag:s28], $0x1900  }
0x1ec: {  	[sflag:s28] =	ssyncset.done $0x0  }
0x1ed: {  	s23 =	simm.s32 $0x2D50;
	[sflag:s28] =	ssyncadd.s32 $0xFFFFE700  }
0x1ee: {  	[spmem:s3] =	stream.indirect.scatter.add.f32 [tilespmem:s16], [sflag:$0xA], $0x10, s23, s11, $0xb8;
	[tilespmem:$0xF730] =	vst v63  }
0x1ef: {  	_ = 	snop  }
0x1f0: {  	[spmem:s4] =	stream.indirect.scatter.add.f32 [tilespmem:s9], [sflag:$0xB], $0x1, s23, s11, $0xb8;
	[tilespmem:$0xF730] =	vst v63  }
0x1f1: {  	_ =	swait.ge [sflag:s30], $0x1900  }
0x1f2: {  	[sflag:s30] =	ssyncset.done $0x0  }
0x1f3: {  	s5 =	rddreg [dreg:$0x15];
	[sflag:s30] =	ssyncadd.s32 $0xFFFFE700  }
0x1f4: {  	[tilespmem:s16], [sflag:$0x5] =	stream.indirect.gather [hbm4b:s2+s11], $0x10, s5, s11, $0xb8;
	[tilespmem:$0xF730] =	vst v63  }
0x1f5: {  	_ =	swait.ge [sflag:s10], $0x1900  }
0x1f6: {  	[sflag:s10] =	ssyncset.done $0x0  }
0x1f7: {  	s6 =	simm.s32 $0x2EE0;
	[sflag:s10] =	ssyncadd.s32 $0xFFFFE700  }
0x1f8: {  	[spmem:s3] =	stream.indirect.scatter.add.f32 [tilespmem:s12], [sflag:$0x6], $0x10, s6, s11, $0xb8;
	[tilespmem:$0xF730] =	vst v63  }
0x1f9: {  	_ = 	snop  }
0x1fa: {  	[spmem:s4] =	stream.indirect.scatter.add.f32 [tilespmem:s9], [sflag:$0xB], $0x1, s6, s11, $0xb8;
	[tilespmem:$0xF730] =	vst v63  }
0x1fb: {  	_ =	swait.ge [sflag:s18], $0x1900  }
0x1fc: {  	[sflag:s18] =	ssyncset.done $0x0  }
0x1fd: {  	s21 =	rddreg [dreg:$0x16];
	[sflag:s18] =	ssyncadd.s32 $0xFFFFE700  }
0x1fe: {  	[tilespmem:s12], [sflag:$0x1] =	stream.indirect.gather [hbm4b:s2+s11], $0x10, s21, s11, $0xb8;
	[tilespmem:$0xF730] =	vst v63  }
0x1ff: {  	_ =	swait.ge [sflag:s17], $0x1900  }
0x200: {  	[sflag:s17] =	ssyncset.done $0x0  }
0x201: {  	s23 =	simm.s32 $0x3070;
	[sflag:s17] =	ssyncadd.s32 $0xFFFFE700  }
0x202: {  	[spmem:s3] =	stream.indirect.scatter.add.f32 [tilespmem:s13], [sflag:$0x7], $0x10, s23, s11, $0xb8;
	[tilespmem:$0xF730] =	vst v63  }
0x203: {  	_ = 	snop  }
0x204: {  	[spmem:s4] =	stream.indirect.scatter.add.f32 [tilespmem:s9], [sflag:$0xB], $0x1, s23, s11, $0xb8;
	[tilespmem:$0xF730] =	vst v63  }
0x205: {  	_ =	swait.ge [sflag:s19], $0x1900  }
0x206: {  	[sflag:s19] =	ssyncset.done $0x0  }
0x207: {  	s5 =	rddreg [dreg:$0x17];
	[sflag:s19] =	ssyncadd.s32 $0xFFFFE700  }
0x208: {  	[tilespmem:s13], [sflag:$0x2] =	stream.indirect.gather [hbm4b:s2+s11], $0x10, s5, s11, $0xb8;
	[tilespmem:$0xF730] =	vst v63  }
0x209: {  	_ =	swait.ge [sflag:s22], $0x1900  }
0x20a: {  	[sflag:s22] =	ssyncset.done $0x0  }
0x20b: {  	s6 =	simm.s32 $0x3200;
	[sflag:s22] =	ssyncadd.s32 $0xFFFFE700  }
0x20c: {  	[spmem:s3] =	stream.indirect.scatter.add.f32 [tilespmem:s14], [sflag:$0x8], $0x10, s6, s11, $0xb8;
	[tilespmem:$0xF730] =	vst v63  }
0x20d: {  	_ = 	snop  }
0x20e: {  	[spmem:s4] =	stream.indirect.scatter.add.f32 [tilespmem:s9], [sflag:$0xB], $0x1, s6, s11, $0xb8;
	[tilespmem:$0xF730] =	vst v63  }
0x20f: {  	_ =	swait.ge [sflag:s20], $0x1900  }
0x210: {  	[sflag:s20] =	ssyncset.done $0x0  }
0x211: {  	s21 =	rddreg [dreg:$0x18];
	[sflag:s20] =	ssyncadd.s32 $0xFFFFE700  }
0x212: {  	[tilespmem:s14], [sflag:$0x3] =	stream.indirect.gather [hbm4b:s2+s11], $0x10, s21, s11, $0xb8;
	[tilespmem:$0xF730] =	vst v63  }
0x213: {  	_ =	swait.ge [sflag:s24], $0x1900  }
0x214: {  	[sflag:s24] =	ssyncset.done $0x0  }
0x215: {  	s23 =	simm.s32 $0x3390;
	[sflag:s24] =	ssyncadd.s32 $0xFFFFE700  }
0x216: {  	[spmem:s3] =	stream.indirect.scatter.add.f32 [tilespmem:s15], [sflag:$0x9], $0x10, s23, s11, $0xb8;
	[tilespmem:$0xF730] =	vst v63  }
0x217: {  	_ = 	snop  }
0x218: {  	[spmem:s4] =	stream.indirect.scatter.add.f32 [tilespmem:s9], [sflag:$0xB], $0x1, s23, s11, $0xb8;
	[tilespmem:$0xF730] =	vst v63  }
0x219: {  	_ =	swait.ge [sflag:s26], $0x1900  }
0x21a: {  	[sflag:s26] =	ssyncset.done $0x0  }
0x21b: {  	s5 =	rddreg [dreg:$0x19];
	[sflag:s26] =	ssyncadd.s32 $0xFFFFE700  }
0x21c: {  	[tilespmem:s15], [sflag:$0x4] =	stream.indirect.gather [hbm4b:s2+s11], $0x10, s5, s11, $0xb8;
	[tilespmem:$0xF730] =	vst v63  }
0x21d: {  	_ =	swait.ge [sflag:s28], $0x1900  }
0x21e: {  	[sflag:s28] =	ssyncset.done $0x0  }
0x21f: {  	s6 =	simm.s32 $0x3520;
	[sflag:s28] =	ssyncadd.s32 $0xFFFFE700  }
0x220: {  	[spmem:s3] =	stream.indirect.scatter.add.f32 [tilespmem:s16], [sflag:$0xA], $0x10, s6, s11, $0xb8;
	[tilespmem:$0xF730] =	vst v63  }
0x221: {  	_ = 	snop  }
0x222: {  	[spmem:s4] =	stream.indirect.scatter.add.f32 [tilespmem:s9], [sflag:$0xB], $0x1, s6, s11, $0xb8;
	[tilespmem:$0xF730] =	vst v63  }
0x223: {  	_ =	swait.ge [sflag:s30], $0x1900  }
0x224: {  	[sflag:s30] =	ssyncset.done $0x0  }
0x225: {  	s21 =	rddreg [dreg:$0x1a];
	[sflag:s30] =	ssyncadd.s32 $0xFFFFE700  }
0x226: {  	[tilespmem:s16], [sflag:$0x5] =	stream.indirect.gather [hbm4b:s2+s11], $0x10, s21, s11, $0xb8;
	[tilespmem:$0xF730] =	vst v63  }
0x227: {  	_ =	swait.ge [sflag:s10], $0x1900  }
0x228: {  	[sflag:s10] =	ssyncset.done $0x0  }
0x229: {  	s23 =	simm.s32 $0x36B0;
	[sflag:s10] =	ssyncadd.s32 $0xFFFFE700  }
0x22a: {  	[spmem:s3] =	stream.indirect.scatter.add.f32 [tilespmem:s12], [sflag:$0x6], $0x10, s23, s11, $0xb8;
	[tilespmem:$0xF730] =	vst v63  }
0x22b: {  	_ = 	snop  }
0x22c: {  	[spmem:s4] =	stream.indirect.scatter.add.f32 [tilespmem:s9], [sflag:$0xB], $0x1, s23, s11, $0xb8;
	[tilespmem:$0xF730] =	vst v63  }
0x22d: {  	_ =	swait.ge [sflag:s18], $0x1900  }
0x22e: {  	[sflag:s18] =	ssyncset.done $0x0  }
0x22f: {  	s5 =	rddreg [dreg:$0x1b];
	[sflag:s18] =	ssyncadd.s32 $0xFFFFE700  }
0x230: {  	[tilespmem:s12], [sflag:$0x1] =	stream.indirect.gather [hbm4b:s2+s11], $0x10, s5, s11, $0xb8;
	[tilespmem:$0xF730] =	vst v63  }
0x231: {  	_ =	swait.ge [sflag:s17], $0x1900  }
0x232: {  	[sflag:s17] =	ssyncset.done $0x0  }
0x233: {  	s6 =	simm.s32 $0x3840;
	[sflag:s17] =	ssyncadd.s32 $0xFFFFE700  }
0x234: {  	[spmem:s3] =	stream.indirect.scatter.add.f32 [tilespmem:s13], [sflag:$0x7], $0x10, s6, s11, $0xb8;
	[tilespmem:$0xF730] =	vst v63  }
0x235: {  	_ = 	snop  }
0x236: {  	[spmem:s4] =	stream.indirect.scatter.add.f32 [tilespmem:s9], [sflag:$0xB], $0x1, s6, s11, $0xb8;
	[tilespmem:$0xF730] =	vst v63  }
0x237: {  	_ =	swait.ge [sflag:s19], $0x1900  }
0x238: {  	[sflag:s19] =	ssyncset.done $0x0  }
0x239: {  	s21 =	rddreg [dreg:$0x1c];
	[sflag:s19] =	ssyncadd.s32 $0xFFFFE700  }
0x23a: {  	[tilespmem:s13], [sflag:$0x2] =	stream.indirect.gather [hbm4b:s2+s11], $0x10, s21, s11, $0xb8;
	[tilespmem:$0xF730] =	vst v63  }
0x23b: {  	_ =	swait.ge [sflag:s22], $0x1900  }
0x23c: {  	[sflag:s22] =	ssyncset.done $0x0  }
0x23d: {  	s23 =	simm.s32 $0x39D0;
	[sflag:s22] =	ssyncadd.s32 $0xFFFFE700  }
0x23e: {  	[spmem:s3] =	stream.indirect.scatter.add.f32 [tilespmem:s14], [sflag:$0x8], $0x10, s23, s11, $0xb8;
	[tilespmem:$0xF730] =	vst v63  }
0x23f: {  	_ = 	snop  }
0x240: {  	[spmem:s4] =	stream.indirect.scatter.add.f32 [tilespmem:s9], [sflag:$0xB], $0x1, s23, s11, $0xb8;
	[tilespmem:$0xF730] =	vst v63  }
0x241: {  	_ =	swait.ge [sflag:s20], $0x1900  }
0x242: {  	[sflag:s20] =	ssyncset.done $0x0  }
0x243: {  	s5 =	rddreg [dreg:$0x1d];
	[sflag:s20] =	ssyncadd.s32 $0xFFFFE700  }
0x244: {  	[tilespmem:s14], [sflag:$0x3] =	stream.indirect.gather [hbm4b:s2+s11], $0x10, s5, s11, $0xb8;
	[tilespmem:$0xF730] =	vst v63  }
0x245: {  	_ =	swait.ge [sflag:s24], $0x1900  }
0x246: {  	[sflag:s24] =	ssyncset.done $0x0  }
0x247: {  	s6 =	simm.s32 $0x3B60;
	[sflag:s24] =	ssyncadd.s32 $0xFFFFE700  }
0x248: {  	[spmem:s3] =	stream.indirect.scatter.add.f32 [tilespmem:s15], [sflag:$0x9], $0x10, s6, s11, $0xb8;
	[tilespmem:$0xF730] =	vst v63  }
0x249: {  	_ = 	snop  }
0x24a: {  	[spmem:s4] =	stream.indirect.scatter.add.f32 [tilespmem:s9], [sflag:$0xB], $0x1, s6, s11, $0xb8;
	[tilespmem:$0xF730] =	vst v63  }
0x24b: {  	_ =	swait.ge [sflag:s26], $0x1900  }
0x24c: {  	[sflag:s26] =	ssyncset.done $0x0  }
0x24d: {  	s21 =	rddreg [dreg:$0x1e];
	[sflag:s26] =	ssyncadd.s32 $0xFFFFE700  }
0x24e: {  	[tilespmem:s15], [sflag:$0x4] =	stream.indirect.gather [hbm4b:s2+s11], $0x10, s21, s11, $0xb8;
	[tilespmem:$0xF730] =	vst v63  }
0x24f: {  	_ =	swait.ge [sflag:s28], $0x1900  }
0x250: {  	[sflag:s28] =	ssyncset.done $0x0  }
0x251: {  	s23 =	simm.s32 $0x3CF0;
	[sflag:s28] =	ssyncadd.s32 $0xFFFFE700  }
0x252: {  	[spmem:s3] =	stream.indirect.scatter.add.f32 [tilespmem:s16], [sflag:$0xA], $0x10, s23, s11, $0xb8;
	[tilespmem:$0xF730] =	vst v63  }
0x253: {  	_ = 	snop  }
0x254: {  	[spmem:s4] =	stream.indirect.scatter.add.f32 [tilespmem:s9], [sflag:$0xB], $0x1, s23, s11, $0xb8;
	[tilespmem:$0xF730] =	vst v63  }
0x255: {  	_ =	swait.ge [sflag:s30], $0x1900  }
0x256: {  	[sflag:s30] =	ssyncset.done $0x0  }
0x257: {  	s5 =	rddreg [dreg:$0x1f];
	[sflag:s30] =	ssyncadd.s32 $0xFFFFE700  }
0x258: {  	[tilespmem:s16], [sflag:$0x5] =	stream.indirect.gather [hbm4b:s2+s11], $0x10, s5, s11, $0xb8;
	[tilespmem:$0xF730] =	vst v63  }
0x259: {  	_ =	swait.ge [sflag:s10], $0x1900  }
0x25a: {  	[sflag:s10] =	ssyncset.done $0x0  }
0x25b: {  	s6 =	simm.s32 $0x3E80;
	[sflag:s10] =	ssyncadd.s32 $0xFFFFE700  }
0x25c: {  	[spmem:s3] =	stream.indirect.scatter.add.f32 [tilespmem:s12], [sflag:$0x6], $0x10, s6, s11, $0xb8;
	[tilespmem:$0xF730] =	vst v63  }
0x25d: {  	_ = 	snop  }
0x25e: {  	[spmem:s4] =	stream.indirect.scatter.add.f32 [tilespmem:s9], [sflag:$0xB], $0x1, s6, s11, $0xb8;
	[tilespmem:$0xF730] =	vst v63  }
0x25f: {  	_ =	swait.ge [sflag:s18], $0x1900  }
0x260: {  	s21 =	sld [smem:$0x7F7]  }
0x261: {  	[sflag:s18] =	ssyncset.done $0x0  }
0x262: {  	[sflag:s18] =	ssyncadd.s32 $0xFFFFE700  }
0x263: {  	[tilespmem:s12], [sflag:$0x1] =	stream.indirect.gather [hbm4b:s2+s11], $0x10, s21, s11, $0xb8;
	[tilespmem:$0xF730] =	vst v63  }
0x264: {  	_ =	swait.ge [sflag:s17], $0x1900  }
0x265: {  	[sflag:s17] =	ssyncset.done $0x0  }
0x266: {  	s23 =	simm.s32 $0x4010;
	[sflag:s17] =	ssyncadd.s32 $0xFFFFE700  }
0x267: {  	[spmem:s3] =	stream.indirect.scatter.add.f32 [tilespmem:s13], [sflag:$0x7], $0x10, s23, s11, $0xb8;
	[tilespmem:$0xF730] =	vst v63  }
0x268: {  	_ = 	snop  }
0x269: {  	[spmem:s4] =	stream.indirect.scatter.add.f32 [tilespmem:s9], [sflag:$0xB], $0x1, s23, s11, $0xb8;
	[tilespmem:$0xF730] =	vst v63  }
0x26a: {  	_ =	swait.ge [sflag:s19], $0x1900  }
0x26b: {  	s5 =	sld [smem:$0x7F8]  }
0x26c: {  	[sflag:s19] =	ssyncset.done $0x0  }
0x26d: {  	[sflag:s19] =	ssyncadd.s32 $0xFFFFE700  }
0x26e: {  	[tilespmem:s13], [sflag:$0x2] =	stream.indirect.gather [hbm4b:s2+s11], $0x10, s5, s11, $0xb8;
	[tilespmem:$0xF730] =	vst v63  }
0x26f: {  	_ =	swait.ge [sflag:s22], $0x1900  }
0x270: {  	[sflag:s22] =	ssyncset.done $0x0  }
0x271: {  	s6 =	simm.s32 $0x41A0;
	[sflag:s22] =	ssyncadd.s32 $0xFFFFE700  }
0x272: {  	[spmem:s3] =	stream.indirect.scatter.add.f32 [tilespmem:s14], [sflag:$0x8], $0x10, s6, s11, $0xb8;
	[tilespmem:$0xF730] =	vst v63  }
0x273: {  	_ = 	snop  }
0x274: {  	[spmem:s4] =	stream.indirect.scatter.add.f32 [tilespmem:s9], [sflag:$0xB], $0x1, s6, s11, $0xb8;
	[tilespmem:$0xF730] =	vst v63  }
0x275: {  	_ =	swait.ge [sflag:s20], $0x1900  }
0x276: {  	s21 =	sld [smem:$0x7F9]  }
0x277: {  	[sflag:s20] =	ssyncset.done $0x0  }
0x278: {  	[sflag:s20] =	ssyncadd.s32 $0xFFFFE700  }
0x279: {  	[tilespmem:s14], [sflag:$0x3] =	stream.indirect.gather [hbm4b:s2+s11], $0x10, s21, s11, $0xb8;
	[tilespmem:$0xF730] =	vst v63  }
0x27a: {  	_ =	swait.ge [sflag:s24], $0x1900  }
0x27b: {  	[sflag:s24] =	ssyncset.done $0x0  }
0x27c: {  	s23 =	simm.s32 $0x4330;
	[sflag:s24] =	ssyncadd.s32 $0xFFFFE700  }
0x27d: {  	[spmem:s3] =	stream.indirect.scatter.add.f32 [tilespmem:s15], [sflag:$0x9], $0x10, s23, s11, $0xb8;
	[tilespmem:$0xF730] =	vst v63  }
0x27e: {  	_ = 	snop  }
0x27f: {  	[spmem:s4] =	stream.indirect.scatter.add.f32 [tilespmem:s9], [sflag:$0xB], $0x1, s23, s11, $0xb8;
	[tilespmem:$0xF730] =	vst v63  }
0x280: {  	_ =	swait.ge [sflag:s26], $0x1900  }
0x281: {  	s5 =	sld [smem:$0x7FA]  }
0x282: {  	[sflag:s26] =	ssyncset.done $0x0  }
0x283: {  	[sflag:s26] =	ssyncadd.s32 $0xFFFFE700  }
0x284: {  	[tilespmem:s15], [sflag:$0x4] =	stream.indirect.gather [hbm4b:s2+s11], $0x10, s5, s11, $0xb8;
	[tilespmem:$0xF730] =	vst v63  }
0x285: {  	_ =	swait.ge [sflag:s28], $0x1900  }
0x286: {  	[sflag:s28] =	ssyncset.done $0x0  }
0x287: {  	s6 =	simm.s32 $0x44C0;
	[sflag:s28] =	ssyncadd.s32 $0xFFFFE700  }
0x288: {  	[spmem:s3] =	stream.indirect.scatter.add.f32 [tilespmem:s16], [sflag:$0xA], $0x10, s6, s11, $0xb8;
	[tilespmem:$0xF730] =	vst v63  }
0x289: {  	_ = 	snop  }
0x28a: {  	[spmem:s4] =	stream.indirect.scatter.add.f32 [tilespmem:s9], [sflag:$0xB], $0x1, s6, s11, $0xb8;
	[tilespmem:$0xF730] =	vst v63  }
0x28b: {  	_ =	swait.ge [sflag:s30], $0x1900  }
0x28c: {  	s21 =	sld [smem:$0x7FB]  }
0x28d: {  	[sflag:s30] =	ssyncset.done $0x0  }
0x28e: {  	[sflag:s30] =	ssyncadd.s32 $0xFFFFE700  }
0x28f: {  	[tilespmem:s16], [sflag:$0x5] =	stream.indirect.gather [hbm4b:s2+s11], $0x10, s21, s11, $0xb8;
	[tilespmem:$0xF730] =	vst v63  }
0x290: {  	_ =	swait.ge [sflag:s10], $0x1900  }
0x291: {  	[sflag:s10] =	ssyncset.done $0x0  }
0x292: {  	s23 =	simm.s32 $0x4650;
	[sflag:s10] =	ssyncadd.s32 $0xFFFFE700  }
0x293: {  	[spmem:s3] =	stream.indirect.scatter.add.f32 [tilespmem:s12], [sflag:$0x6], $0x10, s23, s11, $0xb8;
	[tilespmem:$0xF730] =	vst v63  }
0x294: {  	_ = 	snop  }
0x295: {  	[spmem:s4] =	stream.indirect.scatter.add.f32 [tilespmem:s9], [sflag:$0xB], $0x1, s23, s11, $0xb8;
	[tilespmem:$0xF730] =	vst v63  }
0x296: {  	_ =	swait.ge [sflag:s17], $0x1900  }
0x297: {  	[sflag:s17] =	ssyncset.done $0x0  }
0x298: {  	s6 =	simm.s32 $0x47E0;
	[sflag:s17] =	ssyncadd.s32 $0xFFFFE700  }
0x299: {  	[spmem:s3] =	stream.indirect.scatter.add.f32 [tilespmem:s13], [sflag:$0x7], $0x10, s6, s11, $0xb8;
	[tilespmem:$0xF730] =	vst v63  }
0x29a: {  	_ = 	snop  }
0x29b: {  	[spmem:s4] =	stream.indirect.scatter.add.f32 [tilespmem:s9], [sflag:$0xB], $0x1, s6, s11, $0xb8;
	[tilespmem:$0xF730] =	vst v63  }
0x29c: {  	_ =	swait.ge [sflag:s22], $0x1900  }
0x29d: {  	[sflag:s22] =	ssyncset.done $0x0  }
0x29e: {  	s21 =	simm.s32 $0x4970;
	[sflag:s22] =	ssyncadd.s32 $0xFFFFE700  }
0x29f: {  	[spmem:s3] =	stream.indirect.scatter.add.f32 [tilespmem:s14], [sflag:$0x8], $0x10, s21, s11, $0xb8;
	[tilespmem:$0xF730] =	vst v63  }
0x2a0: {  	_ = 	snop  }
0x2a1: {  	[spmem:s4] =	stream.indirect.scatter.add.f32 [tilespmem:s9], [sflag:$0xB], $0x1, s21, s11, $0xb8;
	[tilespmem:$0xF730] =	vst v63  }
0x2a2: {  	_ =	swait.ge [sflag:s24], $0x1900  }
0x2a3: {  	[sflag:s24] =	ssyncset.done $0x0  }
0x2a4: {  	s23 =	simm.s32 $0x4B00;
	[sflag:s24] =	ssyncadd.s32 $0xFFFFE700  }
0x2a5: {  	[spmem:s3] =	stream.indirect.scatter.add.f32 [tilespmem:s15], [sflag:$0x9], $0x10, s23, s11, $0xb8;
	[tilespmem:$0xF730] =	vst v63  }
0x2a6: {  	_ = 	snop  }
0x2a7: {  	[spmem:s4] =	stream.indirect.scatter.add.f32 [tilespmem:s9], [sflag:$0xB], $0x1, s23, s11, $0xb8;
	[tilespmem:$0xF730] =	vst v63  }
0x2a8: {  	_ =	swait.ge [sflag:s28], $0x1900  }
0x2a9: {  	[sflag:s28] =	ssyncset.done $0x0  }
0x2aa: {  	s6 =	simm.s32 $0x4C90;
	[sflag:s28] =	ssyncadd.s32 $0xFFFFE700  }
0x2ab: {  	[spmem:s3] =	stream.indirect.scatter.add.f32 [tilespmem:s16], [sflag:$0xA], $0x10, s6, s11, $0xb8;
	[tilespmem:$0xF730] =	vst v63  }
0x2ac: {  	_ = 	snop  }
0x2ad: {  	[spmem:s4] =	stream.indirect.scatter.add.f32 [tilespmem:s9], [sflag:$0xB], $0x1, s6, s11, $0xb8;
	[tilespmem:$0xF730] =	vst v63  }
0x2ae: {  	_ =	swait.ge [sflag:s18], $0x1900  }
0x2af: {  	[sflag:s18] =	ssyncset.done $0x0  }
0x2b0: {  	[sflag:s18] =	ssyncadd.s32 $0xFFFFE700  }
0x2b1: {  	_ =	swait.ge [sflag:s19], $0x1900  }
0x2b2: {  	[sflag:s19] =	ssyncset.done $0x0  }
0x2b3: {  	[sflag:s19] =	ssyncadd.s32 $0xFFFFE700  }
0x2b4: {  	_ =	swait.ge [sflag:s20], $0x1900  }
0x2b5: {  	[sflag:s20] =	ssyncset.done $0x0  }
0x2b6: {  	[sflag:s20] =	ssyncadd.s32 $0xFFFFE700  }
0x2b7: {  	_ =	swait.ge [sflag:s26], $0x1900  }
0x2b8: {  	[sflag:s26] =	ssyncset.done $0x0  }
0x2b9: {  	[sflag:s26] =	ssyncadd.s32 $0xFFFFE700  }
0x2ba: {  	_ =	swait.ge [sflag:s30], $0x1900  }
0x2bb: {  	[sflag:s30] =	ssyncset.done $0x0  }
0x2bc: {  	[sflag:s30] =	ssyncadd.s32 $0xFFFFE700  }
0x2bd: {  	_ =	swait.ge [sflag:s29], $0x190  }
0x2be: {  	[sflag:s29] =	ssyncset.done $0x0  }
0x2bf: {  	[sflag:s29] =	ssyncadd.s32 $0xFFFFFE70  }
0x2c0: {  	_ =	swait.ge [sflag:s29], $0x190  }
0x2c1: {  	[sflag:s29] =	ssyncset.done $0x0  }
0x2c2: {  	[sflag:s29] =	ssyncadd.s32 $0xFFFFFE70  }
0x2c3: {  	_ =	swait.ge [sflag:s29], $0x190  }
0x2c4: {  	[sflag:s29] =	ssyncset.done $0x0  }
0x2c5: {  	[sflag:s29] =	ssyncadd.s32 $0xFFFFFE70  }
0x2c6: {  	_ =	swait.ge [sflag:s29], $0x190  }
0x2c7: {  	[sflag:s29] =	ssyncset.done $0x0  }
0x2c8: {  	[sflag:s29] =	ssyncadd.s32 $0xFFFFFE70  }
0x2c9: {  	_ =	swait.ge [sflag:s29], $0x190  }
0x2ca: {  	[sflag:s29] =	ssyncset.done $0x0  }
0x2cb: {  	[sflag:s29] =	ssyncadd.s32 $0xFFFFFE70  }
0x2cc: {  	_ =	swait.ge [sflag:s29], $0x190  }
0x2cd: {  	[sflag:s29] =	ssyncset.done $0x0  }
0x2ce: {  	[sflag:s29] =	ssyncadd.s32 $0xFFFFFE70  }
0x2cf: {  	_ =	swait.ge [sflag:s29], $0x190  }
0x2d0: {  	[sflag:s29] =	ssyncset.done $0x0  }
0x2d1: {  	[sflag:s29] =	ssyncadd.s32 $0xFFFFFE70  }
0x2d2: {  	_ =	swait.ge [sflag:s29], $0x190  }
0x2d3: {  	[sflag:s29] =	ssyncset.done $0x0  }
0x2d4: {  	[sflag:s29] =	ssyncadd.s32 $0xFFFFFE70  }
0x2d5: {  	_ =	swait.ge [sflag:s29], $0x190  }
0x2d6: {  	[sflag:s29] =	ssyncset.done $0x0  }
0x2d7: {  	[sflag:s29] =	ssyncadd.s32 $0xFFFFFE70  }
0x2d8: {  	_ =	swait.ge [sflag:s29], $0x190  }
0x2d9: {  	[sflag:s29] =	ssyncset.done $0x0  }
0x2da: {  	[sflag:s29] =	ssyncadd.s32 $0xFFFFFE70  }
0x2db: {  	_ =	swait.ge [sflag:s29], $0x190  }
0x2dc: {  	[sflag:s29] =	ssyncset.done $0x0  }
0x2dd: {  	[sflag:s29] =	ssyncadd.s32 $0xFFFFFE70  }
0x2de: {  	_ =	swait.ge [sflag:s29], $0x190  }
0x2df: {  	[sflag:s29] =	ssyncset.done $0x0  }
0x2e0: {  	[sflag:s29] =	ssyncadd.s32 $0xFFFFFE70  }
0x2e1: {  	_ =	swait.ge [sflag:s29], $0x190  }
0x2e2: {  	[sflag:s29] =	ssyncset.done $0x0  }
0x2e3: {  	[sflag:s29] =	ssyncadd.s32 $0xFFFFFE70  }
0x2e4: {  	_ =	swait.ge [sflag:s29], $0x190  }
0x2e5: {  	[sflag:s29] =	ssyncset.done $0x0  }
0x2e6: {  	[sflag:s29] =	ssyncadd.s32 $0xFFFFFE70  }
0x2e7: {  	_ =	swait.ge [sflag:s29], $0x190  }
0x2e8: {  	[sflag:s29] =	ssyncset.done $0x0  }
0x2e9: {  	[sflag:s29] =	ssyncadd.s32 $0xFFFFFE70  }
0x2ea: {  	_ =	swait.ge [sflag:s29], $0x190  }
0x2eb: {  	[sflag:s29] =	ssyncset.done $0x0  }
0x2ec: {  	[sflag:s29] =	ssyncadd.s32 $0xFFFFFE70  }
0x2ed: {  	_ =	swait.ge [sflag:s29], $0x190  }
0x2ee: {  	[sflag:s29] =	ssyncset.done $0x0  }
0x2ef: {  	[sflag:s29] =	ssyncadd.s32 $0xFFFFFE70  }
0x2f0: {  	_ =	swait.ge [sflag:s29], $0x190  }
0x2f1: {  	[sflag:s29] =	ssyncset.done $0x0  }
0x2f2: {  	[sflag:s29] =	ssyncadd.s32 $0xFFFFFE70  }
0x2f3: {  	_ =	swait.ge [sflag:s29], $0x190  }
0x2f4: {  	[sflag:s29] =	ssyncset.done $0x0  }
0x2f5: {  	[sflag:s29] =	ssyncadd.s32 $0xFFFFFE70  }
0x2f6: {  	_ =	swait.ge [sflag:s29], $0x190  }
0x2f7: {  	[sflag:s29] =	ssyncset.done $0x0  }
0x2f8: {  	[sflag:s29] =	ssyncadd.s32 $0xFFFFFE70  }
0x2f9: {  	_ =	swait.ge [sflag:s29], $0x190  }
0x2fa: {  	[sflag:s29] =	ssyncset.done $0x0  }
0x2fb: {  	[sflag:s29] =	ssyncadd.s32 $0xFFFFFE70  }
0x2fc: {  	_ =	swait.ge [sflag:s29], $0x190  }
0x2fd: {  	[sflag:s29] =	ssyncset.done $0x0  }
0x2fe: {  	[sflag:s29] =	ssyncadd.s32 $0xFFFFFE70  }
0x2ff: {  	_ =	swait.ge [sflag:s29], $0x190  }
0x300: {  	[sflag:s29] =	ssyncset.done $0x0  }
0x301: {  	[sflag:s29] =	ssyncadd.s32 $0xFFFFFE70  }
0x302: {  	_ =	swait.ge [sflag:s29], $0x190  }
0x303: {  	[sflag:s29] =	ssyncset.done $0x0  }
0x304: {  	[sflag:s29] =	ssyncadd.s32 $0xFFFFFE70  }
0x305: {  	_ =	swait.ge [sflag:s29], $0x190  }
0x306: {  	[sflag:s29] =	ssyncset.done $0x0  }
0x307: {  	[sflag:s29] =	ssyncadd.s32 $0xFFFFFE70  }
0x308: {  	[bflag:$0x0] =	sbarrier.arrive $0xFFFF  }
0x309: {  	p0 =	sne.s32 s0, $0x1;
	s21 =	rddreg [dreg:$0xb]  }
0x30a: {  	[hbm:s21], [sflag:s1] =	dma.local [spmem:s8], $0x500  }
.Ltmp1:
0x30b: {  	_ =	swait.ge [sflag:s31], $0x500;
	(pc) =	sbr.rel @p0 .LBB2_2-.Ltmp1, $4  }
0x30c: {  	[sflag:s31] =	ssyncset.done $0x0  }
0x30d: {  	s23 =	rddreg [dreg:$0xc];
	[sflag:s31] =	ssyncadd.s32 $0xFFFFFB00  }
0x30e: {  	[hbm:s23], [sflag:s1] =	dma.local [spmem:s25], $0x50  }
0x30f: {  	s0 =	sadd.s32 $0xFFFFFFFF, s0;
	_ =	swait.ge [sflag:s31], $0x50  }
.LBB2_3:
0x310: {  	[sflag:s31] =	ssyncset.done $0x0  }
0x311: {  	[sflag:s31] =	ssyncadd.s32 $0xFFFFFFB0  }
0x312: {  	_ =	sfence.sel $0x180000  }
0x313: {  	[bflag:$0x0] =	sbarrier.arrive $0xFFFF  }
0x314: {  	_ =	strace $0x90000047  }
0x315: {  	s0 =	stileid.u32;
	[bflag:$0x2] =	sbarrier.arrive $0xFFFF  }
0x316: {  	p0 =	sne.s32 s0, $0x0;
	s0 =	rddreg [dreg:$0x4]  }
0x317: {  	s0 =	sadd.s32 @!p0 $0x100000, s0  }
0x318: {  	[sflag:s0] =	ssyncadd.tile.s32 @!p0 $0x1;
	_ =	shalt  }
.Lfunc_end2:
_tile_overlayer_lowered:
.L_overlay_start_2:
0x319: {  	(tag) =	ssettag $0x2  }
0x31a: {  	s0 =	rddreg [dreg:$0x0];
	s2 =	stileid.u32  }
0x31b: {  	s1 =	rddreg [dreg:$0x1];
	p0 =	sne.s32 s2, $0x0  }
0x31c: {  	s3 =	rddreg [dreg:$0x2];
	[bflag:$0x3] =	sbarrier.arrive $0xFFFF;
	s2 =	simm.s32 @!p0 $0x1C0C  }
0x31d: {  	[timem:s3], [sflag:s2] =	dma.local @!p0 [hbm:s0], s1  }
0x31e: {  	s0 =	simm.s32 @!p0 $0xC  }
0x31f: {  	_ =	swait.ge @!p0 [sflag:s0], s1  }
0x320: {  	s1 =	ssub.s32 @!p0 $0x0, s1;
	[sflag:s0] =	ssyncset.done @!p0 $0x0  }
0x321: {  	[sflag:s0] =	ssyncadd.s32 @!p0 s1  }
0x322: {  	[bflag:$0x3] =	sbarrier.arrive $0xFFFF  }
0x323: {  	_ =	shalt  }

</sc_bundles>
